<compile_context>
chip_gen: v7x
topology: tpu7x:2x2x1
jax: 0.10.2.dev20260603
libtpu: 0.0.44.dev20260713+nightly
codegen_flags: <defaults>
</compile_context>

<pallas_src>
import functools

import jax
import jax.numpy as jnp
from jax import lax
from jax.experimental import pallas as pl
from jax.experimental.pallas import tpu as pltpu
from jax.experimental.pallas import tpu_sc as plsc

N_NODES = 10000
N_FEAT = 128
NC = 2
NS = 16
NW = NC * NS
LANES = 16
CHUNK = 112
ROWS_PER_TILE = 624
ROWS_TAIL = N_NODES - NS * ROWS_PER_TILE
FSL = N_FEAT // LANES
NSLOT = 4
NBUF = 3
MUL_UNROLL = 4


def _spmm_sc(x, idx_packed, nc0, nc1):
    mesh = plsc.VectorSubcoreMesh(core_axis_name="c", subcore_axis_name="s")

    @functools.partial(
        pl.kernel,
        out_type=jax.ShapeDtypeStruct((NC, N_NODES, N_FEAT), jnp.float32),
        mesh=mesh,
        scratch_types=[
            pltpu.VMEM((NSLOT * 3, CHUNK), jnp.int32),
            pltpu.VMEM((NBUF, CHUNK, N_FEAT), jnp.float32),
            pltpu.VMEM_SHARED((N_NODES, N_FEAT), jnp.float32),
            pltpu.SemaphoreType.DMA((NSLOT,)),
            pltpu.SemaphoreType.DMA((NBUF,)),
            pltpu.SemaphoreType.DMA((NBUF,)),
        ],
        compiler_params=pltpu.CompilerParams(needs_layout_passes=False),
    )
    def k(x_hbm, idx_hbm, out_hbm, ibuf, gbuf, acc, sem_idx, sem_g, sem_sc):
        c = lax.axis_index("c")
        s = lax.axis_index("s")
        n_chunks = jnp.where(c == 0, nc0, nc1)
        chbase = c * NS * nc0 + s * n_chunks

        def zrow(r, carry):
            for f in range(FSL):
                gbuf[0, r, pl.ds(f * LANES, LANES)] = jnp.zeros(
                    (LANES,), jnp.float32)
            return carry
        lax.fori_loop(0, CHUNK, zrow, 0)
        zsrc = gbuf.at[0]
        for j in range(ROWS_PER_TILE // CHUNK):
            pltpu.sync_copy(
                zsrc, acc.at[pl.ds(s * ROWS_PER_TILE + j * CHUNK, CHUNK)])
        rem = ROWS_PER_TILE % CHUNK
        if rem:
            pltpu.sync_copy(
                zsrc.at[pl.ds(0, rem)],
                acc.at[pl.ds(
                    s * ROWS_PER_TILE + (ROWS_PER_TILE // CHUNK) * CHUNK,
                    rem)])

        @pl.when(s == NS - 1)
        def _zero_tail():
            pltpu.sync_copy(
                zsrc.at[pl.ds(0, ROWS_TAIL)],
                acc.at[pl.ds(NS * ROWS_PER_TILE, ROWS_TAIL)])
        plsc.subcore_barrier()

        def idx_start(g):
            sl = lax.rem(g, NSLOT)
            pltpu.async_copy(
                idx_hbm.at[chbase + g], ibuf.at[pl.ds(sl * 3, 3)],
                sem_idx.at[sl])

        def idx_wait(g):
            sl = lax.rem(g, NSLOT)
            pltpu.make_async_copy(
                idx_hbm.at[0], ibuf.at[pl.ds(0, 3)], sem_idx.at[sl]).wait()

        def gather_start(g):
            sl = lax.rem(g, NSLOT)
            bg = lax.rem(g, NBUF)
            pltpu.async_copy(
                x_hbm.at[ibuf.at[sl * 3]], gbuf.at[bg], sem_g.at[bg])

        def gather_wait(g):
            bg = lax.rem(g, NBUF)
            pltpu.make_async_copy(
                x_hbm.at[ibuf.at[0]], gbuf.at[0], sem_g.at[bg]).wait()

        def scatter_start(g):
            sl = lax.rem(g, NSLOT)
            bg = lax.rem(g, NBUF)
            pltpu.async_copy(
                gbuf.at[bg], acc.at[ibuf.at[sl * 3 + 1]], sem_sc.at[bg],
                add=True)

        def scatter_wait(g):
            bg = lax.rem(g, NBUF)
            pltpu.make_async_copy(
                gbuf.at[0], acc.at[ibuf.at[0]], sem_sc.at[bg]).wait()

        def mul(g):
            sl = lax.rem(g, NSLOT)
            bg = lax.rem(g, NBUF)
            for q in range(CHUNK // LANES):
                vbits = ibuf[sl * 3 + 2, pl.ds(q * LANES, LANES)]
                v16 = plsc.bitcast(vbits, jnp.float32)

                @plsc.parallel_loop(0, LANES, 1, unroll=MUL_UNROLL)
                def _(e):
                    vb = v16.at[jnp.full((LANES,), e, jnp.int32)].get(
                        mode='promise_in_bounds')
                    ea = q * LANES + e
                    for f in range(FSL):
                        v = gbuf[bg, ea, pl.ds(f * LANES, LANES)]
                        gbuf[bg, ea, pl.ds(f * LANES, LANES)] = v * vb

        idx_start(0)
        idx_start(1)
        idx_wait(0)
        gather_start(0)

        @pl.loop(0, n_chunks)
        def _(g):
            @pl.when(g + 2 < n_chunks)
            def _i():
                idx_start(g + 2)

            @pl.when(g + 1 < n_chunks)
            def _g():
                idx_wait(g + 1)
                gather_start(g + 1)

            gather_wait(g)

            @pl.when(g >= 1)
            def _w():
                scatter_wait(g - 1)

            mul(g)
            scatter_start(g)

        scatter_wait(n_chunks - 1)
        plsc.subcore_barrier()

        pltpu.sync_copy(
            acc.at[pl.ds(s * ROWS_PER_TILE, ROWS_PER_TILE)],
            out_hbm.at[c, pl.ds(s * ROWS_PER_TILE, ROWS_PER_TILE)])

        @pl.when(s == NS - 1)
        def _copy_tail():
            pltpu.sync_copy(
                acc.at[pl.ds(NS * ROWS_PER_TILE, ROWS_TAIL)],
                out_hbm.at[c, pl.ds(NS * ROWS_PER_TILE, ROWS_TAIL)])

    return k(x, idx_packed)


def _finish_tc(partials, W):
    BM = 1000

    def body(p_ref, w_ref, o_ref):
        s = p_ref[0] + p_ref[1]
        o_ref[...] = jnp.dot(s, w_ref[...], preferred_element_type=jnp.float32)

    return pl.pallas_call(
        body,
        grid=(N_NODES // BM,),
        in_specs=[
            pl.BlockSpec((NC, BM, N_FEAT), lambda i: (0, i, 0)),
            pl.BlockSpec((N_FEAT, N_FEAT), lambda i: (0, 0)),
        ],
        out_specs=pl.BlockSpec((BM, N_FEAT), lambda i: (i, 0)),
        out_shape=jax.ShapeDtypeStruct((N_NODES, N_FEAT), jnp.float32),
    )(partials, W)


def kernel(input, adj_indices, adj_values, W):
    row = adj_indices[0].astype(jnp.int32)
    col = adj_indices[1].astype(jnp.int32)
    val = adj_values.astype(jnp.float32)
    n_edges = col.shape[0]
    e_per_tile = -(-n_edges // (NW * CHUNK)) * CHUNK
    pad = e_per_tile * NW - n_edges
    if pad:
        row = jnp.pad(row, (0, pad))
        col = jnp.pad(col, (0, pad))
        val = jnp.pad(val, (0, pad))
    n_chunks = e_per_tile // CHUNK
    nc_total = 2 * n_chunks
    nc0 = int(round(nc_total * 0.8))
    nc1 = nc_total - nc0
    shape2d = (NW * n_chunks, CHUNK)
    idx_packed = jnp.stack(
        [col.reshape(shape2d), row.reshape(shape2d),
         val.view(jnp.int32).reshape(shape2d)], axis=1)
    partials = _spmm_sc(input, idx_packed, nc0, nc1)
    return _finish_tc(partials, W)

# --- scband reference (transcript-rebuilt; emitter-appended) ---
"""Pipeline reference for scband-convolution-4200478015529 (READ-ONLY COPY).

The authoritative reference and input builder live on the scoring server;
editing this copy changes nothing except your own understanding.
"""

import jax, jax.numpy as jnp
import numpy as np

N_NODES = 10000
N_EDGES = 320000
IN_FEATURES = 128
OUT_FEATURES = 128


def setup_inputs(seed: int = 0) -> dict:
    key = jax.random.key(seed)
    k1, k2, k3, k4 = jax.random.split(key, 4)
    x = jax.random.normal(k1, (N_NODES, IN_FEATURES), dtype=jnp.float32)
    adj_indices = jax.random.randint(k2, (2, N_EDGES), 0, N_NODES, dtype=jnp.int64)
    adj_values = jax.random.uniform(k3, (N_EDGES,), dtype=jnp.float32)
    # Kaiming-normal (fan_in) init for weight, as in reset_parameters()
    std = np.sqrt(2.0 / IN_FEATURES)
    W = jax.random.normal(k4, (IN_FEATURES, OUT_FEATURES), dtype=jnp.float32) * std
    return {"input": x, "adj_indices": adj_indices, "adj_values": adj_values, "W": W}


def reference(input, adj_indices, adj_values, W):
    # weighted_input = input @ W
    weighted_input = jnp.dot(input, W)
    # spmm(adjacency, weighted_input): for each edge (row, col, val),
    # out[row] += val * weighted_input[col]
    row = adj_indices[0]
    col = adj_indices[1]
    gathered = jnp.take(weighted_input, col, axis=0)  # gather (SparseCore)
    messages = adj_values[:, None] * gathered
    out = jax.ops.segment_sum(messages, row, num_segments=N_NODES)  # scatter-add
    return out

if __name__ == "__main__":
    import jax
    _d = setup_inputs()
    print(jax.jit(kernel)(*tuple(_d.values())))

</pallas_src>

<mosaic_0001>
#map = affine_map<(d0, d1) -> (0, 0)>
#map1 = affine_map<(d0, d1) -> (0, 0, 0)>
module attributes {stable_mosaic.version = 14 : i64} {
  func.func @k(%arg0: i32, %arg1: i32, %arg2: memref<10000x128xf32, #tpu.memory_space<hbm>>, %arg3: memref<2880x3x112xi32, #tpu.memory_space<hbm>>, %arg4: memref<2x10000x128xf32, #tpu.memory_space<hbm>>, %arg5: memref<12x112xi32, #tpu.memory_space<vmem>>, %arg6: memref<3x112x128xf32, #tpu.memory_space<vmem>>, %arg7: memref<10000x128xf32, #tpu.memory_space<vmem_shared>>, %arg8: memref<4x!tpu.dma_semaphore, #tpu.memory_space<semaphore_mem>>, %arg9: memref<3x!tpu.dma_semaphore, #tpu.memory_space<semaphore_mem>>, %arg10: memref<3x!tpu.dma_semaphore, #tpu.memory_space<semaphore_mem>>) attributes {dimension_semantics = [#tpu.dimension_semantics<core_parallel>, #tpu.dimension_semantics<subcore_parallel>], iteration_bounds = array<i64: 2, 16>, scalar_prefetch = 0 : i64, scratch_operands = 6 : i64, tpu.core_type = #tpu.core_type<sc_vector_subcore>, window_params = [{transform_indices = #map}, {transform_indices = #map1}, {transform_indices = #map1}]} {
    %eq3A = arith.constant 0 : i32
    %eq3A_0 = arith.cmpi eq, %arg0, %eq3A : i32
    %jit3A = arith.constant 144 : i32
    %jit3A_1 = arith.constant 36 : i32
    %select_n3A = arith.select %eq3A_0, %jit3A, %jit3A_1 : i32
    %mul3A = arith.constant 16 : i32
    %mul3A_2 = arith.muli %arg0, %mul3A : i32
    %mul3A_3 = arith.constant 144 : i32
    %mul3A_4 = arith.muli %mul3A_2, %mul3A_3 : i32
    %mul3A_5 = arith.muli %arg1, %select_n3A : i32
    %add3A = arith.addi %mul3A_4, %mul3A_5 : i32
    %scan3A = arith.constant 0 : i32
    %scan3A_6 = arith.constant 0 : i32
    %scan3A_7 = arith.constant 112 : i32
    %scan3A_8 = arith.addi %scan3A_6, %scan3A_7 : i32
    %scan3A_9 = arith.constant 1 : i32
    scf.for %scan3A_167 = %scan3A_6 to %scan3A_8 step %scan3A_9  : i32 {
      %broadcast_in_dim3A = arith.constant 0.000000e+00 : f32
      %broadcast_in_dim3A_168 = vector.broadcast %broadcast_in_dim3A : f32 to vector<16xf32>
      %swap3A = arith.constant 0 : i32
      %swap3A_169 = arith.index_cast %swap3A : i32 to index
      %swap3A_170 = arith.index_cast %scan3A_167 : i32 to index
      %swap3A_171 = arith.constant 0 : index
      %swap3A_172 = tpu.vector_load %arg6[%swap3A_169, %swap3A_170, %swap3A_171] {strides = array<i32>} : memref<3x112x128xf32, #tpu.memory_space<vmem>>, vector<16xf32>,
      tpu.vector_store %arg6[%swap3A_169, %swap3A_170, %swap3A_171], %broadcast_in_dim3A_168 {strides = array<i32>} : memref<3x112x128xf32, #tpu.memory_space<vmem>>, vector<16xf32>,
      %broadcast_in_dim3A_173 = arith.constant 0.000000e+00 : f32
      %broadcast_in_dim3A_174 = vector.broadcast %broadcast_in_dim3A_173 : f32 to vector<16xf32>
      %swap3A_175 = arith.constant 0 : i32
      %swap3A_176 = arith.index_cast %swap3A_175 : i32 to index
      %swap3A_177 = arith.index_cast %scan3A_167 : i32 to index
      %swap3A_178 = arith.constant 16 : index
      %swap3A_179 = tpu.vector_load %arg6[%swap3A_176, %swap3A_177, %swap3A_178] {strides = array<i32>} : memref<3x112x128xf32, #tpu.memory_space<vmem>>, vector<16xf32>,
      tpu.vector_store %arg6[%swap3A_176, %swap3A_177, %swap3A_178], %broadcast_in_dim3A_174 {strides = array<i32>} : memref<3x112x128xf32, #tpu.memory_space<vmem>>, vector<16xf32>,
      %broadcast_in_dim3A_180 = arith.constant 0.000000e+00 : f32
      %broadcast_in_dim3A_181 = vector.broadcast %broadcast_in_dim3A_180 : f32 to vector<16xf32>
      %swap3A_182 = arith.constant 0 : i32
      %swap3A_183 = arith.index_cast %swap3A_182 : i32 to index
      %swap3A_184 = arith.index_cast %scan3A_167 : i32 to index
      %swap3A_185 = arith.constant 32 : index
      %swap3A_186 = tpu.vector_load %arg6[%swap3A_183, %swap3A_184, %swap3A_185] {strides = array<i32>} : memref<3x112x128xf32, #tpu.memory_space<vmem>>, vector<16xf32>,
      tpu.vector_store %arg6[%swap3A_183, %swap3A_184, %swap3A_185], %broadcast_in_dim3A_181 {strides = array<i32>} : memref<3x112x128xf32, #tpu.memory_space<vmem>>, vector<16xf32>,
      %broadcast_in_dim3A_187 = arith.constant 0.000000e+00 : f32
      %broadcast_in_dim3A_188 = vector.broadcast %broadcast_in_dim3A_187 : f32 to vector<16xf32>
      %swap3A_189 = arith.constant 0 : i32
      %swap3A_190 = arith.index_cast %swap3A_189 : i32 to index
      %swap3A_191 = arith.index_cast %scan3A_167 : i32 to index
      %swap3A_192 = arith.constant 48 : index
      %swap3A_193 = tpu.vector_load %arg6[%swap3A_190, %swap3A_191, %swap3A_192] {strides = array<i32>} : memref<3x112x128xf32, #tpu.memory_space<vmem>>, vector<16xf32>,
      tpu.vector_store %arg6[%swap3A_190, %swap3A_191, %swap3A_192], %broadcast_in_dim3A_188 {strides = array<i32>} : memref<3x112x128xf32, #tpu.memory_space<vmem>>, vector<16xf32>,
      %broadcast_in_dim3A_194 = arith.constant 0.000000e+00 : f32
      %broadcast_in_dim3A_195 = vector.broadcast %broadcast_in_dim3A_194 : f32 to vector<16xf32>
      %swap3A_196 = arith.constant 0 : i32
      %swap3A_197 = arith.index_cast %swap3A_196 : i32 to index
      %swap3A_198 = arith.index_cast %scan3A_167 : i32 to index
      %swap3A_199 = arith.constant 64 : index
      %swap3A_200 = tpu.vector_load %arg6[%swap3A_197, %swap3A_198, %swap3A_199] {strides = array<i32>} : memref<3x112x128xf32, #tpu.memory_space<vmem>>, vector<16xf32>,
      tpu.vector_store %arg6[%swap3A_197, %swap3A_198, %swap3A_199], %broadcast_in_dim3A_195 {strides = array<i32>} : memref<3x112x128xf32, #tpu.memory_space<vmem>>, vector<16xf32>,
      %broadcast_in_dim3A_201 = arith.constant 0.000000e+00 : f32
      %broadcast_in_dim3A_202 = vector.broadcast %broadcast_in_dim3A_201 : f32 to vector<16xf32>
      %swap3A_203 = arith.constant 0 : i32
      %swap3A_204 = arith.index_cast %swap3A_203 : i32 to index
      %swap3A_205 = arith.index_cast %scan3A_167 : i32 to index
      %swap3A_206 = arith.constant 80 : index
      %swap3A_207 = tpu.vector_load %arg6[%swap3A_204, %swap3A_205, %swap3A_206] {strides = array<i32>} : memref<3x112x128xf32, #tpu.memory_space<vmem>>, vector<16xf32>,
      tpu.vector_store %arg6[%swap3A_204, %swap3A_205, %swap3A_206], %broadcast_in_dim3A_202 {strides = array<i32>} : memref<3x112x128xf32, #tpu.memory_space<vmem>>, vector<16xf32>,
      %broadcast_in_dim3A_208 = arith.constant 0.000000e+00 : f32
      %broadcast_in_dim3A_209 = vector.broadcast %broadcast_in_dim3A_208 : f32 to vector<16xf32>
      %swap3A_210 = arith.constant 0 : i32
      %swap3A_211 = arith.index_cast %swap3A_210 : i32 to index
      %swap3A_212 = arith.index_cast %scan3A_167 : i32 to index
      %swap3A_213 = arith.constant 96 : index
      %swap3A_214 = tpu.vector_load %arg6[%swap3A_211, %swap3A_212, %swap3A_213] {strides = array<i32>} : memref<3x112x128xf32, #tpu.memory_space<vmem>>, vector<16xf32>,
      tpu.vector_store %arg6[%swap3A_211, %swap3A_212, %swap3A_213], %broadcast_in_dim3A_209 {strides = array<i32>} : memref<3x112x128xf32, #tpu.memory_space<vmem>>, vector<16xf32>,
      %broadcast_in_dim3A_215 = arith.constant 0.000000e+00 : f32
      %broadcast_in_dim3A_216 = vector.broadcast %broadcast_in_dim3A_215 : f32 to vector<16xf32>
      %swap3A_217 = arith.constant 0 : i32
      %swap3A_218 = arith.index_cast %swap3A_217 : i32 to index
      %swap3A_219 = arith.index_cast %scan3A_167 : i32 to index
      %swap3A_220 = arith.constant 112 : index
      %swap3A_221 = tpu.vector_load %arg6[%swap3A_218, %swap3A_219, %swap3A_220] {strides = array<i32>} : memref<3x112x128xf32, #tpu.memory_space<vmem>>, vector<16xf32>,
      tpu.vector_store %arg6[%swap3A_218, %swap3A_219, %swap3A_220], %broadcast_in_dim3A_216 {strides = array<i32>} : memref<3x112x128xf32, #tpu.memory_space<vmem>>, vector<16xf32>,
    }
    %scan3A_10 = arith.constant 112 : i32
    %mul3A_11 = arith.constant 624 : i32
    %mul3A_12 = arith.muli %arg1, %mul3A_11 : i32
    %add3A_13 = arith.constant 0 : i32
    %add3A_14 = arith.addi %mul3A_12, %add3A_13 : i32
    %run_scoped3A = arith.constant 0 : i32
    "tpu.region"() ({
      %run_scoped3A_167 = tpu.sem_alloc : memref<!tpu.dma_semaphore, #tpu.memory_space<semaphore_mem>>
      %dma_start3A_168 = arith.constant 0 : i32
      %dma_start3A_169 = arith.constant 0 : i32
      %dma_start3A_170 = tpu.memref_slice %arg6[%run_scoped3A, %dma_start3A_168, %dma_start3A_169] : memref<3x112x128xf32, #tpu.memory_space<vmem>> -> memref<1x112x128xf32, #tpu.memory_space<vmem>>
      %dma_start3A_171 = tpu.memref_squeeze %dma_start3A_170 : memref<1x112x128xf32, #tpu.memory_space<vmem>> -> memref<112x128xf32, #tpu.memory_space<vmem>>
      %dma_start3A_172 = arith.constant 0 : i32
      %dma_start3A_173 = tpu.memref_slice %arg7[%add3A_14, %dma_start3A_172] : memref<10000x128xf32, #tpu.memory_space<vmem_shared>> -> memref<112x128xf32, #tpu.memory_space<vmem_shared>>
      %dma_start3A_174 = arith.constant 0 : i32
      %dma_start3A_175 = tpu.memref_slice %arg7[%add3A_14, %dma_start3A_174] : memref<10000x128xf32, #tpu.memory_space<vmem_shared>> -> memref<112x128xf32, #tpu.memory_space<vmem_shared>>
      %dma_start3A_176 = arith.constant 0 : i32
      %dma_start3A_177 = arith.constant 0 : i32
      %dma_start3A_178 = tpu.memref_slice %arg6[%run_scoped3A, %dma_start3A_176, %dma_start3A_177] : memref<3x112x128xf32, #tpu.memory_space<vmem>> -> memref<1x112x128xf32, #tpu.memory_space<vmem>>
      %dma_start3A_179 = tpu.memref_squeeze %dma_start3A_178 : memref<1x112x128xf32, #tpu.memory_space<vmem>> -> memref<112x128xf32, #tpu.memory_space<vmem>>
      tpu.enqueue_dma source(%dma_start3A_179 : memref<112x128xf32, #tpu.memory_space<vmem>>) target(%dma_start3A_175 : memref<112x128xf32, #tpu.memory_space<vmem_shared>>) target_semaphore(%run_scoped3A_167 : memref<!tpu.dma_semaphore, #tpu.memory_space<semaphore_mem>>)
      %dma_wait3A_180 = arith.constant 0 : i32
      %dma_wait3A_181 = arith.constant 0 : i32
      %dma_wait3A_182 = tpu.memref_slice %arg6[%run_scoped3A, %dma_wait3A_180, %dma_wait3A_181] : memref<3x112x128xf32, #tpu.memory_space<vmem>> -> memref<1x112x128xf32, #tpu.memory_space<vmem>>
      %dma_wait3A_183 = tpu.memref_squeeze %dma_wait3A_182 : memref<1x112x128xf32, #tpu.memory_space<vmem>> -> memref<112x128xf32, #tpu.memory_space<vmem>>
      %dma_wait3A_184 = arith.constant 0 : i32
      %dma_wait3A_185 = tpu.memref_slice %arg7[%add3A_14, %dma_wait3A_184] : memref<10000x128xf32, #tpu.memory_space<vmem_shared>> -> memref<112x128xf32, #tpu.memory_space<vmem_shared>>
      %dma_wait3A_186 = arith.constant 0 : i32
      %dma_wait3A_187 = tpu.memref_slice %arg7[%add3A_14, %dma_wait3A_186] : memref<10000x128xf32, #tpu.memory_space<vmem_shared>> -> memref<112x128xf32, #tpu.memory_space<vmem_shared>>
      %dma_wait3A_188 = arith.constant 0 : i32
      %dma_wait3A_189 = arith.constant 0 : i32
      %dma_wait3A_190 = tpu.memref_slice %arg6[%run_scoped3A, %dma_wait3A_188, %dma_wait3A_189] : memref<3x112x128xf32, #tpu.memory_space<vmem>> -> memref<1x112x128xf32, #tpu.memory_space<vmem>>
      %dma_wait3A_191 = tpu.memref_squeeze %dma_wait3A_190 : memref<1x112x128xf32, #tpu.memory_space<vmem>> -> memref<112x128xf32, #tpu.memory_space<vmem>>
      tpu.wait_dma2 semaphore(%run_scoped3A_167 : memref<!tpu.dma_semaphore, #tpu.memory_space<semaphore_mem>>) src(%dma_wait3A_191 : memref<112x128xf32, #tpu.memory_space<vmem>>) dst(%dma_wait3A_187 : memref<112x128xf32, #tpu.memory_space<vmem_shared>>)
      tpu.yield
    }) : () -> ()
    %mul3A_15 = arith.constant 624 : i32
    %mul3A_16 = arith.muli %arg1, %mul3A_15 : i32
    %add3A_17 = arith.constant 112 : i32
    %add3A_18 = arith.addi %mul3A_16, %add3A_17 : i32
    %run_scoped3A_19 = arith.constant 0 : i32
    "tpu.region"() ({
      %run_scoped3A_167 = tpu.sem_alloc : memref<!tpu.dma_semaphore, #tpu.memory_space<semaphore_mem>>
      %dma_start3A_168 = arith.constant 0 : i32
      %dma_start3A_169 = arith.constant 0 : i32
      %dma_start3A_170 = tpu.memref_slice %arg6[%run_scoped3A_19, %dma_start3A_168, %dma_start3A_169] : memref<3x112x128xf32, #tpu.memory_space<vmem>> -> memref<1x112x128xf32, #tpu.memory_space<vmem>>
      %dma_start3A_171 = tpu.memref_squeeze %dma_start3A_170 : memref<1x112x128xf32, #tpu.memory_space<vmem>> -> memref<112x128xf32, #tpu.memory_space<vmem>>
      %dma_start3A_172 = arith.constant 0 : i32
      %dma_start3A_173 = tpu.memref_slice %arg7[%add3A_18, %dma_start3A_172] : memref<10000x128xf32, #tpu.memory_space<vmem_shared>> -> memref<112x128xf32, #tpu.memory_space<vmem_shared>>
      %dma_start3A_174 = arith.constant 0 : i32
      %dma_start3A_175 = tpu.memref_slice %arg7[%add3A_18, %dma_start3A_174] : memref<10000x128xf32, #tpu.memory_space<vmem_shared>> -> memref<112x128xf32, #tpu.memory_space<vmem_shared>>
      %dma_start3A_176 = arith.constant 0 : i32
      %dma_start3A_177 = arith.constant 0 : i32
      %dma_start3A_178 = tpu.memref_slice %arg6[%run_scoped3A_19, %dma_start3A_176, %dma_start3A_177] : memref<3x112x128xf32, #tpu.memory_space<vmem>> -> memref<1x112x128xf32, #tpu.memory_space<vmem>>
      %dma_start3A_179 = tpu.memref_squeeze %dma_start3A_178 : memref<1x112x128xf32, #tpu.memory_space<vmem>> -> memref<112x128xf32, #tpu.memory_space<vmem>>
      tpu.enqueue_dma source(%dma_start3A_179 : memref<112x128xf32, #tpu.memory_space<vmem>>) target(%dma_start3A_175 : memref<112x128xf32, #tpu.memory_space<vmem_shared>>) target_semaphore(%run_scoped3A_167 : memref<!tpu.dma_semaphore, #tpu.memory_space<semaphore_mem>>)
      %dma_wait3A_180 = arith.constant 0 : i32
      %dma_wait3A_181 = arith.constant 0 : i32
      %dma_wait3A_182 = tpu.memref_slice %arg6[%run_scoped3A_19, %dma_wait3A_180, %dma_wait3A_181] : memref<3x112x128xf32, #tpu.memory_space<vmem>> -> memref<1x112x128xf32, #tpu.memory_space<vmem>>
      %dma_wait3A_183 = tpu.memref_squeeze %dma_wait3A_182 : memref<1x112x128xf32, #tpu.memory_space<vmem>> -> memref<112x128xf32, #tpu.memory_space<vmem>>
      %dma_wait3A_184 = arith.constant 0 : i32
      %dma_wait3A_185 = tpu.memref_slice %arg7[%add3A_18, %dma_wait3A_184] : memref<10000x128xf32, #tpu.memory_space<vmem_shared>> -> memref<112x128xf32, #tpu.memory_space<vmem_shared>>
      %dma_wait3A_186 = arith.constant 0 : i32
      %dma_wait3A_187 = tpu.memref_slice %arg7[%add3A_18, %dma_wait3A_186] : memref<10000x128xf32, #tpu.memory_space<vmem_shared>> -> memref<112x128xf32, #tpu.memory_space<vmem_shared>>
      %dma_wait3A_188 = arith.constant 0 : i32
      %dma_wait3A_189 = arith.constant 0 : i32
      %dma_wait3A_190 = tpu.memref_slice %arg6[%run_scoped3A_19, %dma_wait3A_188, %dma_wait3A_189] : memref<3x112x128xf32, #tpu.memory_space<vmem>> -> memref<1x112x128xf32, #tpu.memory_space<vmem>>
      %dma_wait3A_191 = tpu.memref_squeeze %dma_wait3A_190 : memref<1x112x128xf32, #tpu.memory_space<vmem>> -> memref<112x128xf32, #tpu.memory_space<vmem>>
      tpu.wait_dma2 semaphore(%run_scoped3A_167 : memref<!tpu.dma_semaphore, #tpu.memory_space<semaphore_mem>>) src(%dma_wait3A_191 : memref<112x128xf32, #tpu.memory_space<vmem>>) dst(%dma_wait3A_187 : memref<112x128xf32, #tpu.memory_space<vmem_shared>>)
      tpu.yield
    }) : () -> ()
    %mul3A_20 = arith.constant 624 : i32
    %mul3A_21 = arith.muli %arg1, %mul3A_20 : i32
    %add3A_22 = arith.constant 224 : i32
    %add3A_23 = arith.addi %mul3A_21, %add3A_22 : i32
    %run_scoped3A_24 = arith.constant 0 : i32
    "tpu.region"() ({
      %run_scoped3A_167 = tpu.sem_alloc : memref<!tpu.dma_semaphore, #tpu.memory_space<semaphore_mem>>
      %dma_start3A_168 = arith.constant 0 : i32
      %dma_start3A_169 = arith.constant 0 : i32
      %dma_start3A_170 = tpu.memref_slice %arg6[%run_scoped3A_24, %dma_start3A_168, %dma_start3A_169] : memref<3x112x128xf32, #tpu.memory_space<vmem>> -> memref<1x112x128xf32, #tpu.memory_space<vmem>>
      %dma_start3A_171 = tpu.memref_squeeze %dma_start3A_170 : memref<1x112x128xf32, #tpu.memory_space<vmem>> -> memref<112x128xf32, #tpu.memory_space<vmem>>
      %dma_start3A_172 = arith.constant 0 : i32
      %dma_start3A_173 = tpu.memref_slice %arg7[%add3A_23, %dma_start3A_172] : memref<10000x128xf32, #tpu.memory_space<vmem_shared>> -> memref<112x128xf32, #tpu.memory_space<vmem_shared>>
      %dma_start3A_174 = arith.constant 0 : i32
      %dma_start3A_175 = tpu.memref_slice %arg7[%add3A_23, %dma_start3A_174] : memref<10000x128xf32, #tpu.memory_space<vmem_shared>> -> memref<112x128xf32, #tpu.memory_space<vmem_shared>>
      %dma_start3A_176 = arith.constant 0 : i32
      %dma_start3A_177 = arith.constant 0 : i32
      %dma_start3A_178 = tpu.memref_slice %arg6[%run_scoped3A_24, %dma_start3A_176, %dma_start3A_177] : memref<3x112x128xf32, #tpu.memory_space<vmem>> -> memref<1x112x128xf32, #tpu.memory_space<vmem>>
      %dma_start3A_179 = tpu.memref_squeeze %dma_start3A_178 : memref<1x112x128xf32, #tpu.memory_space<vmem>> -> memref<112x128xf32, #tpu.memory_space<vmem>>
      tpu.enqueue_dma source(%dma_start3A_179 : memref<112x128xf32, #tpu.memory_space<vmem>>) target(%dma_start3A_175 : memref<112x128xf32, #tpu.memory_space<vmem_shared>>) target_semaphore(%run_scoped3A_167 : memref<!tpu.dma_semaphore, #tpu.memory_space<semaphore_mem>>)
      %dma_wait3A_180 = arith.constant 0 : i32
      %dma_wait3A_181 = arith.constant 0 : i32
      %dma_wait3A_182 = tpu.memref_slice %arg6[%run_scoped3A_24, %dma_wait3A_180, %dma_wait3A_181] : memref<3x112x128xf32, #tpu.memory_space<vmem>> -> memref<1x112x128xf32, #tpu.memory_space<vmem>>
      %dma_wait3A_183 = tpu.memref_squeeze %dma_wait3A_182 : memref<1x112x128xf32, #tpu.memory_space<vmem>> -> memref<112x128xf32, #tpu.memory_space<vmem>>
      %dma_wait3A_184 = arith.constant 0 : i32
      %dma_wait3A_185 = tpu.memref_slice %arg7[%add3A_23, %dma_wait3A_184] : memref<10000x128xf32, #tpu.memory_space<vmem_shared>> -> memref<112x128xf32, #tpu.memory_space<vmem_shared>>
      %dma_wait3A_186 = arith.constant 0 : i32
      %dma_wait3A_187 = tpu.memref_slice %arg7[%add3A_23, %dma_wait3A_186] : memref<10000x128xf32, #tpu.memory_space<vmem_shared>> -> memref<112x128xf32, #tpu.memory_space<vmem_shared>>
      %dma_wait3A_188 = arith.constant 0 : i32
      %dma_wait3A_189 = arith.constant 0 : i32
      %dma_wait3A_190 = tpu.memref_slice %arg6[%run_scoped3A_24, %dma_wait3A_188, %dma_wait3A_189] : memref<3x112x128xf32, #tpu.memory_space<vmem>> -> memref<1x112x128xf32, #tpu.memory_space<vmem>>
      %dma_wait3A_191 = tpu.memref_squeeze %dma_wait3A_190 : memref<1x112x128xf32, #tpu.memory_space<vmem>> -> memref<112x128xf32, #tpu.memory_space<vmem>>
      tpu.wait_dma2 semaphore(%run_scoped3A_167 : memref<!tpu.dma_semaphore, #tpu.memory_space<semaphore_mem>>) src(%dma_wait3A_191 : memref<112x128xf32, #tpu.memory_space<vmem>>) dst(%dma_wait3A_187 : memref<112x128xf32, #tpu.memory_space<vmem_shared>>)
      tpu.yield
    }) : () -> ()
    %mul3A_25 = arith.constant 624 : i32
    %mul3A_26 = arith.muli %arg1, %mul3A_25 : i32
    %add3A_27 = arith.constant 336 : i32
    %add3A_28 = arith.addi %mul3A_26, %add3A_27 : i32
    %run_scoped3A_29 = arith.constant 0 : i32
    "tpu.region"() ({
      %run_scoped3A_167 = tpu.sem_alloc : memref<!tpu.dma_semaphore, #tpu.memory_space<semaphore_mem>>
      %dma_start3A_168 = arith.constant 0 : i32
      %dma_start3A_169 = arith.constant 0 : i32
      %dma_start3A_170 = tpu.memref_slice %arg6[%run_scoped3A_29, %dma_start3A_168, %dma_start3A_169] : memref<3x112x128xf32, #tpu.memory_space<vmem>> -> memref<1x112x128xf32, #tpu.memory_space<vmem>>
      %dma_start3A_171 = tpu.memref_squeeze %dma_start3A_170 : memref<1x112x128xf32, #tpu.memory_space<vmem>> -> memref<112x128xf32, #tpu.memory_space<vmem>>
      %dma_start3A_172 = arith.constant 0 : i32
      %dma_start3A_173 = tpu.memref_slice %arg7[%add3A_28, %dma_start3A_172] : memref<10000x128xf32, #tpu.memory_space<vmem_shared>> -> memref<112x128xf32, #tpu.memory_space<vmem_shared>>
      %dma_start3A_174 = arith.constant 0 : i32
      %dma_start3A_175 = tpu.memref_slice %arg7[%add3A_28, %dma_start3A_174] : memref<10000x128xf32, #tpu.memory_space<vmem_shared>> -> memref<112x128xf32, #tpu.memory_space<vmem_shared>>
      %dma_start3A_176 = arith.constant 0 : i32
      %dma_start3A_177 = arith.constant 0 : i32
      %dma_start3A_178 = tpu.memref_slice %arg6[%run_scoped3A_29, %dma_start3A_176, %dma_start3A_177] : memref<3x112x128xf32, #tpu.memory_space<vmem>> -> memref<1x112x128xf32, #tpu.memory_space<vmem>>
      %dma_start3A_179 = tpu.memref_squeeze %dma_start3A_178 : memref<1x112x128xf32, #tpu.memory_space<vmem>> -> memref<112x128xf32, #tpu.memory_space<vmem>>
      tpu.enqueue_dma source(%dma_start3A_179 : memref<112x128xf32, #tpu.memory_space<vmem>>) target(%dma_start3A_175 : memref<112x128xf32, #tpu.memory_space<vmem_shared>>) target_semaphore(%run_scoped3A_167 : memref<!tpu.dma_semaphore, #tpu.memory_space<semaphore_mem>>)
      %dma_wait3A_180 = arith.constant 0 : i32
      %dma_wait3A_181 = arith.constant 0 : i32
      %dma_wait3A_182 = tpu.memref_slice %arg6[%run_scoped3A_29, %dma_wait3A_180, %dma_wait3A_181] : memref<3x112x128xf32, #tpu.memory_space<vmem>> -> memref<1x112x128xf32, #tpu.memory_space<vmem>>
      %dma_wait3A_183 = tpu.memref_squeeze %dma_wait3A_182 : memref<1x112x128xf32, #tpu.memory_space<vmem>> -> memref<112x128xf32, #tpu.memory_space<vmem>>
      %dma_wait3A_184 = arith.constant 0 : i32
      %dma_wait3A_185 = tpu.memref_slice %arg7[%add3A_28, %dma_wait3A_184] : memref<10000x128xf32, #tpu.memory_space<vmem_shared>> -> memref<112x128xf32, #tpu.memory_space<vmem_shared>>
      %dma_wait3A_186 = arith.constant 0 : i32
      %dma_wait3A_187 = tpu.memref_slice %arg7[%add3A_28, %dma_wait3A_186] : memref<10000x128xf32, #tpu.memory_space<vmem_shared>> -> memref<112x128xf32, #tpu.memory_space<vmem_shared>>
      %dma_wait3A_188 = arith.constant 0 : i32
      %dma_wait3A_189 = arith.constant 0 : i32
      %dma_wait3A_190 = tpu.memref_slice %arg6[%run_scoped3A_29, %dma_wait3A_188, %dma_wait3A_189] : memref<3x112x128xf32, #tpu.memory_space<vmem>> -> memref<1x112x128xf32, #tpu.memory_space<vmem>>
      %dma_wait3A_191 = tpu.memref_squeeze %dma_wait3A_190 : memref<1x112x128xf32, #tpu.memory_space<vmem>> -> memref<112x128xf32, #tpu.memory_space<vmem>>
      tpu.wait_dma2 semaphore(%run_scoped3A_167 : memref<!tpu.dma_semaphore, #tpu.memory_space<semaphore_mem>>) src(%dma_wait3A_191 : memref<112x128xf32, #tpu.memory_space<vmem>>) dst(%dma_wait3A_187 : memref<112x128xf32, #tpu.memory_space<vmem_shared>>)
      tpu.yield
    }) : () -> ()
    %mul3A_30 = arith.constant 624 : i32
    %mul3A_31 = arith.muli %arg1, %mul3A_30 : i32
    %add3A_32 = arith.constant 448 : i32
    %add3A_33 = arith.addi %mul3A_31, %add3A_32 : i32
    %run_scoped3A_34 = arith.constant 0 : i32
    "tpu.region"() ({
      %run_scoped3A_167 = tpu.sem_alloc : memref<!tpu.dma_semaphore, #tpu.memory_space<semaphore_mem>>
      %dma_start3A_168 = arith.constant 0 : i32
      %dma_start3A_169 = arith.constant 0 : i32
      %dma_start3A_170 = tpu.memref_slice %arg6[%run_scoped3A_34, %dma_start3A_168, %dma_start3A_169] : memref<3x112x128xf32, #tpu.memory_space<vmem>> -> memref<1x112x128xf32, #tpu.memory_space<vmem>>
      %dma_start3A_171 = tpu.memref_squeeze %dma_start3A_170 : memref<1x112x128xf32, #tpu.memory_space<vmem>> -> memref<112x128xf32, #tpu.memory_space<vmem>>
      %dma_start3A_172 = arith.constant 0 : i32
      %dma_start3A_173 = tpu.memref_slice %arg7[%add3A_33, %dma_start3A_172] : memref<10000x128xf32, #tpu.memory_space<vmem_shared>> -> memref<112x128xf32, #tpu.memory_space<vmem_shared>>
      %dma_start3A_174 = arith.constant 0 : i32
      %dma_start3A_175 = tpu.memref_slice %arg7[%add3A_33, %dma_start3A_174] : memref<10000x128xf32, #tpu.memory_space<vmem_shared>> -> memref<112x128xf32, #tpu.memory_space<vmem_shared>>
      %dma_start3A_176 = arith.constant 0 : i32
      %dma_start3A_177 = arith.constant 0 : i32
      %dma_start3A_178 = tpu.memref_slice %arg6[%run_scoped3A_34, %dma_start3A_176, %dma_start3A_177] : memref<3x112x128xf32, #tpu.memory_space<vmem>> -> memref<1x112x128xf32, #tpu.memory_space<vmem>>
      %dma_start3A_179 = tpu.memref_squeeze %dma_start3A_178 : memref<1x112x128xf32, #tpu.memory_space<vmem>> -> memref<112x128xf32, #tpu.memory_space<vmem>>
      tpu.enqueue_dma source(%dma_start3A_179 : memref<112x128xf32, #tpu.memory_space<vmem>>) target(%dma_start3A_175 : memref<112x128xf32, #tpu.memory_space<vmem_shared>>) target_semaphore(%run_scoped3A_167 : memref<!tpu.dma_semaphore, #tpu.memory_space<semaphore_mem>>)
      %dma_wait3A_180 = arith.constant 0 : i32
      %dma_wait3A_181 = arith.constant 0 : i32
      %dma_wait3A_182 = tpu.memref_slice %arg6[%run_scoped3A_34, %dma_wait3A_180, %dma_wait3A_181] : memref<3x112x128xf32, #tpu.memory_space<vmem>> -> memref<1x112x128xf32, #tpu.memory_space<vmem>>
      %dma_wait3A_183 = tpu.memref_squeeze %dma_wait3A_182 : memref<1x112x128xf32, #tpu.memory_space<vmem>> -> memref<112x128xf32, #tpu.memory_space<vmem>>
      %dma_wait3A_184 = arith.constant 0 : i32
      %dma_wait3A_185 = tpu.memref_slice %arg7[%add3A_33, %dma_wait3A_184] : memref<10000x128xf32, #tpu.memory_space<vmem_shared>> -> memref<112x128xf32, #tpu.memory_space<vmem_shared>>
      %dma_wait3A_186 = arith.constant 0 : i32
      %dma_wait3A_187 = tpu.memref_slice %arg7[%add3A_33, %dma_wait3A_186] : memref<10000x128xf32, #tpu.memory_space<vmem_shared>> -> memref<112x128xf32, #tpu.memory_space<vmem_shared>>
      %dma_wait3A_188 = arith.constant 0 : i32
      %dma_wait3A_189 = arith.constant 0 : i32
      %dma_wait3A_190 = tpu.memref_slice %arg6[%run_scoped3A_34, %dma_wait3A_188, %dma_wait3A_189] : memref<3x112x128xf32, #tpu.memory_space<vmem>> -> memref<1x112x128xf32, #tpu.memory_space<vmem>>
      %dma_wait3A_191 = tpu.memref_squeeze %dma_wait3A_190 : memref<1x112x128xf32, #tpu.memory_space<vmem>> -> memref<112x128xf32, #tpu.memory_space<vmem>>
      tpu.wait_dma2 semaphore(%run_scoped3A_167 : memref<!tpu.dma_semaphore, #tpu.memory_space<semaphore_mem>>) src(%dma_wait3A_191 : memref<112x128xf32, #tpu.memory_space<vmem>>) dst(%dma_wait3A_187 : memref<112x128xf32, #tpu.memory_space<vmem_shared>>)
      tpu.yield
    }) : () -> ()
    %mul3A_35 = arith.constant 624 : i32
    %mul3A_36 = arith.muli %arg1, %mul3A_35 : i32
    %add3A_37 = arith.constant 560 : i32
    %add3A_38 = arith.addi %mul3A_36, %add3A_37 : i32
    %run_scoped3A_39 = arith.constant 0 : i32
    "tpu.region"() ({
      %run_scoped3A_167 = tpu.sem_alloc : memref<!tpu.dma_semaphore, #tpu.memory_space<semaphore_mem>>
      %dma_start3A_168 = arith.constant 0 : i32
      %dma_start3A_169 = arith.constant 0 : i32
      %dma_start3A_170 = tpu.memref_slice %arg6[%run_scoped3A_39, %dma_start3A_168, %dma_start3A_169] : memref<3x112x128xf32, #tpu.memory_space<vmem>> -> memref<1x112x128xf32, #tpu.memory_space<vmem>>
      %dma_start3A_171 = tpu.memref_squeeze %dma_start3A_170 : memref<1x112x128xf32, #tpu.memory_space<vmem>> -> memref<112x128xf32, #tpu.memory_space<vmem>>
      %dma_start3A_172 = arith.constant 0 : i32
      %dma_start3A_173 = arith.constant 0 : i32
      %dma_start3A_174 = tpu.memref_slice %dma_start3A_171[%dma_start3A_172, %dma_start3A_173] : memref<112x128xf32, #tpu.memory_space<vmem>> -> memref<64x128xf32, #tpu.memory_space<vmem>>
      %dma_start3A_175 = arith.constant 0 : i32
      %dma_start3A_176 = tpu.memref_slice %arg7[%add3A_38, %dma_start3A_175] : memref<10000x128xf32, #tpu.memory_space<vmem_shared>> -> memref<64x128xf32, #tpu.memory_space<vmem_shared>>
      %dma_start3A_177 = arith.constant 0 : i32
      %dma_start3A_178 = tpu.memref_slice %arg7[%add3A_38, %dma_start3A_177] : memref<10000x128xf32, #tpu.memory_space<vmem_shared>> -> memref<64x128xf32, #tpu.memory_space<vmem_shared>>
      %dma_start3A_179 = arith.constant 0 : i32
      %dma_start3A_180 = arith.constant 0 : i32
      %dma_start3A_181 = tpu.memref_slice %arg6[%run_scoped3A_39, %dma_start3A_179, %dma_start3A_180] : memref<3x112x128xf32, #tpu.memory_space<vmem>> -> memref<1x112x128xf32, #tpu.memory_space<vmem>>
      %dma_start3A_182 = tpu.memref_squeeze %dma_start3A_181 : memref<1x112x128xf32, #tpu.memory_space<vmem>> -> memref<112x128xf32, #tpu.memory_space<vmem>>
      %dma_start3A_183 = arith.constant 0 : i32
      %dma_start3A_184 = arith.constant 0 : i32
      %dma_start3A_185 = tpu.memref_slice %dma_start3A_182[%dma_start3A_183, %dma_start3A_184] : memref<112x128xf32, #tpu.memory_space<vmem>> -> memref<64x128xf32, #tpu.memory_space<vmem>>
      tpu.enqueue_dma source(%dma_start3A_185 : memref<64x128xf32, #tpu.memory_space<vmem>>) target(%dma_start3A_178 : memref<64x128xf32, #tpu.memory_space<vmem_shared>>) target_semaphore(%run_scoped3A_167 : memref<!tpu.dma_semaphore, #tpu.memory_space<semaphore_mem>>)
      %dma_wait3A_186 = arith.constant 0 : i32
      %dma_wait3A_187 = arith.constant 0 : i32
      %dma_wait3A_188 = tpu.memref_slice %arg6[%run_scoped3A_39, %dma_wait3A_186, %dma_wait3A_187] : memref<3x112x128xf32, #tpu.memory_space<vmem>> -> memref<1x112x128xf32, #tpu.memory_space<vmem>>
      %dma_wait3A_189 = tpu.memref_squeeze %dma_wait3A_188 : memref<1x112x128xf32, #tpu.memory_space<vmem>> -> memref<112x128xf32, #tpu.memory_space<vmem>>
      %dma_wait3A_190 = arith.constant 0 : i32
      %dma_wait3A_191 = arith.constant 0 : i32
      %dma_wait3A_192 = tpu.memref_slice %dma_wait3A_189[%dma_wait3A_190, %dma_wait3A_191] : memref<112x128xf32, #tpu.memory_space<vmem>> -> memref<64x128xf32, #tpu.memory_space<vmem>>
      %dma_wait3A_193 = arith.constant 0 : i32
      %dma_wait3A_194 = tpu.memref_slice %arg7[%add3A_38, %dma_wait3A_193] : memref<10000x128xf32, #tpu.memory_space<vmem_shared>> -> memref<64x128xf32, #tpu.memory_space<vmem_shared>>
      %dma_wait3A_195 = arith.constant 0 : i32
      %dma_wait3A_196 = tpu.memref_slice %arg7[%add3A_38, %dma_wait3A_195] : memref<10000x128xf32, #tpu.memory_space<vmem_shared>> -> memref<64x128xf32, #tpu.memory_space<vmem_shared>>
      %dma_wait3A_197 = arith.constant 0 : i32
      %dma_wait3A_198 = arith.constant 0 : i32
      %dma_wait3A_199 = tpu.memref_slice %arg6[%run_scoped3A_39, %dma_wait3A_197, %dma_wait3A_198] : memref<3x112x128xf32, #tpu.memory_space<vmem>> -> memref<1x112x128xf32, #tpu.memory_space<vmem>>
      %dma_wait3A_200 = tpu.memref_squeeze %dma_wait3A_199 : memref<1x112x128xf32, #tpu.memory_space<vmem>> -> memref<112x128xf32, #tpu.memory_space<vmem>>
      %dma_wait3A_201 = arith.constant 0 : i32
      %dma_wait3A_202 = arith.constant 0 : i32
      %dma_wait3A_203 = tpu.memref_slice %dma_wait3A_200[%dma_wait3A_201, %dma_wait3A_202] : memref<112x128xf32, #tpu.memory_space<vmem>> -> memref<64x128xf32, #tpu.memory_space<vmem>>
      tpu.wait_dma2 semaphore(%run_scoped3A_167 : memref<!tpu.dma_semaphore, #tpu.memory_space<semaphore_mem>>) src(%dma_wait3A_203 : memref<64x128xf32, #tpu.memory_space<vmem>>) dst(%dma_wait3A_196 : memref<64x128xf32, #tpu.memory_space<vmem_shared>>)
      tpu.yield
    }) : () -> ()
    %eq3A_40 = arith.constant 15 : i32
    %eq3A_41 = arith.cmpi eq, %arg1, %eq3A_40 : i32
    %convert_element_type3A = arith.extui %eq3A_41 : i1 to i32
    %cond3A = arith.constant 0 : i32
    %cond3A_42 = arith.constant 0 : i32
    %cond3A_43 = arith.cmpi ne, %convert_element_type3A, %cond3A_42 : i32
    scf.if %cond3A_43 {
      "tpu.region"() ({
        %run_scoped3A_167 = tpu.sem_alloc : memref<!tpu.dma_semaphore, #tpu.memory_space<semaphore_mem>>
        %dma_start3A_168 = arith.constant 0 : i32
        %dma_start3A_169 = arith.constant 0 : i32
        %dma_start3A_170 = tpu.memref_slice %arg6[%cond3A, %dma_start3A_168, %dma_start3A_169] : memref<3x112x128xf32, #tpu.memory_space<vmem>> -> memref<1x112x128xf32, #tpu.memory_space<vmem>>
        %dma_start3A_171 = tpu.memref_squeeze %dma_start3A_170 : memref<1x112x128xf32, #tpu.memory_space<vmem>> -> memref<112x128xf32, #tpu.memory_space<vmem>>
        %dma_start3A_172 = arith.constant 0 : i32
        %dma_start3A_173 = arith.constant 0 : i32
        %dma_start3A_174 = tpu.memref_slice %dma_start3A_171[%dma_start3A_172, %dma_start3A_173] : memref<112x128xf32, #tpu.memory_space<vmem>> -> memref<16x128xf32, #tpu.memory_space<vmem>>
        %dma_start3A_175 = arith.constant 9984 : i32
        %dma_start3A_176 = arith.constant 0 : i32
        %dma_start3A_177 = tpu.memref_slice %arg7[%dma_start3A_175, %dma_start3A_176] : memref<10000x128xf32, #tpu.memory_space<vmem_shared>> -> memref<16x128xf32, #tpu.memory_space<vmem_shared>>
        %dma_start3A_178 = arith.constant 9984 : i32
        %dma_start3A_179 = arith.constant 0 : i32
        %dma_start3A_180 = tpu.memref_slice %arg7[%dma_start3A_178, %dma_start3A_179] : memref<10000x128xf32, #tpu.memory_space<vmem_shared>> -> memref<16x128xf32, #tpu.memory_space<vmem_shared>>
        %dma_start3A_181 = arith.constant 0 : i32
        %dma_start3A_182 = arith.constant 0 : i32
        %dma_start3A_183 = tpu.memref_slice %arg6[%cond3A, %dma_start3A_181, %dma_start3A_182] : memref<3x112x128xf32, #tpu.memory_space<vmem>> -> memref<1x112x128xf32, #tpu.memory_space<vmem>>
        %dma_start3A_184 = tpu.memref_squeeze %dma_start3A_183 : memref<1x112x128xf32, #tpu.memory_space<vmem>> -> memref<112x128xf32, #tpu.memory_space<vmem>>
        %dma_start3A_185 = arith.constant 0 : i32
        %dma_start3A_186 = arith.constant 0 : i32
        %dma_start3A_187 = tpu.memref_slice %dma_start3A_184[%dma_start3A_185, %dma_start3A_186] : memref<112x128xf32, #tpu.memory_space<vmem>> -> memref<16x128xf32, #tpu.memory_space<vmem>>
        tpu.enqueue_dma source(%dma_start3A_187 : memref<16x128xf32, #tpu.memory_space<vmem>>) target(%dma_start3A_180 : memref<16x128xf32, #tpu.memory_space<vmem_shared>>) target_semaphore(%run_scoped3A_167 : memref<!tpu.dma_semaphore, #tpu.memory_space<semaphore_mem>>)
        %dma_wait3A_188 = arith.constant 0 : i32
        %dma_wait3A_189 = arith.constant 0 : i32
        %dma_wait3A_190 = tpu.memref_slice %arg6[%cond3A, %dma_wait3A_188, %dma_wait3A_189] : memref<3x112x128xf32, #tpu.memory_space<vmem>> -> memref<1x112x128xf32, #tpu.memory_space<vmem>>
        %dma_wait3A_191 = tpu.memref_squeeze %dma_wait3A_190 : memref<1x112x128xf32, #tpu.memory_space<vmem>> -> memref<112x128xf32, #tpu.memory_space<vmem>>
        %dma_wait3A_192 = arith.constant 0 : i32
        %dma_wait3A_193 = arith.constant 0 : i32
        %dma_wait3A_194 = tpu.memref_slice %dma_wait3A_191[%dma_wait3A_192, %dma_wait3A_193] : memref<112x128xf32, #tpu.memory_space<vmem>> -> memref<16x128xf32, #tpu.memory_space<vmem>>
        %dma_wait3A_195 = arith.constant 9984 : i32
        %dma_wait3A_196 = arith.constant 0 : i32
        %dma_wait3A_197 = tpu.memref_slice %arg7[%dma_wait3A_195, %dma_wait3A_196] : memref<10000x128xf32, #tpu.memory_space<vmem_shared>> -> memref<16x128xf32, #tpu.memory_space<vmem_shared>>
        %dma_wait3A_198 = arith.constant 9984 : i32
        %dma_wait3A_199 = arith.constant 0 : i32
        %dma_wait3A_200 = tpu.memref_slice %arg7[%dma_wait3A_198, %dma_wait3A_199] : memref<10000x128xf32, #tpu.memory_space<vmem_shared>> -> memref<16x128xf32, #tpu.memory_space<vmem_shared>>
        %dma_wait3A_201 = arith.constant 0 : i32
        %dma_wait3A_202 = arith.constant 0 : i32
        %dma_wait3A_203 = tpu.memref_slice %arg6[%cond3A, %dma_wait3A_201, %dma_wait3A_202] : memref<3x112x128xf32, #tpu.memory_space<vmem>> -> memref<1x112x128xf32, #tpu.memory_space<vmem>>
        %dma_wait3A_204 = tpu.memref_squeeze %dma_wait3A_203 : memref<1x112x128xf32, #tpu.memory_space<vmem>> -> memref<112x128xf32, #tpu.memory_space<vmem>>
        %dma_wait3A_205 = arith.constant 0 : i32
        %dma_wait3A_206 = arith.constant 0 : i32
        %dma_wait3A_207 = tpu.memref_slice %dma_wait3A_204[%dma_wait3A_205, %dma_wait3A_206] : memref<112x128xf32, #tpu.memory_space<vmem>> -> memref<16x128xf32, #tpu.memory_space<vmem>>
        tpu.wait_dma2 semaphore(%run_scoped3A_167 : memref<!tpu.dma_semaphore, #tpu.memory_space<semaphore_mem>>) src(%dma_wait3A_207 : memref<16x128xf32, #tpu.memory_space<vmem>>) dst(%dma_wait3A_200 : memref<16x128xf32, #tpu.memory_space<vmem_shared>>)
        tpu.yield
      }) : () -> ()
    } else {
    }
    %barrier3A = arith.constant 0 : index
    tpu.barrier barrier_id(%barrier3A)
    %rem3A = arith.constant 0 : i32
    %rem3A_44 = arith.constant 4 : i32
    %rem3A_45 = arith.remsi %rem3A, %rem3A_44 : i32
    %add3A_46 = arith.constant 0 : i32
    %add3A_47 = arith.addi %add3A, %add3A_46 : i32
    %mul3A_48 = arith.constant 3 : i32
    %mul3A_49 = arith.muli %rem3A_45, %mul3A_48 : i32
    %dma_start3A = arith.constant 0 : i32
    %dma_start3A_50 = tpu.memref_slice %arg5[%mul3A_49, %dma_start3A] : memref<12x112xi32, #tpu.memory_space<vmem>> -> memref<3x112xi32, #tpu.memory_space<vmem>>
    %dma_start3A_51 = arith.constant 0 : i32
    %dma_start3A_52 = arith.constant 0 : i32
    %dma_start3A_53 = tpu.memref_slice %arg3[%add3A_47, %dma_start3A_51, %dma_start3A_52] : memref<2880x3x112xi32, #tpu.memory_space<hbm>> -> memref<1x3x112xi32, #tpu.memory_space<hbm>>
    %dma_start3A_54 = tpu.memref_squeeze %dma_start3A_53 : memref<1x3x112xi32, #tpu.memory_space<hbm>> -> memref<3x112xi32, #tpu.memory_space<hbm>>
    %dma_start3A_55 = tpu.memref_slice %arg8[%rem3A_45] : memref<4x!tpu.dma_semaphore, #tpu.memory_space<semaphore_mem>> -> memref<1x!tpu.dma_semaphore, #tpu.memory_space<semaphore_mem>>
    %dma_start3A_56 = tpu.memref_squeeze %dma_start3A_55 : memref<1x!tpu.dma_semaphore, #tpu.memory_space<semaphore_mem>> -> memref<!tpu.dma_semaphore, #tpu.memory_space<semaphore_mem>>
    %dma_start3A_57 = arith.constant 0 : i32
    %dma_start3A_58 = tpu.memref_slice %arg5[%mul3A_49, %dma_start3A_57] : memref<12x112xi32, #tpu.memory_space<vmem>> -> memref<3x112xi32, #tpu.memory_space<vmem>>
    %dma_start3A_59 = arith.constant 0 : i32
    %dma_start3A_60 = arith.constant 0 : i32
    %dma_start3A_61 = tpu.memref_slice %arg3[%add3A_47, %dma_start3A_59, %dma_start3A_60] : memref<2880x3x112xi32, #tpu.memory_space<hbm>> -> memref<1x3x112xi32, #tpu.memory_space<hbm>>
    %dma_start3A_62 = tpu.memref_squeeze %dma_start3A_61 : memref<1x3x112xi32, #tpu.memory_space<hbm>> -> memref<3x112xi32, #tpu.memory_space<hbm>>
    tpu.enqueue_dma source(%dma_start3A_62 : memref<3x112xi32, #tpu.memory_space<hbm>>) target(%dma_start3A_58 : memref<3x112xi32, #tpu.memory_space<vmem>>) target_semaphore(%dma_start3A_56 : memref<!tpu.dma_semaphore, #tpu.memory_space<semaphore_mem>>)
    %rem3A_63 = arith.constant 1 : i32
    %rem3A_64 = arith.constant 4 : i32
    %rem3A_65 = arith.remsi %rem3A_63, %rem3A_64 : i32
    %add3A_66 = arith.constant 1 : i32
    %add3A_67 = arith.addi %add3A, %add3A_66 : i32
    %mul3A_68 = arith.constant 3 : i32
    %mul3A_69 = arith.muli %rem3A_65, %mul3A_68 : i32
    %dma_start3A_70 = arith.constant 0 : i32
    %dma_start3A_71 = tpu.memref_slice %arg5[%mul3A_69, %dma_start3A_70] : memref<12x112xi32, #tpu.memory_space<vmem>> -> memref<3x112xi32, #tpu.memory_space<vmem>>
    %dma_start3A_72 = arith.constant 0 : i32
    %dma_start3A_73 = arith.constant 0 : i32
    %dma_start3A_74 = tpu.memref_slice %arg3[%add3A_67, %dma_start3A_72, %dma_start3A_73] : memref<2880x3x112xi32, #tpu.memory_space<hbm>> -> memref<1x3x112xi32, #tpu.memory_space<hbm>>
    %dma_start3A_75 = tpu.memref_squeeze %dma_start3A_74 : memref<1x3x112xi32, #tpu.memory_space<hbm>> -> memref<3x112xi32, #tpu.memory_space<hbm>>
    %dma_start3A_76 = tpu.memref_slice %arg8[%rem3A_65] : memref<4x!tpu.dma_semaphore, #tpu.memory_space<semaphore_mem>> -> memref<1x!tpu.dma_semaphore, #tpu.memory_space<semaphore_mem>>
    %dma_start3A_77 = tpu.memref_squeeze %dma_start3A_76 : memref<1x!tpu.dma_semaphore, #tpu.memory_space<semaphore_mem>> -> memref<!tpu.dma_semaphore, #tpu.memory_space<semaphore_mem>>
    %dma_start3A_78 = arith.constant 0 : i32
    %dma_start3A_79 = tpu.memref_slice %arg5[%mul3A_69, %dma_start3A_78] : memref<12x112xi32, #tpu.memory_space<vmem>> -> memref<3x112xi32, #tpu.memory_space<vmem>>
    %dma_start3A_80 = arith.constant 0 : i32
    %dma_start3A_81 = arith.constant 0 : i32
    %dma_start3A_82 = tpu.memref_slice %arg3[%add3A_67, %dma_start3A_80, %dma_start3A_81] : memref<2880x3x112xi32, #tpu.memory_space<hbm>> -> memref<1x3x112xi32, #tpu.memory_space<hbm>>
    %dma_start3A_83 = tpu.memref_squeeze %dma_start3A_82 : memref<1x3x112xi32, #tpu.memory_space<hbm>> -> memref<3x112xi32, #tpu.memory_space<hbm>>
    tpu.enqueue_dma source(%dma_start3A_83 : memref<3x112xi32, #tpu.memory_space<hbm>>) target(%dma_start3A_79 : memref<3x112xi32, #tpu.memory_space<vmem>>) target_semaphore(%dma_start3A_77 : memref<!tpu.dma_semaphore, #tpu.memory_space<semaphore_mem>>)
    %rem3A_84 = arith.constant 0 : i32
    %rem3A_85 = arith.constant 4 : i32
    %rem3A_86 = arith.remsi %rem3A_84, %rem3A_85 : i32
    %dma_wait3A = arith.constant 0 : i32
    %dma_wait3A_87 = arith.constant 0 : i32
    %dma_wait3A_88 = arith.constant 0 : i32
    %dma_wait3A_89 = tpu.memref_slice %arg5[%dma_wait3A_87, %dma_wait3A_88] : memref<12x112xi32, #tpu.memory_space<vmem>> -> memref<3x112xi32, #tpu.memory_space<vmem>>
    %dma_wait3A_90 = arith.constant 0 : i32
    %dma_wait3A_91 = arith.constant 0 : i32
    %dma_wait3A_92 = tpu.memref_slice %arg3[%dma_wait3A, %dma_wait3A_90, %dma_wait3A_91] : memref<2880x3x112xi32, #tpu.memory_space<hbm>> -> memref<1x3x112xi32, #tpu.memory_space<hbm>>
    %dma_wait3A_93 = tpu.memref_squeeze %dma_wait3A_92 : memref<1x3x112xi32, #tpu.memory_space<hbm>> -> memref<3x112xi32, #tpu.memory_space<hbm>>
    %dma_wait3A_94 = tpu.memref_slice %arg8[%rem3A_86] : memref<4x!tpu.dma_semaphore, #tpu.memory_space<semaphore_mem>> -> memref<1x!tpu.dma_semaphore, #tpu.memory_space<semaphore_mem>>
    %dma_wait3A_95 = tpu.memref_squeeze %dma_wait3A_94 : memref<1x!tpu.dma_semaphore, #tpu.memory_space<semaphore_mem>> -> memref<!tpu.dma_semaphore, #tpu.memory_space<semaphore_mem>>
    %dma_wait3A_96 = arith.constant 0 : i32
    %dma_wait3A_97 = arith.constant 0 : i32
    %dma_wait3A_98 = tpu.memref_slice %arg5[%dma_wait3A_96, %dma_wait3A_97] : memref<12x112xi32, #tpu.memory_space<vmem>> -> memref<3x112xi32, #tpu.memory_space<vmem>>
    %dma_wait3A_99 = arith.constant 0 : i32
    %dma_wait3A_100 = arith.constant 0 : i32
    %dma_wait3A_101 = tpu.memref_slice %arg3[%dma_wait3A, %dma_wait3A_99, %dma_wait3A_100] : memref<2880x3x112xi32, #tpu.memory_space<hbm>> -> memref<1x3x112xi32, #tpu.memory_space<hbm>>
    %dma_wait3A_102 = tpu.memref_squeeze %dma_wait3A_101 : memref<1x3x112xi32, #tpu.memory_space<hbm>> -> memref<3x112xi32, #tpu.memory_space<hbm>>
    tpu.wait_dma2 semaphore(%dma_wait3A_95 : memref<!tpu.dma_semaphore, #tpu.memory_space<semaphore_mem>>) src(%dma_wait3A_102 : memref<3x112xi32, #tpu.memory_space<hbm>>) dst(%dma_wait3A_98 : memref<3x112xi32, #tpu.memory_space<vmem>>)
    %rem3A_103 = arith.constant 0 : i32
    %rem3A_104 = arith.constant 4 : i32
    %rem3A_105 = arith.remsi %rem3A_103, %rem3A_104 : i32
    %rem3A_106 = arith.constant 0 : i32
    %rem3A_107 = arith.constant 3 : i32
    %rem3A_108 = arith.remsi %rem3A_106, %rem3A_107 : i32
    %mul3A_109 = arith.constant 3 : i32
    %mul3A_110 = arith.muli %rem3A_105, %mul3A_109 : i32
    %dma_start3A_111 = arith.constant 0 : i32
    %dma_start3A_112 = arith.constant 0 : i32
    %dma_start3A_113 = tpu.memref_slice %arg6[%rem3A_108, %dma_start3A_111, %dma_start3A_112] : memref<3x112x128xf32, #tpu.memory_space<vmem>> -> memref<1x112x128xf32, #tpu.memory_space<vmem>>
    %dma_start3A_114 = tpu.memref_squeeze %dma_start3A_113 : memref<1x112x128xf32, #tpu.memory_space<vmem>> -> memref<112x128xf32, #tpu.memory_space<vmem>>
    %dma_start3A_115 = arith.constant 0 : i32
    %dma_start3A_116 = tpu.memref_slice %arg5[%mul3A_110, %dma_start3A_115] : memref<12x112xi32, #tpu.memory_space<vmem>> -> memref<1x112xi32, #tpu.memory_space<vmem>>
    %dma_start3A_117 = tpu.memref_squeeze %dma_start3A_116 : memref<1x112xi32, #tpu.memory_space<vmem>> -> memref<112xi32, #tpu.memory_space<vmem>>
    %dma_start3A_118 = arith.constant 0 : i32
    %dma_start3A_119 = arith.constant 0 : i32
    %dma_start3A_120 = tpu.memref_slice %arg2[%dma_start3A_118, %dma_start3A_119] : memref<10000x128xf32, #tpu.memory_space<hbm>> -> memref<10000x128xf32, #tpu.memory_space<hbm>>
    %dma_start3A_121 = tpu.memref_slice %arg9[%rem3A_108] : memref<3x!tpu.dma_semaphore, #tpu.memory_space<semaphore_mem>> -> memref<1x!tpu.dma_semaphore, #tpu.memory_space<semaphore_mem>>
    %dma_start3A_122 = tpu.memref_squeeze %dma_start3A_121 : memref<1x!tpu.dma_semaphore, #tpu.memory_space<semaphore_mem>> -> memref<!tpu.dma_semaphore, #tpu.memory_space<semaphore_mem>>
    tpu.enqueue_indirect_dma source(%dma_start3A_120 : memref<10000x128xf32, #tpu.memory_space<hbm>>) target(%dma_start3A_114 : memref<112x128xf32, #tpu.memory_space<vmem>>) offsets(%dma_start3A_117 : memref<112xi32, #tpu.memory_space<vmem>>) semaphore(%dma_start3A_122 : memref<!tpu.dma_semaphore, #tpu.memory_space<semaphore_mem>>)
    %sub3A = arith.constant 0 : i32
    %sub3A_123 = arith.subi %select_n3A, %sub3A : i32
    %sub3A_124 = arith.constant 1 : i32
    %sub3A_125 = arith.constant 1 : i32
    %sub3A_126 = arith.subi %sub3A_124, %sub3A_125 : i32
    %add3A_127 = arith.addi %sub3A_123, %sub3A_126 : i32
    %div3A = arith.constant 1 : i32
    %div3A_128 = arith.divsi %add3A_127, %div3A : i32
    %while3A = arith.constant 1 : i32
    %while3A_129 = arith.constant 0 : i32
    %while3A_130 = arith.constant 0 : i32
    %while3A_131 = arith.subi %div3A_128, %while3A_130 : i32
    %while3A_132 = arith.addi %while3A_130, %while3A_131 : i32
    %while3A_133 = arith.constant 1 : i32
    %while3A_134 = arith.divsi %while3A_131, %while3A_133 : i32
    %while3A_135 = arith.muli %while3A_134, %while3A_133 : i32
    %while3A_136 = arith.addi %while3A_130, %while3A_135 : i32
    %while3A_137 = arith.constant 1 : i32
    scf.for %while3A_167 = %while3A_130 to %while3A_136 step %while3A_137  : i32 {
      %mul3A_168 = arith.muli %while3A_167, %while3A : i32
      %add3A_169 = arith.addi %while3A_129, %mul3A_168 : i32
      %add3A_170 = arith.constant 2 : i32
      %add3A_171 = arith.addi %add3A_169, %add3A_170 : i32
      %lt3A = arith.cmpi slt, %add3A_171, %select_n3A : i32
      %convert_element_type3A_172 = arith.extui %lt3A : i1 to i32
      %cond3A_173 = arith.constant 0 : i32
      %cond3A_174 = arith.cmpi ne, %convert_element_type3A_172, %cond3A_173 : i32
      scf.if %cond3A_174 {
        %add3A_299 = arith.constant 2 : i32
        %add3A_300 = arith.addi %add3A_169, %add3A_299 : i32
        %rem3A_301 = arith.constant 4 : i32
        %rem3A_302 = arith.remsi %add3A_300, %rem3A_301 : i32
        %add3A_303 = arith.addi %add3A, %add3A_300 : i32
        %mul3A_304 = arith.constant 3 : i32
        %mul3A_305 = arith.muli %rem3A_302, %mul3A_304 : i32
        %dma_start3A_306 = arith.constant 0 : i32
        %dma_start3A_307 = tpu.memref_slice %arg5[%mul3A_305, %dma_start3A_306] : memref<12x112xi32, #tpu.memory_space<vmem>> -> memref<3x112xi32, #tpu.memory_space<vmem>>
        %dma_start3A_308 = arith.constant 0 : i32
        %dma_start3A_309 = arith.constant 0 : i32
        %dma_start3A_310 = tpu.memref_slice %arg3[%add3A_303, %dma_start3A_308, %dma_start3A_309] : memref<2880x3x112xi32, #tpu.memory_space<hbm>> -> memref<1x3x112xi32, #tpu.memory_space<hbm>>
        %dma_start3A_311 = tpu.memref_squeeze %dma_start3A_310 : memref<1x3x112xi32, #tpu.memory_space<hbm>> -> memref<3x112xi32, #tpu.memory_space<hbm>>
        %dma_start3A_312 = tpu.memref_slice %arg8[%rem3A_302] : memref<4x!tpu.dma_semaphore, #tpu.memory_space<semaphore_mem>> -> memref<1x!tpu.dma_semaphore, #tpu.memory_space<semaphore_mem>>
        %dma_start3A_313 = tpu.memref_squeeze %dma_start3A_312 : memref<1x!tpu.dma_semaphore, #tpu.memory_space<semaphore_mem>> -> memref<!tpu.dma_semaphore, #tpu.memory_space<semaphore_mem>>
        %dma_start3A_314 = arith.constant 0 : i32
        %dma_start3A_315 = tpu.memref_slice %arg5[%mul3A_305, %dma_start3A_314] : memref<12x112xi32, #tpu.memory_space<vmem>> -> memref<3x112xi32, #tpu.memory_space<vmem>>
        %dma_start3A_316 = arith.constant 0 : i32
        %dma_start3A_317 = arith.constant 0 : i32
        %dma_start3A_318 = tpu.memref_slice %arg3[%add3A_303, %dma_start3A_316, %dma_start3A_317] : memref<2880x3x112xi32, #tpu.memory_space<hbm>> -> memref<1x3x112xi32, #tpu.memory_space<hbm>>
        %dma_start3A_319 = tpu.memref_squeeze %dma_start3A_318 : memref<1x3x112xi32, #tpu.memory_space<hbm>> -> memref<3x112xi32, #tpu.memory_space<hbm>>
        tpu.enqueue_dma source(%dma_start3A_319 : memref<3x112xi32, #tpu.memory_space<hbm>>) target(%dma_start3A_315 : memref<3x112xi32, #tpu.memory_space<vmem>>) target_semaphore(%dma_start3A_313 : memref<!tpu.dma_semaphore, #tpu.memory_space<semaphore_mem>>)
      } else {
      }
      %add3A_175 = arith.constant 1 : i32
      %add3A_176 = arith.addi %add3A_169, %add3A_175 : i32
      %lt3A_177 = arith.cmpi slt, %add3A_176, %select_n3A : i32
      %convert_element_type3A_178 = arith.extui %lt3A_177 : i1 to i32
      %cond3A_179 = arith.constant 0 : i32
      %cond3A_180 = arith.cmpi ne, %convert_element_type3A_178, %cond3A_179 : i32
      scf.if %cond3A_180 {
        %add3A_299 = arith.constant 1 : i32
        %add3A_300 = arith.addi %add3A_169, %add3A_299 : i32
        %rem3A_301 = arith.constant 4 : i32
        %rem3A_302 = arith.remsi %add3A_300, %rem3A_301 : i32
        %dma_wait3A_303 = arith.constant 0 : i32
        %dma_wait3A_304 = arith.constant 0 : i32
        %dma_wait3A_305 = arith.constant 0 : i32
        %dma_wait3A_306 = tpu.memref_slice %arg5[%dma_wait3A_304, %dma_wait3A_305] : memref<12x112xi32, #tpu.memory_space<vmem>> -> memref<3x112xi32, #tpu.memory_space<vmem>>
        %dma_wait3A_307 = arith.constant 0 : i32
        %dma_wait3A_308 = arith.constant 0 : i32
        %dma_wait3A_309 = tpu.memref_slice %arg3[%dma_wait3A_303, %dma_wait3A_307, %dma_wait3A_308] : memref<2880x3x112xi32, #tpu.memory_space<hbm>> -> memref<1x3x112xi32, #tpu.memory_space<hbm>>
        %dma_wait3A_310 = tpu.memref_squeeze %dma_wait3A_309 : memref<1x3x112xi32, #tpu.memory_space<hbm>> -> memref<3x112xi32, #tpu.memory_space<hbm>>
        %dma_wait3A_311 = tpu.memref_slice %arg8[%rem3A_302] : memref<4x!tpu.dma_semaphore, #tpu.memory_space<semaphore_mem>> -> memref<1x!tpu.dma_semaphore, #tpu.memory_space<semaphore_mem>>
        %dma_wait3A_312 = tpu.memref_squeeze %dma_wait3A_311 : memref<1x!tpu.dma_semaphore, #tpu.memory_space<semaphore_mem>> -> memref<!tpu.dma_semaphore, #tpu.memory_space<semaphore_mem>>
        %dma_wait3A_313 = arith.constant 0 : i32
        %dma_wait3A_314 = arith.constant 0 : i32
        %dma_wait3A_315 = tpu.memref_slice %arg5[%dma_wait3A_313, %dma_wait3A_314] : memref<12x112xi32, #tpu.memory_space<vmem>> -> memref<3x112xi32, #tpu.memory_space<vmem>>
        %dma_wait3A_316 = arith.constant 0 : i32
        %dma_wait3A_317 = arith.constant 0 : i32
        %dma_wait3A_318 = tpu.memref_slice %arg3[%dma_wait3A_303, %dma_wait3A_316, %dma_wait3A_317] : memref<2880x3x112xi32, #tpu.memory_space<hbm>> -> memref<1x3x112xi32, #tpu.memory_space<hbm>>
        %dma_wait3A_319 = tpu.memref_squeeze %dma_wait3A_318 : memref<1x3x112xi32, #tpu.memory_space<hbm>> -> memref<3x112xi32, #tpu.memory_space<hbm>>
        tpu.wait_dma2 semaphore(%dma_wait3A_312 : memref<!tpu.dma_semaphore, #tpu.memory_space<semaphore_mem>>) src(%dma_wait3A_319 : memref<3x112xi32, #tpu.memory_space<hbm>>) dst(%dma_wait3A_315 : memref<3x112xi32, #tpu.memory_space<vmem>>)
        %add3A_320 = arith.constant 1 : i32
        %add3A_321 = arith.addi %add3A_169, %add3A_320 : i32
        %rem3A_322 = arith.constant 4 : i32
        %rem3A_323 = arith.remsi %add3A_321, %rem3A_322 : i32
        %rem3A_324 = arith.constant 3 : i32
        %rem3A_325 = arith.remsi %add3A_321, %rem3A_324 : i32
        %mul3A_326 = arith.constant 3 : i32
        %mul3A_327 = arith.muli %rem3A_323, %mul3A_326 : i32
        %dma_start3A_328 = arith.constant 0 : i32
        %dma_start3A_329 = arith.constant 0 : i32
        %dma_start3A_330 = tpu.memref_slice %arg6[%rem3A_325, %dma_start3A_328, %dma_start3A_329] : memref<3x112x128xf32, #tpu.memory_space<vmem>> -> memref<1x112x128xf32, #tpu.memory_space<vmem>>
        %dma_start3A_331 = tpu.memref_squeeze %dma_start3A_330 : memref<1x112x128xf32, #tpu.memory_space<vmem>> -> memref<112x128xf32, #tpu.memory_space<vmem>>
        %dma_start3A_332 = arith.constant 0 : i32
        %dma_start3A_333 = tpu.memref_slice %arg5[%mul3A_327, %dma_start3A_332] : memref<12x112xi32, #tpu.memory_space<vmem>> -> memref<1x112xi32, #tpu.memory_space<vmem>>
        %dma_start3A_334 = tpu.memref_squeeze %dma_start3A_333 : memref<1x112xi32, #tpu.memory_space<vmem>> -> memref<112xi32, #tpu.memory_space<vmem>>
        %dma_start3A_335 = arith.constant 0 : i32
        %dma_start3A_336 = arith.constant 0 : i32
        %dma_start3A_337 = tpu.memref_slice %arg2[%dma_start3A_335, %dma_start3A_336] : memref<10000x128xf32, #tpu.memory_space<hbm>> -> memref<10000x128xf32, #tpu.memory_space<hbm>>
        %dma_start3A_338 = tpu.memref_slice %arg9[%rem3A_325] : memref<3x!tpu.dma_semaphore, #tpu.memory_space<semaphore_mem>> -> memref<1x!tpu.dma_semaphore, #tpu.memory_space<semaphore_mem>>
        %dma_start3A_339 = tpu.memref_squeeze %dma_start3A_338 : memref<1x!tpu.dma_semaphore, #tpu.memory_space<semaphore_mem>> -> memref<!tpu.dma_semaphore, #tpu.memory_space<semaphore_mem>>
        tpu.enqueue_indirect_dma source(%dma_start3A_337 : memref<10000x128xf32, #tpu.memory_space<hbm>>) target(%dma_start3A_331 : memref<112x128xf32, #tpu.memory_space<vmem>>) offsets(%dma_start3A_334 : memref<112xi32, #tpu.memory_space<vmem>>) semaphore(%dma_start3A_339 : memref<!tpu.dma_semaphore, #tpu.memory_space<semaphore_mem>>)
      } else {
      }
      %rem3A_181 = arith.constant 3 : i32
      %rem3A_182 = arith.remsi %add3A_169, %rem3A_181 : i32
      %dma_wait3A_183 = arith.constant 0 : i32
      %dma_wait3A_184 = arith.constant 0 : i32
      %dma_wait3A_185 = arith.constant 0 : i32
      %dma_wait3A_186 = arith.constant 0 : i32
      %dma_wait3A_187 = tpu.memref_slice %arg6[%dma_wait3A_184, %dma_wait3A_185, %dma_wait3A_186] : memref<3x112x128xf32, #tpu.memory_space<vmem>> -> memref<1x112x128xf32, #tpu.memory_space<vmem>>
      %dma_wait3A_188 = tpu.memref_squeeze %dma_wait3A_187 : memref<1x112x128xf32, #tpu.memory_space<vmem>> -> memref<112x128xf32, #tpu.memory_space<vmem>>
      %dma_wait3A_189 = arith.constant 0 : i32
      %dma_wait3A_190 = tpu.memref_slice %arg5[%dma_wait3A_183, %dma_wait3A_189] : memref<12x112xi32, #tpu.memory_space<vmem>> -> memref<1x112xi32, #tpu.memory_space<vmem>>
      %dma_wait3A_191 = tpu.memref_squeeze %dma_wait3A_190 : memref<1x112xi32, #tpu.memory_space<vmem>> -> memref<112xi32, #tpu.memory_space<vmem>>
      %dma_wait3A_192 = arith.constant 0 : i32
      %dma_wait3A_193 = arith.constant 0 : i32
      %dma_wait3A_194 = tpu.memref_slice %arg2[%dma_wait3A_192, %dma_wait3A_193] : memref<10000x128xf32, #tpu.memory_space<hbm>> -> memref<10000x128xf32, #tpu.memory_space<hbm>>
      %dma_wait3A_195 = tpu.memref_slice %arg9[%rem3A_182] : memref<3x!tpu.dma_semaphore, #tpu.memory_space<semaphore_mem>> -> memref<1x!tpu.dma_semaphore, #tpu.memory_space<semaphore_mem>>
      %dma_wait3A_196 = tpu.memref_squeeze %dma_wait3A_195 : memref<1x!tpu.dma_semaphore, #tpu.memory_space<semaphore_mem>> -> memref<!tpu.dma_semaphore, #tpu.memory_space<semaphore_mem>>
      tpu.wait_indirect_dma semaphore(%dma_wait3A_196 : memref<!tpu.dma_semaphore, #tpu.memory_space<semaphore_mem>>) src(%dma_wait3A_194 : memref<10000x128xf32, #tpu.memory_space<hbm>>) dst(%dma_wait3A_188 : memref<112x128xf32, #tpu.memory_space<vmem>>)
      %ge3A = arith.constant 1 : i32
      %ge3A_197 = arith.cmpi sge, %add3A_169, %ge3A : i32
      %convert_element_type3A_198 = arith.extui %ge3A_197 : i1 to i32
      %cond3A_199 = arith.constant 0 : i32
      %cond3A_200 = arith.cmpi ne, %convert_element_type3A_198, %cond3A_199 : i32
      scf.if %cond3A_200 {
        %sub3A_299 = arith.constant 1 : i32
        %sub3A_300 = arith.subi %add3A_169, %sub3A_299 : i32
        %rem3A_301 = arith.constant 3 : i32
        %rem3A_302 = arith.remsi %sub3A_300, %rem3A_301 : i32
        %dma_wait3A_303 = arith.constant 0 : i32
        %dma_wait3A_304 = arith.constant 0 : i32
        %dma_wait3A_305 = arith.constant 0 : i32
        %dma_wait3A_306 = arith.constant 0 : i32
        %dma_wait3A_307 = tpu.memref_slice %arg6[%dma_wait3A_303, %dma_wait3A_305, %dma_wait3A_306] : memref<3x112x128xf32, #tpu.memory_space<vmem>> -> memref<1x112x128xf32, #tpu.memory_space<vmem>>
        %dma_wait3A_308 = tpu.memref_squeeze %dma_wait3A_307 : memref<1x112x128xf32, #tpu.memory_space<vmem>> -> memref<112x128xf32, #tpu.memory_space<vmem>>
        %dma_wait3A_309 = arith.constant 0 : i32
        %dma_wait3A_310 = tpu.memref_slice %arg5[%dma_wait3A_304, %dma_wait3A_309] : memref<12x112xi32, #tpu.memory_space<vmem>> -> memref<1x112xi32, #tpu.memory_space<vmem>>
        %dma_wait3A_311 = tpu.memref_squeeze %dma_wait3A_310 : memref<1x112xi32, #tpu.memory_space<vmem>> -> memref<112xi32, #tpu.memory_space<vmem>>
        %dma_wait3A_312 = arith.constant 0 : i32
        %dma_wait3A_313 = arith.constant 0 : i32
        %dma_wait3A_314 = tpu.memref_slice %arg7[%dma_wait3A_312, %dma_wait3A_313] : memref<10000x128xf32, #tpu.memory_space<vmem_shared>> -> memref<10000x128xf32, #tpu.memory_space<vmem_shared>>
        %dma_wait3A_315 = tpu.memref_slice %arg10[%rem3A_302] : memref<3x!tpu.dma_semaphore, #tpu.memory_space<semaphore_mem>> -> memref<1x!tpu.dma_semaphore, #tpu.memory_space<semaphore_mem>>
        %dma_wait3A_316 = tpu.memref_squeeze %dma_wait3A_315 : memref<1x!tpu.dma_semaphore, #tpu.memory_space<semaphore_mem>> -> memref<!tpu.dma_semaphore, #tpu.memory_space<semaphore_mem>>
        tpu.wait_indirect_dma semaphore(%dma_wait3A_316 : memref<!tpu.dma_semaphore, #tpu.memory_space<semaphore_mem>>) src(%dma_wait3A_308 : memref<112x128xf32, #tpu.memory_space<vmem>>) dst(%dma_wait3A_314 : memref<10000x128xf32, #tpu.memory_space<vmem_shared>>)
      } else {
      }
      %rem3A_201 = arith.constant 4 : i32
      %rem3A_202 = arith.remsi %add3A_169, %rem3A_201 : i32
      %rem3A_203 = arith.constant 3 : i32
      %rem3A_204 = arith.remsi %add3A_169, %rem3A_203 : i32
      %mul3A_205 = arith.constant 3 : i32
      %mul3A_206 = arith.muli %rem3A_202, %mul3A_205 : i32
      %add3A_207 = arith.constant 2 : i32
      %add3A_208 = arith.addi %mul3A_206, %add3A_207 : i32
      %get3A = arith.index_cast %add3A_208 : i32 to index
      %get3A_209 = arith.constant 0 : index
      %get3A_210 = tpu.vector_load %arg5[%get3A, %get3A_209] {strides = array<i32>} : memref<12x112xi32, #tpu.memory_space<vmem>>, vector<16xi32>,
      %bitcast3A = vector.bitcast %get3A_210 : vector<16xi32> to vector<16xf32>
      %parallel_loop3A = arith.constant 0 : i32
      %parallel_loop3A_211 = arith.constant 16 : i32
      %parallel_loop3A_212 = arith.constant 1 : i32
      scf.for %parallel_loop3A_299 = %parallel_loop3A to %parallel_loop3A_211 step %parallel_loop3A_212  : i32 {
        %parallel_loop3A_300 = vector.broadcast %parallel_loop3A_299 : i32 to vector<16xi32>
        %parallel_loop3A_301 = arith.constant 0 : i32
        %parallel_loop3A_302 = vector.broadcast %parallel_loop3A_301 : i32 to vector<16xi32>
        %parallel_loop3A_303 = arith.cmpi slt, %parallel_loop3A_300, %parallel_loop3A_302 : vector<16xi32>
        %parallel_loop3A_304 = arith.constant 16 : i32
        %parallel_loop3A_305 = vector.broadcast %parallel_loop3A_304 : i32 to vector<16xi32>
        %parallel_loop3A_306 = arith.addi %parallel_loop3A_300, %parallel_loop3A_305 : vector<16xi32>
        %parallel_loop3A_307 = arith.select %parallel_loop3A_303, %parallel_loop3A_306, %parallel_loop3A_300 : vector<16xi1>, vector<16xi32>
        %parallel_loop3A_308 = vector.shape_cast %parallel_loop3A_307 : vector<16xi32> to vector<16x1xi32>
        %parallel_loop3A_309 = vector.shape_cast %parallel_loop3A_308 : vector<16x1xi32> to vector<16xi32>
        %parallel_loop3A_310 = tpu.dynamic_gather %bitcast3A[%parallel_loop3A_309] in [0] : vector<16xf32>, vector<16xi32> -> vector<16xf32>
        %parallel_loop3A_311 = arith.constant 0 : i32
        %parallel_loop3A_312 = arith.addi %parallel_loop3A_311, %parallel_loop3A_299 : i32
        %parallel_loop3A_313 = arith.index_cast %rem3A_204 : i32 to index
        %parallel_loop3A_314 = arith.index_cast %parallel_loop3A_312 : i32 to index
        %parallel_loop3A_315 = arith.constant 0 : index
        %parallel_loop3A_316 = tpu.vector_load %arg6[%parallel_loop3A_313, %parallel_loop3A_314, %parallel_loop3A_315] {strides = array<i32>} : memref<3x112x128xf32, #tpu.memory_space<vmem>>, vector<16xf32>,
        %parallel_loop3A_317 = arith.mulf %parallel_loop3A_316, %parallel_loop3A_310 : vector<16xf32>
        %parallel_loop3A_318 = arith.index_cast %rem3A_204 : i32 to index
        %parallel_loop3A_319 = arith.index_cast %parallel_loop3A_312 : i32 to index
        %parallel_loop3A_320 = arith.constant 0 : index
        %parallel_loop3A_321 = tpu.vector_load %arg6[%parallel_loop3A_318, %parallel_loop3A_319, %parallel_loop3A_320] {strides = array<i32>} : memref<3x112x128xf32, #tpu.memory_space<vmem>>, vector<16xf32>,
        tpu.vector_store %arg6[%parallel_loop3A_318, %parallel_loop3A_319, %parallel_loop3A_320], %parallel_loop3A_317 {strides = array<i32>} : memref<3x112x128xf32, #tpu.memory_space<vmem>>, vector<16xf32>,
        %parallel_loop3A_322 = arith.index_cast %rem3A_204 : i32 to index
        %parallel_loop3A_323 = arith.index_cast %parallel_loop3A_312 : i32 to index
        %parallel_loop3A_324 = arith.constant 16 : index
        %parallel_loop3A_325 = tpu.vector_load %arg6[%parallel_loop3A_322, %parallel_loop3A_323, %parallel_loop3A_324] {strides = array<i32>} : memref<3x112x128xf32, #tpu.memory_space<vmem>>, vector<16xf32>,
        %parallel_loop3A_326 = arith.mulf %parallel_loop3A_325, %parallel_loop3A_310 : vector<16xf32>
        %parallel_loop3A_327 = arith.index_cast %rem3A_204 : i32 to index
        %parallel_loop3A_328 = arith.index_cast %parallel_loop3A_312 : i32 to index
        %parallel_loop3A_329 = arith.constant 16 : index
        %parallel_loop3A_330 = tpu.vector_load %arg6[%parallel_loop3A_327, %parallel_loop3A_328, %parallel_loop3A_329] {strides = array<i32>} : memref<3x112x128xf32, #tpu.memory_space<vmem>>, vector<16xf32>,
        tpu.vector_store %arg6[%parallel_loop3A_327, %parallel_loop3A_328, %parallel_loop3A_329], %parallel_loop3A_326 {strides = array<i32>} : memref<3x112x128xf32, #tpu.memory_space<vmem>>, vector<16xf32>,
        %parallel_loop3A_331 = arith.index_cast %rem3A_204 : i32 to index
        %parallel_loop3A_332 = arith.index_cast %parallel_loop3A_312 : i32 to index
        %parallel_loop3A_333 = arith.constant 32 : index
        %parallel_loop3A_334 = tpu.vector_load %arg6[%parallel_loop3A_331, %parallel_loop3A_332, %parallel_loop3A_333] {strides = array<i32>} : memref<3x112x128xf32, #tpu.memory_space<vmem>>, vector<16xf32>,
        %parallel_loop3A_335 = arith.mulf %parallel_loop3A_334, %parallel_loop3A_310 : vector<16xf32>
        %parallel_loop3A_336 = arith.index_cast %rem3A_204 : i32 to index
        %parallel_loop3A_337 = arith.index_cast %parallel_loop3A_312 : i32 to index
        %parallel_loop3A_338 = arith.constant 32 : index
        %parallel_loop3A_339 = tpu.vector_load %arg6[%parallel_loop3A_336, %parallel_loop3A_337, %parallel_loop3A_338] {strides = array<i32>} : memref<3x112x128xf32, #tpu.memory_space<vmem>>, vector<16xf32>,
        tpu.vector_store %arg6[%parallel_loop3A_336, %parallel_loop3A_337, %parallel_loop3A_338], %parallel_loop3A_335 {strides = array<i32>} : memref<3x112x128xf32, #tpu.memory_space<vmem>>, vector<16xf32>,
        %parallel_loop3A_340 = arith.index_cast %rem3A_204 : i32 to index
        %parallel_loop3A_341 = arith.index_cast %parallel_loop3A_312 : i32 to index
        %parallel_loop3A_342 = arith.constant 48 : index
        %parallel_loop3A_343 = tpu.vector_load %arg6[%parallel_loop3A_340, %parallel_loop3A_341, %parallel_loop3A_342] {strides = array<i32>} : memref<3x112x128xf32, #tpu.memory_space<vmem>>, vector<16xf32>,
        %parallel_loop3A_344 = arith.mulf %parallel_loop3A_343, %parallel_loop3A_310 : vector<16xf32>
        %parallel_loop3A_345 = arith.index_cast %rem3A_204 : i32 to index
        %parallel_loop3A_346 = arith.index_cast %parallel_loop3A_312 : i32 to index
        %parallel_loop3A_347 = arith.constant 48 : index
        %parallel_loop3A_348 = tpu.vector_load %arg6[%parallel_loop3A_345, %parallel_loop3A_346, %parallel_loop3A_347] {strides = array<i32>} : memref<3x112x128xf32, #tpu.memory_space<vmem>>, vector<16xf32>,
        tpu.vector_store %arg6[%parallel_loop3A_345, %parallel_loop3A_346, %parallel_loop3A_347], %parallel_loop3A_344 {strides = array<i32>} : memref<3x112x128xf32, #tpu.memory_space<vmem>>, vector<16xf32>,
        %parallel_loop3A_349 = arith.index_cast %rem3A_204 : i32 to index
        %parallel_loop3A_350 = arith.index_cast %parallel_loop3A_312 : i32 to index
        %parallel_loop3A_351 = arith.constant 64 : index
        %parallel_loop3A_352 = tpu.vector_load %arg6[%parallel_loop3A_349, %parallel_loop3A_350, %parallel_loop3A_351] {strides = array<i32>} : memref<3x112x128xf32, #tpu.memory_space<vmem>>, vector<16xf32>,
        %parallel_loop3A_353 = arith.mulf %parallel_loop3A_352, %parallel_loop3A_310 : vector<16xf32>
        %parallel_loop3A_354 = arith.index_cast %rem3A_204 : i32 to index
        %parallel_loop3A_355 = arith.index_cast %parallel_loop3A_312 : i32 to index
        %parallel_loop3A_356 = arith.constant 64 : index
        %parallel_loop3A_357 = tpu.vector_load %arg6[%parallel_loop3A_354, %parallel_loop3A_355, %parallel_loop3A_356] {strides = array<i32>} : memref<3x112x128xf32, #tpu.memory_space<vmem>>, vector<16xf32>,
        tpu.vector_store %arg6[%parallel_loop3A_354, %parallel_loop3A_355, %parallel_loop3A_356], %parallel_loop3A_353 {strides = array<i32>} : memref<3x112x128xf32, #tpu.memory_space<vmem>>, vector<16xf32>,
        %parallel_loop3A_358 = arith.index_cast %rem3A_204 : i32 to index
        %parallel_loop3A_359 = arith.index_cast %parallel_loop3A_312 : i32 to index
        %parallel_loop3A_360 = arith.constant 80 : index
        %parallel_loop3A_361 = tpu.vector_load %arg6[%parallel_loop3A_358, %parallel_loop3A_359, %parallel_loop3A_360] {strides = array<i32>} : memref<3x112x128xf32, #tpu.memory_space<vmem>>, vector<16xf32>,
        %parallel_loop3A_362 = arith.mulf %parallel_loop3A_361, %parallel_loop3A_310 : vector<16xf32>
        %parallel_loop3A_363 = arith.index_cast %rem3A_204 : i32 to index
        %parallel_loop3A_364 = arith.index_cast %parallel_loop3A_312 : i32 to index
        %parallel_loop3A_365 = arith.constant 80 : index
        %parallel_loop3A_366 = tpu.vector_load %arg6[%parallel_loop3A_363, %parallel_loop3A_364, %parallel_loop3A_365] {strides = array<i32>} : memref<3x112x128xf32, #tpu.memory_space<vmem>>, vector<16xf32>,
        tpu.vector_store %arg6[%parallel_loop3A_363, %parallel_loop3A_364, %parallel_loop3A_365], %parallel_loop3A_362 {strides = array<i32>} : memref<3x112x128xf32, #tpu.memory_space<vmem>>, vector<16xf32>,
        %parallel_loop3A_367 = arith.index_cast %rem3A_204 : i32 to index
        %parallel_loop3A_368 = arith.index_cast %parallel_loop3A_312 : i32 to index
        %parallel_loop3A_369 = arith.constant 96 : index
        %parallel_loop3A_370 = tpu.vector_load %arg6[%parallel_loop3A_367, %parallel_loop3A_368, %parallel_loop3A_369] {strides = array<i32>} : memref<3x112x128xf32, #tpu.memory_space<vmem>>, vector<16xf32>,
        %parallel_loop3A_371 = arith.mulf %parallel_loop3A_370, %parallel_loop3A_310 : vector<16xf32>
        %parallel_loop3A_372 = arith.index_cast %rem3A_204 : i32 to index
        %parallel_loop3A_373 = arith.index_cast %parallel_loop3A_312 : i32 to index
        %parallel_loop3A_374 = arith.constant 96 : index
        %parallel_loop3A_375 = tpu.vector_load %arg6[%parallel_loop3A_372, %parallel_loop3A_373, %parallel_loop3A_374] {strides = array<i32>} : memref<3x112x128xf32, #tpu.memory_space<vmem>>, vector<16xf32>,
        tpu.vector_store %arg6[%parallel_loop3A_372, %parallel_loop3A_373, %parallel_loop3A_374], %parallel_loop3A_371 {strides = array<i32>} : memref<3x112x128xf32, #tpu.memory_space<vmem>>, vector<16xf32>,
        %parallel_loop3A_376 = arith.index_cast %rem3A_204 : i32 to index
        %parallel_loop3A_377 = arith.index_cast %parallel_loop3A_312 : i32 to index
        %parallel_loop3A_378 = arith.constant 112 : index
        %parallel_loop3A_379 = tpu.vector_load %arg6[%parallel_loop3A_376, %parallel_loop3A_377, %parallel_loop3A_378] {strides = array<i32>} : memref<3x112x128xf32, #tpu.memory_space<vmem>>, vector<16xf32>,
        %parallel_loop3A_380 = arith.mulf %parallel_loop3A_379, %parallel_loop3A_310 : vector<16xf32>
        %parallel_loop3A_381 = arith.index_cast %rem3A_204 : i32 to index
        %parallel_loop3A_382 = arith.index_cast %parallel_loop3A_312 : i32 to index
        %parallel_loop3A_383 = arith.constant 112 : index
        %parallel_loop3A_384 = tpu.vector_load %arg6[%parallel_loop3A_381, %parallel_loop3A_382, %parallel_loop3A_383] {strides = array<i32>} : memref<3x112x128xf32, #tpu.memory_space<vmem>>, vector<16xf32>,
        tpu.vector_store %arg6[%parallel_loop3A_381, %parallel_loop3A_382, %parallel_loop3A_383], %parallel_loop3A_380 {strides = array<i32>} : memref<3x112x128xf32, #tpu.memory_space<vmem>>, vector<16xf32>,
      } {sc.loop_unroll_factor = 4 : i64, sc.parallel_access}
      %mul3A_213 = arith.constant 3 : i32
      %mul3A_214 = arith.muli %rem3A_202, %mul3A_213 : i32
      %add3A_215 = arith.constant 2 : i32
      %add3A_216 = arith.addi %mul3A_214, %add3A_215 : i32
      %get3A_217 = arith.index_cast %add3A_216 : i32 to index
      %get3A_218 = arith.constant 16 : index
      %get3A_219 = tpu.vector_load %arg5[%get3A_217, %get3A_218] {strides = array<i32>} : memref<12x112xi32, #tpu.memory_space<vmem>>, vector<16xi32>,
      %bitcast3A_220 = vector.bitcast %get3A_219 : vector<16xi32> to vector<16xf32>
      %parallel_loop3A_221 = arith.constant 0 : i32
      %parallel_loop3A_222 = arith.constant 16 : i32
      %parallel_loop3A_223 = arith.constant 1 : i32
      scf.for %parallel_loop3A_299 = %parallel_loop3A_221 to %parallel_loop3A_222 step %parallel_loop3A_223  : i32 {
        %parallel_loop3A_300 = vector.broadcast %parallel_loop3A_299 : i32 to vector<16xi32>
        %parallel_loop3A_301 = arith.constant 0 : i32
        %parallel_loop3A_302 = vector.broadcast %parallel_loop3A_301 : i32 to vector<16xi32>
        %parallel_loop3A_303 = arith.cmpi slt, %parallel_loop3A_300, %parallel_loop3A_302 : vector<16xi32>
        %parallel_loop3A_304 = arith.constant 16 : i32
        %parallel_loop3A_305 = vector.broadcast %parallel_loop3A_304 : i32 to vector<16xi32>
        %parallel_loop3A_306 = arith.addi %parallel_loop3A_300, %parallel_loop3A_305 : vector<16xi32>
        %parallel_loop3A_307 = arith.select %parallel_loop3A_303, %parallel_loop3A_306, %parallel_loop3A_300 : vector<16xi1>, vector<16xi32>
        %parallel_loop3A_308 = vector.shape_cast %parallel_loop3A_307 : vector<16xi32> to vector<16x1xi32>
        %parallel_loop3A_309 = vector.shape_cast %parallel_loop3A_308 : vector<16x1xi32> to vector<16xi32>
        %parallel_loop3A_310 = tpu.dynamic_gather %bitcast3A_220[%parallel_loop3A_309] in [0] : vector<16xf32>, vector<16xi32> -> vector<16xf32>
        %parallel_loop3A_311 = arith.constant 16 : i32
        %parallel_loop3A_312 = arith.addi %parallel_loop3A_311, %parallel_loop3A_299 : i32
        %parallel_loop3A_313 = arith.index_cast %rem3A_204 : i32 to index
        %parallel_loop3A_314 = arith.index_cast %parallel_loop3A_312 : i32 to index
        %parallel_loop3A_315 = arith.constant 0 : index
        %parallel_loop3A_316 = tpu.vector_load %arg6[%parallel_loop3A_313, %parallel_loop3A_314, %parallel_loop3A_315] {strides = array<i32>} : memref<3x112x128xf32, #tpu.memory_space<vmem>>, vector<16xf32>,
        %parallel_loop3A_317 = arith.mulf %parallel_loop3A_316, %parallel_loop3A_310 : vector<16xf32>
        %parallel_loop3A_318 = arith.index_cast %rem3A_204 : i32 to index
        %parallel_loop3A_319 = arith.index_cast %parallel_loop3A_312 : i32 to index
        %parallel_loop3A_320 = arith.constant 0 : index
        %parallel_loop3A_321 = tpu.vector_load %arg6[%parallel_loop3A_318, %parallel_loop3A_319, %parallel_loop3A_320] {strides = array<i32>} : memref<3x112x128xf32, #tpu.memory_space<vmem>>, vector<16xf32>,
        tpu.vector_store %arg6[%parallel_loop3A_318, %parallel_loop3A_319, %parallel_loop3A_320], %parallel_loop3A_317 {strides = array<i32>} : memref<3x112x128xf32, #tpu.memory_space<vmem>>, vector<16xf32>,
        %parallel_loop3A_322 = arith.index_cast %rem3A_204 : i32 to index
        %parallel_loop3A_323 = arith.index_cast %parallel_loop3A_312 : i32 to index
        %parallel_loop3A_324 = arith.constant 16 : index
        %parallel_loop3A_325 = tpu.vector_load %arg6[%parallel_loop3A_322, %parallel_loop3A_323, %parallel_loop3A_324] {strides = array<i32>} : memref<3x112x128xf32, #tpu.memory_space<vmem>>, vector<16xf32>,
        %parallel_loop3A_326 = arith.mulf %parallel_loop3A_325, %parallel_loop3A_310 : vector<16xf32>
        %parallel_loop3A_327 = arith.index_cast %rem3A_204 : i32 to index
        %parallel_loop3A_328 = arith.index_cast %parallel_loop3A_312 : i32 to index
        %parallel_loop3A_329 = arith.constant 16 : index
        %parallel_loop3A_330 = tpu.vector_load %arg6[%parallel_loop3A_327, %parallel_loop3A_328, %parallel_loop3A_329] {strides = array<i32>} : memref<3x112x128xf32, #tpu.memory_space<vmem>>, vector<16xf32>,
        tpu.vector_store %arg6[%parallel_loop3A_327, %parallel_loop3A_328, %parallel_loop3A_329], %parallel_loop3A_326 {strides = array<i32>} : memref<3x112x128xf32, #tpu.memory_space<vmem>>, vector<16xf32>,
        %parallel_loop3A_331 = arith.index_cast %rem3A_204 : i32 to index
        %parallel_loop3A_332 = arith.index_cast %parallel_loop3A_312 : i32 to index
        %parallel_loop3A_333 = arith.constant 32 : index
        %parallel_loop3A_334 = tpu.vector_load %arg6[%parallel_loop3A_331, %parallel_loop3A_332, %parallel_loop3A_333] {strides = array<i32>} : memref<3x112x128xf32, #tpu.memory_space<vmem>>, vector<16xf32>,
        %parallel_loop3A_335 = arith.mulf %parallel_loop3A_334, %parallel_loop3A_310 : vector<16xf32>
        %parallel_loop3A_336 = arith.index_cast %rem3A_204 : i32 to index
        %parallel_loop3A_337 = arith.index_cast %parallel_loop3A_312 : i32 to index
        %parallel_loop3A_338 = arith.constant 32 : index
        %parallel_loop3A_339 = tpu.vector_load %arg6[%parallel_loop3A_336, %parallel_loop3A_337, %parallel_loop3A_338] {strides = array<i32>} : memref<3x112x128xf32, #tpu.memory_space<vmem>>, vector<16xf32>,
        tpu.vector_store %arg6[%parallel_loop3A_336, %parallel_loop3A_337, %parallel_loop3A_338], %parallel_loop3A_335 {strides = array<i32>} : memref<3x112x128xf32, #tpu.memory_space<vmem>>, vector<16xf32>,
        %parallel_loop3A_340 = arith.index_cast %rem3A_204 : i32 to index
        %parallel_loop3A_341 = arith.index_cast %parallel_loop3A_312 : i32 to index
        %parallel_loop3A_342 = arith.constant 48 : index
        %parallel_loop3A_343 = tpu.vector_load %arg6[%parallel_loop3A_340, %parallel_loop3A_341, %parallel_loop3A_342] {strides = array<i32>} : memref<3x112x128xf32, #tpu.memory_space<vmem>>, vector<16xf32>,
        %parallel_loop3A_344 = arith.mulf %parallel_loop3A_343, %parallel_loop3A_310 : vector<16xf32>
        %parallel_loop3A_345 = arith.index_cast %rem3A_204 : i32 to index
        %parallel_loop3A_346 = arith.index_cast %parallel_loop3A_312 : i32 to index
        %parallel_loop3A_347 = arith.constant 48 : index
        %parallel_loop3A_348 = tpu.vector_load %arg6[%parallel_loop3A_345, %parallel_loop3A_346, %parallel_loop3A_347] {strides = array<i32>} : memref<3x112x128xf32, #tpu.memory_space<vmem>>, vector<16xf32>,
        tpu.vector_store %arg6[%parallel_loop3A_345, %parallel_loop3A_346, %parallel_loop3A_347], %parallel_loop3A_344 {strides = array<i32>} : memref<3x112x128xf32, #tpu.memory_space<vmem>>, vector<16xf32>,
        %parallel_loop3A_349 = arith.index_cast %rem3A_204 : i32 to index
        %parallel_loop3A_350 = arith.index_cast %parallel_loop3A_312 : i32 to index
        %parallel_loop3A_351 = arith.constant 64 : index
        %parallel_loop3A_352 = tpu.vector_load %arg6[%parallel_loop3A_349, %parallel_loop3A_350, %parallel_loop3A_351] {strides = array<i32>} : memref<3x112x128xf32, #tpu.memory_space<vmem>>, vector<16xf32>,
        %parallel_loop3A_353 = arith.mulf %parallel_loop3A_352, %parallel_loop3A_310 : vector<16xf32>
        %parallel_loop3A_354 = arith.index_cast %rem3A_204 : i32 to index
        %parallel_loop3A_355 = arith.index_cast %parallel_loop3A_312 : i32 to index
        %parallel_loop3A_356 = arith.constant 64 : index
        %parallel_loop3A_357 = tpu.vector_load %arg6[%parallel_loop3A_354, %parallel_loop3A_355, %parallel_loop3A_356] {strides = array<i32>} : memref<3x112x128xf32, #tpu.memory_space<vmem>>, vector<16xf32>,
        tpu.vector_store %arg6[%parallel_loop3A_354, %parallel_loop3A_355, %parallel_loop3A_356], %parallel_loop3A_353 {strides = array<i32>} : memref<3x112x128xf32, #tpu.memory_space<vmem>>, vector<16xf32>,
        %parallel_loop3A_358 = arith.index_cast %rem3A_204 : i32 to index
        %parallel_loop3A_359 = arith.index_cast %parallel_loop3A_312 : i32 to index
        %parallel_loop3A_360 = arith.constant 80 : index
        %parallel_loop3A_361 = tpu.vector_load %arg6[%parallel_loop3A_358, %parallel_loop3A_359, %parallel_loop3A_360] {strides = array<i32>} : memref<3x112x128xf32, #tpu.memory_space<vmem>>, vector<16xf32>,
        %parallel_loop3A_362 = arith.mulf %parallel_loop3A_361, %parallel_loop3A_310 : vector<16xf32>
        %parallel_loop3A_363 = arith.index_cast %rem3A_204 : i32 to index
        %parallel_loop3A_364 = arith.index_cast %parallel_loop3A_312 : i32 to index
        %parallel_loop3A_365 = arith.constant 80 : index
        %parallel_loop3A_366 = tpu.vector_load %arg6[%parallel_loop3A_363, %parallel_loop3A_364, %parallel_loop3A_365] {strides = array<i32>} : memref<3x112x128xf32, #tpu.memory_space<vmem>>, vector<16xf32>,
        tpu.vector_store %arg6[%parallel_loop3A_363, %parallel_loop3A_364, %parallel_loop3A_365], %parallel_loop3A_362 {strides = array<i32>} : memref<3x112x128xf32, #tpu.memory_space<vmem>>, vector<16xf32>,
        %parallel_loop3A_367 = arith.index_cast %rem3A_204 : i32 to index
        %parallel_loop3A_368 = arith.index_cast %parallel_loop3A_312 : i32 to index
        %parallel_loop3A_369 = arith.constant 96 : index
        %parallel_loop3A_370 = tpu.vector_load %arg6[%parallel_loop3A_367, %parallel_loop3A_368, %parallel_loop3A_369] {strides = array<i32>} : memref<3x112x128xf32, #tpu.memory_space<vmem>>, vector<16xf32>,
        %parallel_loop3A_371 = arith.mulf %parallel_loop3A_370, %parallel_loop3A_310 : vector<16xf32>
        %parallel_loop3A_372 = arith.index_cast %rem3A_204 : i32 to index
        %parallel_loop3A_373 = arith.index_cast %parallel_loop3A_312 : i32 to index
        %parallel_loop3A_374 = arith.constant 96 : index
        %parallel_loop3A_375 = tpu.vector_load %arg6[%parallel_loop3A_372, %parallel_loop3A_373, %parallel_loop3A_374] {strides = array<i32>} : memref<3x112x128xf32, #tpu.memory_space<vmem>>, vector<16xf32>,
        tpu.vector_store %arg6[%parallel_loop3A_372, %parallel_loop3A_373, %parallel_loop3A_374], %parallel_loop3A_371 {strides = array<i32>} : memref<3x112x128xf32, #tpu.memory_space<vmem>>, vector<16xf32>,
        %parallel_loop3A_376 = arith.index_cast %rem3A_204 : i32 to index
        %parallel_loop3A_377 = arith.index_cast %parallel_loop3A_312 : i32 to index
        %parallel_loop3A_378 = arith.constant 112 : index
        %parallel_loop3A_379 = tpu.vector_load %arg6[%parallel_loop3A_376, %parallel_loop3A_377, %parallel_loop3A_378] {strides = array<i32>} : memref<3x112x128xf32, #tpu.memory_space<vmem>>, vector<16xf32>,
        %parallel_loop3A_380 = arith.mulf %parallel_loop3A_379, %parallel_loop3A_310 : vector<16xf32>
        %parallel_loop3A_381 = arith.index_cast %rem3A_204 : i32 to index
        %parallel_loop3A_382 = arith.index_cast %parallel_loop3A_312 : i32 to index
        %parallel_loop3A_383 = arith.constant 112 : index
        %parallel_loop3A_384 = tpu.vector_load %arg6[%parallel_loop3A_381, %parallel_loop3A_382, %parallel_loop3A_383] {strides = array<i32>} : memref<3x112x128xf32, #tpu.memory_space<vmem>>, vector<16xf32>,
        tpu.vector_store %arg6[%parallel_loop3A_381, %parallel_loop3A_382, %parallel_loop3A_383], %parallel_loop3A_380 {strides = array<i32>} : memref<3x112x128xf32, #tpu.memory_space<vmem>>, vector<16xf32>,
      } {sc.loop_unroll_factor = 4 : i64, sc.parallel_access}
      %mul3A_224 = arith.constant 3 : i32
      %mul3A_225 = arith.muli %rem3A_202, %mul3A_224 : i32
      %add3A_226 = arith.constant 2 : i32
      %add3A_227 = arith.addi %mul3A_225, %add3A_226 : i32
      %get3A_228 = arith.index_cast %add3A_227 : i32 to index
      %get3A_229 = arith.constant 32 : index
      %get3A_230 = tpu.vector_load %arg5[%get3A_228, %get3A_229] {strides = array<i32>} : memref<12x112xi32, #tpu.memory_space<vmem>>, vector<16xi32>,
      %bitcast3A_231 = vector.bitcast %get3A_230 : vector<16xi32> to vector<16xf32>
      %parallel_loop3A_232 = arith.constant 0 : i32
      %parallel_loop3A_233 = arith.constant 16 : i32
      %parallel_loop3A_234 = arith.constant 1 : i32
      scf.for %parallel_loop3A_299 = %parallel_loop3A_232 to %parallel_loop3A_233 step %parallel_loop3A_234  : i32 {
        %parallel_loop3A_300 = vector.broadcast %parallel_loop3A_299 : i32 to vector<16xi32>
        %parallel_loop3A_301 = arith.constant 0 : i32
        %parallel_loop3A_302 = vector.broadcast %parallel_loop3A_301 : i32 to vector<16xi32>
        %parallel_loop3A_303 = arith.cmpi slt, %parallel_loop3A_300, %parallel_loop3A_302 : vector<16xi32>
        %parallel_loop3A_304 = arith.constant 16 : i32
        %parallel_loop3A_305 = vector.broadcast %parallel_loop3A_304 : i32 to vector<16xi32>
        %parallel_loop3A_306 = arith.addi %parallel_loop3A_300, %parallel_loop3A_305 : vector<16xi32>
        %parallel_loop3A_307 = arith.select %parallel_loop3A_303, %parallel_loop3A_306, %parallel_loop3A_300 : vector<16xi1>, vector<16xi32>
        %parallel_loop3A_308 = vector.shape_cast %parallel_loop3A_307 : vector<16xi32> to vector<16x1xi32>
        %parallel_loop3A_309 = vector.shape_cast %parallel_loop3A_308 : vector<16x1xi32> to vector<16xi32>
        %parallel_loop3A_310 = tpu.dynamic_gather %bitcast3A_231[%parallel_loop3A_309] in [0] : vector<16xf32>, vector<16xi32> -> vector<16xf32>
        %parallel_loop3A_311 = arith.constant 32 : i32
        %parallel_loop3A_312 = arith.addi %parallel_loop3A_311, %parallel_loop3A_299 : i32
        %parallel_loop3A_313 = arith.index_cast %rem3A_204 : i32 to index
        %parallel_loop3A_314 = arith.index_cast %parallel_loop3A_312 : i32 to index
        %parallel_loop3A_315 = arith.constant 0 : index
        %parallel_loop3A_316 = tpu.vector_load %arg6[%parallel_loop3A_313, %parallel_loop3A_314, %parallel_loop3A_315] {strides = array<i32>} : memref<3x112x128xf32, #tpu.memory_space<vmem>>, vector<16xf32>,
        %parallel_loop3A_317 = arith.mulf %parallel_loop3A_316, %parallel_loop3A_310 : vector<16xf32>
        %parallel_loop3A_318 = arith.index_cast %rem3A_204 : i32 to index
        %parallel_loop3A_319 = arith.index_cast %parallel_loop3A_312 : i32 to index
        %parallel_loop3A_320 = arith.constant 0 : index
        %parallel_loop3A_321 = tpu.vector_load %arg6[%parallel_loop3A_318, %parallel_loop3A_319, %parallel_loop3A_320] {strides = array<i32>} : memref<3x112x128xf32, #tpu.memory_space<vmem>>, vector<16xf32>,
        tpu.vector_store %arg6[%parallel_loop3A_318, %parallel_loop3A_319, %parallel_loop3A_320], %parallel_loop3A_317 {strides = array<i32>} : memref<3x112x128xf32, #tpu.memory_space<vmem>>, vector<16xf32>,
        %parallel_loop3A_322 = arith.index_cast %rem3A_204 : i32 to index
        %parallel_loop3A_323 = arith.index_cast %parallel_loop3A_312 : i32 to index
        %parallel_loop3A_324 = arith.constant 16 : index
        %parallel_loop3A_325 = tpu.vector_load %arg6[%parallel_loop3A_322, %parallel_loop3A_323, %parallel_loop3A_324] {strides = array<i32>} : memref<3x112x128xf32, #tpu.memory_space<vmem>>, vector<16xf32>,
        %parallel_loop3A_326 = arith.mulf %parallel_loop3A_325, %parallel_loop3A_310 : vector<16xf32>
        %parallel_loop3A_327 = arith.index_cast %rem3A_204 : i32 to index
        %parallel_loop3A_328 = arith.index_cast %parallel_loop3A_312 : i32 to index
        %parallel_loop3A_329 = arith.constant 16 : index
        %parallel_loop3A_330 = tpu.vector_load %arg6[%parallel_loop3A_327, %parallel_loop3A_328, %parallel_loop3A_329] {strides = array<i32>} : memref<3x112x128xf32, #tpu.memory_space<vmem>>, vector<16xf32>,
        tpu.vector_store %arg6[%parallel_loop3A_327, %parallel_loop3A_328, %parallel_loop3A_329], %parallel_loop3A_326 {strides = array<i32>} : memref<3x112x128xf32, #tpu.memory_space<vmem>>, vector<16xf32>,
        %parallel_loop3A_331 = arith.index_cast %rem3A_204 : i32 to index
        %parallel_loop3A_332 = arith.index_cast %parallel_loop3A_312 : i32 to index
        %parallel_loop3A_333 = arith.constant 32 : index
        %parallel_loop3A_334 = tpu.vector_load %arg6[%parallel_loop3A_331, %parallel_loop3A_332, %parallel_loop3A_333] {strides = array<i32>} : memref<3x112x128xf32, #tpu.memory_space<vmem>>, vector<16xf32>,
        %parallel_loop3A_335 = arith.mulf %parallel_loop3A_334, %parallel_loop3A_310 : vector<16xf32>
        %parallel_loop3A_336 = arith.index_cast %rem3A_204 : i32 to index
        %parallel_loop3A_337 = arith.index_cast %parallel_loop3A_312 : i32 to index
        %parallel_loop3A_338 = arith.constant 32 : index
        %parallel_loop3A_339 = tpu.vector_load %arg6[%parallel_loop3A_336, %parallel_loop3A_337, %parallel_loop3A_338] {strides = array<i32>} : memref<3x112x128xf32, #tpu.memory_space<vmem>>, vector<16xf32>,
        tpu.vector_store %arg6[%parallel_loop3A_336, %parallel_loop3A_337, %parallel_loop3A_338], %parallel_loop3A_335 {strides = array<i32>} : memref<3x112x128xf32, #tpu.memory_space<vmem>>, vector<16xf32>,
        %parallel_loop3A_340 = arith.index_cast %rem3A_204 : i32 to index
        %parallel_loop3A_341 = arith.index_cast %parallel_loop3A_312 : i32 to index
        %parallel_loop3A_342 = arith.constant 48 : index
        %parallel_loop3A_343 = tpu.vector_load %arg6[%parallel_loop3A_340, %parallel_loop3A_341, %parallel_loop3A_342] {strides = array<i32>} : memref<3x112x128xf32, #tpu.memory_space<vmem>>, vector<16xf32>,
        %parallel_loop3A_344 = arith.mulf %parallel_loop3A_343, %parallel_loop3A_310 : vector<16xf32>
        %parallel_loop3A_345 = arith.index_cast %rem3A_204 : i32 to index
        %parallel_loop3A_346 = arith.index_cast %parallel_loop3A_312 : i32 to index
        %parallel_loop3A_347 = arith.constant 48 : index
        %parallel_loop3A_348 = tpu.vector_load %arg6[%parallel_loop3A_345, %parallel_loop3A_346, %parallel_loop3A_347] {strides = array<i32>} : memref<3x112x128xf32, #tpu.memory_space<vmem>>, vector<16xf32>,
        tpu.vector_store %arg6[%parallel_loop3A_345, %parallel_loop3A_346, %parallel_loop3A_347], %parallel_loop3A_344 {strides = array<i32>} : memref<3x112x128xf32, #tpu.memory_space<vmem>>, vector<16xf32>,
        %parallel_loop3A_349 = arith.index_cast %rem3A_204 : i32 to index
        %parallel_loop3A_350 = arith.index_cast %parallel_loop3A_312 : i32 to index
        %parallel_loop3A_351 = arith.constant 64 : index
        %parallel_loop3A_352 = tpu.vector_load %arg6[%parallel_loop3A_349, %parallel_loop3A_350, %parallel_loop3A_351] {strides = array<i32>} : memref<3x112x128xf32, #tpu.memory_space<vmem>>, vector<16xf32>,
        %parallel_loop3A_353 = arith.mulf %parallel_loop3A_352, %parallel_loop3A_310 : vector<16xf32>
        %parallel_loop3A_354 = arith.index_cast %rem3A_204 : i32 to index
        %parallel_loop3A_355 = arith.index_cast %parallel_loop3A_312 : i32 to index
        %parallel_loop3A_356 = arith.constant 64 : index
        %parallel_loop3A_357 = tpu.vector_load %arg6[%parallel_loop3A_354, %parallel_loop3A_355, %parallel_loop3A_356] {strides = array<i32>} : memref<3x112x128xf32, #tpu.memory_space<vmem>>, vector<16xf32>,
        tpu.vector_store %arg6[%parallel_loop3A_354, %parallel_loop3A_355, %parallel_loop3A_356], %parallel_loop3A_353 {strides = array<i32>} : memref<3x112x128xf32, #tpu.memory_space<vmem>>, vector<16xf32>,
        %parallel_loop3A_358 = arith.index_cast %rem3A_204 : i32 to index
        %parallel_loop3A_359 = arith.index_cast %parallel_loop3A_312 : i32 to index
        %parallel_loop3A_360 = arith.constant 80 : index
        %parallel_loop3A_361 = tpu.vector_load %arg6[%parallel_loop3A_358, %parallel_loop3A_359, %parallel_loop3A_360] {strides = array<i32>} : memref<3x112x128xf32, #tpu.memory_space<vmem>>, vector<16xf32>,
        %parallel_loop3A_362 = arith.mulf %parallel_loop3A_361, %parallel_loop3A_310 : vector<16xf32>
        %parallel_loop3A_363 = arith.index_cast %rem3A_204 : i32 to index
        %parallel_loop3A_364 = arith.index_cast %parallel_loop3A_312 : i32 to index
        %parallel_loop3A_365 = arith.constant 80 : index
        %parallel_loop3A_366 = tpu.vector_load %arg6[%parallel_loop3A_363, %parallel_loop3A_364, %parallel_loop3A_365] {strides = array<i32>} : memref<3x112x128xf32, #tpu.memory_space<vmem>>, vector<16xf32>,
        tpu.vector_store %arg6[%parallel_loop3A_363, %parallel_loop3A_364, %parallel_loop3A_365], %parallel_loop3A_362 {strides = array<i32>} : memref<3x112x128xf32, #tpu.memory_space<vmem>>, vector<16xf32>,
        %parallel_loop3A_367 = arith.index_cast %rem3A_204 : i32 to index
        %parallel_loop3A_368 = arith.index_cast %parallel_loop3A_312 : i32 to index
        %parallel_loop3A_369 = arith.constant 96 : index
        %parallel_loop3A_370 = tpu.vector_load %arg6[%parallel_loop3A_367, %parallel_loop3A_368, %parallel_loop3A_369] {strides = array<i32>} : memref<3x112x128xf32, #tpu.memory_space<vmem>>, vector<16xf32>,
        %parallel_loop3A_371 = arith.mulf %parallel_loop3A_370, %parallel_loop3A_310 : vector<16xf32>
        %parallel_loop3A_372 = arith.index_cast %rem3A_204 : i32 to index
        %parallel_loop3A_373 = arith.index_cast %parallel_loop3A_312 : i32 to index
        %parallel_loop3A_374 = arith.constant 96 : index
        %parallel_loop3A_375 = tpu.vector_load %arg6[%parallel_loop3A_372, %parallel_loop3A_373, %parallel_loop3A_374] {strides = array<i32>} : memref<3x112x128xf32, #tpu.memory_space<vmem>>, vector<16xf32>,
        tpu.vector_store %arg6[%parallel_loop3A_372, %parallel_loop3A_373, %parallel_loop3A_374], %parallel_loop3A_371 {strides = array<i32>} : memref<3x112x128xf32, #tpu.memory_space<vmem>>, vector<16xf32>,
        %parallel_loop3A_376 = arith.index_cast %rem3A_204 : i32 to index
        %parallel_loop3A_377 = arith.index_cast %parallel_loop3A_312 : i32 to index
        %parallel_loop3A_378 = arith.constant 112 : index
        %parallel_loop3A_379 = tpu.vector_load %arg6[%parallel_loop3A_376, %parallel_loop3A_377, %parallel_loop3A_378] {strides = array<i32>} : memref<3x112x128xf32, #tpu.memory_space<vmem>>, vector<16xf32>,
        %parallel_loop3A_380 = arith.mulf %parallel_loop3A_379, %parallel_loop3A_310 : vector<16xf32>
        %parallel_loop3A_381 = arith.index_cast %rem3A_204 : i32 to index
        %parallel_loop3A_382 = arith.index_cast %parallel_loop3A_312 : i32 to index
        %parallel_loop3A_383 = arith.constant 112 : index
        %parallel_loop3A_384 = tpu.vector_load %arg6[%parallel_loop3A_381, %parallel_loop3A_382, %parallel_loop3A_383] {strides = array<i32>} : memref<3x112x128xf32, #tpu.memory_space<vmem>>, vector<16xf32>,
        tpu.vector_store %arg6[%parallel_loop3A_381, %parallel_loop3A_382, %parallel_loop3A_383], %parallel_loop3A_380 {strides = array<i32>} : memref<3x112x128xf32, #tpu.memory_space<vmem>>, vector<16xf32>,
      } {sc.loop_unroll_factor = 4 : i64, sc.parallel_access}
      %mul3A_235 = arith.constant 3 : i32
      %mul3A_236 = arith.muli %rem3A_202, %mul3A_235 : i32
      %add3A_237 = arith.constant 2 : i32
      %add3A_238 = arith.addi %mul3A_236, %add3A_237 : i32
      %get3A_239 = arith.index_cast %add3A_238 : i32 to index
      %get3A_240 = arith.constant 48 : index
      %get3A_241 = tpu.vector_load %arg5[%get3A_239, %get3A_240] {strides = array<i32>} : memref<12x112xi32, #tpu.memory_space<vmem>>, vector<16xi32>,
      %bitcast3A_242 = vector.bitcast %get3A_241 : vector<16xi32> to vector<16xf32>
      %parallel_loop3A_243 = arith.constant 0 : i32
      %parallel_loop3A_244 = arith.constant 16 : i32
      %parallel_loop3A_245 = arith.constant 1 : i32
      scf.for %parallel_loop3A_299 = %parallel_loop3A_243 to %parallel_loop3A_244 step %parallel_loop3A_245  : i32 {
        %parallel_loop3A_300 = vector.broadcast %parallel_loop3A_299 : i32 to vector<16xi32>
        %parallel_loop3A_301 = arith.constant 0 : i32
        %parallel_loop3A_302 = vector.broadcast %parallel_loop3A_301 : i32 to vector<16xi32>
        %parallel_loop3A_303 = arith.cmpi slt, %parallel_loop3A_300, %parallel_loop3A_302 : vector<16xi32>
        %parallel_loop3A_304 = arith.constant 16 : i32
        %parallel_loop3A_305 = vector.broadcast %parallel_loop3A_304 : i32 to vector<16xi32>
        %parallel_loop3A_306 = arith.addi %parallel_loop3A_300, %parallel_loop3A_305 : vector<16xi32>
        %parallel_loop3A_307 = arith.select %parallel_loop3A_303, %parallel_loop3A_306, %parallel_loop3A_300 : vector<16xi1>, vector<16xi32>
        %parallel_loop3A_308 = vector.shape_cast %parallel_loop3A_307 : vector<16xi32> to vector<16x1xi32>
        %parallel_loop3A_309 = vector.shape_cast %parallel_loop3A_308 : vector<16x1xi32> to vector<16xi32>
        %parallel_loop3A_310 = tpu.dynamic_gather %bitcast3A_242[%parallel_loop3A_309] in [0] : vector<16xf32>, vector<16xi32> -> vector<16xf32>
        %parallel_loop3A_311 = arith.constant 48 : i32
        %parallel_loop3A_312 = arith.addi %parallel_loop3A_311, %parallel_loop3A_299 : i32
        %parallel_loop3A_313 = arith.index_cast %rem3A_204 : i32 to index
        %parallel_loop3A_314 = arith.index_cast %parallel_loop3A_312 : i32 to index
        %parallel_loop3A_315 = arith.constant 0 : index
        %parallel_loop3A_316 = tpu.vector_load %arg6[%parallel_loop3A_313, %parallel_loop3A_314, %parallel_loop3A_315] {strides = array<i32>} : memref<3x112x128xf32, #tpu.memory_space<vmem>>, vector<16xf32>,
        %parallel_loop3A_317 = arith.mulf %parallel_loop3A_316, %parallel_loop3A_310 : vector<16xf32>
        %parallel_loop3A_318 = arith.index_cast %rem3A_204 : i32 to index
        %parallel_loop3A_319 = arith.index_cast %parallel_loop3A_312 : i32 to index
        %parallel_loop3A_320 = arith.constant 0 : index
        %parallel_loop3A_321 = tpu.vector_load %arg6[%parallel_loop3A_318, %parallel_loop3A_319, %parallel_loop3A_320] {strides = array<i32>} : memref<3x112x128xf32, #tpu.memory_space<vmem>>, vector<16xf32>,
        tpu.vector_store %arg6[%parallel_loop3A_318, %parallel_loop3A_319, %parallel_loop3A_320], %parallel_loop3A_317 {strides = array<i32>} : memref<3x112x128xf32, #tpu.memory_space<vmem>>, vector<16xf32>,
        %parallel_loop3A_322 = arith.index_cast %rem3A_204 : i32 to index
        %parallel_loop3A_323 = arith.index_cast %parallel_loop3A_312 : i32 to index
        %parallel_loop3A_324 = arith.constant 16 : index
        %parallel_loop3A_325 = tpu.vector_load %arg6[%parallel_loop3A_322, %parallel_loop3A_323, %parallel_loop3A_324] {strides = array<i32>} : memref<3x112x128xf32, #tpu.memory_space<vmem>>, vector<16xf32>,
        %parallel_loop3A_326 = arith.mulf %parallel_loop3A_325, %parallel_loop3A_310 : vector<16xf32>
        %parallel_loop3A_327 = arith.index_cast %rem3A_204 : i32 to index
        %parallel_loop3A_328 = arith.index_cast %parallel_loop3A_312 : i32 to index
        %parallel_loop3A_329 = arith.constant 16 : index
        %parallel_loop3A_330 = tpu.vector_load %arg6[%parallel_loop3A_327, %parallel_loop3A_328, %parallel_loop3A_329] {strides = array<i32>} : memref<3x112x128xf32, #tpu.memory_space<vmem>>, vector<16xf32>,
        tpu.vector_store %arg6[%parallel_loop3A_327, %parallel_loop3A_328, %parallel_loop3A_329], %parallel_loop3A_326 {strides = array<i32>} : memref<3x112x128xf32, #tpu.memory_space<vmem>>, vector<16xf32>,
        %parallel_loop3A_331 = arith.index_cast %rem3A_204 : i32 to index
        %parallel_loop3A_332 = arith.index_cast %parallel_loop3A_312 : i32 to index
        %parallel_loop3A_333 = arith.constant 32 : index
        %parallel_loop3A_334 = tpu.vector_load %arg6[%parallel_loop3A_331, %parallel_loop3A_332, %parallel_loop3A_333] {strides = array<i32>} : memref<3x112x128xf32, #tpu.memory_space<vmem>>, vector<16xf32>,
        %parallel_loop3A_335 = arith.mulf %parallel_loop3A_334, %parallel_loop3A_310 : vector<16xf32>
        %parallel_loop3A_336 = arith.index_cast %rem3A_204 : i32 to index
        %parallel_loop3A_337 = arith.index_cast %parallel_loop3A_312 : i32 to index
        %parallel_loop3A_338 = arith.constant 32 : index
        %parallel_loop3A_339 = tpu.vector_load %arg6[%parallel_loop3A_336, %parallel_loop3A_337, %parallel_loop3A_338] {strides = array<i32>} : memref<3x112x128xf32, #tpu.memory_space<vmem>>, vector<16xf32>,
        tpu.vector_store %arg6[%parallel_loop3A_336, %parallel_loop3A_337, %parallel_loop3A_338], %parallel_loop3A_335 {strides = array<i32>} : memref<3x112x128xf32, #tpu.memory_space<vmem>>, vector<16xf32>,
        %parallel_loop3A_340 = arith.index_cast %rem3A_204 : i32 to index
        %parallel_loop3A_341 = arith.index_cast %parallel_loop3A_312 : i32 to index
        %parallel_loop3A_342 = arith.constant 48 : index
        %parallel_loop3A_343 = tpu.vector_load %arg6[%parallel_loop3A_340, %parallel_loop3A_341, %parallel_loop3A_342] {strides = array<i32>} : memref<3x112x128xf32, #tpu.memory_space<vmem>>, vector<16xf32>,
        %parallel_loop3A_344 = arith.mulf %parallel_loop3A_343, %parallel_loop3A_310 : vector<16xf32>
        %parallel_loop3A_345 = arith.index_cast %rem3A_204 : i32 to index
        %parallel_loop3A_346 = arith.index_cast %parallel_loop3A_312 : i32 to index
        %parallel_loop3A_347 = arith.constant 48 : index
        %parallel_loop3A_348 = tpu.vector_load %arg6[%parallel_loop3A_345, %parallel_loop3A_346, %parallel_loop3A_347] {strides = array<i32>} : memref<3x112x128xf32, #tpu.memory_space<vmem>>, vector<16xf32>,
        tpu.vector_store %arg6[%parallel_loop3A_345, %parallel_loop3A_346, %parallel_loop3A_347], %parallel_loop3A_344 {strides = array<i32>} : memref<3x112x128xf32, #tpu.memory_space<vmem>>, vector<16xf32>,
        %parallel_loop3A_349 = arith.index_cast %rem3A_204 : i32 to index
        %parallel_loop3A_350 = arith.index_cast %parallel_loop3A_312 : i32 to index
        %parallel_loop3A_351 = arith.constant 64 : index
        %parallel_loop3A_352 = tpu.vector_load %arg6[%parallel_loop3A_349, %parallel_loop3A_350, %parallel_loop3A_351] {strides = array<i32>} : memref<3x112x128xf32, #tpu.memory_space<vmem>>, vector<16xf32>,
        %parallel_loop3A_353 = arith.mulf %parallel_loop3A_352, %parallel_loop3A_310 : vector<16xf32>
        %parallel_loop3A_354 = arith.index_cast %rem3A_204 : i32 to index
        %parallel_loop3A_355 = arith.index_cast %parallel_loop3A_312 : i32 to index
        %parallel_loop3A_356 = arith.constant 64 : index
        %parallel_loop3A_357 = tpu.vector_load %arg6[%parallel_loop3A_354, %parallel_loop3A_355, %parallel_loop3A_356] {strides = array<i32>} : memref<3x112x128xf32, #tpu.memory_space<vmem>>, vector<16xf32>,
        tpu.vector_store %arg6[%parallel_loop3A_354, %parallel_loop3A_355, %parallel_loop3A_356], %parallel_loop3A_353 {strides = array<i32>} : memref<3x112x128xf32, #tpu.memory_space<vmem>>, vector<16xf32>,
        %parallel_loop3A_358 = arith.index_cast %rem3A_204 : i32 to index
        %parallel_loop3A_359 = arith.index_cast %parallel_loop3A_312 : i32 to index
        %parallel_loop3A_360 = arith.constant 80 : index
        %parallel_loop3A_361 = tpu.vector_load %arg6[%parallel_loop3A_358, %parallel_loop3A_359, %parallel_loop3A_360] {strides = array<i32>} : memref<3x112x128xf32, #tpu.memory_space<vmem>>, vector<16xf32>,
        %parallel_loop3A_362 = arith.mulf %parallel_loop3A_361, %parallel_loop3A_310 : vector<16xf32>
        %parallel_loop3A_363 = arith.index_cast %rem3A_204 : i32 to index
        %parallel_loop3A_364 = arith.index_cast %parallel_loop3A_312 : i32 to index
        %parallel_loop3A_365 = arith.constant 80 : index
        %parallel_loop3A_366 = tpu.vector_load %arg6[%parallel_loop3A_363, %parallel_loop3A_364, %parallel_loop3A_365] {strides = array<i32>} : memref<3x112x128xf32, #tpu.memory_space<vmem>>, vector<16xf32>,
        tpu.vector_store %arg6[%parallel_loop3A_363, %parallel_loop3A_364, %parallel_loop3A_365], %parallel_loop3A_362 {strides = array<i32>} : memref<3x112x128xf32, #tpu.memory_space<vmem>>, vector<16xf32>,
        %parallel_loop3A_367 = arith.index_cast %rem3A_204 : i32 to index
        %parallel_loop3A_368 = arith.index_cast %parallel_loop3A_312 : i32 to index
        %parallel_loop3A_369 = arith.constant 96 : index
        %parallel_loop3A_370 = tpu.vector_load %arg6[%parallel_loop3A_367, %parallel_loop3A_368, %parallel_loop3A_369] {strides = array<i32>} : memref<3x112x128xf32, #tpu.memory_space<vmem>>, vector<16xf32>,
        %parallel_loop3A_371 = arith.mulf %parallel_loop3A_370, %parallel_loop3A_310 : vector<16xf32>
        %parallel_loop3A_372 = arith.index_cast %rem3A_204 : i32 to index
        %parallel_loop3A_373 = arith.index_cast %parallel_loop3A_312 : i32 to index
        %parallel_loop3A_374 = arith.constant 96 : index
        %parallel_loop3A_375 = tpu.vector_load %arg6[%parallel_loop3A_372, %parallel_loop3A_373, %parallel_loop3A_374] {strides = array<i32>} : memref<3x112x128xf32, #tpu.memory_space<vmem>>, vector<16xf32>,
        tpu.vector_store %arg6[%parallel_loop3A_372, %parallel_loop3A_373, %parallel_loop3A_374], %parallel_loop3A_371 {strides = array<i32>} : memref<3x112x128xf32, #tpu.memory_space<vmem>>, vector<16xf32>,
        %parallel_loop3A_376 = arith.index_cast %rem3A_204 : i32 to index
        %parallel_loop3A_377 = arith.index_cast %parallel_loop3A_312 : i32 to index
        %parallel_loop3A_378 = arith.constant 112 : index
        %parallel_loop3A_379 = tpu.vector_load %arg6[%parallel_loop3A_376, %parallel_loop3A_377, %parallel_loop3A_378] {strides = array<i32>} : memref<3x112x128xf32, #tpu.memory_space<vmem>>, vector<16xf32>,
        %parallel_loop3A_380 = arith.mulf %parallel_loop3A_379, %parallel_loop3A_310 : vector<16xf32>
        %parallel_loop3A_381 = arith.index_cast %rem3A_204 : i32 to index
        %parallel_loop3A_382 = arith.index_cast %parallel_loop3A_312 : i32 to index
        %parallel_loop3A_383 = arith.constant 112 : index
        %parallel_loop3A_384 = tpu.vector_load %arg6[%parallel_loop3A_381, %parallel_loop3A_382, %parallel_loop3A_383] {strides = array<i32>} : memref<3x112x128xf32, #tpu.memory_space<vmem>>, vector<16xf32>,
        tpu.vector_store %arg6[%parallel_loop3A_381, %parallel_loop3A_382, %parallel_loop3A_383], %parallel_loop3A_380 {strides = array<i32>} : memref<3x112x128xf32, #tpu.memory_space<vmem>>, vector<16xf32>,
      } {sc.loop_unroll_factor = 4 : i64, sc.parallel_access}
      %mul3A_246 = arith.constant 3 : i32
      %mul3A_247 = arith.muli %rem3A_202, %mul3A_246 : i32
      %add3A_248 = arith.constant 2 : i32
      %add3A_249 = arith.addi %mul3A_247, %add3A_248 : i32
      %get3A_250 = arith.index_cast %add3A_249 : i32 to index
      %get3A_251 = arith.constant 64 : index
      %get3A_252 = tpu.vector_load %arg5[%get3A_250, %get3A_251] {strides = array<i32>} : memref<12x112xi32, #tpu.memory_space<vmem>>, vector<16xi32>,
      %bitcast3A_253 = vector.bitcast %get3A_252 : vector<16xi32> to vector<16xf32>
      %parallel_loop3A_254 = arith.constant 0 : i32
      %parallel_loop3A_255 = arith.constant 16 : i32
      %parallel_loop3A_256 = arith.constant 1 : i32
      scf.for %parallel_loop3A_299 = %parallel_loop3A_254 to %parallel_loop3A_255 step %parallel_loop3A_256  : i32 {
        %parallel_loop3A_300 = vector.broadcast %parallel_loop3A_299 : i32 to vector<16xi32>
        %parallel_loop3A_301 = arith.constant 0 : i32
        %parallel_loop3A_302 = vector.broadcast %parallel_loop3A_301 : i32 to vector<16xi32>
        %parallel_loop3A_303 = arith.cmpi slt, %parallel_loop3A_300, %parallel_loop3A_302 : vector<16xi32>
        %parallel_loop3A_304 = arith.constant 16 : i32
        %parallel_loop3A_305 = vector.broadcast %parallel_loop3A_304 : i32 to vector<16xi32>
        %parallel_loop3A_306 = arith.addi %parallel_loop3A_300, %parallel_loop3A_305 : vector<16xi32>
        %parallel_loop3A_307 = arith.select %parallel_loop3A_303, %parallel_loop3A_306, %parallel_loop3A_300 : vector<16xi1>, vector<16xi32>
        %parallel_loop3A_308 = vector.shape_cast %parallel_loop3A_307 : vector<16xi32> to vector<16x1xi32>
        %parallel_loop3A_309 = vector.shape_cast %parallel_loop3A_308 : vector<16x1xi32> to vector<16xi32>
        %parallel_loop3A_310 = tpu.dynamic_gather %bitcast3A_253[%parallel_loop3A_309] in [0] : vector<16xf32>, vector<16xi32> -> vector<16xf32>
        %parallel_loop3A_311 = arith.constant 64 : i32
        %parallel_loop3A_312 = arith.addi %parallel_loop3A_311, %parallel_loop3A_299 : i32
        %parallel_loop3A_313 = arith.index_cast %rem3A_204 : i32 to index
        %parallel_loop3A_314 = arith.index_cast %parallel_loop3A_312 : i32 to index
        %parallel_loop3A_315 = arith.constant 0 : index
        %parallel_loop3A_316 = tpu.vector_load %arg6[%parallel_loop3A_313, %parallel_loop3A_314, %parallel_loop3A_315] {strides = array<i32>} : memref<3x112x128xf32, #tpu.memory_space<vmem>>, vector<16xf32>,
        %parallel_loop3A_317 = arith.mulf %parallel_loop3A_316, %parallel_loop3A_310 : vector<16xf32>
        %parallel_loop3A_318 = arith.index_cast %rem3A_204 : i32 to index
        %parallel_loop3A_319 = arith.index_cast %parallel_loop3A_312 : i32 to index
        %parallel_loop3A_320 = arith.constant 0 : index
        %parallel_loop3A_321 = tpu.vector_load %arg6[%parallel_loop3A_318, %parallel_loop3A_319, %parallel_loop3A_320] {strides = array<i32>} : memref<3x112x128xf32, #tpu.memory_space<vmem>>, vector<16xf32>,
        tpu.vector_store %arg6[%parallel_loop3A_318, %parallel_loop3A_319, %parallel_loop3A_320], %parallel_loop3A_317 {strides = array<i32>} : memref<3x112x128xf32, #tpu.memory_space<vmem>>, vector<16xf32>,
        %parallel_loop3A_322 = arith.index_cast %rem3A_204 : i32 to index
        %parallel_loop3A_323 = arith.index_cast %parallel_loop3A_312 : i32 to index
        %parallel_loop3A_324 = arith.constant 16 : index
        %parallel_loop3A_325 = tpu.vector_load %arg6[%parallel_loop3A_322, %parallel_loop3A_323, %parallel_loop3A_324] {strides = array<i32>} : memref<3x112x128xf32, #tpu.memory_space<vmem>>, vector<16xf32>,
        %parallel_loop3A_326 = arith.mulf %parallel_loop3A_325, %parallel_loop3A_310 : vector<16xf32>
        %parallel_loop3A_327 = arith.index_cast %rem3A_204 : i32 to index
        %parallel_loop3A_328 = arith.index_cast %parallel_loop3A_312 : i32 to index
        %parallel_loop3A_329 = arith.constant 16 : index
        %parallel_loop3A_330 = tpu.vector_load %arg6[%parallel_loop3A_327, %parallel_loop3A_328, %parallel_loop3A_329] {strides = array<i32>} : memref<3x112x128xf32, #tpu.memory_space<vmem>>, vector<16xf32>,
        tpu.vector_store %arg6[%parallel_loop3A_327, %parallel_loop3A_328, %parallel_loop3A_329], %parallel_loop3A_326 {strides = array<i32>} : memref<3x112x128xf32, #tpu.memory_space<vmem>>, vector<16xf32>,
        %parallel_loop3A_331 = arith.index_cast %rem3A_204 : i32 to index
        %parallel_loop3A_332 = arith.index_cast %parallel_loop3A_312 : i32 to index
        %parallel_loop3A_333 = arith.constant 32 : index
        %parallel_loop3A_334 = tpu.vector_load %arg6[%parallel_loop3A_331, %parallel_loop3A_332, %parallel_loop3A_333] {strides = array<i32>} : memref<3x112x128xf32, #tpu.memory_space<vmem>>, vector<16xf32>,
        %parallel_loop3A_335 = arith.mulf %parallel_loop3A_334, %parallel_loop3A_310 : vector<16xf32>
        %parallel_loop3A_336 = arith.index_cast %rem3A_204 : i32 to index
        %parallel_loop3A_337 = arith.index_cast %parallel_loop3A_312 : i32 to index
        %parallel_loop3A_338 = arith.constant 32 : index
        %parallel_loop3A_339 = tpu.vector_load %arg6[%parallel_loop3A_336, %parallel_loop3A_337, %parallel_loop3A_338] {strides = array<i32>} : memref<3x112x128xf32, #tpu.memory_space<vmem>>, vector<16xf32>,
        tpu.vector_store %arg6[%parallel_loop3A_336, %parallel_loop3A_337, %parallel_loop3A_338], %parallel_loop3A_335 {strides = array<i32>} : memref<3x112x128xf32, #tpu.memory_space<vmem>>, vector<16xf32>,
        %parallel_loop3A_340 = arith.index_cast %rem3A_204 : i32 to index
        %parallel_loop3A_341 = arith.index_cast %parallel_loop3A_312 : i32 to index
        %parallel_loop3A_342 = arith.constant 48 : index
        %parallel_loop3A_343 = tpu.vector_load %arg6[%parallel_loop3A_340, %parallel_loop3A_341, %parallel_loop3A_342] {strides = array<i32>} : memref<3x112x128xf32, #tpu.memory_space<vmem>>, vector<16xf32>,
        %parallel_loop3A_344 = arith.mulf %parallel_loop3A_343, %parallel_loop3A_310 : vector<16xf32>
        %parallel_loop3A_345 = arith.index_cast %rem3A_204 : i32 to index
        %parallel_loop3A_346 = arith.index_cast %parallel_loop3A_312 : i32 to index
        %parallel_loop3A_347 = arith.constant 48 : index
        %parallel_loop3A_348 = tpu.vector_load %arg6[%parallel_loop3A_345, %parallel_loop3A_346, %parallel_loop3A_347] {strides = array<i32>} : memref<3x112x128xf32, #tpu.memory_space<vmem>>, vector<16xf32>,
        tpu.vector_store %arg6[%parallel_loop3A_345, %parallel_loop3A_346, %parallel_loop3A_347], %parallel_loop3A_344 {strides = array<i32>} : memref<3x112x128xf32, #tpu.memory_space<vmem>>, vector<16xf32>,
        %parallel_loop3A_349 = arith.index_cast %rem3A_204 : i32 to index
        %parallel_loop3A_350 = arith.index_cast %parallel_loop3A_312 : i32 to index
        %parallel_loop3A_351 = arith.constant 64 : index
        %parallel_loop3A_352 = tpu.vector_load %arg6[%parallel_loop3A_349, %parallel_loop3A_350, %parallel_loop3A_351] {strides = array<i32>} : memref<3x112x128xf32, #tpu.memory_space<vmem>>, vector<16xf32>,
        %parallel_loop3A_353 = arith.mulf %parallel_loop3A_352, %parallel_loop3A_310 : vector<16xf32>
        %parallel_loop3A_354 = arith.index_cast %rem3A_204 : i32 to index
        %parallel_loop3A_355 = arith.index_cast %parallel_loop3A_312 : i32 to index
        %parallel_loop3A_356 = arith.constant 64 : index
        %parallel_loop3A_357 = tpu.vector_load %arg6[%parallel_loop3A_354, %parallel_loop3A_355, %parallel_loop3A_356] {strides = array<i32>} : memref<3x112x128xf32, #tpu.memory_space<vmem>>, vector<16xf32>,
        tpu.vector_store %arg6[%parallel_loop3A_354, %parallel_loop3A_355, %parallel_loop3A_356], %parallel_loop3A_353 {strides = array<i32>} : memref<3x112x128xf32, #tpu.memory_space<vmem>>, vector<16xf32>,
        %parallel_loop3A_358 = arith.index_cast %rem3A_204 : i32 to index
        %parallel_loop3A_359 = arith.index_cast %parallel_loop3A_312 : i32 to index
        %parallel_loop3A_360 = arith.constant 80 : index
        %parallel_loop3A_361 = tpu.vector_load %arg6[%parallel_loop3A_358, %parallel_loop3A_359, %parallel_loop3A_360] {strides = array<i32>} : memref<3x112x128xf32, #tpu.memory_space<vmem>>, vector<16xf32>,
        %parallel_loop3A_362 = arith.mulf %parallel_loop3A_361, %parallel_loop3A_310 : vector<16xf32>
        %parallel_loop3A_363 = arith.index_cast %rem3A_204 : i32 to index
        %parallel_loop3A_364 = arith.index_cast %parallel_loop3A_312 : i32 to index
        %parallel_loop3A_365 = arith.constant 80 : index
        %parallel_loop3A_366 = tpu.vector_load %arg6[%parallel_loop3A_363, %parallel_loop3A_364, %parallel_loop3A_365] {strides = array<i32>} : memref<3x112x128xf32, #tpu.memory_space<vmem>>, vector<16xf32>,
        tpu.vector_store %arg6[%parallel_loop3A_363, %parallel_loop3A_364, %parallel_loop3A_365], %parallel_loop3A_362 {strides = array<i32>} : memref<3x112x128xf32, #tpu.memory_space<vmem>>, vector<16xf32>,
        %parallel_loop3A_367 = arith.index_cast %rem3A_204 : i32 to index
        %parallel_loop3A_368 = arith.index_cast %parallel_loop3A_312 : i32 to index
        %parallel_loop3A_369 = arith.constant 96 : index
        %parallel_loop3A_370 = tpu.vector_load %arg6[%parallel_loop3A_367, %parallel_loop3A_368, %parallel_loop3A_369] {strides = array<i32>} : memref<3x112x128xf32, #tpu.memory_space<vmem>>, vector<16xf32>,
        %parallel_loop3A_371 = arith.mulf %parallel_loop3A_370, %parallel_loop3A_310 : vector<16xf32>
        %parallel_loop3A_372 = arith.index_cast %rem3A_204 : i32 to index
        %parallel_loop3A_373 = arith.index_cast %parallel_loop3A_312 : i32 to index
        %parallel_loop3A_374 = arith.constant 96 : index
        %parallel_loop3A_375 = tpu.vector_load %arg6[%parallel_loop3A_372, %parallel_loop3A_373, %parallel_loop3A_374] {strides = array<i32>} : memref<3x112x128xf32, #tpu.memory_space<vmem>>, vector<16xf32>,
        tpu.vector_store %arg6[%parallel_loop3A_372, %parallel_loop3A_373, %parallel_loop3A_374], %parallel_loop3A_371 {strides = array<i32>} : memref<3x112x128xf32, #tpu.memory_space<vmem>>, vector<16xf32>,
        %parallel_loop3A_376 = arith.index_cast %rem3A_204 : i32 to index
        %parallel_loop3A_377 = arith.index_cast %parallel_loop3A_312 : i32 to index
        %parallel_loop3A_378 = arith.constant 112 : index
        %parallel_loop3A_379 = tpu.vector_load %arg6[%parallel_loop3A_376, %parallel_loop3A_377, %parallel_loop3A_378] {strides = array<i32>} : memref<3x112x128xf32, #tpu.memory_space<vmem>>, vector<16xf32>,
        %parallel_loop3A_380 = arith.mulf %parallel_loop3A_379, %parallel_loop3A_310 : vector<16xf32>
        %parallel_loop3A_381 = arith.index_cast %rem3A_204 : i32 to index
        %parallel_loop3A_382 = arith.index_cast %parallel_loop3A_312 : i32 to index
        %parallel_loop3A_383 = arith.constant 112 : index
        %parallel_loop3A_384 = tpu.vector_load %arg6[%parallel_loop3A_381, %parallel_loop3A_382, %parallel_loop3A_383] {strides = array<i32>} : memref<3x112x128xf32, #tpu.memory_space<vmem>>, vector<16xf32>,
        tpu.vector_store %arg6[%parallel_loop3A_381, %parallel_loop3A_382, %parallel_loop3A_383], %parallel_loop3A_380 {strides = array<i32>} : memref<3x112x128xf32, #tpu.memory_space<vmem>>, vector<16xf32>,
      } {sc.loop_unroll_factor = 4 : i64, sc.parallel_access}
      %mul3A_257 = arith.constant 3 : i32
      %mul3A_258 = arith.muli %rem3A_202, %mul3A_257 : i32
      %add3A_259 = arith.constant 2 : i32
      %add3A_260 = arith.addi %mul3A_258, %add3A_259 : i32
      %get3A_261 = arith.index_cast %add3A_260 : i32 to index
      %get3A_262 = arith.constant 80 : index
      %get3A_263 = tpu.vector_load %arg5[%get3A_261, %get3A_262] {strides = array<i32>} : memref<12x112xi32, #tpu.memory_space<vmem>>, vector<16xi32>,
      %bitcast3A_264 = vector.bitcast %get3A_263 : vector<16xi32> to vector<16xf32>
      %parallel_loop3A_265 = arith.constant 0 : i32
      %parallel_loop3A_266 = arith.constant 16 : i32
      %parallel_loop3A_267 = arith.constant 1 : i32
      scf.for %parallel_loop3A_299 = %parallel_loop3A_265 to %parallel_loop3A_266 step %parallel_loop3A_267  : i32 {
        %parallel_loop3A_300 = vector.broadcast %parallel_loop3A_299 : i32 to vector<16xi32>
        %parallel_loop3A_301 = arith.constant 0 : i32
        %parallel_loop3A_302 = vector.broadcast %parallel_loop3A_301 : i32 to vector<16xi32>
        %parallel_loop3A_303 = arith.cmpi slt, %parallel_loop3A_300, %parallel_loop3A_302 : vector<16xi32>
        %parallel_loop3A_304 = arith.constant 16 : i32
        %parallel_loop3A_305 = vector.broadcast %parallel_loop3A_304 : i32 to vector<16xi32>
        %parallel_loop3A_306 = arith.addi %parallel_loop3A_300, %parallel_loop3A_305 : vector<16xi32>
        %parallel_loop3A_307 = arith.select %parallel_loop3A_303, %parallel_loop3A_306, %parallel_loop3A_300 : vector<16xi1>, vector<16xi32>
        %parallel_loop3A_308 = vector.shape_cast %parallel_loop3A_307 : vector<16xi32> to vector<16x1xi32>
        %parallel_loop3A_309 = vector.shape_cast %parallel_loop3A_308 : vector<16x1xi32> to vector<16xi32>
        %parallel_loop3A_310 = tpu.dynamic_gather %bitcast3A_264[%parallel_loop3A_309] in [0] : vector<16xf32>, vector<16xi32> -> vector<16xf32>
        %parallel_loop3A_311 = arith.constant 80 : i32
        %parallel_loop3A_312 = arith.addi %parallel_loop3A_311, %parallel_loop3A_299 : i32
        %parallel_loop3A_313 = arith.index_cast %rem3A_204 : i32 to index
        %parallel_loop3A_314 = arith.index_cast %parallel_loop3A_312 : i32 to index
        %parallel_loop3A_315 = arith.constant 0 : index
        %parallel_loop3A_316 = tpu.vector_load %arg6[%parallel_loop3A_313, %parallel_loop3A_314, %parallel_loop3A_315] {strides = array<i32>} : memref<3x112x128xf32, #tpu.memory_space<vmem>>, vector<16xf32>,
        %parallel_loop3A_317 = arith.mulf %parallel_loop3A_316, %parallel_loop3A_310 : vector<16xf32>
        %parallel_loop3A_318 = arith.index_cast %rem3A_204 : i32 to index
        %parallel_loop3A_319 = arith.index_cast %parallel_loop3A_312 : i32 to index
        %parallel_loop3A_320 = arith.constant 0 : index
        %parallel_loop3A_321 = tpu.vector_load %arg6[%parallel_loop3A_318, %parallel_loop3A_319, %parallel_loop3A_320] {strides = array<i32>} : memref<3x112x128xf32, #tpu.memory_space<vmem>>, vector<16xf32>,
        tpu.vector_store %arg6[%parallel_loop3A_318, %parallel_loop3A_319, %parallel_loop3A_320], %parallel_loop3A_317 {strides = array<i32>} : memref<3x112x128xf32, #tpu.memory_space<vmem>>, vector<16xf32>,
        %parallel_loop3A_322 = arith.index_cast %rem3A_204 : i32 to index
        %parallel_loop3A_323 = arith.index_cast %parallel_loop3A_312 : i32 to index
        %parallel_loop3A_324 = arith.constant 16 : index
        %parallel_loop3A_325 = tpu.vector_load %arg6[%parallel_loop3A_322, %parallel_loop3A_323, %parallel_loop3A_324] {strides = array<i32>} : memref<3x112x128xf32, #tpu.memory_space<vmem>>, vector<16xf32>,
        %parallel_loop3A_326 = arith.mulf %parallel_loop3A_325, %parallel_loop3A_310 : vector<16xf32>
        %parallel_loop3A_327 = arith.index_cast %rem3A_204 : i32 to index
        %parallel_loop3A_328 = arith.index_cast %parallel_loop3A_312 : i32 to index
        %parallel_loop3A_329 = arith.constant 16 : index
        %parallel_loop3A_330 = tpu.vector_load %arg6[%parallel_loop3A_327, %parallel_loop3A_328, %parallel_loop3A_329] {strides = array<i32>} : memref<3x112x128xf32, #tpu.memory_space<vmem>>, vector<16xf32>,
        tpu.vector_store %arg6[%parallel_loop3A_327, %parallel_loop3A_328, %parallel_loop3A_329], %parallel_loop3A_326 {strides = array<i32>} : memref<3x112x128xf32, #tpu.memory_space<vmem>>, vector<16xf32>,
        %parallel_loop3A_331 = arith.index_cast %rem3A_204 : i32 to index
        %parallel_loop3A_332 = arith.index_cast %parallel_loop3A_312 : i32 to index
        %parallel_loop3A_333 = arith.constant 32 : index
        %parallel_loop3A_334 = tpu.vector_load %arg6[%parallel_loop3A_331, %parallel_loop3A_332, %parallel_loop3A_333] {strides = array<i32>} : memref<3x112x128xf32, #tpu.memory_space<vmem>>, vector<16xf32>,
        %parallel_loop3A_335 = arith.mulf %parallel_loop3A_334, %parallel_loop3A_310 : vector<16xf32>
        %parallel_loop3A_336 = arith.index_cast %rem3A_204 : i32 to index
        %parallel_loop3A_337 = arith.index_cast %parallel_loop3A_312 : i32 to index
        %parallel_loop3A_338 = arith.constant 32 : index
        %parallel_loop3A_339 = tpu.vector_load %arg6[%parallel_loop3A_336, %parallel_loop3A_337, %parallel_loop3A_338] {strides = array<i32>} : memref<3x112x128xf32, #tpu.memory_space<vmem>>, vector<16xf32>,
        tpu.vector_store %arg6[%parallel_loop3A_336, %parallel_loop3A_337, %parallel_loop3A_338], %parallel_loop3A_335 {strides = array<i32>} : memref<3x112x128xf32, #tpu.memory_space<vmem>>, vector<16xf32>,
        %parallel_loop3A_340 = arith.index_cast %rem3A_204 : i32 to index
        %parallel_loop3A_341 = arith.index_cast %parallel_loop3A_312 : i32 to index
        %parallel_loop3A_342 = arith.constant 48 : index
        %parallel_loop3A_343 = tpu.vector_load %arg6[%parallel_loop3A_340, %parallel_loop3A_341, %parallel_loop3A_342] {strides = array<i32>} : memref<3x112x128xf32, #tpu.memory_space<vmem>>, vector<16xf32>,
        %parallel_loop3A_344 = arith.mulf %parallel_loop3A_343, %parallel_loop3A_310 : vector<16xf32>
        %parallel_loop3A_345 = arith.index_cast %rem3A_204 : i32 to index
        %parallel_loop3A_346 = arith.index_cast %parallel_loop3A_312 : i32 to index
        %parallel_loop3A_347 = arith.constant 48 : index
        %parallel_loop3A_348 = tpu.vector_load %arg6[%parallel_loop3A_345, %parallel_loop3A_346, %parallel_loop3A_347] {strides = array<i32>} : memref<3x112x128xf32, #tpu.memory_space<vmem>>, vector<16xf32>,
        tpu.vector_store %arg6[%parallel_loop3A_345, %parallel_loop3A_346, %parallel_loop3A_347], %parallel_loop3A_344 {strides = array<i32>} : memref<3x112x128xf32, #tpu.memory_space<vmem>>, vector<16xf32>,
        %parallel_loop3A_349 = arith.index_cast %rem3A_204 : i32 to index
        %parallel_loop3A_350 = arith.index_cast %parallel_loop3A_312 : i32 to index
        %parallel_loop3A_351 = arith.constant 64 : index
        %parallel_loop3A_352 = tpu.vector_load %arg6[%parallel_loop3A_349, %parallel_loop3A_350, %parallel_loop3A_351] {strides = array<i32>} : memref<3x112x128xf32, #tpu.memory_space<vmem>>, vector<16xf32>,
        %parallel_loop3A_353 = arith.mulf %parallel_loop3A_352, %parallel_loop3A_310 : vector<16xf32>
        %parallel_loop3A_354 = arith.index_cast %rem3A_204 : i32 to index
        %parallel_loop3A_355 = arith.index_cast %parallel_loop3A_312 : i32 to index
        %parallel_loop3A_356 = arith.constant 64 : index
        %parallel_loop3A_357 = tpu.vector_load %arg6[%parallel_loop3A_354, %parallel_loop3A_355, %parallel_loop3A_356] {strides = array<i32>} : memref<3x112x128xf32, #tpu.memory_space<vmem>>, vector<16xf32>,
        tpu.vector_store %arg6[%parallel_loop3A_354, %parallel_loop3A_355, %parallel_loop3A_356], %parallel_loop3A_353 {strides = array<i32>} : memref<3x112x128xf32, #tpu.memory_space<vmem>>, vector<16xf32>,
        %parallel_loop3A_358 = arith.index_cast %rem3A_204 : i32 to index
        %parallel_loop3A_359 = arith.index_cast %parallel_loop3A_312 : i32 to index
        %parallel_loop3A_360 = arith.constant 80 : index
        %parallel_loop3A_361 = tpu.vector_load %arg6[%parallel_loop3A_358, %parallel_loop3A_359, %parallel_loop3A_360] {strides = array<i32>} : memref<3x112x128xf32, #tpu.memory_space<vmem>>, vector<16xf32>,
        %parallel_loop3A_362 = arith.mulf %parallel_loop3A_361, %parallel_loop3A_310 : vector<16xf32>
        %parallel_loop3A_363 = arith.index_cast %rem3A_204 : i32 to index
        %parallel_loop3A_364 = arith.index_cast %parallel_loop3A_312 : i32 to index
        %parallel_loop3A_365 = arith.constant 80 : index
        %parallel_loop3A_366 = tpu.vector_load %arg6[%parallel_loop3A_363, %parallel_loop3A_364, %parallel_loop3A_365] {strides = array<i32>} : memref<3x112x128xf32, #tpu.memory_space<vmem>>, vector<16xf32>,
        tpu.vector_store %arg6[%parallel_loop3A_363, %parallel_loop3A_364, %parallel_loop3A_365], %parallel_loop3A_362 {strides = array<i32>} : memref<3x112x128xf32, #tpu.memory_space<vmem>>, vector<16xf32>,
        %parallel_loop3A_367 = arith.index_cast %rem3A_204 : i32 to index
        %parallel_loop3A_368 = arith.index_cast %parallel_loop3A_312 : i32 to index
        %parallel_loop3A_369 = arith.constant 96 : index
        %parallel_loop3A_370 = tpu.vector_load %arg6[%parallel_loop3A_367, %parallel_loop3A_368, %parallel_loop3A_369] {strides = array<i32>} : memref<3x112x128xf32, #tpu.memory_space<vmem>>, vector<16xf32>,
        %parallel_loop3A_371 = arith.mulf %parallel_loop3A_370, %parallel_loop3A_310 : vector<16xf32>
        %parallel_loop3A_372 = arith.index_cast %rem3A_204 : i32 to index
        %parallel_loop3A_373 = arith.index_cast %parallel_loop3A_312 : i32 to index
        %parallel_loop3A_374 = arith.constant 96 : index
        %parallel_loop3A_375 = tpu.vector_load %arg6[%parallel_loop3A_372, %parallel_loop3A_373, %parallel_loop3A_374] {strides = array<i32>} : memref<3x112x128xf32, #tpu.memory_space<vmem>>, vector<16xf32>,
        tpu.vector_store %arg6[%parallel_loop3A_372, %parallel_loop3A_373, %parallel_loop3A_374], %parallel_loop3A_371 {strides = array<i32>} : memref<3x112x128xf32, #tpu.memory_space<vmem>>, vector<16xf32>,
        %parallel_loop3A_376 = arith.index_cast %rem3A_204 : i32 to index
        %parallel_loop3A_377 = arith.index_cast %parallel_loop3A_312 : i32 to index
        %parallel_loop3A_378 = arith.constant 112 : index
        %parallel_loop3A_379 = tpu.vector_load %arg6[%parallel_loop3A_376, %parallel_loop3A_377, %parallel_loop3A_378] {strides = array<i32>} : memref<3x112x128xf32, #tpu.memory_space<vmem>>, vector<16xf32>,
        %parallel_loop3A_380 = arith.mulf %parallel_loop3A_379, %parallel_loop3A_310 : vector<16xf32>
        %parallel_loop3A_381 = arith.index_cast %rem3A_204 : i32 to index
        %parallel_loop3A_382 = arith.index_cast %parallel_loop3A_312 : i32 to index
        %parallel_loop3A_383 = arith.constant 112 : index
        %parallel_loop3A_384 = tpu.vector_load %arg6[%parallel_loop3A_381, %parallel_loop3A_382, %parallel_loop3A_383] {strides = array<i32>} : memref<3x112x128xf32, #tpu.memory_space<vmem>>, vector<16xf32>,
        tpu.vector_store %arg6[%parallel_loop3A_381, %parallel_loop3A_382, %parallel_loop3A_383], %parallel_loop3A_380 {strides = array<i32>} : memref<3x112x128xf32, #tpu.memory_space<vmem>>, vector<16xf32>,
      } {sc.loop_unroll_factor = 4 : i64, sc.parallel_access}
      %mul3A_268 = arith.constant 3 : i32
      %mul3A_269 = arith.muli %rem3A_202, %mul3A_268 : i32
      %add3A_270 = arith.constant 2 : i32
      %add3A_271 = arith.addi %mul3A_269, %add3A_270 : i32
      %get3A_272 = arith.index_cast %add3A_271 : i32 to index
      %get3A_273 = arith.constant 96 : index
      %get3A_274 = tpu.vector_load %arg5[%get3A_272, %get3A_273] {strides = array<i32>} : memref<12x112xi32, #tpu.memory_space<vmem>>, vector<16xi32>,
      %bitcast3A_275 = vector.bitcast %get3A_274 : vector<16xi32> to vector<16xf32>
      %parallel_loop3A_276 = arith.constant 0 : i32
      %parallel_loop3A_277 = arith.constant 16 : i32
      %parallel_loop3A_278 = arith.constant 1 : i32
      scf.for %parallel_loop3A_299 = %parallel_loop3A_276 to %parallel_loop3A_277 step %parallel_loop3A_278  : i32 {
        %parallel_loop3A_300 = vector.broadcast %parallel_loop3A_299 : i32 to vector<16xi32>
        %parallel_loop3A_301 = arith.constant 0 : i32
        %parallel_loop3A_302 = vector.broadcast %parallel_loop3A_301 : i32 to vector<16xi32>
        %parallel_loop3A_303 = arith.cmpi slt, %parallel_loop3A_300, %parallel_loop3A_302 : vector<16xi32>
        %parallel_loop3A_304 = arith.constant 16 : i32
        %parallel_loop3A_305 = vector.broadcast %parallel_loop3A_304 : i32 to vector<16xi32>
        %parallel_loop3A_306 = arith.addi %parallel_loop3A_300, %parallel_loop3A_305 : vector<16xi32>
        %parallel_loop3A_307 = arith.select %parallel_loop3A_303, %parallel_loop3A_306, %parallel_loop3A_300 : vector<16xi1>, vector<16xi32>
        %parallel_loop3A_308 = vector.shape_cast %parallel_loop3A_307 : vector<16xi32> to vector<16x1xi32>
        %parallel_loop3A_309 = vector.shape_cast %parallel_loop3A_308 : vector<16x1xi32> to vector<16xi32>
        %parallel_loop3A_310 = tpu.dynamic_gather %bitcast3A_275[%parallel_loop3A_309] in [0] : vector<16xf32>, vector<16xi32> -> vector<16xf32>
        %parallel_loop3A_311 = arith.constant 96 : i32
        %parallel_loop3A_312 = arith.addi %parallel_loop3A_311, %parallel_loop3A_299 : i32
        %parallel_loop3A_313 = arith.index_cast %rem3A_204 : i32 to index
        %parallel_loop3A_314 = arith.index_cast %parallel_loop3A_312 : i32 to index
        %parallel_loop3A_315 = arith.constant 0 : index
        %parallel_loop3A_316 = tpu.vector_load %arg6[%parallel_loop3A_313, %parallel_loop3A_314, %parallel_loop3A_315] {strides = array<i32>} : memref<3x112x128xf32, #tpu.memory_space<vmem>>, vector<16xf32>,
        %parallel_loop3A_317 = arith.mulf %parallel_loop3A_316, %parallel_loop3A_310 : vector<16xf32>
        %parallel_loop3A_318 = arith.index_cast %rem3A_204 : i32 to index
        %parallel_loop3A_319 = arith.index_cast %parallel_loop3A_312 : i32 to index
        %parallel_loop3A_320 = arith.constant 0 : index
        %parallel_loop3A_321 = tpu.vector_load %arg6[%parallel_loop3A_318, %parallel_loop3A_319, %parallel_loop3A_320] {strides = array<i32>} : memref<3x112x128xf32, #tpu.memory_space<vmem>>, vector<16xf32>,
        tpu.vector_store %arg6[%parallel_loop3A_318, %parallel_loop3A_319, %parallel_loop3A_320], %parallel_loop3A_317 {strides = array<i32>} : memref<3x112x128xf32, #tpu.memory_space<vmem>>, vector<16xf32>,
        %parallel_loop3A_322 = arith.index_cast %rem3A_204 : i32 to index
        %parallel_loop3A_323 = arith.index_cast %parallel_loop3A_312 : i32 to index
        %parallel_loop3A_324 = arith.constant 16 : index
        %parallel_loop3A_325 = tpu.vector_load %arg6[%parallel_loop3A_322, %parallel_loop3A_323, %parallel_loop3A_324] {strides = array<i32>} : memref<3x112x128xf32, #tpu.memory_space<vmem>>, vector<16xf32>,
        %parallel_loop3A_326 = arith.mulf %parallel_loop3A_325, %parallel_loop3A_310 : vector<16xf32>
        %parallel_loop3A_327 = arith.index_cast %rem3A_204 : i32 to index
        %parallel_loop3A_328 = arith.index_cast %parallel_loop3A_312 : i32 to index
        %parallel_loop3A_329 = arith.constant 16 : index
        %parallel_loop3A_330 = tpu.vector_load %arg6[%parallel_loop3A_327, %parallel_loop3A_328, %parallel_loop3A_329] {strides = array<i32>} : memref<3x112x128xf32, #tpu.memory_space<vmem>>, vector<16xf32>,
        tpu.vector_store %arg6[%parallel_loop3A_327, %parallel_loop3A_328, %parallel_loop3A_329], %parallel_loop3A_326 {strides = array<i32>} : memref<3x112x128xf32, #tpu.memory_space<vmem>>, vector<16xf32>,
        %parallel_loop3A_331 = arith.index_cast %rem3A_204 : i32 to index
        %parallel_loop3A_332 = arith.index_cast %parallel_loop3A_312 : i32 to index
        %parallel_loop3A_333 = arith.constant 32 : index
        %parallel_loop3A_334 = tpu.vector_load %arg6[%parallel_loop3A_331, %parallel_loop3A_332, %parallel_loop3A_333] {strides = array<i32>} : memref<3x112x128xf32, #tpu.memory_space<vmem>>, vector<16xf32>,
        %parallel_loop3A_335 = arith.mulf %parallel_loop3A_334, %parallel_loop3A_310 : vector<16xf32>
        %parallel_loop3A_336 = arith.index_cast %rem3A_204 : i32 to index
        %parallel_loop3A_337 = arith.index_cast %parallel_loop3A_312 : i32 to index
        %parallel_loop3A_338 = arith.constant 32 : index
        %parallel_loop3A_339 = tpu.vector_load %arg6[%parallel_loop3A_336, %parallel_loop3A_337, %parallel_loop3A_338] {strides = array<i32>} : memref<3x112x128xf32, #tpu.memory_space<vmem>>, vector<16xf32>,
        tpu.vector_store %arg6[%parallel_loop3A_336, %parallel_loop3A_337, %parallel_loop3A_338], %parallel_loop3A_335 {strides = array<i32>} : memref<3x112x128xf32, #tpu.memory_space<vmem>>, vector<16xf32>,
        %parallel_loop3A_340 = arith.index_cast %rem3A_204 : i32 to index
        %parallel_loop3A_341 = arith.index_cast %parallel_loop3A_312 : i32 to index
        %parallel_loop3A_342 = arith.constant 48 : index
        %parallel_loop3A_343 = tpu.vector_load %arg6[%parallel_loop3A_340, %parallel_loop3A_341, %parallel_loop3A_342] {strides = array<i32>} : memref<3x112x128xf32, #tpu.memory_space<vmem>>, vector<16xf32>,
        %parallel_loop3A_344 = arith.mulf %parallel_loop3A_343, %parallel_loop3A_310 : vector<16xf32>
        %parallel_loop3A_345 = arith.index_cast %rem3A_204 : i32 to index
        %parallel_loop3A_346 = arith.index_cast %parallel_loop3A_312 : i32 to index
        %parallel_loop3A_347 = arith.constant 48 : index
        %parallel_loop3A_348 = tpu.vector_load %arg6[%parallel_loop3A_345, %parallel_loop3A_346, %parallel_loop3A_347] {strides = array<i32>} : memref<3x112x128xf32, #tpu.memory_space<vmem>>, vector<16xf32>,
        tpu.vector_store %arg6[%parallel_loop3A_345, %parallel_loop3A_346, %parallel_loop3A_347], %parallel_loop3A_344 {strides = array<i32>} : memref<3x112x128xf32, #tpu.memory_space<vmem>>, vector<16xf32>,
        %parallel_loop3A_349 = arith.index_cast %rem3A_204 : i32 to index
        %parallel_loop3A_350 = arith.index_cast %parallel_loop3A_312 : i32 to index
        %parallel_loop3A_351 = arith.constant 64 : index
        %parallel_loop3A_352 = tpu.vector_load %arg6[%parallel_loop3A_349, %parallel_loop3A_350, %parallel_loop3A_351] {strides = array<i32>} : memref<3x112x128xf32, #tpu.memory_space<vmem>>, vector<16xf32>,
        %parallel_loop3A_353 = arith.mulf %parallel_loop3A_352, %parallel_loop3A_310 : vector<16xf32>
        %parallel_loop3A_354 = arith.index_cast %rem3A_204 : i32 to index
        %parallel_loop3A_355 = arith.index_cast %parallel_loop3A_312 : i32 to index
        %parallel_loop3A_356 = arith.constant 64 : index
        %parallel_loop3A_357 = tpu.vector_load %arg6[%parallel_loop3A_354, %parallel_loop3A_355, %parallel_loop3A_356] {strides = array<i32>} : memref<3x112x128xf32, #tpu.memory_space<vmem>>, vector<16xf32>,
        tpu.vector_store %arg6[%parallel_loop3A_354, %parallel_loop3A_355, %parallel_loop3A_356], %parallel_loop3A_353 {strides = array<i32>} : memref<3x112x128xf32, #tpu.memory_space<vmem>>, vector<16xf32>,
        %parallel_loop3A_358 = arith.index_cast %rem3A_204 : i32 to index
        %parallel_loop3A_359 = arith.index_cast %parallel_loop3A_312 : i32 to index
        %parallel_loop3A_360 = arith.constant 80 : index
        %parallel_loop3A_361 = tpu.vector_load %arg6[%parallel_loop3A_358, %parallel_loop3A_359, %parallel_loop3A_360] {strides = array<i32>} : memref<3x112x128xf32, #tpu.memory_space<vmem>>, vector<16xf32>,
        %parallel_loop3A_362 = arith.mulf %parallel_loop3A_361, %parallel_loop3A_310 : vector<16xf32>
        %parallel_loop3A_363 = arith.index_cast %rem3A_204 : i32 to index
        %parallel_loop3A_364 = arith.index_cast %parallel_loop3A_312 : i32 to index
        %parallel_loop3A_365 = arith.constant 80 : index
        %parallel_loop3A_366 = tpu.vector_load %arg6[%parallel_loop3A_363, %parallel_loop3A_364, %parallel_loop3A_365] {strides = array<i32>} : memref<3x112x128xf32, #tpu.memory_space<vmem>>, vector<16xf32>,
        tpu.vector_store %arg6[%parallel_loop3A_363, %parallel_loop3A_364, %parallel_loop3A_365], %parallel_loop3A_362 {strides = array<i32>} : memref<3x112x128xf32, #tpu.memory_space<vmem>>, vector<16xf32>,
        %parallel_loop3A_367 = arith.index_cast %rem3A_204 : i32 to index
        %parallel_loop3A_368 = arith.index_cast %parallel_loop3A_312 : i32 to index
        %parallel_loop3A_369 = arith.constant 96 : index
        %parallel_loop3A_370 = tpu.vector_load %arg6[%parallel_loop3A_367, %parallel_loop3A_368, %parallel_loop3A_369] {strides = array<i32>} : memref<3x112x128xf32, #tpu.memory_space<vmem>>, vector<16xf32>,
        %parallel_loop3A_371 = arith.mulf %parallel_loop3A_370, %parallel_loop3A_310 : vector<16xf32>
        %parallel_loop3A_372 = arith.index_cast %rem3A_204 : i32 to index
        %parallel_loop3A_373 = arith.index_cast %parallel_loop3A_312 : i32 to index
        %parallel_loop3A_374 = arith.constant 96 : index
        %parallel_loop3A_375 = tpu.vector_load %arg6[%parallel_loop3A_372, %parallel_loop3A_373, %parallel_loop3A_374] {strides = array<i32>} : memref<3x112x128xf32, #tpu.memory_space<vmem>>, vector<16xf32>,
        tpu.vector_store %arg6[%parallel_loop3A_372, %parallel_loop3A_373, %parallel_loop3A_374], %parallel_loop3A_371 {strides = array<i32>} : memref<3x112x128xf32, #tpu.memory_space<vmem>>, vector<16xf32>,
        %parallel_loop3A_376 = arith.index_cast %rem3A_204 : i32 to index
        %parallel_loop3A_377 = arith.index_cast %parallel_loop3A_312 : i32 to index
        %parallel_loop3A_378 = arith.constant 112 : index
        %parallel_loop3A_379 = tpu.vector_load %arg6[%parallel_loop3A_376, %parallel_loop3A_377, %parallel_loop3A_378] {strides = array<i32>} : memref<3x112x128xf32, #tpu.memory_space<vmem>>, vector<16xf32>,
        %parallel_loop3A_380 = arith.mulf %parallel_loop3A_379, %parallel_loop3A_310 : vector<16xf32>
        %parallel_loop3A_381 = arith.index_cast %rem3A_204 : i32 to index
        %parallel_loop3A_382 = arith.index_cast %parallel_loop3A_312 : i32 to index
        %parallel_loop3A_383 = arith.constant 112 : index
        %parallel_loop3A_384 = tpu.vector_load %arg6[%parallel_loop3A_381, %parallel_loop3A_382, %parallel_loop3A_383] {strides = array<i32>} : memref<3x112x128xf32, #tpu.memory_space<vmem>>, vector<16xf32>,
        tpu.vector_store %arg6[%parallel_loop3A_381, %parallel_loop3A_382, %parallel_loop3A_383], %parallel_loop3A_380 {strides = array<i32>} : memref<3x112x128xf32, #tpu.memory_space<vmem>>, vector<16xf32>,
      } {sc.loop_unroll_factor = 4 : i64, sc.parallel_access}
      %rem3A_279 = arith.constant 4 : i32
      %rem3A_280 = arith.remsi %add3A_169, %rem3A_279 : i32
      %rem3A_281 = arith.constant 3 : i32
      %rem3A_282 = arith.remsi %add3A_169, %rem3A_281 : i32
      %mul3A_283 = arith.constant 3 : i32
      %mul3A_284 = arith.muli %rem3A_280, %mul3A_283 : i32
      %add3A_285 = arith.constant 1 : i32
      %add3A_286 = arith.addi %mul3A_284, %add3A_285 : i32
      %dma_start3A_287 = arith.constant 0 : i32
      %dma_start3A_288 = arith.constant 0 : i32
      %dma_start3A_289 = tpu.memref_slice %arg6[%rem3A_282, %dma_start3A_287, %dma_start3A_288] : memref<3x112x128xf32, #tpu.memory_space<vmem>> -> memref<1x112x128xf32, #tpu.memory_space<vmem>>
      %dma_start3A_290 = tpu.memref_squeeze %dma_start3A_289 : memref<1x112x128xf32, #tpu.memory_space<vmem>> -> memref<112x128xf32, #tpu.memory_space<vmem>>
      %dma_start3A_291 = arith.constant 0 : i32
      %dma_start3A_292 = tpu.memref_slice %arg5[%add3A_286, %dma_start3A_291] : memref<12x112xi32, #tpu.memory_space<vmem>> -> memref<1x112xi32, #tpu.memory_space<vmem>>
      %dma_start3A_293 = tpu.memref_squeeze %dma_start3A_292 : memref<1x112xi32, #tpu.memory_space<vmem>> -> memref<112xi32, #tpu.memory_space<vmem>>
      %dma_start3A_294 = arith.constant 0 : i32
      %dma_start3A_295 = arith.constant 0 : i32
      %dma_start3A_296 = tpu.memref_slice %arg7[%dma_start3A_294, %dma_start3A_295] : memref<10000x128xf32, #tpu.memory_space<vmem_shared>> -> memref<10000x128xf32, #tpu.memory_space<vmem_shared>>
      %dma_start3A_297 = tpu.memref_slice %arg10[%rem3A_282] : memref<3x!tpu.dma_semaphore, #tpu.memory_space<semaphore_mem>> -> memref<1x!tpu.dma_semaphore, #tpu.memory_space<semaphore_mem>>
      %dma_start3A_298 = tpu.memref_squeeze %dma_start3A_297 : memref<1x!tpu.dma_semaphore, #tpu.memory_space<semaphore_mem>> -> memref<!tpu.dma_semaphore, #tpu.memory_space<semaphore_mem>>
      tpu.enqueue_indirect_dma source(%dma_start3A_290 : memref<112x128xf32, #tpu.memory_space<vmem>>) target(%dma_start3A_296 : memref<10000x128xf32, #tpu.memory_space<vmem_shared>>) offsets(%dma_start3A_293 : memref<112xi32, #tpu.memory_space<vmem>>) semaphore(%dma_start3A_298 : memref<!tpu.dma_semaphore, #tpu.memory_space<semaphore_mem>>) {add = true}
    }
    %while3A_138 = arith.constant 1 : i32
    scf.for %while3A_167 = %while3A_136 to %while3A_132 step %while3A_138  : i32 {
      %mul3A_168 = arith.muli %while3A_167, %while3A : i32
      %add3A_169 = arith.addi %while3A_129, %mul3A_168 : i32
      %add3A_170 = arith.constant 2 : i32
      %add3A_171 = arith.addi %add3A_169, %add3A_170 : i32
      %lt3A = arith.cmpi slt, %add3A_171, %select_n3A : i32
      %convert_element_type3A_172 = arith.extui %lt3A : i1 to i32
      %cond3A_173 = arith.constant 0 : i32
      %cond3A_174 = arith.cmpi ne, %convert_element_type3A_172, %cond3A_173 : i32
      scf.if %cond3A_174 {
        %add3A_299 = arith.constant 2 : i32
        %add3A_300 = arith.addi %add3A_169, %add3A_299 : i32
        %rem3A_301 = arith.constant 4 : i32
        %rem3A_302 = arith.remsi %add3A_300, %rem3A_301 : i32
        %add3A_303 = arith.addi %add3A, %add3A_300 : i32
        %mul3A_304 = arith.constant 3 : i32
        %mul3A_305 = arith.muli %rem3A_302, %mul3A_304 : i32
        %dma_start3A_306 = arith.constant 0 : i32
        %dma_start3A_307 = tpu.memref_slice %arg5[%mul3A_305, %dma_start3A_306] : memref<12x112xi32, #tpu.memory_space<vmem>> -> memref<3x112xi32, #tpu.memory_space<vmem>>
        %dma_start3A_308 = arith.constant 0 : i32
        %dma_start3A_309 = arith.constant 0 : i32
        %dma_start3A_310 = tpu.memref_slice %arg3[%add3A_303, %dma_start3A_308, %dma_start3A_309] : memref<2880x3x112xi32, #tpu.memory_space<hbm>> -> memref<1x3x112xi32, #tpu.memory_space<hbm>>
        %dma_start3A_311 = tpu.memref_squeeze %dma_start3A_310 : memref<1x3x112xi32, #tpu.memory_space<hbm>> -> memref<3x112xi32, #tpu.memory_space<hbm>>
        %dma_start3A_312 = tpu.memref_slice %arg8[%rem3A_302] : memref<4x!tpu.dma_semaphore, #tpu.memory_space<semaphore_mem>> -> memref<1x!tpu.dma_semaphore, #tpu.memory_space<semaphore_mem>>
        %dma_start3A_313 = tpu.memref_squeeze %dma_start3A_312 : memref<1x!tpu.dma_semaphore, #tpu.memory_space<semaphore_mem>> -> memref<!tpu.dma_semaphore, #tpu.memory_space<semaphore_mem>>
        %dma_start3A_314 = arith.constant 0 : i32
        %dma_start3A_315 = tpu.memref_slice %arg5[%mul3A_305, %dma_start3A_314] : memref<12x112xi32, #tpu.memory_space<vmem>> -> memref<3x112xi32, #tpu.memory_space<vmem>>
        %dma_start3A_316 = arith.constant 0 : i32
        %dma_start3A_317 = arith.constant 0 : i32
        %dma_start3A_318 = tpu.memref_slice %arg3[%add3A_303, %dma_start3A_316, %dma_start3A_317] : memref<2880x3x112xi32, #tpu.memory_space<hbm>> -> memref<1x3x112xi32, #tpu.memory_space<hbm>>
        %dma_start3A_319 = tpu.memref_squeeze %dma_start3A_318 : memref<1x3x112xi32, #tpu.memory_space<hbm>> -> memref<3x112xi32, #tpu.memory_space<hbm>>
        tpu.enqueue_dma source(%dma_start3A_319 : memref<3x112xi32, #tpu.memory_space<hbm>>) target(%dma_start3A_315 : memref<3x112xi32, #tpu.memory_space<vmem>>) target_semaphore(%dma_start3A_313 : memref<!tpu.dma_semaphore, #tpu.memory_space<semaphore_mem>>)
      } else {
      }
      %add3A_175 = arith.constant 1 : i32
      %add3A_176 = arith.addi %add3A_169, %add3A_175 : i32
      %lt3A_177 = arith.cmpi slt, %add3A_176, %select_n3A : i32
      %convert_element_type3A_178 = arith.extui %lt3A_177 : i1 to i32
      %cond3A_179 = arith.constant 0 : i32
      %cond3A_180 = arith.cmpi ne, %convert_element_type3A_178, %cond3A_179 : i32
      scf.if %cond3A_180 {
        %add3A_299 = arith.constant 1 : i32
        %add3A_300 = arith.addi %add3A_169, %add3A_299 : i32
        %rem3A_301 = arith.constant 4 : i32
        %rem3A_302 = arith.remsi %add3A_300, %rem3A_301 : i32
        %dma_wait3A_303 = arith.constant 0 : i32
        %dma_wait3A_304 = arith.constant 0 : i32
        %dma_wait3A_305 = arith.constant 0 : i32
        %dma_wait3A_306 = tpu.memref_slice %arg5[%dma_wait3A_304, %dma_wait3A_305] : memref<12x112xi32, #tpu.memory_space<vmem>> -> memref<3x112xi32, #tpu.memory_space<vmem>>
        %dma_wait3A_307 = arith.constant 0 : i32
        %dma_wait3A_308 = arith.constant 0 : i32
        %dma_wait3A_309 = tpu.memref_slice %arg3[%dma_wait3A_303, %dma_wait3A_307, %dma_wait3A_308] : memref<2880x3x112xi32, #tpu.memory_space<hbm>> -> memref<1x3x112xi32, #tpu.memory_space<hbm>>
        %dma_wait3A_310 = tpu.memref_squeeze %dma_wait3A_309 : memref<1x3x112xi32, #tpu.memory_space<hbm>> -> memref<3x112xi32, #tpu.memory_space<hbm>>
        %dma_wait3A_311 = tpu.memref_slice %arg8[%rem3A_302] : memref<4x!tpu.dma_semaphore, #tpu.memory_space<semaphore_mem>> -> memref<1x!tpu.dma_semaphore, #tpu.memory_space<semaphore_mem>>
        %dma_wait3A_312 = tpu.memref_squeeze %dma_wait3A_311 : memref<1x!tpu.dma_semaphore, #tpu.memory_space<semaphore_mem>> -> memref<!tpu.dma_semaphore, #tpu.memory_space<semaphore_mem>>
        %dma_wait3A_313 = arith.constant 0 : i32
        %dma_wait3A_314 = arith.constant 0 : i32
        %dma_wait3A_315 = tpu.memref_slice %arg5[%dma_wait3A_313, %dma_wait3A_314] : memref<12x112xi32, #tpu.memory_space<vmem>> -> memref<3x112xi32, #tpu.memory_space<vmem>>
        %dma_wait3A_316 = arith.constant 0 : i32
        %dma_wait3A_317 = arith.constant 0 : i32
        %dma_wait3A_318 = tpu.memref_slice %arg3[%dma_wait3A_303, %dma_wait3A_316, %dma_wait3A_317] : memref<2880x3x112xi32, #tpu.memory_space<hbm>> -> memref<1x3x112xi32, #tpu.memory_space<hbm>>
        %dma_wait3A_319 = tpu.memref_squeeze %dma_wait3A_318 : memref<1x3x112xi32, #tpu.memory_space<hbm>> -> memref<3x112xi32, #tpu.memory_space<hbm>>
        tpu.wait_dma2 semaphore(%dma_wait3A_312 : memref<!tpu.dma_semaphore, #tpu.memory_space<semaphore_mem>>) src(%dma_wait3A_319 : memref<3x112xi32, #tpu.memory_space<hbm>>) dst(%dma_wait3A_315 : memref<3x112xi32, #tpu.memory_space<vmem>>)
        %add3A_320 = arith.constant 1 : i32
        %add3A_321 = arith.addi %add3A_169, %add3A_320 : i32
        %rem3A_322 = arith.constant 4 : i32
        %rem3A_323 = arith.remsi %add3A_321, %rem3A_322 : i32
        %rem3A_324 = arith.constant 3 : i32
        %rem3A_325 = arith.remsi %add3A_321, %rem3A_324 : i32
        %mul3A_326 = arith.constant 3 : i32
        %mul3A_327 = arith.muli %rem3A_323, %mul3A_326 : i32
        %dma_start3A_328 = arith.constant 0 : i32
        %dma_start3A_329 = arith.constant 0 : i32
        %dma_start3A_330 = tpu.memref_slice %arg6[%rem3A_325, %dma_start3A_328, %dma_start3A_329] : memref<3x112x128xf32, #tpu.memory_space<vmem>> -> memref<1x112x128xf32, #tpu.memory_space<vmem>>
        %dma_start3A_331 = tpu.memref_squeeze %dma_start3A_330 : memref<1x112x128xf32, #tpu.memory_space<vmem>> -> memref<112x128xf32, #tpu.memory_space<vmem>>
        %dma_start3A_332 = arith.constant 0 : i32
        %dma_start3A_333 = tpu.memref_slice %arg5[%mul3A_327, %dma_start3A_332] : memref<12x112xi32, #tpu.memory_space<vmem>> -> memref<1x112xi32, #tpu.memory_space<vmem>>
        %dma_start3A_334 = tpu.memref_squeeze %dma_start3A_333 : memref<1x112xi32, #tpu.memory_space<vmem>> -> memref<112xi32, #tpu.memory_space<vmem>>
        %dma_start3A_335 = arith.constant 0 : i32
        %dma_start3A_336 = arith.constant 0 : i32
        %dma_start3A_337 = tpu.memref_slice %arg2[%dma_start3A_335, %dma_start3A_336] : memref<10000x128xf32, #tpu.memory_space<hbm>> -> memref<10000x128xf32, #tpu.memory_space<hbm>>
        %dma_start3A_338 = tpu.memref_slice %arg9[%rem3A_325] : memref<3x!tpu.dma_semaphore, #tpu.memory_space<semaphore_mem>> -> memref<1x!tpu.dma_semaphore, #tpu.memory_space<semaphore_mem>>
        %dma_start3A_339 = tpu.memref_squeeze %dma_start3A_338 : memref<1x!tpu.dma_semaphore, #tpu.memory_space<semaphore_mem>> -> memref<!tpu.dma_semaphore, #tpu.memory_space<semaphore_mem>>
        tpu.enqueue_indirect_dma source(%dma_start3A_337 : memref<10000x128xf32, #tpu.memory_space<hbm>>) target(%dma_start3A_331 : memref<112x128xf32, #tpu.memory_space<vmem>>) offsets(%dma_start3A_334 : memref<112xi32, #tpu.memory_space<vmem>>) semaphore(%dma_start3A_339 : memref<!tpu.dma_semaphore, #tpu.memory_space<semaphore_mem>>)
      } else {
      }
      %rem3A_181 = arith.constant 3 : i32
      %rem3A_182 = arith.remsi %add3A_169, %rem3A_181 : i32
      %dma_wait3A_183 = arith.constant 0 : i32
      %dma_wait3A_184 = arith.constant 0 : i32
      %dma_wait3A_185 = arith.constant 0 : i32
      %dma_wait3A_186 = arith.constant 0 : i32
      %dma_wait3A_187 = tpu.memref_slice %arg6[%dma_wait3A_184, %dma_wait3A_185, %dma_wait3A_186] : memref<3x112x128xf32, #tpu.memory_space<vmem>> -> memref<1x112x128xf32, #tpu.memory_space<vmem>>
      %dma_wait3A_188 = tpu.memref_squeeze %dma_wait3A_187 : memref<1x112x128xf32, #tpu.memory_space<vmem>> -> memref<112x128xf32, #tpu.memory_space<vmem>>
      %dma_wait3A_189 = arith.constant 0 : i32
      %dma_wait3A_190 = tpu.memref_slice %arg5[%dma_wait3A_183, %dma_wait3A_189] : memref<12x112xi32, #tpu.memory_space<vmem>> -> memref<1x112xi32, #tpu.memory_space<vmem>>
      %dma_wait3A_191 = tpu.memref_squeeze %dma_wait3A_190 : memref<1x112xi32, #tpu.memory_space<vmem>> -> memref<112xi32, #tpu.memory_space<vmem>>
      %dma_wait3A_192 = arith.constant 0 : i32
      %dma_wait3A_193 = arith.constant 0 : i32
      %dma_wait3A_194 = tpu.memref_slice %arg2[%dma_wait3A_192, %dma_wait3A_193] : memref<10000x128xf32, #tpu.memory_space<hbm>> -> memref<10000x128xf32, #tpu.memory_space<hbm>>
      %dma_wait3A_195 = tpu.memref_slice %arg9[%rem3A_182] : memref<3x!tpu.dma_semaphore, #tpu.memory_space<semaphore_mem>> -> memref<1x!tpu.dma_semaphore, #tpu.memory_space<semaphore_mem>>
      %dma_wait3A_196 = tpu.memref_squeeze %dma_wait3A_195 : memref<1x!tpu.dma_semaphore, #tpu.memory_space<semaphore_mem>> -> memref<!tpu.dma_semaphore, #tpu.memory_space<semaphore_mem>>
      tpu.wait_indirect_dma semaphore(%dma_wait3A_196 : memref<!tpu.dma_semaphore, #tpu.memory_space<semaphore_mem>>) src(%dma_wait3A_194 : memref<10000x128xf32, #tpu.memory_space<hbm>>) dst(%dma_wait3A_188 : memref<112x128xf32, #tpu.memory_space<vmem>>)
      %ge3A = arith.constant 1 : i32
      %ge3A_197 = arith.cmpi sge, %add3A_169, %ge3A : i32
      %convert_element_type3A_198 = arith.extui %ge3A_197 : i1 to i32
      %cond3A_199 = arith.constant 0 : i32
      %cond3A_200 = arith.cmpi ne, %convert_element_type3A_198, %cond3A_199 : i32
      scf.if %cond3A_200 {
        %sub3A_299 = arith.constant 1 : i32
        %sub3A_300 = arith.subi %add3A_169, %sub3A_299 : i32
        %rem3A_301 = arith.constant 3 : i32
        %rem3A_302 = arith.remsi %sub3A_300, %rem3A_301 : i32
        %dma_wait3A_303 = arith.constant 0 : i32
        %dma_wait3A_304 = arith.constant 0 : i32
        %dma_wait3A_305 = arith.constant 0 : i32
        %dma_wait3A_306 = arith.constant 0 : i32
        %dma_wait3A_307 = tpu.memref_slice %arg6[%dma_wait3A_303, %dma_wait3A_305, %dma_wait3A_306] : memref<3x112x128xf32, #tpu.memory_space<vmem>> -> memref<1x112x128xf32, #tpu.memory_space<vmem>>
        %dma_wait3A_308 = tpu.memref_squeeze %dma_wait3A_307 : memref<1x112x128xf32, #tpu.memory_space<vmem>> -> memref<112x128xf32, #tpu.memory_space<vmem>>
        %dma_wait3A_309 = arith.constant 0 : i32
        %dma_wait3A_310 = tpu.memref_slice %arg5[%dma_wait3A_304, %dma_wait3A_309] : memref<12x112xi32, #tpu.memory_space<vmem>> -> memref<1x112xi32, #tpu.memory_space<vmem>>
        %dma_wait3A_311 = tpu.memref_squeeze %dma_wait3A_310 : memref<1x112xi32, #tpu.memory_space<vmem>> -> memref<112xi32, #tpu.memory_space<vmem>>
        %dma_wait3A_312 = arith.constant 0 : i32
        %dma_wait3A_313 = arith.constant 0 : i32
        %dma_wait3A_314 = tpu.memref_slice %arg7[%dma_wait3A_312, %dma_wait3A_313] : memref<10000x128xf32, #tpu.memory_space<vmem_shared>> -> memref<10000x128xf32, #tpu.memory_space<vmem_shared>>
        %dma_wait3A_315 = tpu.memref_slice %arg10[%rem3A_302] : memref<3x!tpu.dma_semaphore, #tpu.memory_space<semaphore_mem>> -> memref<1x!tpu.dma_semaphore, #tpu.memory_space<semaphore_mem>>
        %dma_wait3A_316 = tpu.memref_squeeze %dma_wait3A_315 : memref<1x!tpu.dma_semaphore, #tpu.memory_space<semaphore_mem>> -> memref<!tpu.dma_semaphore, #tpu.memory_space<semaphore_mem>>
        tpu.wait_indirect_dma semaphore(%dma_wait3A_316 : memref<!tpu.dma_semaphore, #tpu.memory_space<semaphore_mem>>) src(%dma_wait3A_308 : memref<112x128xf32, #tpu.memory_space<vmem>>) dst(%dma_wait3A_314 : memref<10000x128xf32, #tpu.memory_space<vmem_shared>>)
      } else {
      }
      %rem3A_201 = arith.constant 4 : i32
      %rem3A_202 = arith.remsi %add3A_169, %rem3A_201 : i32
      %rem3A_203 = arith.constant 3 : i32
      %rem3A_204 = arith.remsi %add3A_169, %rem3A_203 : i32
      %mul3A_205 = arith.constant 3 : i32
      %mul3A_206 = arith.muli %rem3A_202, %mul3A_205 : i32
      %add3A_207 = arith.constant 2 : i32
      %add3A_208 = arith.addi %mul3A_206, %add3A_207 : i32
      %get3A = arith.index_cast %add3A_208 : i32 to index
      %get3A_209 = arith.constant 0 : index
      %get3A_210 = tpu.vector_load %arg5[%get3A, %get3A_209] {strides = array<i32>} : memref<12x112xi32, #tpu.memory_space<vmem>>, vector<16xi32>,
      %bitcast3A = vector.bitcast %get3A_210 : vector<16xi32> to vector<16xf32>
      %parallel_loop3A = arith.constant 0 : i32
      %parallel_loop3A_211 = arith.constant 16 : i32
      %parallel_loop3A_212 = arith.constant 1 : i32
      scf.for %parallel_loop3A_299 = %parallel_loop3A to %parallel_loop3A_211 step %parallel_loop3A_212  : i32 {
        %parallel_loop3A_300 = vector.broadcast %parallel_loop3A_299 : i32 to vector<16xi32>
        %parallel_loop3A_301 = arith.constant 0 : i32
        %parallel_loop3A_302 = vector.broadcast %parallel_loop3A_301 : i32 to vector<16xi32>
        %parallel_loop3A_303 = arith.cmpi slt, %parallel_loop3A_300, %parallel_loop3A_302 : vector<16xi32>
        %parallel_loop3A_304 = arith.constant 16 : i32
        %parallel_loop3A_305 = vector.broadcast %parallel_loop3A_304 : i32 to vector<16xi32>
        %parallel_loop3A_306 = arith.addi %parallel_loop3A_300, %parallel_loop3A_305 : vector<16xi32>
        %parallel_loop3A_307 = arith.select %parallel_loop3A_303, %parallel_loop3A_306, %parallel_loop3A_300 : vector<16xi1>, vector<16xi32>
        %parallel_loop3A_308 = vector.shape_cast %parallel_loop3A_307 : vector<16xi32> to vector<16x1xi32>
        %parallel_loop3A_309 = vector.shape_cast %parallel_loop3A_308 : vector<16x1xi32> to vector<16xi32>
        %parallel_loop3A_310 = tpu.dynamic_gather %bitcast3A[%parallel_loop3A_309] in [0] : vector<16xf32>, vector<16xi32> -> vector<16xf32>
        %parallel_loop3A_311 = arith.constant 0 : i32
        %parallel_loop3A_312 = arith.addi %parallel_loop3A_311, %parallel_loop3A_299 : i32
        %parallel_loop3A_313 = arith.index_cast %rem3A_204 : i32 to index
        %parallel_loop3A_314 = arith.index_cast %parallel_loop3A_312 : i32 to index
        %parallel_loop3A_315 = arith.constant 0 : index
        %parallel_loop3A_316 = tpu.vector_load %arg6[%parallel_loop3A_313, %parallel_loop3A_314, %parallel_loop3A_315] {strides = array<i32>} : memref<3x112x128xf32, #tpu.memory_space<vmem>>, vector<16xf32>,
        %parallel_loop3A_317 = arith.mulf %parallel_loop3A_316, %parallel_loop3A_310 : vector<16xf32>
        %parallel_loop3A_318 = arith.index_cast %rem3A_204 : i32 to index
        %parallel_loop3A_319 = arith.index_cast %parallel_loop3A_312 : i32 to index
        %parallel_loop3A_320 = arith.constant 0 : index
        %parallel_loop3A_321 = tpu.vector_load %arg6[%parallel_loop3A_318, %parallel_loop3A_319, %parallel_loop3A_320] {strides = array<i32>} : memref<3x112x128xf32, #tpu.memory_space<vmem>>, vector<16xf32>,
        tpu.vector_store %arg6[%parallel_loop3A_318, %parallel_loop3A_319, %parallel_loop3A_320], %parallel_loop3A_317 {strides = array<i32>} : memref<3x112x128xf32, #tpu.memory_space<vmem>>, vector<16xf32>,
        %parallel_loop3A_322 = arith.index_cast %rem3A_204 : i32 to index
        %parallel_loop3A_323 = arith.index_cast %parallel_loop3A_312 : i32 to index
        %parallel_loop3A_324 = arith.constant 16 : index
        %parallel_loop3A_325 = tpu.vector_load %arg6[%parallel_loop3A_322, %parallel_loop3A_323, %parallel_loop3A_324] {strides = array<i32>} : memref<3x112x128xf32, #tpu.memory_space<vmem>>, vector<16xf32>,
        %parallel_loop3A_326 = arith.mulf %parallel_loop3A_325, %parallel_loop3A_310 : vector<16xf32>
        %parallel_loop3A_327 = arith.index_cast %rem3A_204 : i32 to index
        %parallel_loop3A_328 = arith.index_cast %parallel_loop3A_312 : i32 to index
        %parallel_loop3A_329 = arith.constant 16 : index
        %parallel_loop3A_330 = tpu.vector_load %arg6[%parallel_loop3A_327, %parallel_loop3A_328, %parallel_loop3A_329] {strides = array<i32>} : memref<3x112x128xf32, #tpu.memory_space<vmem>>, vector<16xf32>,
        tpu.vector_store %arg6[%parallel_loop3A_327, %parallel_loop3A_328, %parallel_loop3A_329], %parallel_loop3A_326 {strides = array<i32>} : memref<3x112x128xf32, #tpu.memory_space<vmem>>, vector<16xf32>,
        %parallel_loop3A_331 = arith.index_cast %rem3A_204 : i32 to index
        %parallel_loop3A_332 = arith.index_cast %parallel_loop3A_312 : i32 to index
        %parallel_loop3A_333 = arith.constant 32 : index
        %parallel_loop3A_334 = tpu.vector_load %arg6[%parallel_loop3A_331, %parallel_loop3A_332, %parallel_loop3A_333] {strides = array<i32>} : memref<3x112x128xf32, #tpu.memory_space<vmem>>, vector<16xf32>,
        %parallel_loop3A_335 = arith.mulf %parallel_loop3A_334, %parallel_loop3A_310 : vector<16xf32>
        %parallel_loop3A_336 = arith.index_cast %rem3A_204 : i32 to index
        %parallel_loop3A_337 = arith.index_cast %parallel_loop3A_312 : i32 to index
        %parallel_loop3A_338 = arith.constant 32 : index
        %parallel_loop3A_339 = tpu.vector_load %arg6[%parallel_loop3A_336, %parallel_loop3A_337, %parallel_loop3A_338] {strides = array<i32>} : memref<3x112x128xf32, #tpu.memory_space<vmem>>, vector<16xf32>,
        tpu.vector_store %arg6[%parallel_loop3A_336, %parallel_loop3A_337, %parallel_loop3A_338], %parallel_loop3A_335 {strides = array<i32>} : memref<3x112x128xf32, #tpu.memory_space<vmem>>, vector<16xf32>,
        %parallel_loop3A_340 = arith.index_cast %rem3A_204 : i32 to index
        %parallel_loop3A_341 = arith.index_cast %parallel_loop3A_312 : i32 to index
        %parallel_loop3A_342 = arith.constant 48 : index
        %parallel_loop3A_343 = tpu.vector_load %arg6[%parallel_loop3A_340, %parallel_loop3A_341, %parallel_loop3A_342] {strides = array<i32>} : memref<3x112x128xf32, #tpu.memory_space<vmem>>, vector<16xf32>,
        %parallel_loop3A_344 = arith.mulf %parallel_loop3A_343, %parallel_loop3A_310 : vector<16xf32>
        %parallel_loop3A_345 = arith.index_cast %rem3A_204 : i32 to index
        %parallel_loop3A_346 = arith.index_cast %parallel_loop3A_312 : i32 to index
        %parallel_loop3A_347 = arith.constant 48 : index
        %parallel_loop3A_348 = tpu.vector_load %arg6[%parallel_loop3A_345, %parallel_loop3A_346, %parallel_loop3A_347] {strides = array<i32>} : memref<3x112x128xf32, #tpu.memory_space<vmem>>, vector<16xf32>,
        tpu.vector_store %arg6[%parallel_loop3A_345, %parallel_loop3A_346, %parallel_loop3A_347], %parallel_loop3A_344 {strides = array<i32>} : memref<3x112x128xf32, #tpu.memory_space<vmem>>, vector<16xf32>,
        %parallel_loop3A_349 = arith.index_cast %rem3A_204 : i32 to index
        %parallel_loop3A_350 = arith.index_cast %parallel_loop3A_312 : i32 to index
        %parallel_loop3A_351 = arith.constant 64 : index
        %parallel_loop3A_352 = tpu.vector_load %arg6[%parallel_loop3A_349, %parallel_loop3A_350, %parallel_loop3A_351] {strides = array<i32>} : memref<3x112x128xf32, #tpu.memory_space<vmem>>, vector<16xf32>,
        %parallel_loop3A_353 = arith.mulf %parallel_loop3A_352, %parallel_loop3A_310 : vector<16xf32>
        %parallel_loop3A_354 = arith.index_cast %rem3A_204 : i32 to index
        %parallel_loop3A_355 = arith.index_cast %parallel_loop3A_312 : i32 to index
        %parallel_loop3A_356 = arith.constant 64 : index
        %parallel_loop3A_357 = tpu.vector_load %arg6[%parallel_loop3A_354, %parallel_loop3A_355, %parallel_loop3A_356] {strides = array<i32>} : memref<3x112x128xf32, #tpu.memory_space<vmem>>, vector<16xf32>,
        tpu.vector_store %arg6[%parallel_loop3A_354, %parallel_loop3A_355, %parallel_loop3A_356], %parallel_loop3A_353 {strides = array<i32>} : memref<3x112x128xf32, #tpu.memory_space<vmem>>, vector<16xf32>,
        %parallel_loop3A_358 = arith.index_cast %rem3A_204 : i32 to index
        %parallel_loop3A_359 = arith.index_cast %parallel_loop3A_312 : i32 to index
        %parallel_loop3A_360 = arith.constant 80 : index
        %parallel_loop3A_361 = tpu.vector_load %arg6[%parallel_loop3A_358, %parallel_loop3A_359, %parallel_loop3A_360] {strides = array<i32>} : memref<3x112x128xf32, #tpu.memory_space<vmem>>, vector<16xf32>,
        %parallel_loop3A_362 = arith.mulf %parallel_loop3A_361, %parallel_loop3A_310 : vector<16xf32>
        %parallel_loop3A_363 = arith.index_cast %rem3A_204 : i32 to index
        %parallel_loop3A_364 = arith.index_cast %parallel_loop3A_312 : i32 to index
        %parallel_loop3A_365 = arith.constant 80 : index
        %parallel_loop3A_366 = tpu.vector_load %arg6[%parallel_loop3A_363, %parallel_loop3A_364, %parallel_loop3A_365] {strides = array<i32>} : memref<3x112x128xf32, #tpu.memory_space<vmem>>, vector<16xf32>,
        tpu.vector_store %arg6[%parallel_loop3A_363, %parallel_loop3A_364, %parallel_loop3A_365], %parallel_loop3A_362 {strides = array<i32>} : memref<3x112x128xf32, #tpu.memory_space<vmem>>, vector<16xf32>,
        %parallel_loop3A_367 = arith.index_cast %rem3A_204 : i32 to index
        %parallel_loop3A_368 = arith.index_cast %parallel_loop3A_312 : i32 to index
        %parallel_loop3A_369 = arith.constant 96 : index
        %parallel_loop3A_370 = tpu.vector_load %arg6[%parallel_loop3A_367, %parallel_loop3A_368, %parallel_loop3A_369] {strides = array<i32>} : memref<3x112x128xf32, #tpu.memory_space<vmem>>, vector<16xf32>,
        %parallel_loop3A_371 = arith.mulf %parallel_loop3A_370, %parallel_loop3A_310 : vector<16xf32>
        %parallel_loop3A_372 = arith.index_cast %rem3A_204 : i32 to index
        %parallel_loop3A_373 = arith.index_cast %parallel_loop3A_312 : i32 to index
        %parallel_loop3A_374 = arith.constant 96 : index
        %parallel_loop3A_375 = tpu.vector_load %arg6[%parallel_loop3A_372, %parallel_loop3A_373, %parallel_loop3A_374] {strides = array<i32>} : memref<3x112x128xf32, #tpu.memory_space<vmem>>, vector<16xf32>,
        tpu.vector_store %arg6[%parallel_loop3A_372, %parallel_loop3A_373, %parallel_loop3A_374], %parallel_loop3A_371 {strides = array<i32>} : memref<3x112x128xf32, #tpu.memory_space<vmem>>, vector<16xf32>,
        %parallel_loop3A_376 = arith.index_cast %rem3A_204 : i32 to index
        %parallel_loop3A_377 = arith.index_cast %parallel_loop3A_312 : i32 to index
        %parallel_loop3A_378 = arith.constant 112 : index
        %parallel_loop3A_379 = tpu.vector_load %arg6[%parallel_loop3A_376, %parallel_loop3A_377, %parallel_loop3A_378] {strides = array<i32>} : memref<3x112x128xf32, #tpu.memory_space<vmem>>, vector<16xf32>,
        %parallel_loop3A_380 = arith.mulf %parallel_loop3A_379, %parallel_loop3A_310 : vector<16xf32>
        %parallel_loop3A_381 = arith.index_cast %rem3A_204 : i32 to index
        %parallel_loop3A_382 = arith.index_cast %parallel_loop3A_312 : i32 to index
        %parallel_loop3A_383 = arith.constant 112 : index
        %parallel_loop3A_384 = tpu.vector_load %arg6[%parallel_loop3A_381, %parallel_loop3A_382, %parallel_loop3A_383] {strides = array<i32>} : memref<3x112x128xf32, #tpu.memory_space<vmem>>, vector<16xf32>,
        tpu.vector_store %arg6[%parallel_loop3A_381, %parallel_loop3A_382, %parallel_loop3A_383], %parallel_loop3A_380 {strides = array<i32>} : memref<3x112x128xf32, #tpu.memory_space<vmem>>, vector<16xf32>,
      } {sc.loop_unroll_factor = 4 : i64, sc.parallel_access}
      %mul3A_213 = arith.constant 3 : i32
      %mul3A_214 = arith.muli %rem3A_202, %mul3A_213 : i32
      %add3A_215 = arith.constant 2 : i32
      %add3A_216 = arith.addi %mul3A_214, %add3A_215 : i32
      %get3A_217 = arith.index_cast %add3A_216 : i32 to index
      %get3A_218 = arith.constant 16 : index
      %get3A_219 = tpu.vector_load %arg5[%get3A_217, %get3A_218] {strides = array<i32>} : memref<12x112xi32, #tpu.memory_space<vmem>>, vector<16xi32>,
      %bitcast3A_220 = vector.bitcast %get3A_219 : vector<16xi32> to vector<16xf32>
      %parallel_loop3A_221 = arith.constant 0 : i32
      %parallel_loop3A_222 = arith.constant 16 : i32
      %parallel_loop3A_223 = arith.constant 1 : i32
      scf.for %parallel_loop3A_299 = %parallel_loop3A_221 to %parallel_loop3A_222 step %parallel_loop3A_223  : i32 {
        %parallel_loop3A_300 = vector.broadcast %parallel_loop3A_299 : i32 to vector<16xi32>
        %parallel_loop3A_301 = arith.constant 0 : i32
        %parallel_loop3A_302 = vector.broadcast %parallel_loop3A_301 : i32 to vector<16xi32>
        %parallel_loop3A_303 = arith.cmpi slt, %parallel_loop3A_300, %parallel_loop3A_302 : vector<16xi32>
        %parallel_loop3A_304 = arith.constant 16 : i32
        %parallel_loop3A_305 = vector.broadcast %parallel_loop3A_304 : i32 to vector<16xi32>
        %parallel_loop3A_306 = arith.addi %parallel_loop3A_300, %parallel_loop3A_305 : vector<16xi32>
        %parallel_loop3A_307 = arith.select %parallel_loop3A_303, %parallel_loop3A_306, %parallel_loop3A_300 : vector<16xi1>, vector<16xi32>
        %parallel_loop3A_308 = vector.shape_cast %parallel_loop3A_307 : vector<16xi32> to vector<16x1xi32>
        %parallel_loop3A_309 = vector.shape_cast %parallel_loop3A_308 : vector<16x1xi32> to vector<16xi32>
        %parallel_loop3A_310 = tpu.dynamic_gather %bitcast3A_220[%parallel_loop3A_309] in [0] : vector<16xf32>, vector<16xi32> -> vector<16xf32>
        %parallel_loop3A_311 = arith.constant 16 : i32
        %parallel_loop3A_312 = arith.addi %parallel_loop3A_311, %parallel_loop3A_299 : i32
        %parallel_loop3A_313 = arith.index_cast %rem3A_204 : i32 to index
        %parallel_loop3A_314 = arith.index_cast %parallel_loop3A_312 : i32 to index
        %parallel_loop3A_315 = arith.constant 0 : index
        %parallel_loop3A_316 = tpu.vector_load %arg6[%parallel_loop3A_313, %parallel_loop3A_314, %parallel_loop3A_315] {strides = array<i32>} : memref<3x112x128xf32, #tpu.memory_space<vmem>>, vector<16xf32>,
        %parallel_loop3A_317 = arith.mulf %parallel_loop3A_316, %parallel_loop3A_310 : vector<16xf32>
        %parallel_loop3A_318 = arith.index_cast %rem3A_204 : i32 to index
        %parallel_loop3A_319 = arith.index_cast %parallel_loop3A_312 : i32 to index
        %parallel_loop3A_320 = arith.constant 0 : index
        %parallel_loop3A_321 = tpu.vector_load %arg6[%parallel_loop3A_318, %parallel_loop3A_319, %parallel_loop3A_320] {strides = array<i32>} : memref<3x112x128xf32, #tpu.memory_space<vmem>>, vector<16xf32>,
        tpu.vector_store %arg6[%parallel_loop3A_318, %parallel_loop3A_319, %parallel_loop3A_320], %parallel_loop3A_317 {strides = array<i32>} : memref<3x112x128xf32, #tpu.memory_space<vmem>>, vector<16xf32>,
        %parallel_loop3A_322 = arith.index_cast %rem3A_204 : i32 to index
        %parallel_loop3A_323 = arith.index_cast %parallel_loop3A_312 : i32 to index
        %parallel_loop3A_324 = arith.constant 16 : index
        %parallel_loop3A_325 = tpu.vector_load %arg6[%parallel_loop3A_322, %parallel_loop3A_323, %parallel_loop3A_324] {strides = array<i32>} : memref<3x112x128xf32, #tpu.memory_space<vmem>>, vector<16xf32>,
        %parallel_loop3A_326 = arith.mulf %parallel_loop3A_325, %parallel_loop3A_310 : vector<16xf32>
        %parallel_loop3A_327 = arith.index_cast %rem3A_204 : i32 to index
        %parallel_loop3A_328 = arith.index_cast %parallel_loop3A_312 : i32 to index
        %parallel_loop3A_329 = arith.constant 16 : index
        %parallel_loop3A_330 = tpu.vector_load %arg6[%parallel_loop3A_327, %parallel_loop3A_328, %parallel_loop3A_329] {strides = array<i32>} : memref<3x112x128xf32, #tpu.memory_space<vmem>>, vector<16xf32>,
        tpu.vector_store %arg6[%parallel_loop3A_327, %parallel_loop3A_328, %parallel_loop3A_329], %parallel_loop3A_326 {strides = array<i32>} : memref<3x112x128xf32, #tpu.memory_space<vmem>>, vector<16xf32>,
        %parallel_loop3A_331 = arith.index_cast %rem3A_204 : i32 to index
        %parallel_loop3A_332 = arith.index_cast %parallel_loop3A_312 : i32 to index
        %parallel_loop3A_333 = arith.constant 32 : index
        %parallel_loop3A_334 = tpu.vector_load %arg6[%parallel_loop3A_331, %parallel_loop3A_332, %parallel_loop3A_333] {strides = array<i32>} : memref<3x112x128xf32, #tpu.memory_space<vmem>>, vector<16xf32>,
        %parallel_loop3A_335 = arith.mulf %parallel_loop3A_334, %parallel_loop3A_310 : vector<16xf32>
        %parallel_loop3A_336 = arith.index_cast %rem3A_204 : i32 to index
        %parallel_loop3A_337 = arith.index_cast %parallel_loop3A_312 : i32 to index
        %parallel_loop3A_338 = arith.constant 32 : index
        %parallel_loop3A_339 = tpu.vector_load %arg6[%parallel_loop3A_336, %parallel_loop3A_337, %parallel_loop3A_338] {strides = array<i32>} : memref<3x112x128xf32, #tpu.memory_space<vmem>>, vector<16xf32>,
        tpu.vector_store %arg6[%parallel_loop3A_336, %parallel_loop3A_337, %parallel_loop3A_338], %parallel_loop3A_335 {strides = array<i32>} : memref<3x112x128xf32, #tpu.memory_space<vmem>>, vector<16xf32>,
        %parallel_loop3A_340 = arith.index_cast %rem3A_204 : i32 to index
        %parallel_loop3A_341 = arith.index_cast %parallel_loop3A_312 : i32 to index
        %parallel_loop3A_342 = arith.constant 48 : index
        %parallel_loop3A_343 = tpu.vector_load %arg6[%parallel_loop3A_340, %parallel_loop3A_341, %parallel_loop3A_342] {strides = array<i32>} : memref<3x112x128xf32, #tpu.memory_space<vmem>>, vector<16xf32>,
        %parallel_loop3A_344 = arith.mulf %parallel_loop3A_343, %parallel_loop3A_310 : vector<16xf32>
        %parallel_loop3A_345 = arith.index_cast %rem3A_204 : i32 to index
        %parallel_loop3A_346 = arith.index_cast %parallel_loop3A_312 : i32 to index
        %parallel_loop3A_347 = arith.constant 48 : index
        %parallel_loop3A_348 = tpu.vector_load %arg6[%parallel_loop3A_345, %parallel_loop3A_346, %parallel_loop3A_347] {strides = array<i32>} : memref<3x112x128xf32, #tpu.memory_space<vmem>>, vector<16xf32>,
        tpu.vector_store %arg6[%parallel_loop3A_345, %parallel_loop3A_346, %parallel_loop3A_347], %parallel_loop3A_344 {strides = array<i32>} : memref<3x112x128xf32, #tpu.memory_space<vmem>>, vector<16xf32>,
        %parallel_loop3A_349 = arith.index_cast %rem3A_204 : i32 to index
        %parallel_loop3A_350 = arith.index_cast %parallel_loop3A_312 : i32 to index
        %parallel_loop3A_351 = arith.constant 64 : index
        %parallel_loop3A_352 = tpu.vector_load %arg6[%parallel_loop3A_349, %parallel_loop3A_350, %parallel_loop3A_351] {strides = array<i32>} : memref<3x112x128xf32, #tpu.memory_space<vmem>>, vector<16xf32>,
        %parallel_loop3A_353 = arith.mulf %parallel_loop3A_352, %parallel_loop3A_310 : vector<16xf32>
        %parallel_loop3A_354 = arith.index_cast %rem3A_204 : i32 to index
        %parallel_loop3A_355 = arith.index_cast %parallel_loop3A_312 : i32 to index
        %parallel_loop3A_356 = arith.constant 64 : index
        %parallel_loop3A_357 = tpu.vector_load %arg6[%parallel_loop3A_354, %parallel_loop3A_355, %parallel_loop3A_356] {strides = array<i32>} : memref<3x112x128xf32, #tpu.memory_space<vmem>>, vector<16xf32>,
        tpu.vector_store %arg6[%parallel_loop3A_354, %parallel_loop3A_355, %parallel_loop3A_356], %parallel_loop3A_353 {strides = array<i32>} : memref<3x112x128xf32, #tpu.memory_space<vmem>>, vector<16xf32>,
        %parallel_loop3A_358 = arith.index_cast %rem3A_204 : i32 to index
        %parallel_loop3A_359 = arith.index_cast %parallel_loop3A_312 : i32 to index
        %parallel_loop3A_360 = arith.constant 80 : index
        %parallel_loop3A_361 = tpu.vector_load %arg6[%parallel_loop3A_358, %parallel_loop3A_359, %parallel_loop3A_360] {strides = array<i32>} : memref<3x112x128xf32, #tpu.memory_space<vmem>>, vector<16xf32>,
        %parallel_loop3A_362 = arith.mulf %parallel_loop3A_361, %parallel_loop3A_310 : vector<16xf32>
        %parallel_loop3A_363 = arith.index_cast %rem3A_204 : i32 to index
        %parallel_loop3A_364 = arith.index_cast %parallel_loop3A_312 : i32 to index
        %parallel_loop3A_365 = arith.constant 80 : index
        %parallel_loop3A_366 = tpu.vector_load %arg6[%parallel_loop3A_363, %parallel_loop3A_364, %parallel_loop3A_365] {strides = array<i32>} : memref<3x112x128xf32, #tpu.memory_space<vmem>>, vector<16xf32>,
        tpu.vector_store %arg6[%parallel_loop3A_363, %parallel_loop3A_364, %parallel_loop3A_365], %parallel_loop3A_362 {strides = array<i32>} : memref<3x112x128xf32, #tpu.memory_space<vmem>>, vector<16xf32>,
        %parallel_loop3A_367 = arith.index_cast %rem3A_204 : i32 to index
        %parallel_loop3A_368 = arith.index_cast %parallel_loop3A_312 : i32 to index
        %parallel_loop3A_369 = arith.constant 96 : index
        %parallel_loop3A_370 = tpu.vector_load %arg6[%parallel_loop3A_367, %parallel_loop3A_368, %parallel_loop3A_369] {strides = array<i32>} : memref<3x112x128xf32, #tpu.memory_space<vmem>>, vector<16xf32>,
        %parallel_loop3A_371 = arith.mulf %parallel_loop3A_370, %parallel_loop3A_310 : vector<16xf32>
        %parallel_loop3A_372 = arith.index_cast %rem3A_204 : i32 to index
        %parallel_loop3A_373 = arith.index_cast %parallel_loop3A_312 : i32 to index
        %parallel_loop3A_374 = arith.constant 96 : index
        %parallel_loop3A_375 = tpu.vector_load %arg6[%parallel_loop3A_372, %parallel_loop3A_373, %parallel_loop3A_374] {strides = array<i32>} : memref<3x112x128xf32, #tpu.memory_space<vmem>>, vector<16xf32>,
        tpu.vector_store %arg6[%parallel_loop3A_372, %parallel_loop3A_373, %parallel_loop3A_374], %parallel_loop3A_371 {strides = array<i32>} : memref<3x112x128xf32, #tpu.memory_space<vmem>>, vector<16xf32>,
        %parallel_loop3A_376 = arith.index_cast %rem3A_204 : i32 to index
        %parallel_loop3A_377 = arith.index_cast %parallel_loop3A_312 : i32 to index
        %parallel_loop3A_378 = arith.constant 112 : index
        %parallel_loop3A_379 = tpu.vector_load %arg6[%parallel_loop3A_376, %parallel_loop3A_377, %parallel_loop3A_378] {strides = array<i32>} : memref<3x112x128xf32, #tpu.memory_space<vmem>>, vector<16xf32>,
        %parallel_loop3A_380 = arith.mulf %parallel_loop3A_379, %parallel_loop3A_310 : vector<16xf32>
        %parallel_loop3A_381 = arith.index_cast %rem3A_204 : i32 to index
        %parallel_loop3A_382 = arith.index_cast %parallel_loop3A_312 : i32 to index
        %parallel_loop3A_383 = arith.constant 112 : index
        %parallel_loop3A_384 = tpu.vector_load %arg6[%parallel_loop3A_381, %parallel_loop3A_382, %parallel_loop3A_383] {strides = array<i32>} : memref<3x112x128xf32, #tpu.memory_space<vmem>>, vector<16xf32>,
        tpu.vector_store %arg6[%parallel_loop3A_381, %parallel_loop3A_382, %parallel_loop3A_383], %parallel_loop3A_380 {strides = array<i32>} : memref<3x112x128xf32, #tpu.memory_space<vmem>>, vector<16xf32>,
      } {sc.loop_unroll_factor = 4 : i64, sc.parallel_access}
      %mul3A_224 = arith.constant 3 : i32
      %mul3A_225 = arith.muli %rem3A_202, %mul3A_224 : i32
      %add3A_226 = arith.constant 2 : i32
      %add3A_227 = arith.addi %mul3A_225, %add3A_226 : i32
      %get3A_228 = arith.index_cast %add3A_227 : i32 to index
      %get3A_229 = arith.constant 32 : index
      %get3A_230 = tpu.vector_load %arg5[%get3A_228, %get3A_229] {strides = array<i32>} : memref<12x112xi32, #tpu.memory_space<vmem>>, vector<16xi32>,
      %bitcast3A_231 = vector.bitcast %get3A_230 : vector<16xi32> to vector<16xf32>
      %parallel_loop3A_232 = arith.constant 0 : i32
      %parallel_loop3A_233 = arith.constant 16 : i32
      %parallel_loop3A_234 = arith.constant 1 : i32
      scf.for %parallel_loop3A_299 = %parallel_loop3A_232 to %parallel_loop3A_233 step %parallel_loop3A_234  : i32 {
        %parallel_loop3A_300 = vector.broadcast %parallel_loop3A_299 : i32 to vector<16xi32>
        %parallel_loop3A_301 = arith.constant 0 : i32
        %parallel_loop3A_302 = vector.broadcast %parallel_loop3A_301 : i32 to vector<16xi32>
        %parallel_loop3A_303 = arith.cmpi slt, %parallel_loop3A_300, %parallel_loop3A_302 : vector<16xi32>
        %parallel_loop3A_304 = arith.constant 16 : i32
        %parallel_loop3A_305 = vector.broadcast %parallel_loop3A_304 : i32 to vector<16xi32>
        %parallel_loop3A_306 = arith.addi %parallel_loop3A_300, %parallel_loop3A_305 : vector<16xi32>
        %parallel_loop3A_307 = arith.select %parallel_loop3A_303, %parallel_loop3A_306, %parallel_loop3A_300 : vector<16xi1>, vector<16xi32>
        %parallel_loop3A_308 = vector.shape_cast %parallel_loop3A_307 : vector<16xi32> to vector<16x1xi32>
        %parallel_loop3A_309 = vector.shape_cast %parallel_loop3A_308 : vector<16x1xi32> to vector<16xi32>
        %parallel_loop3A_310 = tpu.dynamic_gather %bitcast3A_231[%parallel_loop3A_309] in [0] : vector<16xf32>, vector<16xi32> -> vector<16xf32>
        %parallel_loop3A_311 = arith.constant 32 : i32
        %parallel_loop3A_312 = arith.addi %parallel_loop3A_311, %parallel_loop3A_299 : i32
        %parallel_loop3A_313 = arith.index_cast %rem3A_204 : i32 to index
        %parallel_loop3A_314 = arith.index_cast %parallel_loop3A_312 : i32 to index
        %parallel_loop3A_315 = arith.constant 0 : index
        %parallel_loop3A_316 = tpu.vector_load %arg6[%parallel_loop3A_313, %parallel_loop3A_314, %parallel_loop3A_315] {strides = array<i32>} : memref<3x112x128xf32, #tpu.memory_space<vmem>>, vector<16xf32>,
        %parallel_loop3A_317 = arith.mulf %parallel_loop3A_316, %parallel_loop3A_310 : vector<16xf32>
        %parallel_loop3A_318 = arith.index_cast %rem3A_204 : i32 to index
        %parallel_loop3A_319 = arith.index_cast %parallel_loop3A_312 : i32 to index
        %parallel_loop3A_320 = arith.constant 0 : index
        %parallel_loop3A_321 = tpu.vector_load %arg6[%parallel_loop3A_318, %parallel_loop3A_319, %parallel_loop3A_320] {strides = array<i32>} : memref<3x112x128xf32, #tpu.memory_space<vmem>>, vector<16xf32>,
        tpu.vector_store %arg6[%parallel_loop3A_318, %parallel_loop3A_319, %parallel_loop3A_320], %parallel_loop3A_317 {strides = array<i32>} : memref<3x112x128xf32, #tpu.memory_space<vmem>>, vector<16xf32>,
        %parallel_loop3A_322 = arith.index_cast %rem3A_204 : i32 to index
        %parallel_loop3A_323 = arith.index_cast %parallel_loop3A_312 : i32 to index
        %parallel_loop3A_324 = arith.constant 16 : index
        %parallel_loop3A_325 = tpu.vector_load %arg6[%parallel_loop3A_322, %parallel_loop3A_323, %parallel_loop3A_324] {strides = array<i32>} : memref<3x112x128xf32, #tpu.memory_space<vmem>>, vector<16xf32>,
        %parallel_loop3A_326 = arith.mulf %parallel_loop3A_325, %parallel_loop3A_310 : vector<16xf32>
        %parallel_loop3A_327 = arith.index_cast %rem3A_204 : i32 to index
        %parallel_loop3A_328 = arith.index_cast %parallel_loop3A_312 : i32 to index
        %parallel_loop3A_329 = arith.constant 16 : index
        %parallel_loop3A_330 = tpu.vector_load %arg6[%parallel_loop3A_327, %parallel_loop3A_328, %parallel_loop3A_329] {strides = array<i32>} : memref<3x112x128xf32, #tpu.memory_space<vmem>>, vector<16xf32>,
        tpu.vector_store %arg6[%parallel_loop3A_327, %parallel_loop3A_328, %parallel_loop3A_329], %parallel_loop3A_326 {strides = array<i32>} : memref<3x112x128xf32, #tpu.memory_space<vmem>>, vector<16xf32>,
        %parallel_loop3A_331 = arith.index_cast %rem3A_204 : i32 to index
        %parallel_loop3A_332 = arith.index_cast %parallel_loop3A_312 : i32 to index
        %parallel_loop3A_333 = arith.constant 32 : index
        %parallel_loop3A_334 = tpu.vector_load %arg6[%parallel_loop3A_331, %parallel_loop3A_332, %parallel_loop3A_333] {strides = array<i32>} : memref<3x112x128xf32, #tpu.memory_space<vmem>>, vector<16xf32>,
        %parallel_loop3A_335 = arith.mulf %parallel_loop3A_334, %parallel_loop3A_310 : vector<16xf32>
        %parallel_loop3A_336 = arith.index_cast %rem3A_204 : i32 to index
        %parallel_loop3A_337 = arith.index_cast %parallel_loop3A_312 : i32 to index
        %parallel_loop3A_338 = arith.constant 32 : index
        %parallel_loop3A_339 = tpu.vector_load %arg6[%parallel_loop3A_336, %parallel_loop3A_337, %parallel_loop3A_338] {strides = array<i32>} : memref<3x112x128xf32, #tpu.memory_space<vmem>>, vector<16xf32>,
        tpu.vector_store %arg6[%parallel_loop3A_336, %parallel_loop3A_337, %parallel_loop3A_338], %parallel_loop3A_335 {strides = array<i32>} : memref<3x112x128xf32, #tpu.memory_space<vmem>>, vector<16xf32>,
        %parallel_loop3A_340 = arith.index_cast %rem3A_204 : i32 to index
        %parallel_loop3A_341 = arith.index_cast %parallel_loop3A_312 : i32 to index
        %parallel_loop3A_342 = arith.constant 48 : index
        %parallel_loop3A_343 = tpu.vector_load %arg6[%parallel_loop3A_340, %parallel_loop3A_341, %parallel_loop3A_342] {strides = array<i32>} : memref<3x112x128xf32, #tpu.memory_space<vmem>>, vector<16xf32>,
        %parallel_loop3A_344 = arith.mulf %parallel_loop3A_343, %parallel_loop3A_310 : vector<16xf32>
        %parallel_loop3A_345 = arith.index_cast %rem3A_204 : i32 to index
        %parallel_loop3A_346 = arith.index_cast %parallel_loop3A_312 : i32 to index
        %parallel_loop3A_347 = arith.constant 48 : index
        %parallel_loop3A_348 = tpu.vector_load %arg6[%parallel_loop3A_345, %parallel_loop3A_346, %parallel_loop3A_347] {strides = array<i32>} : memref<3x112x128xf32, #tpu.memory_space<vmem>>, vector<16xf32>,
        tpu.vector_store %arg6[%parallel_loop3A_345, %parallel_loop3A_346, %parallel_loop3A_347], %parallel_loop3A_344 {strides = array<i32>} : memref<3x112x128xf32, #tpu.memory_space<vmem>>, vector<16xf32>,
        %parallel_loop3A_349 = arith.index_cast %rem3A_204 : i32 to index
        %parallel_loop3A_350 = arith.index_cast %parallel_loop3A_312 : i32 to index
        %parallel_loop3A_351 = arith.constant 64 : index
        %parallel_loop3A_352 = tpu.vector_load %arg6[%parallel_loop3A_349, %parallel_loop3A_350, %parallel_loop3A_351] {strides = array<i32>} : memref<3x112x128xf32, #tpu.memory_space<vmem>>, vector<16xf32>,
        %parallel_loop3A_353 = arith.mulf %parallel_loop3A_352, %parallel_loop3A_310 : vector<16xf32>
        %parallel_loop3A_354 = arith.index_cast %rem3A_204 : i32 to index
        %parallel_loop3A_355 = arith.index_cast %parallel_loop3A_312 : i32 to index
        %parallel_loop3A_356 = arith.constant 64 : index
        %parallel_loop3A_357 = tpu.vector_load %arg6[%parallel_loop3A_354, %parallel_loop3A_355, %parallel_loop3A_356] {strides = array<i32>} : memref<3x112x128xf32, #tpu.memory_space<vmem>>, vector<16xf32>,
        tpu.vector_store %arg6[%parallel_loop3A_354, %parallel_loop3A_355, %parallel_loop3A_356], %parallel_loop3A_353 {strides = array<i32>} : memref<3x112x128xf32, #tpu.memory_space<vmem>>, vector<16xf32>,
        %parallel_loop3A_358 = arith.index_cast %rem3A_204 : i32 to index
        %parallel_loop3A_359 = arith.index_cast %parallel_loop3A_312 : i32 to index
        %parallel_loop3A_360 = arith.constant 80 : index
        %parallel_loop3A_361 = tpu.vector_load %arg6[%parallel_loop3A_358, %parallel_loop3A_359, %parallel_loop3A_360] {strides = array<i32>} : memref<3x112x128xf32, #tpu.memory_space<vmem>>, vector<16xf32>,
        %parallel_loop3A_362 = arith.mulf %parallel_loop3A_361, %parallel_loop3A_310 : vector<16xf32>
        %parallel_loop3A_363 = arith.index_cast %rem3A_204 : i32 to index
        %parallel_loop3A_364 = arith.index_cast %parallel_loop3A_312 : i32 to index
        %parallel_loop3A_365 = arith.constant 80 : index
        %parallel_loop3A_366 = tpu.vector_load %arg6[%parallel_loop3A_363, %parallel_loop3A_364, %parallel_loop3A_365] {strides = array<i32>} : memref<3x112x128xf32, #tpu.memory_space<vmem>>, vector<16xf32>,
        tpu.vector_store %arg6[%parallel_loop3A_363, %parallel_loop3A_364, %parallel_loop3A_365], %parallel_loop3A_362 {strides = array<i32>} : memref<3x112x128xf32, #tpu.memory_space<vmem>>, vector<16xf32>,
        %parallel_loop3A_367 = arith.index_cast %rem3A_204 : i32 to index
        %parallel_loop3A_368 = arith.index_cast %parallel_loop3A_312 : i32 to index
        %parallel_loop3A_369 = arith.constant 96 : index
        %parallel_loop3A_370 = tpu.vector_load %arg6[%parallel_loop3A_367, %parallel_loop3A_368, %parallel_loop3A_369] {strides = array<i32>} : memref<3x112x128xf32, #tpu.memory_space<vmem>>, vector<16xf32>,
        %parallel_loop3A_371 = arith.mulf %parallel_loop3A_370, %parallel_loop3A_310 : vector<16xf32>
        %parallel_loop3A_372 = arith.index_cast %rem3A_204 : i32 to index
        %parallel_loop3A_373 = arith.index_cast %parallel_loop3A_312 : i32 to index
        %parallel_loop3A_374 = arith.constant 96 : index
        %parallel_loop3A_375 = tpu.vector_load %arg6[%parallel_loop3A_372, %parallel_loop3A_373, %parallel_loop3A_374] {strides = array<i32>} : memref<3x112x128xf32, #tpu.memory_space<vmem>>, vector<16xf32>,
        tpu.vector_store %arg6[%parallel_loop3A_372, %parallel_loop3A_373, %parallel_loop3A_374], %parallel_loop3A_371 {strides = array<i32>} : memref<3x112x128xf32, #tpu.memory_space<vmem>>, vector<16xf32>,
        %parallel_loop3A_376 = arith.index_cast %rem3A_204 : i32 to index
        %parallel_loop3A_377 = arith.index_cast %parallel_loop3A_312 : i32 to index
        %parallel_loop3A_378 = arith.constant 112 : index
        %parallel_loop3A_379 = tpu.vector_load %arg6[%parallel_loop3A_376, %parallel_loop3A_377, %parallel_loop3A_378] {strides = array<i32>} : memref<3x112x128xf32, #tpu.memory_space<vmem>>, vector<16xf32>,
        %parallel_loop3A_380 = arith.mulf %parallel_loop3A_379, %parallel_loop3A_310 : vector<16xf32>
        %parallel_loop3A_381 = arith.index_cast %rem3A_204 : i32 to index
        %parallel_loop3A_382 = arith.index_cast %parallel_loop3A_312 : i32 to index
        %parallel_loop3A_383 = arith.constant 112 : index
        %parallel_loop3A_384 = tpu.vector_load %arg6[%parallel_loop3A_381, %parallel_loop3A_382, %parallel_loop3A_383] {strides = array<i32>} : memref<3x112x128xf32, #tpu.memory_space<vmem>>, vector<16xf32>,
        tpu.vector_store %arg6[%parallel_loop3A_381, %parallel_loop3A_382, %parallel_loop3A_383], %parallel_loop3A_380 {strides = array<i32>} : memref<3x112x128xf32, #tpu.memory_space<vmem>>, vector<16xf32>,
      } {sc.loop_unroll_factor = 4 : i64, sc.parallel_access}
      %mul3A_235 = arith.constant 3 : i32
      %mul3A_236 = arith.muli %rem3A_202, %mul3A_235 : i32
      %add3A_237 = arith.constant 2 : i32
      %add3A_238 = arith.addi %mul3A_236, %add3A_237 : i32
      %get3A_239 = arith.index_cast %add3A_238 : i32 to index
      %get3A_240 = arith.constant 48 : index
      %get3A_241 = tpu.vector_load %arg5[%get3A_239, %get3A_240] {strides = array<i32>} : memref<12x112xi32, #tpu.memory_space<vmem>>, vector<16xi32>,
      %bitcast3A_242 = vector.bitcast %get3A_241 : vector<16xi32> to vector<16xf32>
      %parallel_loop3A_243 = arith.constant 0 : i32
      %parallel_loop3A_244 = arith.constant 16 : i32
      %parallel_loop3A_245 = arith.constant 1 : i32
      scf.for %parallel_loop3A_299 = %parallel_loop3A_243 to %parallel_loop3A_244 step %parallel_loop3A_245  : i32 {
        %parallel_loop3A_300 = vector.broadcast %parallel_loop3A_299 : i32 to vector<16xi32>
        %parallel_loop3A_301 = arith.constant 0 : i32
        %parallel_loop3A_302 = vector.broadcast %parallel_loop3A_301 : i32 to vector<16xi32>
        %parallel_loop3A_303 = arith.cmpi slt, %parallel_loop3A_300, %parallel_loop3A_302 : vector<16xi32>
        %parallel_loop3A_304 = arith.constant 16 : i32
        %parallel_loop3A_305 = vector.broadcast %parallel_loop3A_304 : i32 to vector<16xi32>
        %parallel_loop3A_306 = arith.addi %parallel_loop3A_300, %parallel_loop3A_305 : vector<16xi32>
        %parallel_loop3A_307 = arith.select %parallel_loop3A_303, %parallel_loop3A_306, %parallel_loop3A_300 : vector<16xi1>, vector<16xi32>
        %parallel_loop3A_308 = vector.shape_cast %parallel_loop3A_307 : vector<16xi32> to vector<16x1xi32>
        %parallel_loop3A_309 = vector.shape_cast %parallel_loop3A_308 : vector<16x1xi32> to vector<16xi32>
        %parallel_loop3A_310 = tpu.dynamic_gather %bitcast3A_242[%parallel_loop3A_309] in [0] : vector<16xf32>, vector<16xi32> -> vector<16xf32>
        %parallel_loop3A_311 = arith.constant 48 : i32
        %parallel_loop3A_312 = arith.addi %parallel_loop3A_311, %parallel_loop3A_299 : i32
        %parallel_loop3A_313 = arith.index_cast %rem3A_204 : i32 to index
        %parallel_loop3A_314 = arith.index_cast %parallel_loop3A_312 : i32 to index
        %parallel_loop3A_315 = arith.constant 0 : index
        %parallel_loop3A_316 = tpu.vector_load %arg6[%parallel_loop3A_313, %parallel_loop3A_314, %parallel_loop3A_315] {strides = array<i32>} : memref<3x112x128xf32, #tpu.memory_space<vmem>>, vector<16xf32>,
        %parallel_loop3A_317 = arith.mulf %parallel_loop3A_316, %parallel_loop3A_310 : vector<16xf32>
        %parallel_loop3A_318 = arith.index_cast %rem3A_204 : i32 to index
        %parallel_loop3A_319 = arith.index_cast %parallel_loop3A_312 : i32 to index
        %parallel_loop3A_320 = arith.constant 0 : index
        %parallel_loop3A_321 = tpu.vector_load %arg6[%parallel_loop3A_318, %parallel_loop3A_319, %parallel_loop3A_320] {strides = array<i32>} : memref<3x112x128xf32, #tpu.memory_space<vmem>>, vector<16xf32>,
        tpu.vector_store %arg6[%parallel_loop3A_318, %parallel_loop3A_319, %parallel_loop3A_320], %parallel_loop3A_317 {strides = array<i32>} : memref<3x112x128xf32, #tpu.memory_space<vmem>>, vector<16xf32>,
        %parallel_loop3A_322 = arith.index_cast %rem3A_204 : i32 to index
        %parallel_loop3A_323 = arith.index_cast %parallel_loop3A_312 : i32 to index
        %parallel_loop3A_324 = arith.constant 16 : index
        %parallel_loop3A_325 = tpu.vector_load %arg6[%parallel_loop3A_322, %parallel_loop3A_323, %parallel_loop3A_324] {strides = array<i32>} : memref<3x112x128xf32, #tpu.memory_space<vmem>>, vector<16xf32>,
        %parallel_loop3A_326 = arith.mulf %parallel_loop3A_325, %parallel_loop3A_310 : vector<16xf32>
        %parallel_loop3A_327 = arith.index_cast %rem3A_204 : i32 to index
        %parallel_loop3A_328 = arith.index_cast %parallel_loop3A_312 : i32 to index
        %parallel_loop3A_329 = arith.constant 16 : index
        %parallel_loop3A_330 = tpu.vector_load %arg6[%parallel_loop3A_327, %parallel_loop3A_328, %parallel_loop3A_329] {strides = array<i32>} : memref<3x112x128xf32, #tpu.memory_space<vmem>>, vector<16xf32>,
        tpu.vector_store %arg6[%parallel_loop3A_327, %parallel_loop3A_328, %parallel_loop3A_329], %parallel_loop3A_326 {strides = array<i32>} : memref<3x112x128xf32, #tpu.memory_space<vmem>>, vector<16xf32>,
        %parallel_loop3A_331 = arith.index_cast %rem3A_204 : i32 to index
        %parallel_loop3A_332 = arith.index_cast %parallel_loop3A_312 : i32 to index
        %parallel_loop3A_333 = arith.constant 32 : index
        %parallel_loop3A_334 = tpu.vector_load %arg6[%parallel_loop3A_331, %parallel_loop3A_332, %parallel_loop3A_333] {strides = array<i32>} : memref<3x112x128xf32, #tpu.memory_space<vmem>>, vector<16xf32>,
        %parallel_loop3A_335 = arith.mulf %parallel_loop3A_334, %parallel_loop3A_310 : vector<16xf32>
        %parallel_loop3A_336 = arith.index_cast %rem3A_204 : i32 to index
        %parallel_loop3A_337 = arith.index_cast %parallel_loop3A_312 : i32 to index
        %parallel_loop3A_338 = arith.constant 32 : index
        %parallel_loop3A_339 = tpu.vector_load %arg6[%parallel_loop3A_336, %parallel_loop3A_337, %parallel_loop3A_338] {strides = array<i32>} : memref<3x112x128xf32, #tpu.memory_space<vmem>>, vector<16xf32>,
        tpu.vector_store %arg6[%parallel_loop3A_336, %parallel_loop3A_337, %parallel_loop3A_338], %parallel_loop3A_335 {strides = array<i32>} : memref<3x112x128xf32, #tpu.memory_space<vmem>>, vector<16xf32>,
        %parallel_loop3A_340 = arith.index_cast %rem3A_204 : i32 to index
        %parallel_loop3A_341 = arith.index_cast %parallel_loop3A_312 : i32 to index
        %parallel_loop3A_342 = arith.constant 48 : index
        %parallel_loop3A_343 = tpu.vector_load %arg6[%parallel_loop3A_340, %parallel_loop3A_341, %parallel_loop3A_342] {strides = array<i32>} : memref<3x112x128xf32, #tpu.memory_space<vmem>>, vector<16xf32>,
        %parallel_loop3A_344 = arith.mulf %parallel_loop3A_343, %parallel_loop3A_310 : vector<16xf32>
        %parallel_loop3A_345 = arith.index_cast %rem3A_204 : i32 to index
        %parallel_loop3A_346 = arith.index_cast %parallel_loop3A_312 : i32 to index
        %parallel_loop3A_347 = arith.constant 48 : index
        %parallel_loop3A_348 = tpu.vector_load %arg6[%parallel_loop3A_345, %parallel_loop3A_346, %parallel_loop3A_347] {strides = array<i32>} : memref<3x112x128xf32, #tpu.memory_space<vmem>>, vector<16xf32>,
        tpu.vector_store %arg6[%parallel_loop3A_345, %parallel_loop3A_346, %parallel_loop3A_347], %parallel_loop3A_344 {strides = array<i32>} : memref<3x112x128xf32, #tpu.memory_space<vmem>>, vector<16xf32>,
        %parallel_loop3A_349 = arith.index_cast %rem3A_204 : i32 to index
        %parallel_loop3A_350 = arith.index_cast %parallel_loop3A_312 : i32 to index
        %parallel_loop3A_351 = arith.constant 64 : index
        %parallel_loop3A_352 = tpu.vector_load %arg6[%parallel_loop3A_349, %parallel_loop3A_350, %parallel_loop3A_351] {strides = array<i32>} : memref<3x112x128xf32, #tpu.memory_space<vmem>>, vector<16xf32>,
        %parallel_loop3A_353 = arith.mulf %parallel_loop3A_352, %parallel_loop3A_310 : vector<16xf32>
        %parallel_loop3A_354 = arith.index_cast %rem3A_204 : i32 to index
        %parallel_loop3A_355 = arith.index_cast %parallel_loop3A_312 : i32 to index
        %parallel_loop3A_356 = arith.constant 64 : index
        %parallel_loop3A_357 = tpu.vector_load %arg6[%parallel_loop3A_354, %parallel_loop3A_355, %parallel_loop3A_356] {strides = array<i32>} : memref<3x112x128xf32, #tpu.memory_space<vmem>>, vector<16xf32>,
        tpu.vector_store %arg6[%parallel_loop3A_354, %parallel_loop3A_355, %parallel_loop3A_356], %parallel_loop3A_353 {strides = array<i32>} : memref<3x112x128xf32, #tpu.memory_space<vmem>>, vector<16xf32>,
        %parallel_loop3A_358 = arith.index_cast %rem3A_204 : i32 to index
        %parallel_loop3A_359 = arith.index_cast %parallel_loop3A_312 : i32 to index
        %parallel_loop3A_360 = arith.constant 80 : index
        %parallel_loop3A_361 = tpu.vector_load %arg6[%parallel_loop3A_358, %parallel_loop3A_359, %parallel_loop3A_360] {strides = array<i32>} : memref<3x112x128xf32, #tpu.memory_space<vmem>>, vector<16xf32>,
        %parallel_loop3A_362 = arith.mulf %parallel_loop3A_361, %parallel_loop3A_310 : vector<16xf32>
        %parallel_loop3A_363 = arith.index_cast %rem3A_204 : i32 to index
        %parallel_loop3A_364 = arith.index_cast %parallel_loop3A_312 : i32 to index
        %parallel_loop3A_365 = arith.constant 80 : index
        %parallel_loop3A_366 = tpu.vector_load %arg6[%parallel_loop3A_363, %parallel_loop3A_364, %parallel_loop3A_365] {strides = array<i32>} : memref<3x112x128xf32, #tpu.memory_space<vmem>>, vector<16xf32>,
        tpu.vector_store %arg6[%parallel_loop3A_363, %parallel_loop3A_364, %parallel_loop3A_365], %parallel_loop3A_362 {strides = array<i32>} : memref<3x112x128xf32, #tpu.memory_space<vmem>>, vector<16xf32>,
        %parallel_loop3A_367 = arith.index_cast %rem3A_204 : i32 to index
        %parallel_loop3A_368 = arith.index_cast %parallel_loop3A_312 : i32 to index
        %parallel_loop3A_369 = arith.constant 96 : index
        %parallel_loop3A_370 = tpu.vector_load %arg6[%parallel_loop3A_367, %parallel_loop3A_368, %parallel_loop3A_369] {strides = array<i32>} : memref<3x112x128xf32, #tpu.memory_space<vmem>>, vector<16xf32>,
        %parallel_loop3A_371 = arith.mulf %parallel_loop3A_370, %parallel_loop3A_310 : vector<16xf32>
        %parallel_loop3A_372 = arith.index_cast %rem3A_204 : i32 to index
        %parallel_loop3A_373 = arith.index_cast %parallel_loop3A_312 : i32 to index
        %parallel_loop3A_374 = arith.constant 96 : index
        %parallel_loop3A_375 = tpu.vector_load %arg6[%parallel_loop3A_372, %parallel_loop3A_373, %parallel_loop3A_374] {strides = array<i32>} : memref<3x112x128xf32, #tpu.memory_space<vmem>>, vector<16xf32>,
        tpu.vector_store %arg6[%parallel_loop3A_372, %parallel_loop3A_373, %parallel_loop3A_374], %parallel_loop3A_371 {strides = array<i32>} : memref<3x112x128xf32, #tpu.memory_space<vmem>>, vector<16xf32>,
        %parallel_loop3A_376 = arith.index_cast %rem3A_204 : i32 to index
        %parallel_loop3A_377 = arith.index_cast %parallel_loop3A_312 : i32 to index
        %parallel_loop3A_378 = arith.constant 112 : index
        %parallel_loop3A_379 = tpu.vector_load %arg6[%parallel_loop3A_376, %parallel_loop3A_377, %parallel_loop3A_378] {strides = array<i32>} : memref<3x112x128xf32, #tpu.memory_space<vmem>>, vector<16xf32>,
        %parallel_loop3A_380 = arith.mulf %parallel_loop3A_379, %parallel_loop3A_310 : vector<16xf32>
        %parallel_loop3A_381 = arith.index_cast %rem3A_204 : i32 to index
        %parallel_loop3A_382 = arith.index_cast %parallel_loop3A_312 : i32 to index
        %parallel_loop3A_383 = arith.constant 112 : index
        %parallel_loop3A_384 = tpu.vector_load %arg6[%parallel_loop3A_381, %parallel_loop3A_382, %parallel_loop3A_383] {strides = array<i32>} : memref<3x112x128xf32, #tpu.memory_space<vmem>>, vector<16xf32>,
        tpu.vector_store %arg6[%parallel_loop3A_381, %parallel_loop3A_382, %parallel_loop3A_383], %parallel_loop3A_380 {strides = array<i32>} : memref<3x112x128xf32, #tpu.memory_space<vmem>>, vector<16xf32>,
      } {sc.loop_unroll_factor = 4 : i64, sc.parallel_access}
      %mul3A_246 = arith.constant 3 : i32
      %mul3A_247 = arith.muli %rem3A_202, %mul3A_246 : i32
      %add3A_248 = arith.constant 2 : i32
      %add3A_249 = arith.addi %mul3A_247, %add3A_248 : i32
      %get3A_250 = arith.index_cast %add3A_249 : i32 to index
      %get3A_251 = arith.constant 64 : index
      %get3A_252 = tpu.vector_load %arg5[%get3A_250, %get3A_251] {strides = array<i32>} : memref<12x112xi32, #tpu.memory_space<vmem>>, vector<16xi32>,
      %bitcast3A_253 = vector.bitcast %get3A_252 : vector<16xi32> to vector<16xf32>
      %parallel_loop3A_254 = arith.constant 0 : i32
      %parallel_loop3A_255 = arith.constant 16 : i32
      %parallel_loop3A_256 = arith.constant 1 : i32
      scf.for %parallel_loop3A_299 = %parallel_loop3A_254 to %parallel_loop3A_255 step %parallel_loop3A_256  : i32 {
        %parallel_loop3A_300 = vector.broadcast %parallel_loop3A_299 : i32 to vector<16xi32>
        %parallel_loop3A_301 = arith.constant 0 : i32
        %parallel_loop3A_302 = vector.broadcast %parallel_loop3A_301 : i32 to vector<16xi32>
        %parallel_loop3A_303 = arith.cmpi slt, %parallel_loop3A_300, %parallel_loop3A_302 : vector<16xi32>
        %parallel_loop3A_304 = arith.constant 16 : i32
        %parallel_loop3A_305 = vector.broadcast %parallel_loop3A_304 : i32 to vector<16xi32>
        %parallel_loop3A_306 = arith.addi %parallel_loop3A_300, %parallel_loop3A_305 : vector<16xi32>
        %parallel_loop3A_307 = arith.select %parallel_loop3A_303, %parallel_loop3A_306, %parallel_loop3A_300 : vector<16xi1>, vector<16xi32>
        %parallel_loop3A_308 = vector.shape_cast %parallel_loop3A_307 : vector<16xi32> to vector<16x1xi32>
        %parallel_loop3A_309 = vector.shape_cast %parallel_loop3A_308 : vector<16x1xi32> to vector<16xi32>
        %parallel_loop3A_310 = tpu.dynamic_gather %bitcast3A_253[%parallel_loop3A_309] in [0] : vector<16xf32>, vector<16xi32> -> vector<16xf32>
        %parallel_loop3A_311 = arith.constant 64 : i32
        %parallel_loop3A_312 = arith.addi %parallel_loop3A_311, %parallel_loop3A_299 : i32
        %parallel_loop3A_313 = arith.index_cast %rem3A_204 : i32 to index
        %parallel_loop3A_314 = arith.index_cast %parallel_loop3A_312 : i32 to index
        %parallel_loop3A_315 = arith.constant 0 : index
        %parallel_loop3A_316 = tpu.vector_load %arg6[%parallel_loop3A_313, %parallel_loop3A_314, %parallel_loop3A_315] {strides = array<i32>} : memref<3x112x128xf32, #tpu.memory_space<vmem>>, vector<16xf32>,
        %parallel_loop3A_317 = arith.mulf %parallel_loop3A_316, %parallel_loop3A_310 : vector<16xf32>
        %parallel_loop3A_318 = arith.index_cast %rem3A_204 : i32 to index
        %parallel_loop3A_319 = arith.index_cast %parallel_loop3A_312 : i32 to index
        %parallel_loop3A_320 = arith.constant 0 : index
        %parallel_loop3A_321 = tpu.vector_load %arg6[%parallel_loop3A_318, %parallel_loop3A_319, %parallel_loop3A_320] {strides = array<i32>} : memref<3x112x128xf32, #tpu.memory_space<vmem>>, vector<16xf32>,
        tpu.vector_store %arg6[%parallel_loop3A_318, %parallel_loop3A_319, %parallel_loop3A_320], %parallel_loop3A_317 {strides = array<i32>} : memref<3x112x128xf32, #tpu.memory_space<vmem>>, vector<16xf32>,
        %parallel_loop3A_322 = arith.index_cast %rem3A_204 : i32 to index
        %parallel_loop3A_323 = arith.index_cast %parallel_loop3A_312 : i32 to index
        %parallel_loop3A_324 = arith.constant 16 : index
        %parallel_loop3A_325 = tpu.vector_load %arg6[%parallel_loop3A_322, %parallel_loop3A_323, %parallel_loop3A_324] {strides = array<i32>} : memref<3x112x128xf32, #tpu.memory_space<vmem>>, vector<16xf32>,
        %parallel_loop3A_326 = arith.mulf %parallel_loop3A_325, %parallel_loop3A_310 : vector<16xf32>
        %parallel_loop3A_327 = arith.index_cast %rem3A_204 : i32 to index
        %parallel_loop3A_328 = arith.index_cast %parallel_loop3A_312 : i32 to index
        %parallel_loop3A_329 = arith.constant 16 : index
        %parallel_loop3A_330 = tpu.vector_load %arg6[%parallel_loop3A_327, %parallel_loop3A_328, %parallel_loop3A_329] {strides = array<i32>} : memref<3x112x128xf32, #tpu.memory_space<vmem>>, vector<16xf32>,
        tpu.vector_store %arg6[%parallel_loop3A_327, %parallel_loop3A_328, %parallel_loop3A_329], %parallel_loop3A_326 {strides = array<i32>} : memref<3x112x128xf32, #tpu.memory_space<vmem>>, vector<16xf32>,
        %parallel_loop3A_331 = arith.index_cast %rem3A_204 : i32 to index
        %parallel_loop3A_332 = arith.index_cast %parallel_loop3A_312 : i32 to index
        %parallel_loop3A_333 = arith.constant 32 : index
        %parallel_loop3A_334 = tpu.vector_load %arg6[%parallel_loop3A_331, %parallel_loop3A_332, %parallel_loop3A_333] {strides = array<i32>} : memref<3x112x128xf32, #tpu.memory_space<vmem>>, vector<16xf32>,
        %parallel_loop3A_335 = arith.mulf %parallel_loop3A_334, %parallel_loop3A_310 : vector<16xf32>
        %parallel_loop3A_336 = arith.index_cast %rem3A_204 : i32 to index
        %parallel_loop3A_337 = arith.index_cast %parallel_loop3A_312 : i32 to index
        %parallel_loop3A_338 = arith.constant 32 : index
        %parallel_loop3A_339 = tpu.vector_load %arg6[%parallel_loop3A_336, %parallel_loop3A_337, %parallel_loop3A_338] {strides = array<i32>} : memref<3x112x128xf32, #tpu.memory_space<vmem>>, vector<16xf32>,
        tpu.vector_store %arg6[%parallel_loop3A_336, %parallel_loop3A_337, %parallel_loop3A_338], %parallel_loop3A_335 {strides = array<i32>} : memref<3x112x128xf32, #tpu.memory_space<vmem>>, vector<16xf32>,
        %parallel_loop3A_340 = arith.index_cast %rem3A_204 : i32 to index
        %parallel_loop3A_341 = arith.index_cast %parallel_loop3A_312 : i32 to index
        %parallel_loop3A_342 = arith.constant 48 : index
        %parallel_loop3A_343 = tpu.vector_load %arg6[%parallel_loop3A_340, %parallel_loop3A_341, %parallel_loop3A_342] {strides = array<i32>} : memref<3x112x128xf32, #tpu.memory_space<vmem>>, vector<16xf32>,
        %parallel_loop3A_344 = arith.mulf %parallel_loop3A_343, %parallel_loop3A_310 : vector<16xf32>
        %parallel_loop3A_345 = arith.index_cast %rem3A_204 : i32 to index
        %parallel_loop3A_346 = arith.index_cast %parallel_loop3A_312 : i32 to index
        %parallel_loop3A_347 = arith.constant 48 : index
        %parallel_loop3A_348 = tpu.vector_load %arg6[%parallel_loop3A_345, %parallel_loop3A_346, %parallel_loop3A_347] {strides = array<i32>} : memref<3x112x128xf32, #tpu.memory_space<vmem>>, vector<16xf32>,
        tpu.vector_store %arg6[%parallel_loop3A_345, %parallel_loop3A_346, %parallel_loop3A_347], %parallel_loop3A_344 {strides = array<i32>} : memref<3x112x128xf32, #tpu.memory_space<vmem>>, vector<16xf32>,
        %parallel_loop3A_349 = arith.index_cast %rem3A_204 : i32 to index
        %parallel_loop3A_350 = arith.index_cast %parallel_loop3A_312 : i32 to index
        %parallel_loop3A_351 = arith.constant 64 : index
        %parallel_loop3A_352 = tpu.vector_load %arg6[%parallel_loop3A_349, %parallel_loop3A_350, %parallel_loop3A_351] {strides = array<i32>} : memref<3x112x128xf32, #tpu.memory_space<vmem>>, vector<16xf32>,
        %parallel_loop3A_353 = arith.mulf %parallel_loop3A_352, %parallel_loop3A_310 : vector<16xf32>
        %parallel_loop3A_354 = arith.index_cast %rem3A_204 : i32 to index
        %parallel_loop3A_355 = arith.index_cast %parallel_loop3A_312 : i32 to index
        %parallel_loop3A_356 = arith.constant 64 : index
        %parallel_loop3A_357 = tpu.vector_load %arg6[%parallel_loop3A_354, %parallel_loop3A_355, %parallel_loop3A_356] {strides = array<i32>} : memref<3x112x128xf32, #tpu.memory_space<vmem>>, vector<16xf32>,
        tpu.vector_store %arg6[%parallel_loop3A_354, %parallel_loop3A_355, %parallel_loop3A_356], %parallel_loop3A_353 {strides = array<i32>} : memref<3x112x128xf32, #tpu.memory_space<vmem>>, vector<16xf32>,
        %parallel_loop3A_358 = arith.index_cast %rem3A_204 : i32 to index
        %parallel_loop3A_359 = arith.index_cast %parallel_loop3A_312 : i32 to index
        %parallel_loop3A_360 = arith.constant 80 : index
        %parallel_loop3A_361 = tpu.vector_load %arg6[%parallel_loop3A_358, %parallel_loop3A_359, %parallel_loop3A_360] {strides = array<i32>} : memref<3x112x128xf32, #tpu.memory_space<vmem>>, vector<16xf32>,
        %parallel_loop3A_362 = arith.mulf %parallel_loop3A_361, %parallel_loop3A_310 : vector<16xf32>
        %parallel_loop3A_363 = arith.index_cast %rem3A_204 : i32 to index
        %parallel_loop3A_364 = arith.index_cast %parallel_loop3A_312 : i32 to index
        %parallel_loop3A_365 = arith.constant 80 : index
        %parallel_loop3A_366 = tpu.vector_load %arg6[%parallel_loop3A_363, %parallel_loop3A_364, %parallel_loop3A_365] {strides = array<i32>} : memref<3x112x128xf32, #tpu.memory_space<vmem>>, vector<16xf32>,
        tpu.vector_store %arg6[%parallel_loop3A_363, %parallel_loop3A_364, %parallel_loop3A_365], %parallel_loop3A_362 {strides = array<i32>} : memref<3x112x128xf32, #tpu.memory_space<vmem>>, vector<16xf32>,
        %parallel_loop3A_367 = arith.index_cast %rem3A_204 : i32 to index
        %parallel_loop3A_368 = arith.index_cast %parallel_loop3A_312 : i32 to index
        %parallel_loop3A_369 = arith.constant 96 : index
        %parallel_loop3A_370 = tpu.vector_load %arg6[%parallel_loop3A_367, %parallel_loop3A_368, %parallel_loop3A_369] {strides = array<i32>} : memref<3x112x128xf32, #tpu.memory_space<vmem>>, vector<16xf32>,
        %parallel_loop3A_371 = arith.mulf %parallel_loop3A_370, %parallel_loop3A_310 : vector<16xf32>
        %parallel_loop3A_372 = arith.index_cast %rem3A_204 : i32 to index
        %parallel_loop3A_373 = arith.index_cast %parallel_loop3A_312 : i32 to index
        %parallel_loop3A_374 = arith.constant 96 : index
        %parallel_loop3A_375 = tpu.vector_load %arg6[%parallel_loop3A_372, %parallel_loop3A_373, %parallel_loop3A_374] {strides = array<i32>} : memref<3x112x128xf32, #tpu.memory_space<vmem>>, vector<16xf32>,
        tpu.vector_store %arg6[%parallel_loop3A_372, %parallel_loop3A_373, %parallel_loop3A_374], %parallel_loop3A_371 {strides = array<i32>} : memref<3x112x128xf32, #tpu.memory_space<vmem>>, vector<16xf32>,
        %parallel_loop3A_376 = arith.index_cast %rem3A_204 : i32 to index
        %parallel_loop3A_377 = arith.index_cast %parallel_loop3A_312 : i32 to index
        %parallel_loop3A_378 = arith.constant 112 : index
        %parallel_loop3A_379 = tpu.vector_load %arg6[%parallel_loop3A_376, %parallel_loop3A_377, %parallel_loop3A_378] {strides = array<i32>} : memref<3x112x128xf32, #tpu.memory_space<vmem>>, vector<16xf32>,
        %parallel_loop3A_380 = arith.mulf %parallel_loop3A_379, %parallel_loop3A_310 : vector<16xf32>
        %parallel_loop3A_381 = arith.index_cast %rem3A_204 : i32 to index
        %parallel_loop3A_382 = arith.index_cast %parallel_loop3A_312 : i32 to index
        %parallel_loop3A_383 = arith.constant 112 : index
        %parallel_loop3A_384 = tpu.vector_load %arg6[%parallel_loop3A_381, %parallel_loop3A_382, %parallel_loop3A_383] {strides = array<i32>} : memref<3x112x128xf32, #tpu.memory_space<vmem>>, vector<16xf32>,
        tpu.vector_store %arg6[%parallel_loop3A_381, %parallel_loop3A_382, %parallel_loop3A_383], %parallel_loop3A_380 {strides = array<i32>} : memref<3x112x128xf32, #tpu.memory_space<vmem>>, vector<16xf32>,
      } {sc.loop_unroll_factor = 4 : i64, sc.parallel_access}
      %mul3A_257 = arith.constant 3 : i32
      %mul3A_258 = arith.muli %rem3A_202, %mul3A_257 : i32
      %add3A_259 = arith.constant 2 : i32
      %add3A_260 = arith.addi %mul3A_258, %add3A_259 : i32
      %get3A_261 = arith.index_cast %add3A_260 : i32 to index
      %get3A_262 = arith.constant 80 : index
      %get3A_263 = tpu.vector_load %arg5[%get3A_261, %get3A_262] {strides = array<i32>} : memref<12x112xi32, #tpu.memory_space<vmem>>, vector<16xi32>,
      %bitcast3A_264 = vector.bitcast %get3A_263 : vector<16xi32> to vector<16xf32>
      %parallel_loop3A_265 = arith.constant 0 : i32
      %parallel_loop3A_266 = arith.constant 16 : i32
      %parallel_loop3A_267 = arith.constant 1 : i32
      scf.for %parallel_loop3A_299 = %parallel_loop3A_265 to %parallel_loop3A_266 step %parallel_loop3A_267  : i32 {
        %parallel_loop3A_300 = vector.broadcast %parallel_loop3A_299 : i32 to vector<16xi32>
        %parallel_loop3A_301 = arith.constant 0 : i32
        %parallel_loop3A_302 = vector.broadcast %parallel_loop3A_301 : i32 to vector<16xi32>
        %parallel_loop3A_303 = arith.cmpi slt, %parallel_loop3A_300, %parallel_loop3A_302 : vector<16xi32>
        %parallel_loop3A_304 = arith.constant 16 : i32
        %parallel_loop3A_305 = vector.broadcast %parallel_loop3A_304 : i32 to vector<16xi32>
        %parallel_loop3A_306 = arith.addi %parallel_loop3A_300, %parallel_loop3A_305 : vector<16xi32>
        %parallel_loop3A_307 = arith.select %parallel_loop3A_303, %parallel_loop3A_306, %parallel_loop3A_300 : vector<16xi1>, vector<16xi32>
        %parallel_loop3A_308 = vector.shape_cast %parallel_loop3A_307 : vector<16xi32> to vector<16x1xi32>
        %parallel_loop3A_309 = vector.shape_cast %parallel_loop3A_308 : vector<16x1xi32> to vector<16xi32>
        %parallel_loop3A_310 = tpu.dynamic_gather %bitcast3A_264[%parallel_loop3A_309] in [0] : vector<16xf32>, vector<16xi32> -> vector<16xf32>
        %parallel_loop3A_311 = arith.constant 80 : i32
        %parallel_loop3A_312 = arith.addi %parallel_loop3A_311, %parallel_loop3A_299 : i32
        %parallel_loop3A_313 = arith.index_cast %rem3A_204 : i32 to index
        %parallel_loop3A_314 = arith.index_cast %parallel_loop3A_312 : i32 to index
        %parallel_loop3A_315 = arith.constant 0 : index
        %parallel_loop3A_316 = tpu.vector_load %arg6[%parallel_loop3A_313, %parallel_loop3A_314, %parallel_loop3A_315] {strides = array<i32>} : memref<3x112x128xf32, #tpu.memory_space<vmem>>, vector<16xf32>,
        %parallel_loop3A_317 = arith.mulf %parallel_loop3A_316, %parallel_loop3A_310 : vector<16xf32>
        %parallel_loop3A_318 = arith.index_cast %rem3A_204 : i32 to index
        %parallel_loop3A_319 = arith.index_cast %parallel_loop3A_312 : i32 to index
        %parallel_loop3A_320 = arith.constant 0 : index
        %parallel_loop3A_321 = tpu.vector_load %arg6[%parallel_loop3A_318, %parallel_loop3A_319, %parallel_loop3A_320] {strides = array<i32>} : memref<3x112x128xf32, #tpu.memory_space<vmem>>, vector<16xf32>,
        tpu.vector_store %arg6[%parallel_loop3A_318, %parallel_loop3A_319, %parallel_loop3A_320], %parallel_loop3A_317 {strides = array<i32>} : memref<3x112x128xf32, #tpu.memory_space<vmem>>, vector<16xf32>,
        %parallel_loop3A_322 = arith.index_cast %rem3A_204 : i32 to index
        %parallel_loop3A_323 = arith.index_cast %parallel_loop3A_312 : i32 to index
        %parallel_loop3A_324 = arith.constant 16 : index
        %parallel_loop3A_325 = tpu.vector_load %arg6[%parallel_loop3A_322, %parallel_loop3A_323, %parallel_loop3A_324] {strides = array<i32>} : memref<3x112x128xf32, #tpu.memory_space<vmem>>, vector<16xf32>,
        %parallel_loop3A_326 = arith.mulf %parallel_loop3A_325, %parallel_loop3A_310 : vector<16xf32>
        %parallel_loop3A_327 = arith.index_cast %rem3A_204 : i32 to index
        %parallel_loop3A_328 = arith.index_cast %parallel_loop3A_312 : i32 to index
        %parallel_loop3A_329 = arith.constant 16 : index
        %parallel_loop3A_330 = tpu.vector_load %arg6[%parallel_loop3A_327, %parallel_loop3A_328, %parallel_loop3A_329] {strides = array<i32>} : memref<3x112x128xf32, #tpu.memory_space<vmem>>, vector<16xf32>,
        tpu.vector_store %arg6[%parallel_loop3A_327, %parallel_loop3A_328, %parallel_loop3A_329], %parallel_loop3A_326 {strides = array<i32>} : memref<3x112x128xf32, #tpu.memory_space<vmem>>, vector<16xf32>,
        %parallel_loop3A_331 = arith.index_cast %rem3A_204 : i32 to index
        %parallel_loop3A_332 = arith.index_cast %parallel_loop3A_312 : i32 to index
        %parallel_loop3A_333 = arith.constant 32 : index
        %parallel_loop3A_334 = tpu.vector_load %arg6[%parallel_loop3A_331, %parallel_loop3A_332, %parallel_loop3A_333] {strides = array<i32>} : memref<3x112x128xf32, #tpu.memory_space<vmem>>, vector<16xf32>,
        %parallel_loop3A_335 = arith.mulf %parallel_loop3A_334, %parallel_loop3A_310 : vector<16xf32>
        %parallel_loop3A_336 = arith.index_cast %rem3A_204 : i32 to index
        %parallel_loop3A_337 = arith.index_cast %parallel_loop3A_312 : i32 to index
        %parallel_loop3A_338 = arith.constant 32 : index
        %parallel_loop3A_339 = tpu.vector_load %arg6[%parallel_loop3A_336, %parallel_loop3A_337, %parallel_loop3A_338] {strides = array<i32>} : memref<3x112x128xf32, #tpu.memory_space<vmem>>, vector<16xf32>,
        tpu.vector_store %arg6[%parallel_loop3A_336, %parallel_loop3A_337, %parallel_loop3A_338], %parallel_loop3A_335 {strides = array<i32>} : memref<3x112x128xf32, #tpu.memory_space<vmem>>, vector<16xf32>,
        %parallel_loop3A_340 = arith.index_cast %rem3A_204 : i32 to index
        %parallel_loop3A_341 = arith.index_cast %parallel_loop3A_312 : i32 to index
        %parallel_loop3A_342 = arith.constant 48 : index
        %parallel_loop3A_343 = tpu.vector_load %arg6[%parallel_loop3A_340, %parallel_loop3A_341, %parallel_loop3A_342] {strides = array<i32>} : memref<3x112x128xf32, #tpu.memory_space<vmem>>, vector<16xf32>,
        %parallel_loop3A_344 = arith.mulf %parallel_loop3A_343, %parallel_loop3A_310 : vector<16xf32>
        %parallel_loop3A_345 = arith.index_cast %rem3A_204 : i32 to index
        %parallel_loop3A_346 = arith.index_cast %parallel_loop3A_312 : i32 to index
        %parallel_loop3A_347 = arith.constant 48 : index
        %parallel_loop3A_348 = tpu.vector_load %arg6[%parallel_loop3A_345, %parallel_loop3A_346, %parallel_loop3A_347] {strides = array<i32>} : memref<3x112x128xf32, #tpu.memory_space<vmem>>, vector<16xf32>,
        tpu.vector_store %arg6[%parallel_loop3A_345, %parallel_loop3A_346, %parallel_loop3A_347], %parallel_loop3A_344 {strides = array<i32>} : memref<3x112x128xf32, #tpu.memory_space<vmem>>, vector<16xf32>,
        %parallel_loop3A_349 = arith.index_cast %rem3A_204 : i32 to index
        %parallel_loop3A_350 = arith.index_cast %parallel_loop3A_312 : i32 to index
        %parallel_loop3A_351 = arith.constant 64 : index
        %parallel_loop3A_352 = tpu.vector_load %arg6[%parallel_loop3A_349, %parallel_loop3A_350, %parallel_loop3A_351] {strides = array<i32>} : memref<3x112x128xf32, #tpu.memory_space<vmem>>, vector<16xf32>,
        %parallel_loop3A_353 = arith.mulf %parallel_loop3A_352, %parallel_loop3A_310 : vector<16xf32>
        %parallel_loop3A_354 = arith.index_cast %rem3A_204 : i32 to index
        %parallel_loop3A_355 = arith.index_cast %parallel_loop3A_312 : i32 to index
        %parallel_loop3A_356 = arith.constant 64 : index
        %parallel_loop3A_357 = tpu.vector_load %arg6[%parallel_loop3A_354, %parallel_loop3A_355, %parallel_loop3A_356] {strides = array<i32>} : memref<3x112x128xf32, #tpu.memory_space<vmem>>, vector<16xf32>,
        tpu.vector_store %arg6[%parallel_loop3A_354, %parallel_loop3A_355, %parallel_loop3A_356], %parallel_loop3A_353 {strides = array<i32>} : memref<3x112x128xf32, #tpu.memory_space<vmem>>, vector<16xf32>,
        %parallel_loop3A_358 = arith.index_cast %rem3A_204 : i32 to index
        %parallel_loop3A_359 = arith.index_cast %parallel_loop3A_312 : i32 to index
        %parallel_loop3A_360 = arith.constant 80 : index
        %parallel_loop3A_361 = tpu.vector_load %arg6[%parallel_loop3A_358, %parallel_loop3A_359, %parallel_loop3A_360] {strides = array<i32>} : memref<3x112x128xf32, #tpu.memory_space<vmem>>, vector<16xf32>,
        %parallel_loop3A_362 = arith.mulf %parallel_loop3A_361, %parallel_loop3A_310 : vector<16xf32>
        %parallel_loop3A_363 = arith.index_cast %rem3A_204 : i32 to index
        %parallel_loop3A_364 = arith.index_cast %parallel_loop3A_312 : i32 to index
        %parallel_loop3A_365 = arith.constant 80 : index
        %parallel_loop3A_366 = tpu.vector_load %arg6[%parallel_loop3A_363, %parallel_loop3A_364, %parallel_loop3A_365] {strides = array<i32>} : memref<3x112x128xf32, #tpu.memory_space<vmem>>, vector<16xf32>,
        tpu.vector_store %arg6[%parallel_loop3A_363, %parallel_loop3A_364, %parallel_loop3A_365], %parallel_loop3A_362 {strides = array<i32>} : memref<3x112x128xf32, #tpu.memory_space<vmem>>, vector<16xf32>,
        %parallel_loop3A_367 = arith.index_cast %rem3A_204 : i32 to index
        %parallel_loop3A_368 = arith.index_cast %parallel_loop3A_312 : i32 to index
        %parallel_loop3A_369 = arith.constant 96 : index
        %parallel_loop3A_370 = tpu.vector_load %arg6[%parallel_loop3A_367, %parallel_loop3A_368, %parallel_loop3A_369] {strides = array<i32>} : memref<3x112x128xf32, #tpu.memory_space<vmem>>, vector<16xf32>,
        %parallel_loop3A_371 = arith.mulf %parallel_loop3A_370, %parallel_loop3A_310 : vector<16xf32>
        %parallel_loop3A_372 = arith.index_cast %rem3A_204 : i32 to index
        %parallel_loop3A_373 = arith.index_cast %parallel_loop3A_312 : i32 to index
        %parallel_loop3A_374 = arith.constant 96 : index
        %parallel_loop3A_375 = tpu.vector_load %arg6[%parallel_loop3A_372, %parallel_loop3A_373, %parallel_loop3A_374] {strides = array<i32>} : memref<3x112x128xf32, #tpu.memory_space<vmem>>, vector<16xf32>,
        tpu.vector_store %arg6[%parallel_loop3A_372, %parallel_loop3A_373, %parallel_loop3A_374], %parallel_loop3A_371 {strides = array<i32>} : memref<3x112x128xf32, #tpu.memory_space<vmem>>, vector<16xf32>,
        %parallel_loop3A_376 = arith.index_cast %rem3A_204 : i32 to index
        %parallel_loop3A_377 = arith.index_cast %parallel_loop3A_312 : i32 to index
        %parallel_loop3A_378 = arith.constant 112 : index
        %parallel_loop3A_379 = tpu.vector_load %arg6[%parallel_loop3A_376, %parallel_loop3A_377, %parallel_loop3A_378] {strides = array<i32>} : memref<3x112x128xf32, #tpu.memory_space<vmem>>, vector<16xf32>,
        %parallel_loop3A_380 = arith.mulf %parallel_loop3A_379, %parallel_loop3A_310 : vector<16xf32>
        %parallel_loop3A_381 = arith.index_cast %rem3A_204 : i32 to index
        %parallel_loop3A_382 = arith.index_cast %parallel_loop3A_312 : i32 to index
        %parallel_loop3A_383 = arith.constant 112 : index
        %parallel_loop3A_384 = tpu.vector_load %arg6[%parallel_loop3A_381, %parallel_loop3A_382, %parallel_loop3A_383] {strides = array<i32>} : memref<3x112x128xf32, #tpu.memory_space<vmem>>, vector<16xf32>,
        tpu.vector_store %arg6[%parallel_loop3A_381, %parallel_loop3A_382, %parallel_loop3A_383], %parallel_loop3A_380 {strides = array<i32>} : memref<3x112x128xf32, #tpu.memory_space<vmem>>, vector<16xf32>,
      } {sc.loop_unroll_factor = 4 : i64, sc.parallel_access}
      %mul3A_268 = arith.constant 3 : i32
      %mul3A_269 = arith.muli %rem3A_202, %mul3A_268 : i32
      %add3A_270 = arith.constant 2 : i32
      %add3A_271 = arith.addi %mul3A_269, %add3A_270 : i32
      %get3A_272 = arith.index_cast %add3A_271 : i32 to index
      %get3A_273 = arith.constant 96 : index
      %get3A_274 = tpu.vector_load %arg5[%get3A_272, %get3A_273] {strides = array<i32>} : memref<12x112xi32, #tpu.memory_space<vmem>>, vector<16xi32>,
      %bitcast3A_275 = vector.bitcast %get3A_274 : vector<16xi32> to vector<16xf32>
      %parallel_loop3A_276 = arith.constant 0 : i32
      %parallel_loop3A_277 = arith.constant 16 : i32
      %parallel_loop3A_278 = arith.constant 1 : i32
      scf.for %parallel_loop3A_299 = %parallel_loop3A_276 to %parallel_loop3A_277 step %parallel_loop3A_278  : i32 {
        %parallel_loop3A_300 = vector.broadcast %parallel_loop3A_299 : i32 to vector<16xi32>
        %parallel_loop3A_301 = arith.constant 0 : i32
        %parallel_loop3A_302 = vector.broadcast %parallel_loop3A_301 : i32 to vector<16xi32>
        %parallel_loop3A_303 = arith.cmpi slt, %parallel_loop3A_300, %parallel_loop3A_302 : vector<16xi32>
        %parallel_loop3A_304 = arith.constant 16 : i32
        %parallel_loop3A_305 = vector.broadcast %parallel_loop3A_304 : i32 to vector<16xi32>
        %parallel_loop3A_306 = arith.addi %parallel_loop3A_300, %parallel_loop3A_305 : vector<16xi32>
        %parallel_loop3A_307 = arith.select %parallel_loop3A_303, %parallel_loop3A_306, %parallel_loop3A_300 : vector<16xi1>, vector<16xi32>
        %parallel_loop3A_308 = vector.shape_cast %parallel_loop3A_307 : vector<16xi32> to vector<16x1xi32>
        %parallel_loop3A_309 = vector.shape_cast %parallel_loop3A_308 : vector<16x1xi32> to vector<16xi32>
        %parallel_loop3A_310 = tpu.dynamic_gather %bitcast3A_275[%parallel_loop3A_309] in [0] : vector<16xf32>, vector<16xi32> -> vector<16xf32>
        %parallel_loop3A_311 = arith.constant 96 : i32
        %parallel_loop3A_312 = arith.addi %parallel_loop3A_311, %parallel_loop3A_299 : i32
        %parallel_loop3A_313 = arith.index_cast %rem3A_204 : i32 to index
        %parallel_loop3A_314 = arith.index_cast %parallel_loop3A_312 : i32 to index
        %parallel_loop3A_315 = arith.constant 0 : index
        %parallel_loop3A_316 = tpu.vector_load %arg6[%parallel_loop3A_313, %parallel_loop3A_314, %parallel_loop3A_315] {strides = array<i32>} : memref<3x112x128xf32, #tpu.memory_space<vmem>>, vector<16xf32>,
        %parallel_loop3A_317 = arith.mulf %parallel_loop3A_316, %parallel_loop3A_310 : vector<16xf32>
        %parallel_loop3A_318 = arith.index_cast %rem3A_204 : i32 to index
        %parallel_loop3A_319 = arith.index_cast %parallel_loop3A_312 : i32 to index
        %parallel_loop3A_320 = arith.constant 0 : index
        %parallel_loop3A_321 = tpu.vector_load %arg6[%parallel_loop3A_318, %parallel_loop3A_319, %parallel_loop3A_320] {strides = array<i32>} : memref<3x112x128xf32, #tpu.memory_space<vmem>>, vector<16xf32>,
        tpu.vector_store %arg6[%parallel_loop3A_318, %parallel_loop3A_319, %parallel_loop3A_320], %parallel_loop3A_317 {strides = array<i32>} : memref<3x112x128xf32, #tpu.memory_space<vmem>>, vector<16xf32>,
        %parallel_loop3A_322 = arith.index_cast %rem3A_204 : i32 to index
        %parallel_loop3A_323 = arith.index_cast %parallel_loop3A_312 : i32 to index
        %parallel_loop3A_324 = arith.constant 16 : index
        %parallel_loop3A_325 = tpu.vector_load %arg6[%parallel_loop3A_322, %parallel_loop3A_323, %parallel_loop3A_324] {strides = array<i32>} : memref<3x112x128xf32, #tpu.memory_space<vmem>>, vector<16xf32>,
        %parallel_loop3A_326 = arith.mulf %parallel_loop3A_325, %parallel_loop3A_310 : vector<16xf32>
        %parallel_loop3A_327 = arith.index_cast %rem3A_204 : i32 to index
        %parallel_loop3A_328 = arith.index_cast %parallel_loop3A_312 : i32 to index
        %parallel_loop3A_329 = arith.constant 16 : index
        %parallel_loop3A_330 = tpu.vector_load %arg6[%parallel_loop3A_327, %parallel_loop3A_328, %parallel_loop3A_329] {strides = array<i32>} : memref<3x112x128xf32, #tpu.memory_space<vmem>>, vector<16xf32>,
        tpu.vector_store %arg6[%parallel_loop3A_327, %parallel_loop3A_328, %parallel_loop3A_329], %parallel_loop3A_326 {strides = array<i32>} : memref<3x112x128xf32, #tpu.memory_space<vmem>>, vector<16xf32>,
        %parallel_loop3A_331 = arith.index_cast %rem3A_204 : i32 to index
        %parallel_loop3A_332 = arith.index_cast %parallel_loop3A_312 : i32 to index
        %parallel_loop3A_333 = arith.constant 32 : index
        %parallel_loop3A_334 = tpu.vector_load %arg6[%parallel_loop3A_331, %parallel_loop3A_332, %parallel_loop3A_333] {strides = array<i32>} : memref<3x112x128xf32, #tpu.memory_space<vmem>>, vector<16xf32>,
        %parallel_loop3A_335 = arith.mulf %parallel_loop3A_334, %parallel_loop3A_310 : vector<16xf32>
        %parallel_loop3A_336 = arith.index_cast %rem3A_204 : i32 to index
        %parallel_loop3A_337 = arith.index_cast %parallel_loop3A_312 : i32 to index
        %parallel_loop3A_338 = arith.constant 32 : index
        %parallel_loop3A_339 = tpu.vector_load %arg6[%parallel_loop3A_336, %parallel_loop3A_337, %parallel_loop3A_338] {strides = array<i32>} : memref<3x112x128xf32, #tpu.memory_space<vmem>>, vector<16xf32>,
        tpu.vector_store %arg6[%parallel_loop3A_336, %parallel_loop3A_337, %parallel_loop3A_338], %parallel_loop3A_335 {strides = array<i32>} : memref<3x112x128xf32, #tpu.memory_space<vmem>>, vector<16xf32>,
        %parallel_loop3A_340 = arith.index_cast %rem3A_204 : i32 to index
        %parallel_loop3A_341 = arith.index_cast %parallel_loop3A_312 : i32 to index
        %parallel_loop3A_342 = arith.constant 48 : index
        %parallel_loop3A_343 = tpu.vector_load %arg6[%parallel_loop3A_340, %parallel_loop3A_341, %parallel_loop3A_342] {strides = array<i32>} : memref<3x112x128xf32, #tpu.memory_space<vmem>>, vector<16xf32>,
        %parallel_loop3A_344 = arith.mulf %parallel_loop3A_343, %parallel_loop3A_310 : vector<16xf32>
        %parallel_loop3A_345 = arith.index_cast %rem3A_204 : i32 to index
        %parallel_loop3A_346 = arith.index_cast %parallel_loop3A_312 : i32 to index
        %parallel_loop3A_347 = arith.constant 48 : index
        %parallel_loop3A_348 = tpu.vector_load %arg6[%parallel_loop3A_345, %parallel_loop3A_346, %parallel_loop3A_347] {strides = array<i32>} : memref<3x112x128xf32, #tpu.memory_space<vmem>>, vector<16xf32>,
        tpu.vector_store %arg6[%parallel_loop3A_345, %parallel_loop3A_346, %parallel_loop3A_347], %parallel_loop3A_344 {strides = array<i32>} : memref<3x112x128xf32, #tpu.memory_space<vmem>>, vector<16xf32>,
        %parallel_loop3A_349 = arith.index_cast %rem3A_204 : i32 to index
        %parallel_loop3A_350 = arith.index_cast %parallel_loop3A_312 : i32 to index
        %parallel_loop3A_351 = arith.constant 64 : index
        %parallel_loop3A_352 = tpu.vector_load %arg6[%parallel_loop3A_349, %parallel_loop3A_350, %parallel_loop3A_351] {strides = array<i32>} : memref<3x112x128xf32, #tpu.memory_space<vmem>>, vector<16xf32>,
        %parallel_loop3A_353 = arith.mulf %parallel_loop3A_352, %parallel_loop3A_310 : vector<16xf32>
        %parallel_loop3A_354 = arith.index_cast %rem3A_204 : i32 to index
        %parallel_loop3A_355 = arith.index_cast %parallel_loop3A_312 : i32 to index
        %parallel_loop3A_356 = arith.constant 64 : index
        %parallel_loop3A_357 = tpu.vector_load %arg6[%parallel_loop3A_354, %parallel_loop3A_355, %parallel_loop3A_356] {strides = array<i32>} : memref<3x112x128xf32, #tpu.memory_space<vmem>>, vector<16xf32>,
        tpu.vector_store %arg6[%parallel_loop3A_354, %parallel_loop3A_355, %parallel_loop3A_356], %parallel_loop3A_353 {strides = array<i32>} : memref<3x112x128xf32, #tpu.memory_space<vmem>>, vector<16xf32>,
        %parallel_loop3A_358 = arith.index_cast %rem3A_204 : i32 to index
        %parallel_loop3A_359 = arith.index_cast %parallel_loop3A_312 : i32 to index
        %parallel_loop3A_360 = arith.constant 80 : index
        %parallel_loop3A_361 = tpu.vector_load %arg6[%parallel_loop3A_358, %parallel_loop3A_359, %parallel_loop3A_360] {strides = array<i32>} : memref<3x112x128xf32, #tpu.memory_space<vmem>>, vector<16xf32>,
        %parallel_loop3A_362 = arith.mulf %parallel_loop3A_361, %parallel_loop3A_310 : vector<16xf32>
        %parallel_loop3A_363 = arith.index_cast %rem3A_204 : i32 to index
        %parallel_loop3A_364 = arith.index_cast %parallel_loop3A_312 : i32 to index
        %parallel_loop3A_365 = arith.constant 80 : index
        %parallel_loop3A_366 = tpu.vector_load %arg6[%parallel_loop3A_363, %parallel_loop3A_364, %parallel_loop3A_365] {strides = array<i32>} : memref<3x112x128xf32, #tpu.memory_space<vmem>>, vector<16xf32>,
        tpu.vector_store %arg6[%parallel_loop3A_363, %parallel_loop3A_364, %parallel_loop3A_365], %parallel_loop3A_362 {strides = array<i32>} : memref<3x112x128xf32, #tpu.memory_space<vmem>>, vector<16xf32>,
        %parallel_loop3A_367 = arith.index_cast %rem3A_204 : i32 to index
        %parallel_loop3A_368 = arith.index_cast %parallel_loop3A_312 : i32 to index
        %parallel_loop3A_369 = arith.constant 96 : index
        %parallel_loop3A_370 = tpu.vector_load %arg6[%parallel_loop3A_367, %parallel_loop3A_368, %parallel_loop3A_369] {strides = array<i32>} : memref<3x112x128xf32, #tpu.memory_space<vmem>>, vector<16xf32>,
        %parallel_loop3A_371 = arith.mulf %parallel_loop3A_370, %parallel_loop3A_310 : vector<16xf32>
        %parallel_loop3A_372 = arith.index_cast %rem3A_204 : i32 to index
        %parallel_loop3A_373 = arith.index_cast %parallel_loop3A_312 : i32 to index
        %parallel_loop3A_374 = arith.constant 96 : index
        %parallel_loop3A_375 = tpu.vector_load %arg6[%parallel_loop3A_372, %parallel_loop3A_373, %parallel_loop3A_374] {strides = array<i32>} : memref<3x112x128xf32, #tpu.memory_space<vmem>>, vector<16xf32>,
        tpu.vector_store %arg6[%parallel_loop3A_372, %parallel_loop3A_373, %parallel_loop3A_374], %parallel_loop3A_371 {strides = array<i32>} : memref<3x112x128xf32, #tpu.memory_space<vmem>>, vector<16xf32>,
        %parallel_loop3A_376 = arith.index_cast %rem3A_204 : i32 to index
        %parallel_loop3A_377 = arith.index_cast %parallel_loop3A_312 : i32 to index
        %parallel_loop3A_378 = arith.constant 112 : index
        %parallel_loop3A_379 = tpu.vector_load %arg6[%parallel_loop3A_376, %parallel_loop3A_377, %parallel_loop3A_378] {strides = array<i32>} : memref<3x112x128xf32, #tpu.memory_space<vmem>>, vector<16xf32>,
        %parallel_loop3A_380 = arith.mulf %parallel_loop3A_379, %parallel_loop3A_310 : vector<16xf32>
        %parallel_loop3A_381 = arith.index_cast %rem3A_204 : i32 to index
        %parallel_loop3A_382 = arith.index_cast %parallel_loop3A_312 : i32 to index
        %parallel_loop3A_383 = arith.constant 112 : index
        %parallel_loop3A_384 = tpu.vector_load %arg6[%parallel_loop3A_381, %parallel_loop3A_382, %parallel_loop3A_383] {strides = array<i32>} : memref<3x112x128xf32, #tpu.memory_space<vmem>>, vector<16xf32>,
        tpu.vector_store %arg6[%parallel_loop3A_381, %parallel_loop3A_382, %parallel_loop3A_383], %parallel_loop3A_380 {strides = array<i32>} : memref<3x112x128xf32, #tpu.memory_space<vmem>>, vector<16xf32>,
      } {sc.loop_unroll_factor = 4 : i64, sc.parallel_access}
      %rem3A_279 = arith.constant 4 : i32
      %rem3A_280 = arith.remsi %add3A_169, %rem3A_279 : i32
      %rem3A_281 = arith.constant 3 : i32
      %rem3A_282 = arith.remsi %add3A_169, %rem3A_281 : i32
      %mul3A_283 = arith.constant 3 : i32
      %mul3A_284 = arith.muli %rem3A_280, %mul3A_283 : i32
      %add3A_285 = arith.constant 1 : i32
      %add3A_286 = arith.addi %mul3A_284, %add3A_285 : i32
      %dma_start3A_287 = arith.constant 0 : i32
      %dma_start3A_288 = arith.constant 0 : i32
      %dma_start3A_289 = tpu.memref_slice %arg6[%rem3A_282, %dma_start3A_287, %dma_start3A_288] : memref<3x112x128xf32, #tpu.memory_space<vmem>> -> memref<1x112x128xf32, #tpu.memory_space<vmem>>
      %dma_start3A_290 = tpu.memref_squeeze %dma_start3A_289 : memref<1x112x128xf32, #tpu.memory_space<vmem>> -> memref<112x128xf32, #tpu.memory_space<vmem>>
      %dma_start3A_291 = arith.constant 0 : i32
      %dma_start3A_292 = tpu.memref_slice %arg5[%add3A_286, %dma_start3A_291] : memref<12x112xi32, #tpu.memory_space<vmem>> -> memref<1x112xi32, #tpu.memory_space<vmem>>
      %dma_start3A_293 = tpu.memref_squeeze %dma_start3A_292 : memref<1x112xi32, #tpu.memory_space<vmem>> -> memref<112xi32, #tpu.memory_space<vmem>>
      %dma_start3A_294 = arith.constant 0 : i32
      %dma_start3A_295 = arith.constant 0 : i32
      %dma_start3A_296 = tpu.memref_slice %arg7[%dma_start3A_294, %dma_start3A_295] : memref<10000x128xf32, #tpu.memory_space<vmem_shared>> -> memref<10000x128xf32, #tpu.memory_space<vmem_shared>>
      %dma_start3A_297 = tpu.memref_slice %arg10[%rem3A_282] : memref<3x!tpu.dma_semaphore, #tpu.memory_space<semaphore_mem>> -> memref<1x!tpu.dma_semaphore, #tpu.memory_space<semaphore_mem>>
      %dma_start3A_298 = tpu.memref_squeeze %dma_start3A_297 : memref<1x!tpu.dma_semaphore, #tpu.memory_space<semaphore_mem>> -> memref<!tpu.dma_semaphore, #tpu.memory_space<semaphore_mem>>
      tpu.enqueue_indirect_dma source(%dma_start3A_290 : memref<112x128xf32, #tpu.memory_space<vmem>>) target(%dma_start3A_296 : memref<10000x128xf32, #tpu.memory_space<vmem_shared>>) offsets(%dma_start3A_293 : memref<112xi32, #tpu.memory_space<vmem>>) semaphore(%dma_start3A_298 : memref<!tpu.dma_semaphore, #tpu.memory_space<semaphore_mem>>) {add = true}
    }
    %sub3A_139 = arith.constant 1 : i32
    %sub3A_140 = arith.subi %select_n3A, %sub3A_139 : i32
    %rem3A_141 = arith.constant 3 : i32
    %rem3A_142 = arith.remsi %sub3A_140, %rem3A_141 : i32
    %dma_wait3A_143 = arith.constant 0 : i32
    %dma_wait3A_144 = arith.constant 0 : i32
    %dma_wait3A_145 = arith.constant 0 : i32
    %dma_wait3A_146 = arith.constant 0 : i32
    %dma_wait3A_147 = tpu.memref_slice %arg6[%dma_wait3A_143, %dma_wait3A_145, %dma_wait3A_146] : memref<3x112x128xf32, #tpu.memory_space<vmem>> -> memref<1x112x128xf32, #tpu.memory_space<vmem>>
    %dma_wait3A_148 = tpu.memref_squeeze %dma_wait3A_147 : memref<1x112x128xf32, #tpu.memory_space<vmem>> -> memref<112x128xf32, #tpu.memory_space<vmem>>
    %dma_wait3A_149 = arith.constant 0 : i32
    %dma_wait3A_150 = tpu.memref_slice %arg5[%dma_wait3A_144, %dma_wait3A_149] : memref<12x112xi32, #tpu.memory_space<vmem>> -> memref<1x112xi32, #tpu.memory_space<vmem>>
    %dma_wait3A_151 = tpu.memref_squeeze %dma_wait3A_150 : memref<1x112xi32, #tpu.memory_space<vmem>> -> memref<112xi32, #tpu.memory_space<vmem>>
    %dma_wait3A_152 = arith.constant 0 : i32
    %dma_wait3A_153 = arith.constant 0 : i32
    %dma_wait3A_154 = tpu.memref_slice %arg7[%dma_wait3A_152, %dma_wait3A_153] : memref<10000x128xf32, #tpu.memory_space<vmem_shared>> -> memref<10000x128xf32, #tpu.memory_space<vmem_shared>>
    %dma_wait3A_155 = tpu.memref_slice %arg10[%rem3A_142] : memref<3x!tpu.dma_semaphore, #tpu.memory_space<semaphore_mem>> -> memref<1x!tpu.dma_semaphore, #tpu.memory_space<semaphore_mem>>
    %dma_wait3A_156 = tpu.memref_squeeze %dma_wait3A_155 : memref<1x!tpu.dma_semaphore, #tpu.memory_space<semaphore_mem>> -> memref<!tpu.dma_semaphore, #tpu.memory_space<semaphore_mem>>
    tpu.wait_indirect_dma semaphore(%dma_wait3A_156 : memref<!tpu.dma_semaphore, #tpu.memory_space<semaphore_mem>>) src(%dma_wait3A_148 : memref<112x128xf32, #tpu.memory_space<vmem>>) dst(%dma_wait3A_154 : memref<10000x128xf32, #tpu.memory_space<vmem_shared>>)
    %barrier3A_157 = arith.constant 0 : index
    tpu.barrier barrier_id(%barrier3A_157)
    %mul3A_158 = arith.constant 624 : i32
    %mul3A_159 = arith.muli %arg1, %mul3A_158 : i32
    %mul3A_160 = arith.constant 624 : i32
    %mul3A_161 = arith.muli %arg1, %mul3A_160 : i32
    "tpu.region"() ({
      %run_scoped3A_167 = tpu.sem_alloc : memref<!tpu.dma_semaphore, #tpu.memory_space<semaphore_mem>>
      %dma_start3A_168 = arith.constant 0 : i32
      %dma_start3A_169 = tpu.memref_slice %arg4[%arg0, %mul3A_161, %dma_start3A_168] : memref<2x10000x128xf32, #tpu.memory_space<hbm>> -> memref<1x624x128xf32, #tpu.memory_space<hbm>>
      %dma_start3A_170 = tpu.memref_squeeze %dma_start3A_169 : memref<1x624x128xf32, #tpu.memory_space<hbm>> -> memref<624x128xf32, #tpu.memory_space<hbm>>
      %dma_start3A_171 = arith.constant 0 : i32
      %dma_start3A_172 = tpu.memref_slice %arg7[%mul3A_159, %dma_start3A_171] : memref<10000x128xf32, #tpu.memory_space<vmem_shared>> -> memref<624x128xf32, #tpu.memory_space<vmem_shared>>
      tpu.enqueue_dma source(%dma_start3A_172 : memref<624x128xf32, #tpu.memory_space<vmem_shared>>) target(%dma_start3A_170 : memref<624x128xf32, #tpu.memory_space<hbm>>) target_semaphore(%run_scoped3A_167 : memref<!tpu.dma_semaphore, #tpu.memory_space<semaphore_mem>>)
      %dma_wait3A_173 = arith.constant 0 : i32
      %dma_wait3A_174 = tpu.memref_slice %arg4[%arg0, %mul3A_161, %dma_wait3A_173] : memref<2x10000x128xf32, #tpu.memory_space<hbm>> -> memref<1x624x128xf32, #tpu.memory_space<hbm>>
      %dma_wait3A_175 = tpu.memref_squeeze %dma_wait3A_174 : memref<1x624x128xf32, #tpu.memory_space<hbm>> -> memref<624x128xf32, #tpu.memory_space<hbm>>
      %dma_wait3A_176 = arith.constant 0 : i32
      %dma_wait3A_177 = tpu.memref_slice %arg7[%mul3A_159, %dma_wait3A_176] : memref<10000x128xf32, #tpu.memory_space<vmem_shared>> -> memref<624x128xf32, #tpu.memory_space<vmem_shared>>
      tpu.wait_dma2 semaphore(%run_scoped3A_167 : memref<!tpu.dma_semaphore, #tpu.memory_space<semaphore_mem>>) src(%dma_wait3A_177 : memref<624x128xf32, #tpu.memory_space<vmem_shared>>) dst(%dma_wait3A_175 : memref<624x128xf32, #tpu.memory_space<hbm>>)
      tpu.yield
    }) : () -> ()
    %eq3A_162 = arith.constant 15 : i32
    %eq3A_163 = arith.cmpi eq, %arg1, %eq3A_162 : i32
    %convert_element_type3A_164 = arith.extui %eq3A_163 : i1 to i32
    %cond3A_165 = arith.constant 0 : i32
    %cond3A_166 = arith.cmpi ne, %convert_element_type3A_164, %cond3A_165 : i32
    scf.if %cond3A_166 {
      "tpu.region"() ({
        %run_scoped3A_167 = tpu.sem_alloc : memref<!tpu.dma_semaphore, #tpu.memory_space<semaphore_mem>>
        %dma_start3A_168 = arith.constant 9984 : i32
        %dma_start3A_169 = arith.constant 0 : i32
        %dma_start3A_170 = tpu.memref_slice %arg4[%arg0, %dma_start3A_168, %dma_start3A_169] : memref<2x10000x128xf32, #tpu.memory_space<hbm>> -> memref<1x16x128xf32, #tpu.memory_space<hbm>>
        %dma_start3A_171 = tpu.memref_squeeze %dma_start3A_170 : memref<1x16x128xf32, #tpu.memory_space<hbm>> -> memref<16x128xf32, #tpu.memory_space<hbm>>
        %dma_start3A_172 = arith.constant 9984 : i32
        %dma_start3A_173 = arith.constant 0 : i32
        %dma_start3A_174 = tpu.memref_slice %arg7[%dma_start3A_172, %dma_start3A_173] : memref<10000x128xf32, #tpu.memory_space<vmem_shared>> -> memref<16x128xf32, #tpu.memory_space<vmem_shared>>
        tpu.enqueue_dma source(%dma_start3A_174 : memref<16x128xf32, #tpu.memory_space<vmem_shared>>) target(%dma_start3A_171 : memref<16x128xf32, #tpu.memory_space<hbm>>) target_semaphore(%run_scoped3A_167 : memref<!tpu.dma_semaphore, #tpu.memory_space<semaphore_mem>>)
        %dma_wait3A_175 = arith.constant 9984 : i32
        %dma_wait3A_176 = arith.constant 0 : i32
        %dma_wait3A_177 = tpu.memref_slice %arg4[%arg0, %dma_wait3A_175, %dma_wait3A_176] : memref<2x10000x128xf32, #tpu.memory_space<hbm>> -> memref<1x16x128xf32, #tpu.memory_space<hbm>>
        %dma_wait3A_178 = tpu.memref_squeeze %dma_wait3A_177 : memref<1x16x128xf32, #tpu.memory_space<hbm>> -> memref<16x128xf32, #tpu.memory_space<hbm>>
        %dma_wait3A_179 = arith.constant 9984 : i32
        %dma_wait3A_180 = arith.constant 0 : i32
        %dma_wait3A_181 = tpu.memref_slice %arg7[%dma_wait3A_179, %dma_wait3A_180] : memref<10000x128xf32, #tpu.memory_space<vmem_shared>> -> memref<16x128xf32, #tpu.memory_space<vmem_shared>>
        tpu.wait_dma2 semaphore(%run_scoped3A_167 : memref<!tpu.dma_semaphore, #tpu.memory_space<semaphore_mem>>) src(%dma_wait3A_181 : memref<16x128xf32, #tpu.memory_space<vmem_shared>>) dst(%dma_wait3A_178 : memref<16x128xf32, #tpu.memory_space<hbm>>)
        tpu.yield
      }) : () -> ()
    } else {
    }
    return
  }
}

module attributes {stable_mosaic.version = 14 : i64} {
  func.func @body(%arg0: i32, %arg1: memref<2x1000x128xf32, #tpu.memory_space<vmem>>, %arg2: memref<128x128xf32, #tpu.memory_space<vmem>>, %arg3: memref<1000x128xf32, #tpu.memory_space<vmem>>) attributes {dimension_semantics = [#tpu.dimension_semantics<arbitrary>], iteration_bounds = array<i64: 10>, scalar_prefetch = 0 : i64, scratch_operands = 0 : i64, tpu.core_type = #tpu.core_type<tc>, window_params = [{transform_indices = @transform_0, window_bounds = array<i64: 2, 1000, 128>}, {pipeline_mode = #tpu.pipeline_mode<synchronous>, transform_indices = @transform_1, window_bounds = array<i64: 128, 128>}, {transform_indices = @transform_2, window_bounds = array<i64: 1000, 128>}]} {
    %get3A = arith.constant 0 : index
    %get3A_0 = arith.constant 0 : index
    %get3A_1 = arith.constant 0 : index
    %get3A_2 = vector.load %arg1[%get3A, %get3A_0, %get3A_1] : memref<2x1000x128xf32, #tpu.memory_space<vmem>>, vector<1x1000x128xf32>
    %get3A_3 = vector.shape_cast %get3A_2 : vector<1x1000x128xf32> to vector<1000x128xf32>
    %get3A_4 = arith.constant 1 : index
    %get3A_5 = arith.constant 0 : index
    %get3A_6 = arith.constant 0 : index
    %get3A_7 = vector.load %arg1[%get3A_4, %get3A_5, %get3A_6] : memref<2x1000x128xf32, #tpu.memory_space<vmem>>, vector<1x1000x128xf32>
    %get3A_8 = vector.shape_cast %get3A_7 : vector<1x1000x128xf32> to vector<1000x128xf32>
    %add3A = arith.addf %get3A_3, %get3A_8 : vector<1000x128xf32>
    %get3A_9 = arith.constant 0 : index
    %get3A_10 = arith.constant 0 : index
    %get3A_11 = vector.load %arg2[%get3A_9, %get3A_10] : memref<128x128xf32, #tpu.memory_space<vmem>>, vector<128x128xf32>
    %dot_general3A = arith.constant dense<0.000000e+00> : vector<1000x128xf32>
    %dot_general3A_12 = tpu.matmul %add3A, %get3A_11, %dot_general3A {dimension_numbers = #tpu.dot_dimension_numbers<[1], [0], [0], [1], [0, 0, 1, 1], [], []>, transpose_lhs_hint = false} : vector<1000x128xf32>, vector<128x128xf32>, vector<1000x128xf32> -> vector<1000x128xf32>
    %swap3A = arith.constant 0 : index
    %swap3A_13 = arith.constant 0 : index
    %swap3A_14 = vector.load %arg3[%swap3A, %swap3A_13] : memref<1000x128xf32, #tpu.memory_space<vmem>>, vector<1000x128xf32>
    tpu.vector_store %arg3[%swap3A, %swap3A_13], %dot_general3A_12 {strides = array<i32>} : memref<1000x128xf32, #tpu.memory_space<vmem>>, vector<1000x128xf32>,
    return
  }
  func.func @transform_0(%arg0: i32) -> (i32, i32, i32) {
    %c0_i32 = arith.constant 0 : i32
    %c0_i32_0 = arith.constant 0 : i32
    %c0_i32_1 = arith.constant 0 : i32
    return %c0_i32, %arg0, %c0_i32_0 : i32, i32, i32
  }
  func.func @transform_1(%arg0: i32) -> (i32, i32) {
    %c0_i32 = arith.constant 0 : i32
    %c0_i32_0 = arith.constant 0 : i32
    %c0_i32_1 = arith.constant 0 : i32
    return %c0_i32, %c0_i32_0 : i32, i32
  }
  func.func @transform_2(%arg0: i32) -> (i32, i32) {
    %c0_i32 = arith.constant 0 : i32
    %c0_i32_0 = arith.constant 0 : i32
    return %arg0, %c0_i32 : i32, i32
  }
}

</mosaic_0001>

<sc_bundles>
// kernel: kernel.4.cloned.1.call-start
scs
__scs_entry_jumppad:
0x0: {  	(pc) =	sbr.rel $0x88, $3  }
0x1: {  	(tag) =	ssettag $0x0;
	lr =	simm.s32 $0x1  }
0x2: {  	[smem:$0x3F9D] =	sst lr;
	_ =	strace $0xD0000000  }
0x3: {  	_ = 	snop  }
0x4: {  	_ = 	snop  }
0x5: {  	_ = 	snop  }
0x6: {  	_ = 	snop  }
0x7: {  	_ = 	snop  }
__scs_overlays_trampoline_lowered:
0x8: {  	[smem:$0x3FAC] =	sst s0  }
0x9: {  	[smem:$0x3FAD] =	sst s1  }
0xa: {  	[smem:$0x3FAE] =	sst s2  }
0xb: {  	[smem:$0x3FAF] =	sst s3  }
0xc: {  	[smem:$0x3FB0] =	sst s4  }
0xd: {  	[smem:$0x3FB1] =	sst s5  }
0xe: {  	[smem:$0x3FB2] =	sst s6  }
0xf: {  	[smem:$0x3FB3] =	sst s7  }
0x10: {  	[smem:$0x3FB4] =	sst s8  }
0x11: {  	[smem:$0x3FB5] =	sst s9;
	s0 =	simm.s32 @!p0 $0x0  }
0x12: {  	s1 =	sld [smem:$0x3F9B];
	s0 =	simm.s32 @p0 $0x1  }
0x13: {  	[smem:$0x3FB6] =	sst s0;
	s0 =	simm.s32 @!p1 $0x0  }
0x14: {  	s2 =	sld [smem:$0x3F9A];
	s0 =	simm.s32 @p1 $0x1  }
0x15: {  	[smem:$0x3FB7] =	sst s0;
	s0 =	simm.s32 @!p2 $0x0  }
0x16: {  	s3 =	sld [smem:$0x3FDB];
	s0 =	simm.s32 @p2 $0x1  }
0x17: {  	s4 =	simm.s32 $0x1BF5;
	[smem:$0x3FB9] =	sst s0  }
0x18: {  	s0 =	sld [smem:$0x3F9C];
	_ =	swait.ge [sflag:s4], $0x0  }
0x19: {  	s7 =	sld [smem:$0x3F9D]  }
0x1a: {  	s8 =	sadd.s32 $0xFFFFE003, lr  }
0x1b: {  	s9 =	sadd.s32 $0xFFFFFEF7, lr;
	s5 =	simm.s32 $0xFFFFFFFF;
	p2 =	slt.u32 s8, $0xFFFFF086  }
0x1c: {  	p1 =	slt.u32 s9, $0xF7A;
	s5 =	simm.s32 @!p2 $0x0  }
0x1d: {  	s5 =	simm.s32 @p1 $0x1;
	p0 =	seq.s32 s7, s2  }
0x1e: {  	s7 =	smul.u32 @!p0 $0xF7A, s2;
	p2 =	seq.s32 @!p0 s5, $0x0  }
0x1f: {  	s9 =	smul.u32 $0xF7A, s1;
	s8 =	simm.s32 @!p0 $0x1BF5;
	p2 =	por !p2, p0  }
0x20: {  	[sflag:s8] =	ssyncset.s32 @!p0 $0xFFFFF086;
	s6 =	sadd.s32 @!p0 s3, s7;
	s7 =	simm.s32 @!p0 $0x108  }
0x21: {  	s3 =	sadd.s32 s3, s9;
	s6 =	sadd.s32 @!p0 $0x88, s6;
	s7 =	simm.s32 @p2 $0x1082  }
0x22: {  	[simem:s7], [sflag:s8] =	dma.local @!p0 [hbm:s6], $0xF7A  }
0x23: {  	s9 =	sor.u32 $0xD0000000, s2;
	s6 =	simm.s32 $0x108;
	_ =	swait.ge @!p0 [sflag:s8], $0x0  }
0x24: {  	s3 =	sadd.s32 $0x88, s3;
	s6 =	simm.s32 @!p1 $0x1082;
	[sflag:s4] =	ssyncset.s32 $0xFFFFF086  }
0x25: {  	[simem:s6], [sflag:s4] =	dma.local [hbm:s3], $0xF7A  }
0x26: {  	[smem:$0x3F9D] =	sst s1;
	(tag) =	ssettag s2;
	_ =	strace s9  }
0x27: {  	s1 =	sld [smem:$0x3FAD]  }
0x28: {  	s2 =	sld [smem:$0x3FAE]  }
0x29: {  	s4 =	sld [smem:$0x3FB0]  }
0x2a: {  	p0 =	seq.s32 s5, $0x0;
	s5 =	sld [smem:$0x3FB1]  }
0x2b: {  	s6 =	sld [smem:$0x3FB2]  }
0x2c: {  	s7 =	sld [smem:$0x3FB3]  }
0x2d: {  	s3 =	simm.s32 $0x108;
	s8 =	sld [smem:$0x3FB4]  }
0x2e: {  	s3 =	simm.s32 @!p0 $0x1082;
	s9 =	sld [smem:$0x3FB5]  }
0x2f: {  	lr =	sadd.s32 s0, s3;
	s0 =	sld [smem:$0x3FAC]  }
0x30: {  	s3 =	sld [smem:$0x3FAF]  }
0x31: {  	[smem:$0x3FB8] =	sst s10  }
0x32: {  	s10 =	sld [smem:$0x3FB6];
	_ =	sdelay $0x3  }
0x33: {  	p0 =	seq.s32 s10, $0x1;
	s10 =	sld [smem:$0x3FB8];
	_ =	sdelay $0x3  }
0x34: {  	[smem:$0x3FB8] =	sst s10  }
0x35: {  	s10 =	sld [smem:$0x3FB7];
	_ =	sdelay $0x3  }
0x36: {  	p1 =	seq.s32 s10, $0x1;
	s10 =	sld [smem:$0x3FB8];
	_ =	sdelay $0x3  }
0x37: {  	[smem:$0x3FB8] =	sst s10  }
0x38: {  	s10 =	sld [smem:$0x3FB9]  }
0x39: {  	_ = 	snop;
	(pc) =	sbr.ind lr, $3  }
0x3a: {  	_ = 	snop  }
0x3b: {  	_ = 	snop  }
0x3c: {  	p2 =	seq.s32 s10, $0x1;
	s10 =	sld [smem:$0x3FB8]  }
0x3d: {  	_ =	shalt  }
0x3e: {  	_ =	shalt  }
0x3f: {  	_ =	shalt  }
0x40: {  	_ =	shalt  }
0x41: {  	_ =	shalt  }
0x42: {  	_ =	shalt  }
0x43: {  	_ =	shalt  }
0x44: {  	_ =	shalt  }
0x45: {  	_ =	shalt  }
0x46: {  	_ =	shalt  }
0x47: {  	_ =	shalt  }
0x48: {  	_ =	shalt  }
0x49: {  	_ =	shalt  }
0x4a: {  	_ =	shalt  }
0x4b: {  	_ =	shalt  }
0x4c: {  	_ =	shalt  }
0x4d: {  	_ =	shalt  }
0x4e: {  	_ =	shalt  }
0x4f: {  	_ =	shalt  }
0x50: {  	_ =	shalt  }
0x51: {  	_ =	shalt  }
0x52: {  	_ =	shalt  }
0x53: {  	_ =	shalt  }
0x54: {  	_ =	shalt  }
0x55: {  	_ =	shalt  }
0x56: {  	_ =	shalt  }
0x57: {  	_ =	shalt  }
0x58: {  	_ =	shalt  }
0x59: {  	_ =	shalt  }
0x5a: {  	_ =	shalt  }
0x5b: {  	_ =	shalt  }
0x5c: {  	_ =	shalt  }
0x5d: {  	_ =	shalt  }
0x5e: {  	_ =	shalt  }
0x5f: {  	_ =	shalt  }
0x60: {  	_ =	shalt  }
0x61: {  	_ =	shalt  }
0x62: {  	_ =	shalt  }
0x63: {  	_ =	shalt  }
0x64: {  	_ =	shalt  }
0x65: {  	_ =	shalt  }
0x66: {  	_ =	shalt  }
0x67: {  	_ =	shalt  }
0x68: {  	_ =	shalt  }
0x69: {  	_ =	shalt  }
0x6a: {  	_ =	shalt  }
0x6b: {  	_ =	shalt  }
0x6c: {  	_ =	shalt  }
0x6d: {  	_ =	shalt  }
0x6e: {  	_ =	shalt  }
0x6f: {  	_ =	shalt  }
0x70: {  	_ =	shalt  }
0x71: {  	_ =	shalt  }
0x72: {  	_ =	shalt  }
0x73: {  	_ =	shalt  }
0x74: {  	_ =	shalt  }
0x75: {  	_ =	shalt  }
0x76: {  	_ =	shalt  }
0x77: {  	_ =	shalt  }
0x78: {  	_ =	shalt  }
0x79: {  	_ =	shalt  }
0x7a: {  	_ =	shalt  }
0x7b: {  	_ =	shalt  }
0x7c: {  	_ =	shalt  }
0x7d: {  	_ =	shalt  }
0x7e: {  	_ =	shalt  }
0x7f: {  	_ =	shalt  }
0x80: {  	_ =	shalt  }
0x81: {  	_ =	shalt  }
0x82: {  	_ =	shalt  }
0x83: {  	_ =	shalt  }
0x84: {  	_ =	shalt  }
0x85: {  	_ =	shalt  }
0x86: {  	_ =	shalt  }
0x87: {  	_ =	shalt  }
.Lfunc_end0:
.L_simem_size_0:
called_computation_lowered:
.L_overlay_start_0:
0x88: {  	s2 =	sld [smem:$0x3FD9]  }
0x89: {  	s3 =	sld [smem:$0x3FFE];
	_ =	sdelay $0x1  }
0x8a: {  	s1 =	srdreg.scid  }
0x8b: {  	s0 =	sand.u32 $0x1, s1  }
0x8c: {  	s17 =	sshll.u32 s0, $0xA;
	s2 =	sadd.s32 s3, s2  }
0x8d: {  	s2 =	sadd.s32 s2, s17  }
0x8e: {  	[smem:$0x3FC4] =	sst s2  }
0x8f: {  	_ = 	snop  }
0x90: {  	s2 =	sld [smem:$0x3FC9];
	(tm) =	ssettm $0x1  }
0x91: {  	s18 =	sld [smem:$0x3FFB];
	_ =	sdelay $0x3  }
0x92: {  	_ =	strace s18  }
0x93: {  	s3 =	sld [smem:$0x3FFC];
	_ =	sdelay $0x3  }
0x94: {  	_ =	strace s3  }
0x95: {  	s3 =	sld [smem:$0x3FFD];
	_ =	sdelay $0x3  }
0x96: {  	_ =	strace s3  }
0x97: {  	_ =	strace $0x8FFFFFFF  }
0x98: {  	s19 =	sld [smem:$0x3FDB];
	_ =	sdelay $0x1  }
0x99: {  	s4 =	simm.s32 $_scs_section_size  }
0x9a: {  	s5 =	simm.s32 $_size__tile_overlayer_lowered;
	s6 =	simm.s32 $_tile_overlayer_lowered  }
0x9b: {  	s22 =	simm.s32 $0x1BFF;
	s21 =	sshll.u32 s6, $0x1;
	s3 =	sadd.s32 s4, s19  }
0x9c: {  	s7 =	simm.s32 $0x0;
	s20 =	sshll.u32 s5, $0x1;
	s5 =	sadd.s32 s21, s3  }
0x9d: {  	[timem:s7], [sflag:s22] =	dma.local [hbm:s5], s20  }
0x9e: {  	_ =	swait.ge [sflag:s22], s20  }
0x9f: {  	s4 =	ssub.s32 $0x0, s20;
	[sflag:s22] =	ssyncset.done $0x0  }
0xa0: {  	[sflag:s22] =	ssyncadd.s32 s4;
	_ =	sdelay $0x1  }
0xa1: {  	s23 =	simm.s32 $0x1B8B  }
0xa2: {  	_ =	swait.ge [sflag:s23], $0x1  }
0xa3: {  	[sflag:s23] =	ssyncset.done $0x0  }
0xa4: {  	s25 =	simm.s32 $0x1B8E;
	s24 =	sld [smem:$0x3FFE];
	[sflag:s23] =	ssyncadd.s32 $0xFFFFFFFF  }
0xa5: {  	s26 =	simm.s32 $execute0_lowered;
	[smem:$0x3FD2] =	sst s25  }
0xa6: {  	s5 =	sshll.u32 s26, $0x1;
	_ =	strace $0x80000046;
	[dreg:$0x1] =	wrdreg $0xFFFFFFFF  }
0xa7: {  	s28 =	simm.s32 $_size_execute0_lowered;
	s3 =	sadd.s32 s3, s5;
	[dreg:$0x0] =	wrdreg $0x0  }
0xa8: {  	s5 =	sshll.u32 s28, $0x1;
	[dreg:$0x2] =	wrdreg s3  }
0xa9: {  	[dreg:$0x3] =	wrdreg s5  }
0xaa: {  	[dreg:$0x4] =	wrdreg $0xC0  }
0xab: {  	_ =	task [dreg:s7], $0x5FFFF  }
0xac: {  	[dreg:$0x1] =	wrdreg $0xFFFFFFFF  }
0xad: {  	[dreg:$0x0] =	wrdreg $0x60  }
0xae: {  	[dreg:$0x2] =	wrdreg s2  }
0xaf: {  	[dreg:$0x3] =	wrdreg s24  }
0xb0: {  	[dreg:$0x4] =	wrdreg $0xB0000  }
0xb1: {  	[dreg:$0x5] =	wrdreg $0x9  }
0xb2: {  	_ =	task.clear_ibuf [dreg:s7], $0x6FFFF;
	_ =	strace $0x90000046  }
0xb3: {  	s29 =	simm.s32 $0x9;
	_ =	strace $0x80000048  }
0xb4: {  	_ =	swait.ge [sflag:s29], $0x1  }
0xb5: {  	[sflag:s29] =	ssyncadd.s32 $0xFFFFFFFF  }
0xb6: {  	_ =	strace $0x90000048  }
0xb7: {  	_ =	sfence  }
0xb8: {  	s30 =	sld [smem:$0x0];
	_ =	sdelay $0x2  }
0xb9: {  	s31 =	sshll.u32 s1, $0xD;
	s1 =	sshrl.u32 s1, $0x2  }
0xba: {  	s3 =	sand.u32 $0x4000, s31;
	s1 =	sadd.s32 s1, s30  }
0xbb: {  	s0 =	sor.u32 s3, s0;
	s1 =	sshll.u32 s1, $0x11  }
0xbc: {  	s0 =	sor.u32 s1, s0  }
0xbd: {  	s0 =	sadd.s32 $0x8F2B, s0  }
0xbe: {  	[sflag:s0] =	ssyncadd.remote.s32 $0x1  }
0xbf: {  	_ =	sfence.sel $0xFFFF  }
0xc0: {  	[dreg:$0x0] =	wrdreg $0xFFFFFFFF;
	(pc) =	sbr.abs _section_cstart, $3  }
0xc1: {  	[dreg:$0x1] =	wrdreg $0xFFFFFFFF  }
0xc2: {  	_ =	task.clear_ibuf [dreg:s7], $0x2FFFF;
	_ =	strace $0x9FFFFFFF  }
0xc3: {  	(tm) =	ssettm $0x7FFFFFFF  }
tec
execute0_lowered:
.L_overlay_start_1:
0x0: {  	(tag) =	ssettag $0x1  }
0x1: {  	s1 =	rddreg [dreg:$0x0]  }
0x2: {  	s0 =	rddreg [dreg:$0x1]  }
0x3: {  	s2 =	rddreg [dreg:$0x2];
	s4 =	simm.s32 $0x0  }
0x4: {  	s3 =	srdreg.scid;
	s14 =	stileid.u32;
	s5 =	simm.s32 $0x90  }
0x5: {  	[smem:$0x7FF] =	sst s4;
	s3 =	sand.u32 $0x1, s3;
	s7 =	smul.u32 $0x4E000, s14  }
0x6: {  	s6 =	sadd.s32 $0x200, s0;
	s0 =	sadd.s32 $0x2D200, s0;
	s26 =	smul.u32 $0x13800, s14  }
0x7: {  	s15 =	sadd.s32 $0x138000, s2;
	p0 =	seq.s32 s3, $0x0;
	s8 =	smul.u32 $0x900, s3  }
0x8: {  	_ =	strace $0x80000047;
	s10 =	ssub.s32 $0x2, s3;
	s3 =	smul.u32 $0x138800, s3  }
0x9: {  	s5 =	simm.s32 @!p0 $0x24;
	s13 =	sshrl.u32 s10, $0x1;
	s7 =	sshrl.u32 s7, $0x2  }
0xa: {  	p0 =	sne.s32 s14, $0xF;
	s9 =	sadd.s32 $0xFFFFFFFF, s5;
	s11 =	smul.u32 s14, s5  }
0xb: {  	s10 =	ssub.s32 s10, s13;
	s7 =	sadd.s32 s7, s2;
	s28 =	sadd.s32 s26, s3  }
0xc: {  	s3 =	sshrl.u32 s3, $0x3;
	s26 =	simm.s32 $0x0;
	s18 =	sadd.s32 $0x3800, s7  }
0xd: {  	s12 =	sand.u32 $0xFF, s9;
	s20 =	sadd.s32 $0x7000, s7;
	[dreg:$0x4] =	wrdreg s18  }
0xe: {  	s21 =	sadd.s32 $0xA800, s7;
	s22 =	sadd.s32 $0xE000, s7;
	[dreg:$0x5] =	wrdreg s20  }
0xf: {  	s24 =	sadd.s32 $0x11800, s7;
	s29 =	sshrl.u32 s28, $0x3;
	[dreg:$0x6] =	wrdreg s21  }
0x10: {  	s3 =	sadd.s32 s0, s3;
	s12 =	smul.u32 $0xAB, s12;
	[dreg:$0x7] =	wrdreg s22  }
0x11: {  	s31 =	smax.u32 s10, $0x1;
	s8 =	sadd.s32 s8, s11;
	[dreg:$0x8] =	wrdreg s24  }
0x12: {  	s0 =	sadd.s32 s0, s29;
	s30 =	sadd.s32 $0x27000, s3;
	s19 =	sshrl.u32 s12, $0x9  }
0x13: {  	[dreg:$0xd] =	wrdreg s31;
	s21 =	simm.s32 $0x800;
	s11 =	smul.u32 $0x3, s19  }
0x14: {  	s22 =	simm.s32 $0xB;
	s23 =	sshll.u32 s8, $0x6;
	[dreg:$0xb] =	wrdreg s0  }
0x15: {  	[dreg:$0xc] =	wrdreg s30;
	s25 =	sadd.s32 s6, s23;
	s9 =	ssub.s32 s9, s11  }
0x16: {  	[dreg:$0x9] =	wrdreg s25;
	s13 =	sadd.s32 $0x40, s25;
	s9 =	sor.u32 $0x8, s9  }
0x17: {  	v0 =	vimm.f32 $0.0e+00;
	s25 =	simm.s32 $0x70;
	[dreg:$0xa] =	wrdreg s13;
	s17 =	sand.u32 $0xFF, s9  }
.LBB2_1:
0x18: {  	s0 =	simm.s32 $0x0;
	s3 =	simm.s32 $0x200  }
.LBB2_2:
0x19: {  	p1 =	sne.s32 s3, $0xDE00;
	[tilespmem:s0+$0x870] =	vst v0  }
0x1a: {  	[tilespmem:s0+$0x800] =	vst v0  }
0x1b: {  	[tilespmem:s0+$0x810] =	vst v0  }
.Ltmp0:
0x1c: {  	[tilespmem:s0+$0x820] =	vst v0;
	(pc) =	sbr.rel @p1 .LBB2_2-.Ltmp0, $4  }
0x1d: {  	[tilespmem:s0+$0x830] =	vst v0  }
0x1e: {  	[tilespmem:s0+$0x840] =	vst v0  }
0x1f: {  	[tilespmem:s0+$0x850] =	vst v0  }
0x20: {  	[tilespmem:s0+$0x860] =	vst v0;
	s0 =	sshra.s32 s3, $0x2;
	s3 =	sadd.s32 $0x200, s3  }
0x21: {  	[tilespmem:s0+$0x870] =	vst v0  }
0x22: {  	[tilespmem:s0+$0x800] =	vst v0  }
0x23: {  	[tilespmem:s0+$0x810] =	vst v0  }
0x24: {  	[tilespmem:s0+$0x820] =	vst v0  }
0x25: {  	[tilespmem:s0+$0x830] =	vst v0  }
0x26: {  	[tilespmem:s0+$0x840] =	vst v0  }
0x27: {  	[tilespmem:s0+$0x850] =	vst v0  }
0x28: {  	[tilespmem:s0+$0x860] =	vst v0  }
0x29: {  	[spmem:s7] =	stream.linear.scatter [tilespmem:s21], [sflag:$0xB], $0x3800, $0x38;
	[tilespmem:$0x1E880] =	vst v63  }
0x2a: {  	_ =	swait.ge [sflag:s22], $0x3800  }
0x2b: {  	[sflag:s22] =	ssyncset.done $0x0  }
0x2c: {  	s13 =	rddreg [dreg:$0x4];
	[sflag:s22] =	ssyncadd.s32 $0xFFFFC800  }
0x2d: {  	[spmem:s13] =	stream.linear.scatter [tilespmem:s21], [sflag:$0xB], $0x3800, $0x38;
	[tilespmem:$0x1E880] =	vst v63  }
0x2e: {  	_ =	swait.ge [sflag:s22], $0x3800  }
0x2f: {  	[sflag:s22] =	ssyncset.done $0x0  }
0x30: {  	s14 =	rddreg [dreg:$0x5];
	[sflag:s22] =	ssyncadd.s32 $0xFFFFC800  }
0x31: {  	[spmem:s14] =	stream.linear.scatter [tilespmem:s21], [sflag:$0xB], $0x3800, $0x38;
	[tilespmem:$0x1E880] =	vst v63  }
0x32: {  	_ =	swait.ge [sflag:s22], $0x3800  }
0x33: {  	[sflag:s22] =	ssyncset.done $0x0  }
0x34: {  	s16 =	rddreg [dreg:$0x6];
	[sflag:s22] =	ssyncadd.s32 $0xFFFFC800  }
0x35: {  	[spmem:s16] =	stream.linear.scatter [tilespmem:s21], [sflag:$0xB], $0x3800, $0x38;
	[tilespmem:$0x1E880] =	vst v63  }
0x36: {  	_ =	swait.ge [sflag:s22], $0x3800  }
0x37: {  	[sflag:s22] =	ssyncset.done $0x0  }
0x38: {  	s18 =	rddreg [dreg:$0x7];
	[sflag:s22] =	ssyncadd.s32 $0xFFFFC800  }
0x39: {  	[spmem:s18] =	stream.linear.scatter [tilespmem:s21], [sflag:$0xB], $0x3800, $0x38;
	[tilespmem:$0x1E880] =	vst v63  }
0x3a: {  	_ =	swait.ge [sflag:s22], $0x3800  }
0x3b: {  	[sflag:s22] =	ssyncset.done $0x0  }
0x3c: {  	s19 =	rddreg [dreg:$0x8];
	[sflag:s22] =	ssyncadd.s32 $0xFFFFC800  }
0x3d: {  	[spmem:s19] =	stream.linear.scatter [tilespmem:s21], [sflag:$0xB], $0x2000, $0x38;
	[tilespmem:$0x1E880] =	vst v63  }
0x3e: {  	_ =	swait.ge [sflag:s22], $0x2000  }
0x3f: {  	[sflag:s22] =	ssyncset.done $0x0  }
0x40: {  	s0 =	simm.s32 @!p0 $0x800;
	[sflag:s22] =	ssyncadd.s32 $0xFFFFE000  }
0x41: {  	[spmem:s15] =	stream.linear.scatter @!p0 [tilespmem:s0], [sflag:$0xB], $0x800, $0x38;
	[tilespmem:$0x1E880] =	vst v63  }
0x42: {  	s0 =	simm.s32 @!p0 $0xB  }
0x43: {  	_ =	swait.ge @!p0 [sflag:s0], $0x800  }
0x44: {  	[sflag:s0] =	ssyncset.done @!p0 $0x0  }
0x45: {  	[sflag:s0] =	ssyncadd.s32 @!p0 $0xFFFFF800  }
0x46: {  	[bflag:$0x0] =	sbarrier.arrive $0xFFFF  }
0x47: {  	s3 =	simm.s32 $0x180;
	s24 =	simm.s32 $0x1;
	s20 =	rddreg [dreg:$0x9]  }
0x48: {  	[tilespmem:s26], [sflag:$0x1] =	stream.linear.gather [hbm4b:s20+s26], $0x180, $0x38;
	[tilespmem:$0x1E880] =	vst v63  }
0x49: {  	s28 =	simm.s32 $0x9F0;
	s29 =	simm.s32 $0x1000;
	s23 =	rddreg [dreg:$0xa]  }
0x4a: {  	[tilespmem:s3], [sflag:$0x2] =	stream.linear.gather [hbm4b:s23+s26], $0x180, $0x38;
	[tilespmem:$0x1E880] =	vst v63  }
0x4b: {  	s30 =	simm.s32 $0x1800;
	s31 =	simm.s32 $0x2000;
	_ =	swait.ge [sflag:s24], $0x180  }
0x4c: {  	s9 =	simm.s32 $0x0;
	s0 =	simm.s32 $0x2800;
	[sflag:s24] =	ssyncset.done $0x0  }
0x4d: {  	s23 =	simm.s32 $0x3000;
	s3 =	simm.s32 $0x3800;
	[sflag:s24] =	ssyncadd.s32 $0xFFFFFE80  }
0x4e: {  	[tilespmem:s21], [sflag:$0x5] =	stream.indirect.gather [hbm4b:s1+s25], $0x80, s26, s25, $0xb8;
	[tilespmem:$0x1E880] =	vst v63  }
.LBB2_4:
0x4f: {  	s10 =	sadd.s32 $0x2, s9  }
0x50: {  	s11 =	smov.u32 s9;
	s9 =	sadd.s32 $0x1, s9;
	p2 =	sge.u32 s10, s5  }
0x51: {  	p1 =	sge.u32 s9, s5;
	s20 =	smulhi.u32 $0xAAAAAAAB, s11;
	s12 =	sand.u32 @!p2 $0x3, s10  }
0x52: {  	s10 =	sadd.s32 @!p2 s8, s10;
	s16 =	smulhi.u32 @!p1 $0xAAAAAAAB, s9;
	s18 =	simm.s32 @!p2 $0x0  }
0x53: {  	s13 =	smul.u32 @!p2 $0x600, s12;
	s10 =	sshll.u32 @!p2 s10, $0x6;
	s12 =	sadd.s32 @!p2 $0x1, s12  }
0x54: {  	s19 =	sshrl.u32 s20, $0x1;
	s10 =	sand.u32 @!p2 $0x1FFFFFC0, s10;
	s16 =	sshrl.u32 @!p1 s16, $0x1  }
0x55: {  	s13 =	sshrl.u32 @!p2 s13, $0x2;
	s10 =	sadd.s32 @!p2 s6, s10;
	s16 =	smul.u32 @!p1 $0x3, s16  }
0x56: {  	[tilespmem:s13], [sflag:s12] =	stream.linear.gather @!p2 [hbm4b:s10+s18], $0x180, $0x38;
	[tilespmem:$0x1E880] =	vst v63  }
0x57: {  	s24 =	smul.u32 $0x3, s19;
	s12 =	sand.u32 @!p1 $0x3, s9  }
0x58: {  	s13 =	ssub.s32 @!p1 s9, s16;
	s16 =	sadd.s32 @!p1 $0x1, s12;
	s12 =	smul.u32 @!p1 $0x600, s12  }
0x59: {  	s20 =	simm.s32 @!p1 $0x70;
	s18 =	smul.u32 @!p1 $0xE000, s13;
	_ =	swait.ge @!p1 [sflag:s16], $0x180  }
0x5a: {  	p2 =	seq.s32 s11, $0x0;
	s13 =	sadd.s32 @!p1 $0x5, s13;
	[sflag:s16] =	ssyncset.done @!p1 $0x0  }
0x5b: {  	s12 =	sshrl.u32 @!p1 s12, $0x2;
	s10 =	sshrl.u32 @!p1 s18, $0x2;
	s18 =	sadd.s32 @!p2 $0xFFFFFFFF, s11  }
0x5c: {  	[sflag:s16] =	ssyncadd.s32 @!p1 $0xFFFFFE80;
	s10 =	sadd.s32 @!p1 $0x800, s10;
	s14 =	smulhi.u32 @!p2 $0xAAAAAAAB, s18  }
0x5d: {  	[tilespmem:s10], [sflag:s13] =	stream.indirect.gather @!p1 [hbm4b:s1+s20], $0x80, s12, s20, $0xb8;
	[tilespmem:$0x1E880] =	vst v63  }
0x5e: {  	s10 =	ssub.s32 s11, s24;
	s12 =	sshrl.u32 @!p2 s14, $0x1  }
0x5f: {  	s14 =	sadd.s32 $0x5, s10;
	s12 =	smul.u32 @!p2 $0x3, s12  }
0x60: {  	_ =	swait.ge [sflag:s14], $0x3800  }
0x61: {  	[sflag:s14] =	ssyncset.done $0x0;
	s12 =	ssub.s32 @!p2 s18, s12  }
0x62: {  	s11 =	sand.u32 $0x3, s11;
	[sflag:s14] =	ssyncadd.s32 $0xFFFFC800;
	s12 =	sor.u32 @!p2 $0x8, s12  }
0x63: {  	s11 =	smul.u32 $0x600, s11;
	_ =	swait.ge @!p2 [sflag:s12], $0x3800  }
0x64: {  	s16 =	smul.u32 $0xFFFD6000, s19;
	[sflag:s12] =	ssyncset.done @!p2 $0x0  }
0x65: {  	s11 =	sshrl.u32 s11, $0x2;
	[sflag:s12] =	ssyncadd.s32 @!p2 $0xFFFFC800  }
0x66: {  	s13 =	sshra.s32 s16, $0x2;
	v1 =	vld [tilespmem:s11+$0x100]  }
0x67: {  	s16 =	sadd.s32 s13, s28  }
0x68: {  	v2 =	vld [tilespmem:s16+$0xFFFFFE10]  }
0x69: {  	v4 =	vld [tilespmem:s16+$0xFFFFFE20]  }
0x6a: {  	v5 =	vmov s26;
	v3 =	vld [tilespmem:s16+$0x0]  }
0x6b: {  	s18 =	simm.s32 $0x3;
	v7 =	vld [tilespmem:s16+$0xFFFFFE40];
	v5 =	vperm.xlane v1, v5  }
0x6c: {  	v9 =	vmov s18;
	v6 =	vld [tilespmem:s16+$0xFFFFFE30]  }
0x6d: {  	v11 =	vld [tilespmem:s16+$0xFFFFFE60];
	v10 =	vmul.f32 v2, v5;
	v2 =	vperm.xlane v1, v9  }
0x6e: {  	v9 =	vld [tilespmem:s16+$0xFFFFFE70];
	v4 =	vmul.f32 v4, v5  }
0x6f: {  	v8 =	vld [tilespmem:s16+$0xFFFFFE50];
	[tilespmem:s16+$0xFFFFFE10] =	vst v10;
	v3 =	vmul.f32 v3, v2  }
0x70: {  	v10 =	vld [tilespmem:s16+$0xFFFFFE80];
	[tilespmem:s16+$0xFFFFFE20] =	vst v4;
	v4 =	vmul.f32 v7, v5  }
0x71: {  	v12 =	vld [tilespmem:s16+$0xFFFFFE90];
	[tilespmem:s16+$0x0] =	vst v3;
	v3 =	vmul.f32 v6, v5  }
0x72: {  	s19 =	simm.s32 $0x1;
	v13 =	vld [tilespmem:s16+$0xFFFFFEB0];
	[tilespmem:s16+$0xFFFFFE40] =	vst v4;
	v4 =	vmul.f32 v11, v5  }
0x73: {  	v7 =	vmov s19;
	v6 =	vld [tilespmem:s16+$0xFFFFFEA0];
	v9 =	vmul.f32 v9, v5;
	[tilespmem:s16+$0xFFFFFE30] =	vst v3  }
0x74: {  	v7 =	vperm.xlane v1, v7;
	v11 =	vld [tilespmem:s16+$0xFFFFFED0];
	v3 =	vmul.f32 v8, v5;
	[tilespmem:s16+$0xFFFFFE60] =	vst v4  }
0x75: {  	v8 =	vld [tilespmem:s16+$0xFFFFFEC0];
	v5 =	vmul.f32 v10, v5;
	[tilespmem:s16+$0xFFFFFE70] =	vst v9  }
0x76: {  	v4 =	vld [tilespmem:s16+$0xFFFFFEF0];
	[tilespmem:s16+$0xFFFFFE50] =	vst v3;
	v3 =	vmul.f32 v12, v7  }
0x77: {  	v62 =	vld [tilespmem:s16+$0xFFFFFEE0];
	[tilespmem:s16+$0xFFFFFE80] =	vst v5;
	v5 =	vmul.f32 v13, v7  }
0x78: {  	[tilespmem:s16+$0xFFFFFE90] =	vst v3;
	v3 =	vmul.f32 v6, v7;
	v6 =	vld [tilespmem:s16+$0xFFFFFF00]  }
0x79: {  	v9 =	vld [tilespmem:s16+$0xFFFFFF10];
	[tilespmem:s16+$0xFFFFFEB0] =	vst v5;
	v5 =	vmul.f32 v11, v7  }
0x7a: {  	s20 =	simm.s32 $0x2;
	[tilespmem:s16+$0xFFFFFEA0] =	vst v3;
	v3 =	vmul.f32 v8, v7;
	v8 =	vld [tilespmem:s16+$0xFFFFFF20]  }
0x7b: {  	v10 =	vmov s20;
	v11 =	vld [tilespmem:s16+$0xFFFFFF30];
	v4 =	vmul.f32 v4, v7;
	[tilespmem:s16+$0xFFFFFED0] =	vst v5  }
0x7c: {  	v63 =	vld [tilespmem:s16+$0xFFFFFF40];
	v10 =	vperm.xlane v1, v10;
	[tilespmem:s16+$0xFFFFFEC0] =	vst v3;
	v3 =	vmul.f32 v62, v7  }
0x7d: {  	v5 =	vld [tilespmem:s16+$0xFFFFFF50];
	[tilespmem:s16+$0xFFFFFEF0] =	vst v4;
	v6 =	vmul.f32 v6, v7  }
0x7e: {  	[tilespmem:s16+$0xFFFFFEE0] =	vst v3;
	v3 =	vmul.f32 v9, v10;
	v9 =	vld [tilespmem:s16+$0xFFFFFF60]  }
0x7f: {  	v4 =	vld [tilespmem:s16+$0xFFFFFF70];
	v7 =	vmul.f32 v8, v10;
	[tilespmem:s16+$0xFFFFFF00] =	vst v6  }
0x80: {  	v8 =	vld [tilespmem:s16+$0xFFFFFF80];
	[tilespmem:s16+$0xFFFFFF10] =	vst v3;
	v3 =	vmul.f32 v11, v10  }
0x81: {  	v6 =	vmul.f32 v63, v10;
	v11 =	vld [tilespmem:s16+$0xFFFFFF90];
	[tilespmem:s16+$0xFFFFFF20] =	vst v7  }
0x82: {  	v7 =	vld [tilespmem:s16+$0xFFFFFFA0];
	[tilespmem:s16+$0xFFFFFF30] =	vst v3;
	v3 =	vmul.f32 v5, v10  }
0x83: {  	s24 =	smul.u32 $0xE000, s10;
	[tilespmem:s16+$0xFFFFFF40] =	vst v6;
	v6 =	vld [tilespmem:s16+$0xFFFFFFB0];
	v9 =	vmul.f32 v9, v10  }
0x84: {  	v4 =	vmul.f32 v4, v10;
	v5 =	vld [tilespmem:s16+$0xFFFFFFC0];
	[tilespmem:s16+$0xFFFFFF50] =	vst v3  }
0x85: {  	s18 =	simm.s32 $0x4;
	s12 =	sshra.s32 s24, $0x2;
	v3 =	vld [tilespmem:s16+$0xFFFFFFD0];
	[tilespmem:s16+$0xFFFFFF60] =	vst v9;
	v9 =	vmul.f32 v8, v10  }
0x86: {  	s12 =	sadd.s32 $0x800, s12;
	s19 =	simm.s32 $0x8;
	s20 =	sadd.s32 $0x200, s28;
	[tilespmem:s16+$0xFFFFFF70] =	vst v4;
	v4 =	vld [tilespmem:s16+$0xFFFFFFE0];
	v8 =	vmul.f32 v11, v2  }
.LBB2_5:
0x87: {  	p1 =	slt.u32 s19, $0xC;
	s14 =	sadd.s32 s13, s20;
	[tilespmem:s16+$0xFFFFFF80] =	vst v9;
	v7 =	vmul.f32 v7, v2;
	v9 =	vld [tilespmem:s16+$0xFFFFFFF0]  }
0x88: {  	v10 =	vld [tilespmem:s14+$0x0];
	[tilespmem:s16+$0xFFFFFF90] =	vst v8;
	v6 =	vmul.f32 v6, v2  }
0x89: {  	s24 =	sadd.s32 $0x3, s18;
	v8 =	vld [tilespmem:s14+$0xFFFFFE10];
	[tilespmem:s16+$0xFFFFFFA0] =	vst v7;
	v5 =	vmul.f32 v5, v2  }
0x8a: {  	v11 =	vmov s24;
	v7 =	vld [tilespmem:s14+$0xFFFFFE20];
	[tilespmem:s16+$0xFFFFFFB0] =	vst v6;
	v3 =	vmul.f32 v3, v2  }
0x8b: {  	v11 =	vperm.xlane v1, v11;
	v6 =	vmov s18;
	v12 =	vld [tilespmem:s14+$0xFFFFFE30];
	[tilespmem:s16+$0xFFFFFFC0] =	vst v5;
	v4 =	vmul.f32 v4, v2  }
0x8c: {  	v5 =	vperm.xlane v1, v6;
	v6 =	vld [tilespmem:s14+$0xFFFFFE40];
	[tilespmem:s16+$0xFFFFFFD0] =	vst v3;
	v3 =	vmul.f32 v9, v2  }
0x8d: {  	v2 =	vmov v11;
	v9 =	vld [tilespmem:s14+$0xFFFFFE50];
	v10 =	vmul.f32 v10, v11;
	[tilespmem:s16+$0xFFFFFFE0] =	vst v4  }
0x8e: {  	v4 =	vmul.f32 v8, v5;
	v8 =	vld [tilespmem:s14+$0xFFFFFE60];
	[tilespmem:s16+$0xFFFFFFF0] =	vst v3;
	s16 =	smov.u32 s14  }
0x8f: {  	v3 =	vmul.f32 v7, v5;
	v7 =	vld [tilespmem:s16+$0xFFFFFE70];
	[tilespmem:s16+$0x0] =	vst v10  }
0x90: {  	[tilespmem:s16+$0xFFFFFE10] =	vst v4;
	v4 =	vmul.f32 v12, v5;
	v10 =	vld [tilespmem:s16+$0xFFFFFE80]  }
0x91: {  	[tilespmem:s16+$0xFFFFFE20] =	vst v3;
	v3 =	vmul.f32 v6, v5;
	v6 =	vld [tilespmem:s16+$0xFFFFFE90]  }
0x92: {  	s14 =	sadd.s32 $0x1, s18;
	[tilespmem:s16+$0xFFFFFE30] =	vst v4;
	v4 =	vmul.f32 v9, v5;
	v9 =	vld [tilespmem:s16+$0xFFFFFEA0]  }
0x93: {  	[tilespmem:s16+$0xFFFFFE40] =	vst v3;
	v3 =	vmul.f32 v8, v5;
	v8 =	vmov s14;
	v11 =	vld [tilespmem:s16+$0xFFFFFEB0]  }
0x94: {  	[tilespmem:s16+$0xFFFFFE50] =	vst v4;
	v4 =	vmul.f32 v7, v5;
	v7 =	vperm.xlane v1, v8;
	v8 =	vld [tilespmem:s16+$0xFFFFFEC0]  }
0x95: {  	[tilespmem:s16+$0xFFFFFE60] =	vst v3;
	v3 =	vmul.f32 v10, v5;
	v5 =	vld [tilespmem:s16+$0xFFFFFED0]  }
0x96: {  	[tilespmem:s16+$0xFFFFFE70] =	vst v4;
	v4 =	vmul.f32 v6, v7;
	v6 =	vld [tilespmem:s16+$0xFFFFFEE0]  }
0x97: {  	[tilespmem:s16+$0xFFFFFE80] =	vst v3;
	v3 =	vmul.f32 v9, v7;
	v9 =	vld [tilespmem:s16+$0xFFFFFEF0]  }
0x98: {  	[tilespmem:s16+$0xFFFFFE90] =	vst v4;
	v4 =	vmul.f32 v11, v7;
	v10 =	vld [tilespmem:s16+$0xFFFFFF00]  }
0x99: {  	[tilespmem:s16+$0xFFFFFEA0] =	vst v3;
	v3 =	vmul.f32 v8, v7;
	v8 =	vld [tilespmem:s16+$0xFFFFFF10]  }
0x9a: {  	s14 =	sadd.s32 $0x2, s18;
	s18 =	smov.u32 s19;
	[tilespmem:s16+$0xFFFFFEB0] =	vst v4;
	v4 =	vmul.f32 v5, v7;
	v5 =	vld [tilespmem:s16+$0xFFFFFF20]  }
0x9b: {  	[tilespmem:s16+$0xFFFFFEC0] =	vst v3;
	v3 =	vmul.f32 v6, v7;
	v6 =	vmov s14;
	v11 =	vld [tilespmem:s16+$0xFFFFFF30]  }
0x9c: {  	[tilespmem:s16+$0xFFFFFED0] =	vst v4;
	v4 =	vmul.f32 v9, v7;
	v9 =	vperm.xlane v1, v6;
	v6 =	vld [tilespmem:s16+$0xFFFFFF40]  }
0x9d: {  	[tilespmem:s16+$0xFFFFFEE0] =	vst v3;
	v3 =	vmul.f32 v10, v7;
	v7 =	vld [tilespmem:s16+$0xFFFFFF50]  }
0x9e: {  	[tilespmem:s16+$0xFFFFFEF0] =	vst v4;
	v4 =	vmul.f32 v8, v9;
	v8 =	vld [tilespmem:s16+$0xFFFFFF60]  }
0x9f: {  	[tilespmem:s16+$0xFFFFFF00] =	vst v3;
	v3 =	vmul.f32 v5, v9;
	v5 =	vld [tilespmem:s16+$0xFFFFFF70]  }
0xa0: {  	[tilespmem:s16+$0xFFFFFF10] =	vst v4;
	v4 =	vmul.f32 v11, v9;
	v10 =	vld [tilespmem:s16+$0xFFFFFF80]  }
0xa1: {  	[tilespmem:s16+$0xFFFFFF20] =	vst v3;
	v3 =	vmul.f32 v6, v9;
	v11 =	vld [tilespmem:s16+$0xFFFFFF90]  }
.Ltmp1:
0xa2: {  	[tilespmem:s16+$0xFFFFFF30] =	vst v4;
	v4 =	vmul.f32 v7, v9;
	v7 =	vld [tilespmem:s16+$0xFFFFFFA0];
	(pc) =	sbr.rel @p1 .LBB2_5-.Ltmp1, $4  }
0xa3: {  	[tilespmem:s16+$0xFFFFFF40] =	vst v3;
	v3 =	vmul.f32 v8, v9;
	v6 =	vld [tilespmem:s16+$0xFFFFFFB0]  }
0xa4: {  	[tilespmem:s16+$0xFFFFFF50] =	vst v4;
	v4 =	vmul.f32 v5, v9;
	v5 =	vld [tilespmem:s16+$0xFFFFFFC0]  }
0xa5: {  	[tilespmem:s16+$0xFFFFFF60] =	vst v3;
	v9 =	vmul.f32 v10, v9;
	v3 =	vld [tilespmem:s16+$0xFFFFFFD0]  }
0xa6: {  	s20 =	sadd.s32 $0x200, s20;
	s19 =	sadd.s32 $0x4, s19;
	[tilespmem:s16+$0xFFFFFF70] =	vst v4;
	v8 =	vmul.f32 v11, v2;
	v4 =	vld [tilespmem:s16+$0xFFFFFFE0]  }
0xa7: {  	s19 =	sadd.s32 s13, s20;
	[tilespmem:s16+$0xFFFFFF80] =	vst v9;
	v7 =	vmul.f32 v7, v2;
	v9 =	vld [tilespmem:s16+$0xFFFFFFF0]  }
0xa8: {  	v10 =	vld [tilespmem:s19+$0x0];
	[tilespmem:s16+$0xFFFFFF90] =	vst v8;
	v6 =	vmul.f32 v6, v2  }
0xa9: {  	s14 =	sadd.s32 $0x3, s18;
	v8 =	vld [tilespmem:s19+$0xFFFFFE10];
	[tilespmem:s16+$0xFFFFFFA0] =	vst v7;
	v5 =	vmul.f32 v5, v2  }
0xaa: {  	v11 =	vmov s14;
	v7 =	vld [tilespmem:s19+$0xFFFFFE20];
	[tilespmem:s16+$0xFFFFFFB0] =	vst v6;
	v3 =	vmul.f32 v3, v2  }
0xab: {  	v12 =	vld [tilespmem:s19+$0xFFFFFE30];
	v11 =	vperm.xlane v1, v11;
	v6 =	vmov s18;
	[tilespmem:s16+$0xFFFFFFC0] =	vst v5;
	v4 =	vmul.f32 v4, v2  }
0xac: {  	v5 =	vperm.xlane v1, v6;
	v6 =	vld [tilespmem:s19+$0xFFFFFE40];
	[tilespmem:s16+$0xFFFFFFD0] =	vst v3;
	v2 =	vmul.f32 v9, v2  }
0xad: {  	v3 =	vld [tilespmem:s19+$0xFFFFFE50];
	v9 =	vmul.f32 v10, v11;
	[tilespmem:s16+$0xFFFFFFE0] =	vst v4  }
0xae: {  	v4 =	vmul.f32 v8, v5;
	v8 =	vld [tilespmem:s19+$0xFFFFFE60];
	[tilespmem:s16+$0xFFFFFFF0] =	vst v2  }
0xaf: {  	v2 =	vmul.f32 v7, v5;
	v7 =	vld [tilespmem:s19+$0xFFFFFE70];
	[tilespmem:s19+$0x0] =	vst v9  }
0xb0: {  	[tilespmem:s19+$0xFFFFFE10] =	vst v4;
	v4 =	vmul.f32 v12, v5;
	v9 =	vld [tilespmem:s19+$0xFFFFFE80]  }
0xb1: {  	[tilespmem:s19+$0xFFFFFE20] =	vst v2;
	v2 =	vmul.f32 v6, v5;
	v6 =	vld [tilespmem:s19+$0xFFFFFE90]  }
0xb2: {  	s16 =	sadd.s32 $0x1, s18;
	[tilespmem:s19+$0xFFFFFE30] =	vst v4;
	v3 =	vmul.f32 v3, v5;
	v4 =	vld [tilespmem:s19+$0xFFFFFEA0]  }
0xb3: {  	v10 =	vld [tilespmem:s19+$0xFFFFFEB0];
	[tilespmem:s19+$0xFFFFFE40] =	vst v2;
	v2 =	vmul.f32 v8, v5;
	v8 =	vmov s16  }
0xb4: {  	[tilespmem:s19+$0xFFFFFE50] =	vst v3;
	v3 =	vmul.f32 v7, v5;
	v7 =	vperm.xlane v1, v8;
	v8 =	vld [tilespmem:s19+$0xFFFFFEC0]  }
0xb5: {  	[tilespmem:s19+$0xFFFFFE60] =	vst v2;
	v2 =	vmul.f32 v9, v5;
	v5 =	vld [tilespmem:s19+$0xFFFFFED0]  }
0xb6: {  	[tilespmem:s19+$0xFFFFFE70] =	vst v3;
	v3 =	vmul.f32 v6, v7;
	v6 =	vld [tilespmem:s19+$0xFFFFFEE0]  }
0xb7: {  	[tilespmem:s19+$0xFFFFFE80] =	vst v2;
	v2 =	vmul.f32 v4, v7;
	v4 =	vld [tilespmem:s19+$0xFFFFFEF0]  }
0xb8: {  	v9 =	vld [tilespmem:s19+$0xFFFFFF00];
	[tilespmem:s19+$0xFFFFFE90] =	vst v3;
	v3 =	vmul.f32 v10, v7  }
0xb9: {  	[tilespmem:s19+$0xFFFFFEA0] =	vst v2;
	v2 =	vmul.f32 v8, v7;
	v8 =	vld [tilespmem:s19+$0xFFFFFF10]  }
0xba: {  	s18 =	sadd.s32 $0x2, s18;
	[tilespmem:s19+$0xFFFFFEB0] =	vst v3;
	v3 =	vmul.f32 v5, v7;
	v5 =	vld [tilespmem:s19+$0xFFFFFF20]  }
0xbb: {  	v10 =	vld [tilespmem:s19+$0xFFFFFF30];
	[tilespmem:s19+$0xFFFFFEC0] =	vst v2;
	v2 =	vmul.f32 v6, v7;
	v6 =	vmov s18  }
0xbc: {  	[tilespmem:s19+$0xFFFFFED0] =	vst v3;
	v3 =	vmul.f32 v4, v7;
	v1 =	vperm.xlane v1, v6;
	v4 =	vld [tilespmem:s19+$0xFFFFFF40]  }
0xbd: {  	v6 =	vld [tilespmem:s19+$0xFFFFFF50];
	[tilespmem:s19+$0xFFFFFEE0] =	vst v2;
	v2 =	vmul.f32 v9, v7  }
0xbe: {  	v7 =	vld [tilespmem:s19+$0xFFFFFF60];
	[tilespmem:s19+$0xFFFFFEF0] =	vst v3;
	v3 =	vmul.f32 v8, v1  }
0xbf: {  	[tilespmem:s19+$0xFFFFFF00] =	vst v2;
	v2 =	vmul.f32 v5, v1;
	v5 =	vld [tilespmem:s19+$0xFFFFFF70]  }
0xc0: {  	v8 =	vld [tilespmem:s19+$0xFFFFFF80];
	[tilespmem:s19+$0xFFFFFF10] =	vst v3;
	v3 =	vmul.f32 v10, v1  }
0xc1: {  	[tilespmem:s19+$0xFFFFFF20] =	vst v2;
	v2 =	vmul.f32 v4, v1;
	v4 =	vld [tilespmem:s19+$0xFFFFFF90]  }
0xc2: {  	[tilespmem:s19+$0xFFFFFF30] =	vst v3;
	v3 =	vmul.f32 v6, v1;
	v6 =	vld [tilespmem:s19+$0xFFFFFFA0]  }
0xc3: {  	[tilespmem:s19+$0xFFFFFF40] =	vst v2;
	v2 =	vmul.f32 v7, v1;
	v7 =	vld [tilespmem:s19+$0xFFFFFFB0]  }
0xc4: {  	[tilespmem:s19+$0xFFFFFF50] =	vst v3;
	v3 =	vmul.f32 v5, v1;
	v5 =	vld [tilespmem:s19+$0xFFFFFFC0]  }
0xc5: {  	v1 =	vmul.f32 v8, v1;
	[tilespmem:s19+$0xFFFFFF60] =	vst v2;
	v2 =	vld [tilespmem:s19+$0xFFFFFFD0]  }
0xc6: {  	[tilespmem:s19+$0xFFFFFF70] =	vst v3;
	v3 =	vmul.f32 v4, v11;
	v4 =	vld [tilespmem:s19+$0xFFFFFFE0]  }
0xc7: {  	[tilespmem:s19+$0xFFFFFF80] =	vst v1;
	v1 =	vmul.f32 v6, v11;
	v6 =	vld [tilespmem:s19+$0xFFFFFFF0]  }
0xc8: {  	[tilespmem:s19+$0xFFFFFF90] =	vst v3;
	v3 =	vmul.f32 v7, v11  }
0xc9: {  	[tilespmem:s19+$0xFFFFFFA0] =	vst v1;
	v1 =	vmul.f32 v5, v11  }
0xca: {  	[tilespmem:s19+$0xFFFFFFB0] =	vst v3;
	v2 =	vmul.f32 v2, v11  }
0xcb: {  	[tilespmem:s19+$0xFFFFFFC0] =	vst v1;
	v3 =	vmul.f32 v4, v11  }
0xcc: {  	v1 =	vmov s13;
	[tilespmem:s19+$0xFFFFFFD0] =	vst v2;
	v2 =	vmul.f32 v6, v11  }
0xcd: {  	[tilespmem:s19+$0xFFFFFFE0] =	vst v3  }
0xce: {  	[tilespmem:s19+$0xFFFFFFF0] =	vst v2  }
0xcf: {  	v10 =	vld [tilespmem:s11+$0x110];
	_ =	sdelay $0x1  }
0xd0: {  	v2 =	vld.idx.msk [tilespmem:v1+s29+$0x80 ss:$0x1], $0xffff  }
0xd1: {  	s20 =	simm.s32 $0x1  }
0xd2: {  	v3 =	vmov s20  }
0xd3: {  	v3 =	vperm.xlane v10, v3  }
0xd4: {  	v5 =	vld.idx.msk [tilespmem:v1+s29+$0x180 ss:$0x1], $0xffff  }
0xd5: {  	s24 =	simm.s32 $0x3;
	v4 =	vmul.f32 v2, v3  }
0xd6: {  	v6 =	vld.idx.msk [tilespmem:v1+s29+$0x0 ss:$0x1], $0xffff;
	v2 =	vmov s24  }
0xd7: {  	s14 =	simm.s32 $0x0;
	v2 =	vperm.xlane v10, v2;
	[tilespmem:v1+s29+$0x80 ss:$0x1] =	vst.idx.msk $0xffff, v4  }
0xd8: {  	v4 =	vmov s14;
	v7 =	vld.idx.msk [tilespmem:v1+s29+$0x90 ss:$0x1], $0xffff  }
0xd9: {  	v8 =	vld.idx.msk [tilespmem:v1+s29+$0x100 ss:$0x1], $0xffff;
	v4 =	vperm.xlane v10, v4;
	v5 =	vmul.f32 v5, v2  }
0xda: {  	s16 =	simm.s32 $0x2  }
0xdb: {  	v9 =	vmov s16;
	v6 =	vmul.f32 v6, v4;
	[tilespmem:v1+s29+$0x180 ss:$0x1] =	vst.idx.msk $0xffff, v5  }
0xdc: {  	v5 =	vperm.xlane v10, v9;
	v9 =	vld.idx.msk [tilespmem:v1+s29+$0x190 ss:$0x1], $0xffff  }
0xdd: {  	[tilespmem:v1+s29+$0x0 ss:$0x1] =	vst.idx.msk $0xffff, v6;
	v6 =	vmul.f32 v7, v3  }
0xde: {  	v8 =	vmul.f32 v8, v5;
	v7 =	vld.idx.msk [tilespmem:v1+s29+$0x10 ss:$0x1], $0xffff  }
0xdf: {  	[tilespmem:v1+s29+$0x90 ss:$0x1] =	vst.idx.msk $0xffff, v6  }
0xe0: {  	[tilespmem:v1+s29+$0x100 ss:$0x1] =	vst.idx.msk $0xffff, v8;
	v6 =	vld.idx.msk [tilespmem:v1+s29+$0xA0 ss:$0x1], $0xffff  }
0xe1: {  	v8 =	vld.idx.msk [tilespmem:v1+s29+$0x110 ss:$0x1], $0xffff;
	v9 =	vmul.f32 v9, v2;
	_ =	sdelay $0x1  }
0xe2: {  	v7 =	vmul.f32 v7, v4;
	[tilespmem:v1+s29+$0x190 ss:$0x1] =	vst.idx.msk $0xffff, v9  }
0xe3: {  	v9 =	vld.idx.msk [tilespmem:v1+s29+$0x1A0 ss:$0x1], $0xffff  }
0xe4: {  	[tilespmem:v1+s29+$0x10 ss:$0x1] =	vst.idx.msk $0xffff, v7;
	v6 =	vmul.f32 v6, v3  }
0xe5: {  	v8 =	vmul.f32 v8, v5;
	v7 =	vld.idx.msk [tilespmem:v1+s29+$0x20 ss:$0x1], $0xffff  }
0xe6: {  	[tilespmem:v1+s29+$0xA0 ss:$0x1] =	vst.idx.msk $0xffff, v6  }
0xe7: {  	[tilespmem:v1+s29+$0x110 ss:$0x1] =	vst.idx.msk $0xffff, v8;
	v6 =	vld.idx.msk [tilespmem:v1+s29+$0xB0 ss:$0x1], $0xffff  }
0xe8: {  	s13 =	sadd.s32 $0x200, s29;
	v8 =	vld.idx.msk [tilespmem:v1+s29+$0x120 ss:$0x1], $0xffff;
	v9 =	vmul.f32 v9, v2  }
0xe9: {  	v11 =	vld.idx.msk [tilespmem:v1+s13+$0x80 ss:$0x1], $0xffff  }
0xea: {  	s18 =	simm.s32 $0x5;
	v7 =	vmul.f32 v7, v4;
	[tilespmem:v1+s29+$0x1A0 ss:$0x1] =	vst.idx.msk $0xffff, v9;
	v9 =	vld.idx.msk [tilespmem:v1+s13+$0x0 ss:$0x1], $0xffff  }
0xeb: {  	v13 =	vmov s18;
	s19 =	simm.s32 $0x4;
	v12 =	vld.idx.msk [tilespmem:v1+s29+$0x1B0 ss:$0x1], $0xffff  }
0xec: {  	[tilespmem:v1+s29+$0x20 ss:$0x1] =	vst.idx.msk $0xffff, v7;
	v7 =	vmov s19;
	v14 =	vmul.f32 v6, v3;
	v6 =	vperm.xlane v10, v13;
	v13 =	vld.idx.msk [tilespmem:v1+s13+$0x180 ss:$0x1], $0xffff  }
0xed: {  	s20 =	simm.s32 $0x7;
	v8 =	vmul.f32 v8, v5;
	v7 =	vperm.xlane v10, v7;
	v15 =	vld.idx.msk [tilespmem:v1+s29+$0x30 ss:$0x1], $0xffff  }
0xee: {  	v16 =	vmov s20;
	[tilespmem:v1+s29+$0xB0 ss:$0x1] =	vst.idx.msk $0xffff, v14;
	v11 =	vmul.f32 v11, v6;
	v14 =	vld.idx.msk [tilespmem:v1+s13+$0x100 ss:$0x1], $0xffff  }
0xef: {  	s24 =	simm.s32 $0x6;
	[tilespmem:v1+s29+$0x120 ss:$0x1] =	vst.idx.msk $0xffff, v8;
	v8 =	vperm.xlane v10, v16;
	v17 =	vmul.f32 v9, v7;
	v16 =	vld.idx.msk [tilespmem:v1+s29+$0xC0 ss:$0x1], $0xffff  }
0xf0: {  	v9 =	vmov s24;
	v18 =	vld.idx.msk [tilespmem:v1+s29+$0x130 ss:$0x1], $0xffff;
	v12 =	vmul.f32 v12, v2;
	[tilespmem:v1+s13+$0x80 ss:$0x1] =	vst.idx.msk $0xffff, v11  }
0xf1: {  	v9 =	vperm.xlane v10, v9;
	[tilespmem:v1+s13+$0x0 ss:$0x1] =	vst.idx.msk $0xffff, v17;
	v11 =	vld.idx.msk [tilespmem:v1+s13+$0x90 ss:$0x1], $0xffff;
	v13 =	vmul.f32 v13, v8  }
0xf2: {  	v17 =	vld.idx.msk [tilespmem:v1+s13+$0x10 ss:$0x1], $0xffff;
	[tilespmem:v1+s29+$0x1B0 ss:$0x1] =	vst.idx.msk $0xffff, v12;
	v12 =	vmul.f32 v15, v4  }
0xf3: {  	v14 =	vmul.f32 v14, v9;
	[tilespmem:v1+s13+$0x180 ss:$0x1] =	vst.idx.msk $0xffff, v13;
	v13 =	vld.idx.msk [tilespmem:v1+s29+$0x1C0 ss:$0x1], $0xffff  }
0xf4: {  	[tilespmem:v1+s29+$0x30 ss:$0x1] =	vst.idx.msk $0xffff, v12;
	v15 =	vmul.f32 v16, v3;
	v16 =	vld.idx.msk [tilespmem:v1+s13+$0x190 ss:$0x1], $0xffff  }
0xf5: {  	v12 =	vmul.f32 v18, v5;
	[tilespmem:v1+s13+$0x100 ss:$0x1] =	vst.idx.msk $0xffff, v14;
	v14 =	vld.idx.msk [tilespmem:v1+s29+$0x40 ss:$0x1], $0xffff  }
0xf6: {  	[tilespmem:v1+s29+$0xC0 ss:$0x1] =	vst.idx.msk $0xffff, v15;
	v15 =	vld.idx.msk [tilespmem:v1+s13+$0x110 ss:$0x1], $0xffff;
	v11 =	vmul.f32 v11, v6  }
0xf7: {  	[tilespmem:v1+s29+$0x130 ss:$0x1] =	vst.idx.msk $0xffff, v12;
	v17 =	vmul.f32 v17, v7;
	v12 =	vld.idx.msk [tilespmem:v1+s29+$0xD0 ss:$0x1], $0xffff  }
0xf8: {  	v18 =	vld.idx.msk [tilespmem:v1+s29+$0x140 ss:$0x1], $0xffff;
	[tilespmem:v1+s13+$0x90 ss:$0x1] =	vst.idx.msk $0xffff, v11;
	v11 =	vmul.f32 v13, v2  }
0xf9: {  	[tilespmem:v1+s13+$0x10 ss:$0x1] =	vst.idx.msk $0xffff, v17;
	v13 =	vld.idx.msk [tilespmem:v1+s13+$0xA0 ss:$0x1], $0xffff;
	v16 =	vmul.f32 v16, v8  }
0xfa: {  	v17 =	vld.idx.msk [tilespmem:v1+s13+$0x20 ss:$0x1], $0xffff;
	v14 =	vmul.f32 v14, v4;
	[tilespmem:v1+s29+$0x1C0 ss:$0x1] =	vst.idx.msk $0xffff, v11  }
0xfb: {  	v11 =	vmul.f32 v15, v9;
	[tilespmem:v1+s13+$0x190 ss:$0x1] =	vst.idx.msk $0xffff, v16;
	v15 =	vld.idx.msk [tilespmem:v1+s29+$0x1D0 ss:$0x1], $0xffff  }
0xfc: {  	v12 =	vmul.f32 v12, v3;
	v19 =	vld.idx.msk [tilespmem:v1+s13+$0x1A0 ss:$0x1], $0xffff;
	[tilespmem:v1+s29+$0x40 ss:$0x1] =	vst.idx.msk $0xffff, v14  }
0xfd: {  	v14 =	vmul.f32 v18, v5;
	[tilespmem:v1+s13+$0x110 ss:$0x1] =	vst.idx.msk $0xffff, v11;
	v11 =	vld.idx.msk [tilespmem:v1+s29+$0x50 ss:$0x1], $0xffff  }
0xfe: {  	v16 =	vld.idx.msk [tilespmem:v1+s13+$0x120 ss:$0x1], $0xffff;
	[tilespmem:v1+s29+$0xD0 ss:$0x1] =	vst.idx.msk $0xffff, v12;
	v13 =	vmul.f32 v13, v6  }
0xff: {  	v17 =	vmul.f32 v17, v7;
	[tilespmem:v1+s29+$0x140 ss:$0x1] =	vst.idx.msk $0xffff, v14;
	v12 =	vld.idx.msk [tilespmem:v1+s29+$0xE0 ss:$0x1], $0xffff  }
0x100: {  	[tilespmem:v1+s13+$0xA0 ss:$0x1] =	vst.idx.msk $0xffff, v13;
	v13 =	vld.idx.msk [tilespmem:v1+s29+$0x150 ss:$0x1], $0xffff  }
0x101: {  	s18 =	simm.s32 $0x8;
	s16 =	smov.u32 s29;
	s19 =	sadd.s32 $0x200, s13;
	v14 =	vmul.f32 v15, v2;
	[tilespmem:v1+s13+$0x20 ss:$0x1] =	vst.idx.msk $0xffff, v17;
	v15 =	vld.idx.msk [tilespmem:v1+s13+$0xB0 ss:$0x1], $0xffff;
	v17 =	vmul.f32 v19, v8  }
.LBB2_7:
0x102: {  	p1 =	slt.u32 s18, $0xC;
	s14 =	smov.u32 s18;
	s18 =	sadd.s32 $0x4, s18  }
0x103: {  	v16 =	vmul.f32 v16, v9;
	v18 =	vld.idx.msk [tilespmem:v1+s19+$0x80 ss:$0x1], $0xffff;
	[tilespmem:v1+s13+$0x1A0 ss:$0x1] =	vst.idx.msk $0xffff, v17  }
0x104: {  	s20 =	sadd.s32 $0x3, s14;
	v12 =	vmul.f32 v12, v3;
	v17 =	vld.idx.msk [tilespmem:v1+s19+$0x0 ss:$0x1], $0xffff  }
0x105: {  	v11 =	vmul.f32 v11, v4;
	s24 =	sadd.s32 $0x2, s14;
	v19 =	vmov s20;
	[tilespmem:v1+s13+$0x120 ss:$0x1] =	vst.idx.msk $0xffff, v16;
	v16 =	vld.idx.msk [tilespmem:v1+s13+$0x1B0 ss:$0x1], $0xffff  }
0x106: {  	s20 =	sadd.s32 $0x1, s14;
	v20 =	vmov s24;
	v19 =	vperm.xlane v10, v19;
	v13 =	vmul.f32 v13, v5;
	v21 =	vld.idx.msk [tilespmem:v1+s13+$0x130 ss:$0x1], $0xffff;
	[tilespmem:v1+s16+$0x1D0 ss:$0x1] =	vst.idx.msk $0xffff, v14  }
0x107: {  	v20 =	vperm.xlane v10, v20;
	v14 =	vmov s20;
	v15 =	vmul.f32 v15, v6;
	[tilespmem:v1+s16+$0x50 ss:$0x1] =	vst.idx.msk $0xffff, v11;
	v11 =	vld.idx.msk [tilespmem:v1+s16+$0x1E0 ss:$0x1], $0xffff  }
0x108: {  	v22 =	vmov s14;
	v14 =	vperm.xlane v10, v14;
	v23 =	vld.idx.msk [tilespmem:v1+s16+$0x60 ss:$0x1], $0xffff;
	[tilespmem:v1+s16+$0x150 ss:$0x1] =	vst.idx.msk $0xffff, v13  }
0x109: {  	v13 =	vperm.xlane v10, v22;
	v22 =	vld.idx.msk [tilespmem:v1+s19+$0x180 ss:$0x1], $0xffff;
	[tilespmem:v1+s13+$0xB0 ss:$0x1] =	vst.idx.msk $0xffff, v15  }
0x10a: {  	v15 =	vld.idx.msk [tilespmem:v1+s13+$0xC0 ss:$0x1], $0xffff;
	[tilespmem:v1+s16+$0xE0 ss:$0x1] =	vst.idx.msk $0xffff, v12  }
0x10b: {  	v12 =	vmul.f32 v17, v13;
	v16 =	vmul.f32 v16, v8;
	v17 =	vld.idx.msk [tilespmem:v1+s16+$0x160 ss:$0x1], $0xffff  }
0x10c: {  	v18 =	vmul.f32 v18, v14;
	v21 =	vmul.f32 v21, v9;
	v24 =	vld.idx.msk [tilespmem:v1+s19+$0x100 ss:$0x1], $0xffff  }
0x10d: {  	v11 =	vmul.f32 v11, v2;
	[tilespmem:v1+s19+$0x0 ss:$0x1] =	vst.idx.msk $0xffff, v12;
	v12 =	vld.idx.msk [tilespmem:v1+s16+$0xF0 ss:$0x1], $0xffff  }
0x10e: {  	v23 =	vmul.f32 v23, v4;
	[tilespmem:v1+s19+$0x80 ss:$0x1] =	vst.idx.msk $0xffff, v18;
	v18 =	vld.idx.msk [tilespmem:v1+s13+$0x30 ss:$0x1], $0xffff  }
0x10f: {  	v25 =	vld.idx.msk [tilespmem:v1+s19+$0x90 ss:$0x1], $0xffff;
	[tilespmem:v1+s16+$0x1E0 ss:$0x1] =	vst.idx.msk $0xffff, v11  }
0x110: {  	v11 =	vmul.f32 v22, v19;
	v15 =	vmul.f32 v15, v6;
	[tilespmem:v1+s16+$0x60 ss:$0x1] =	vst.idx.msk $0xffff, v23;
	v22 =	vld.idx.msk [tilespmem:v1+s16+$0x1F0 ss:$0x1], $0xffff  }
0x111: {  	v17 =	vmul.f32 v17, v5;
	[tilespmem:v1+s13+$0x130 ss:$0x1] =	vst.idx.msk $0xffff, v21;
	v21 =	vld.idx.msk [tilespmem:v1+s16+$0x70 ss:$0x1], $0xffff  }
0x112: {  	v24 =	vmul.f32 v24, v20;
	v23 =	vld.idx.msk [tilespmem:v1+s19+$0x10 ss:$0x1], $0xffff;
	[tilespmem:v1+s13+$0xC0 ss:$0x1] =	vst.idx.msk $0xffff, v15  }
0x113: {  	v12 =	vmul.f32 v12, v3;
	v3 =	vmov v6;
	v6 =	vmov v14;
	v15 =	vld.idx.msk [tilespmem:v1+s13+$0xD0 ss:$0x1], $0xffff;
	[tilespmem:v1+s16+$0x160 ss:$0x1] =	vst.idx.msk $0xffff, v17  }
0x114: {  	[tilespmem:v1+s13+$0x1B0 ss:$0x1] =	vst.idx.msk $0xffff, v16;
	v14 =	vld.idx.msk [tilespmem:v1+s16+$0x170 ss:$0x1], $0xffff  }
0x115: {  	v16 =	vmul.f32 v18, v7;
	[tilespmem:v1+s16+$0xF0 ss:$0x1] =	vst.idx.msk $0xffff, v12  }
0x116: {  	v12 =	vmul.f32 v22, v2;
	v2 =	vmov v8;
	v8 =	vmov v19;
	[tilespmem:v1+s19+$0x180 ss:$0x1] =	vst.idx.msk $0xffff, v11;
	v11 =	vld.idx.msk [tilespmem:v1+s13+$0x1C0 ss:$0x1], $0xffff  }
0x117: {  	v17 =	vld.idx.msk [tilespmem:v1+s19+$0x190 ss:$0x1], $0xffff;
	[tilespmem:v1+s13+$0x30 ss:$0x1] =	vst.idx.msk $0xffff, v16;
	v16 =	vmul.f32 v21, v4;
	v4 =	vmov v7;
	v7 =	vmov v13  }
0x118: {  	v13 =	vmul.f32 v23, v7;
	[tilespmem:v1+s19+$0x100 ss:$0x1] =	vst.idx.msk $0xffff, v24;
	v18 =	vld.idx.msk [tilespmem:v1+s13+$0x40 ss:$0x1], $0xffff  }
0x119: {  	v15 =	vmul.f32 v15, v3;
	v19 =	vld.idx.msk [tilespmem:v1+s19+$0x110 ss:$0x1], $0xffff;
	[tilespmem:v1+s16+$0x70 ss:$0x1] =	vst.idx.msk $0xffff, v16  }
0x11a: {  	v14 =	vmul.f32 v14, v5;
	v5 =	vmov v9;
	[tilespmem:v1+s19+$0x10 ss:$0x1] =	vst.idx.msk $0xffff, v13;
	v13 =	vmul.f32 v25, v6  }
0x11b: {  	v9 =	vmov v20;
	v16 =	vld.idx.msk [tilespmem:v1+s19+$0x20 ss:$0x1], $0xffff;
	[tilespmem:v1+s16+$0x1F0 ss:$0x1] =	vst.idx.msk $0xffff, v12  }
0x11c: {  	v11 =	vmul.f32 v11, v2;
	[tilespmem:v1+s19+$0x90 ss:$0x1] =	vst.idx.msk $0xffff, v13;
	v12 =	vld.idx.msk [tilespmem:v1+s13+$0x140 ss:$0x1], $0xffff  }
0x11d: {  	v17 =	vmul.f32 v17, v8;
	v13 =	vld.idx.msk [tilespmem:v1+s19+$0xA0 ss:$0x1], $0xffff;
	[tilespmem:v1+s16+$0x170 ss:$0x1] =	vst.idx.msk $0xffff, v14;
	s16 =	smov.u32 s13;
	s13 =	smov.u32 s19  }
0x11e: {  	v14 =	vmul.f32 v18, v4;
	[tilespmem:v1+s16+$0x1C0 ss:$0x1] =	vst.idx.msk $0xffff, v11  }
0x11f: {  	v11 =	vmul.f32 v19, v9;
	[tilespmem:v1+s19+$0x190 ss:$0x1] =	vst.idx.msk $0xffff, v17;
	v17 =	vld.idx.msk [tilespmem:v1+s16+$0x1D0 ss:$0x1], $0xffff  }
0x120: {  	v18 =	vld.idx.msk [tilespmem:v1+s19+$0x1A0 ss:$0x1], $0xffff;
	[tilespmem:v1+s16+$0x40 ss:$0x1] =	vst.idx.msk $0xffff, v14  }
0x121: {  	v19 =	vmul.f32 v16, v7;
	[tilespmem:v1+s19+$0x110 ss:$0x1] =	vst.idx.msk $0xffff, v11;
	v11 =	vld.idx.msk [tilespmem:v1+s16+$0x50 ss:$0x1], $0xffff  }
.Ltmp2:
0x122: {  	v14 =	vmul.f32 v12, v5;
	v16 =	vld.idx.msk [tilespmem:v1+s19+$0x120 ss:$0x1], $0xffff;
	[tilespmem:v1+s16+$0xD0 ss:$0x1] =	vst.idx.msk $0xffff, v15;
	(pc) =	sbr.rel @p1 .LBB2_7-.Ltmp2, $4  }
0x123: {  	v13 =	vmul.f32 v13, v6;
	v12 =	vld.idx.msk [tilespmem:v1+s16+$0xE0 ss:$0x1], $0xffff  }
0x124: {  	[tilespmem:v1+s16+$0x140 ss:$0x1] =	vst.idx.msk $0xffff, v14  }
0x125: {  	v14 =	vmul.f32 v17, v2;
	[tilespmem:v1+s19+$0xA0 ss:$0x1] =	vst.idx.msk $0xffff, v13;
	v13 =	vld.idx.msk [tilespmem:v1+s16+$0x150 ss:$0x1], $0xffff  }
0x126: {  	v17 =	vmul.f32 v18, v8;
	s19 =	sadd.s32 $0x200, s19;
	[tilespmem:v1+s13+$0x20 ss:$0x1] =	vst.idx.msk $0xffff, v19;
	v15 =	vld.idx.msk [tilespmem:v1+s13+$0xB0 ss:$0x1], $0xffff  }
0x127: {  	_ =	sdelay $0x2  }
0x128: {  	v10 =	vmul.f32 v16, v9  }
0x129: {  	v16 =	vld.idx.msk [tilespmem:v1+s13+$0x30 ss:$0x1], $0xffff;
	[tilespmem:v1+s13+$0x1A0 ss:$0x1] =	vst.idx.msk $0xffff, v17  }
0x12a: {  	[tilespmem:v1+s13+$0x120 ss:$0x1] =	vst.idx.msk $0xffff, v10;
	v10 =	vld.idx.msk [tilespmem:v1+s13+$0x1B0 ss:$0x1], $0xffff  }
0x12b: {  	v17 =	vld.idx.msk [tilespmem:v1+s13+$0x130 ss:$0x1], $0xffff;
	_ =	sdelay $0x1  }
0x12c: {  	v15 =	vmul.f32 v15, v6  }
0x12d: {  	v16 =	vmul.f32 v16, v7  }
0x12e: {  	[tilespmem:v1+s13+$0xB0 ss:$0x1] =	vst.idx.msk $0xffff, v15;
	v10 =	vmul.f32 v10, v8  }
0x12f: {  	v15 =	vld.idx.msk [tilespmem:v1+s13+$0xC0 ss:$0x1], $0xffff;
	[tilespmem:v1+s13+$0x30 ss:$0x1] =	vst.idx.msk $0xffff, v16;
	v17 =	vmul.f32 v17, v9  }
0x130: {  	[tilespmem:v1+s13+$0x1B0 ss:$0x1] =	vst.idx.msk $0xffff, v10;
	v10 =	vld.idx.msk [tilespmem:v1+s13+$0x40 ss:$0x1], $0xffff  }
0x131: {  	[tilespmem:v1+s13+$0x130 ss:$0x1] =	vst.idx.msk $0xffff, v17;
	v16 =	vld.idx.msk [tilespmem:v1+s13+$0x1C0 ss:$0x1], $0xffff  }
0x132: {  	v17 =	vld.idx.msk [tilespmem:v1+s13+$0x140 ss:$0x1], $0xffff;
	_ =	sdelay $0x1  }
0x133: {  	v15 =	vmul.f32 v15, v6  }
0x134: {  	v10 =	vmul.f32 v10, v7  }
0x135: {  	[tilespmem:v1+s13+$0xC0 ss:$0x1] =	vst.idx.msk $0xffff, v15;
	v15 =	vmul.f32 v16, v8  }
0x136: {  	v16 =	vld.idx.msk [tilespmem:v1+s13+$0xD0 ss:$0x1], $0xffff;
	[tilespmem:v1+s13+$0x40 ss:$0x1] =	vst.idx.msk $0xffff, v10;
	v10 =	vmul.f32 v17, v9  }
0x137: {  	[tilespmem:v1+s13+$0x1C0 ss:$0x1] =	vst.idx.msk $0xffff, v15;
	v15 =	vld.idx.msk [tilespmem:v1+s13+$0x50 ss:$0x1], $0xffff  }
0x138: {  	v11 =	vmul.f32 v11, v4;
	v17 =	vld.idx.msk [tilespmem:v1+s13+$0x1D0 ss:$0x1], $0xffff;
	[tilespmem:v1+s13+$0x140 ss:$0x1] =	vst.idx.msk $0xffff, v10  }
0x139: {  	v10 =	vld.idx.msk [tilespmem:v1+s13+$0x150 ss:$0x1], $0xffff  }
0x13a: {  	[tilespmem:v1+s16+$0x50 ss:$0x1] =	vst.idx.msk $0xffff, v11;
	v13 =	vmul.f32 v13, v5  }
0x13b: {  	[tilespmem:v1+s16+$0x1D0 ss:$0x1] =	vst.idx.msk $0xffff, v14;
	v11 =	vld.idx.msk [tilespmem:v1+s16+$0x60 ss:$0x1], $0xffff;
	v14 =	vmul.f32 v16, v6  }
0x13c: {  	[tilespmem:v1+s16+$0x150 ss:$0x1] =	vst.idx.msk $0xffff, v13;
	v16 =	vld.idx.msk [tilespmem:v1+s16+$0x1E0 ss:$0x1], $0xffff;
	v13 =	vmul.f32 v15, v7  }
0x13d: {  	v15 =	vld.idx.msk [tilespmem:v1+s16+$0x160 ss:$0x1], $0xffff;
	[tilespmem:v1+s13+$0xD0 ss:$0x1] =	vst.idx.msk $0xffff, v14;
	v14 =	vmul.f32 v17, v8  }
0x13e: {  	v17 =	vld.idx.msk [tilespmem:v1+s13+$0xE0 ss:$0x1], $0xffff;
	v10 =	vmul.f32 v10, v9;
	[tilespmem:v1+s13+$0x50 ss:$0x1] =	vst.idx.msk $0xffff, v13  }
0x13f: {  	v12 =	vmul.f32 v12, v3;
	[tilespmem:v1+s13+$0x1D0 ss:$0x1] =	vst.idx.msk $0xffff, v14;
	v13 =	vld.idx.msk [tilespmem:v1+s13+$0x60 ss:$0x1], $0xffff  }
0x140: {  	v11 =	vmul.f32 v11, v4;
	v14 =	vld.idx.msk [tilespmem:v1+s13+$0x1E0 ss:$0x1], $0xffff;
	[tilespmem:v1+s13+$0x150 ss:$0x1] =	vst.idx.msk $0xffff, v10  }
0x141: {  	[tilespmem:v1+s16+$0xE0 ss:$0x1] =	vst.idx.msk $0xffff, v12;
	v10 =	vmul.f32 v16, v2;
	v12 =	vld.idx.msk [tilespmem:v1+s13+$0x160 ss:$0x1], $0xffff  }
0x142: {  	[tilespmem:v1+s16+$0x60 ss:$0x1] =	vst.idx.msk $0xffff, v11;
	v16 =	vld.idx.msk [tilespmem:v1+s16+$0xF0 ss:$0x1], $0xffff;
	v11 =	vmul.f32 v15, v5  }
0x143: {  	[tilespmem:v1+s16+$0x1E0 ss:$0x1] =	vst.idx.msk $0xffff, v10;
	v10 =	vld.idx.msk [tilespmem:v1+s16+$0x70 ss:$0x1], $0xffff;
	v15 =	vmul.f32 v17, v6  }
0x144: {  	v17 =	vld.idx.msk [tilespmem:v1+s16+$0x1F0 ss:$0x1], $0xffff;
	[tilespmem:v1+s16+$0x160 ss:$0x1] =	vst.idx.msk $0xffff, v11;
	v11 =	vmul.f32 v13, v7  }
0x145: {  	v13 =	vld.idx.msk [tilespmem:v1+s16+$0x170 ss:$0x1], $0xffff;
	[tilespmem:v1+s13+$0xE0 ss:$0x1] =	vst.idx.msk $0xffff, v15;
	v14 =	vmul.f32 v14, v8  }
0x146: {  	v15 =	vld.idx.msk [tilespmem:v1+s13+$0xF0 ss:$0x1], $0xffff;
	[tilespmem:v1+s13+$0x60 ss:$0x1] =	vst.idx.msk $0xffff, v11;
	v11 =	vmul.f32 v12, v9  }
0x147: {  	v3 =	vmul.f32 v16, v3;
	[tilespmem:v1+s13+$0x1E0 ss:$0x1] =	vst.idx.msk $0xffff, v14;
	v12 =	vld.idx.msk [tilespmem:v1+s13+$0x70 ss:$0x1], $0xffff  }
0x148: {  	v4 =	vmul.f32 v10, v4;
	v10 =	vld.idx.msk [tilespmem:v1+s13+$0x1F0 ss:$0x1], $0xffff;
	[tilespmem:v1+s13+$0x160 ss:$0x1] =	vst.idx.msk $0xffff, v11  }
0x149: {  	[tilespmem:v1+s16+$0xF0 ss:$0x1] =	vst.idx.msk $0xffff, v3;
	v2 =	vmul.f32 v17, v2;
	v3 =	vld.idx.msk [tilespmem:v1+s13+$0x170 ss:$0x1], $0xffff  }
0x14a: {  	[tilespmem:v1+s16+$0x70 ss:$0x1] =	vst.idx.msk $0xffff, v4;
	v4 =	vmul.f32 v13, v5  }
0x14b: {  	[tilespmem:v1+s16+$0x1F0 ss:$0x1] =	vst.idx.msk $0xffff, v2;
	v2 =	vmul.f32 v15, v6  }
0x14c: {  	[tilespmem:v1+s16+$0x170 ss:$0x1] =	vst.idx.msk $0xffff, v4;
	v4 =	vmul.f32 v12, v7  }
0x14d: {  	[tilespmem:v1+s13+$0xF0 ss:$0x1] =	vst.idx.msk $0xffff, v2;
	v2 =	vmul.f32 v10, v8  }
0x14e: {  	[tilespmem:v1+s13+$0x70 ss:$0x1] =	vst.idx.msk $0xffff, v4;
	v3 =	vmul.f32 v3, v9  }
0x14f: {  	[tilespmem:v1+s13+$0x1F0 ss:$0x1] =	vst.idx.msk $0xffff, v2  }
0x150: {  	[tilespmem:v1+s13+$0x170 ss:$0x1] =	vst.idx.msk $0xffff, v3  }
0x151: {  	v10 =	vld [tilespmem:s11+$0x120];
	_ =	sdelay $0x1  }
0x152: {  	v2 =	vld.idx.msk [tilespmem:v1+s30+$0x80 ss:$0x1], $0xffff  }
0x153: {  	s24 =	simm.s32 $0x1  }
0x154: {  	v3 =	vmov s24  }
0x155: {  	v3 =	vperm.xlane v10, v3  }
0x156: {  	v5 =	vld.idx.msk [tilespmem:v1+s30+$0x180 ss:$0x1], $0xffff  }
0x157: {  	s14 =	simm.s32 $0x3;
	v4 =	vmul.f32 v2, v3  }
0x158: {  	v6 =	vld.idx.msk [tilespmem:v1+s30+$0x0 ss:$0x1], $0xffff;
	v2 =	vmov s14  }
0x159: {  	s16 =	simm.s32 $0x0;
	v2 =	vperm.xlane v10, v2;
	[tilespmem:v1+s30+$0x80 ss:$0x1] =	vst.idx.msk $0xffff, v4  }
0x15a: {  	v4 =	vmov s16;
	v7 =	vld.idx.msk [tilespmem:v1+s30+$0x90 ss:$0x1], $0xffff  }
0x15b: {  	v8 =	vld.idx.msk [tilespmem:v1+s30+$0x100 ss:$0x1], $0xffff;
	v4 =	vperm.xlane v10, v4;
	v5 =	vmul.f32 v5, v2  }
0x15c: {  	s18 =	simm.s32 $0x2  }
0x15d: {  	v9 =	vmov s18;
	v6 =	vmul.f32 v6, v4;
	[tilespmem:v1+s30+$0x180 ss:$0x1] =	vst.idx.msk $0xffff, v5  }
0x15e: {  	v5 =	vperm.xlane v10, v9;
	v9 =	vld.idx.msk [tilespmem:v1+s30+$0x190 ss:$0x1], $0xffff  }
0x15f: {  	[tilespmem:v1+s30+$0x0 ss:$0x1] =	vst.idx.msk $0xffff, v6;
	v6 =	vmul.f32 v7, v3  }
0x160: {  	v8 =	vmul.f32 v8, v5;
	v7 =	vld.idx.msk [tilespmem:v1+s30+$0x10 ss:$0x1], $0xffff  }
0x161: {  	[tilespmem:v1+s30+$0x90 ss:$0x1] =	vst.idx.msk $0xffff, v6  }
0x162: {  	[tilespmem:v1+s30+$0x100 ss:$0x1] =	vst.idx.msk $0xffff, v8;
	v6 =	vld.idx.msk [tilespmem:v1+s30+$0xA0 ss:$0x1], $0xffff  }
0x163: {  	v8 =	vld.idx.msk [tilespmem:v1+s30+$0x110 ss:$0x1], $0xffff;
	v9 =	vmul.f32 v9, v2;
	_ =	sdelay $0x1  }
0x164: {  	v7 =	vmul.f32 v7, v4;
	[tilespmem:v1+s30+$0x190 ss:$0x1] =	vst.idx.msk $0xffff, v9  }
0x165: {  	v9 =	vld.idx.msk [tilespmem:v1+s30+$0x1A0 ss:$0x1], $0xffff  }
0x166: {  	[tilespmem:v1+s30+$0x10 ss:$0x1] =	vst.idx.msk $0xffff, v7;
	v6 =	vmul.f32 v6, v3  }
0x167: {  	v8 =	vmul.f32 v8, v5;
	v7 =	vld.idx.msk [tilespmem:v1+s30+$0x20 ss:$0x1], $0xffff  }
0x168: {  	[tilespmem:v1+s30+$0xA0 ss:$0x1] =	vst.idx.msk $0xffff, v6  }
0x169: {  	[tilespmem:v1+s30+$0x110 ss:$0x1] =	vst.idx.msk $0xffff, v8;
	v6 =	vld.idx.msk [tilespmem:v1+s30+$0xB0 ss:$0x1], $0xffff  }
0x16a: {  	s13 =	sadd.s32 $0x200, s30;
	v8 =	vld.idx.msk [tilespmem:v1+s30+$0x120 ss:$0x1], $0xffff;
	v9 =	vmul.f32 v9, v2  }
0x16b: {  	v11 =	vld.idx.msk [tilespmem:v1+s13+$0x80 ss:$0x1], $0xffff  }
0x16c: {  	s14 =	simm.s32 $0x5;
	v7 =	vmul.f32 v7, v4;
	[tilespmem:v1+s30+$0x1A0 ss:$0x1] =	vst.idx.msk $0xffff, v9;
	v9 =	vld.idx.msk [tilespmem:v1+s13+$0x0 ss:$0x1], $0xffff  }
0x16d: {  	s19 =	simm.s32 $0x4;
	v13 =	vmov s14;
	v12 =	vld.idx.msk [tilespmem:v1+s30+$0x1B0 ss:$0x1], $0xffff  }
0x16e: {  	[tilespmem:v1+s30+$0x20 ss:$0x1] =	vst.idx.msk $0xffff, v7;
	v7 =	vmov s19;
	v14 =	vmul.f32 v6, v3;
	v6 =	vperm.xlane v10, v13;
	v13 =	vld.idx.msk [tilespmem:v1+s13+$0x180 ss:$0x1], $0xffff  }
0x16f: {  	s20 =	simm.s32 $0x7;
	v8 =	vmul.f32 v8, v5;
	v7 =	vperm.xlane v10, v7;
	v15 =	vld.idx.msk [tilespmem:v1+s30+$0x30 ss:$0x1], $0xffff  }
0x170: {  	v16 =	vmov s20;
	[tilespmem:v1+s30+$0xB0 ss:$0x1] =	vst.idx.msk $0xffff, v14;
	v11 =	vmul.f32 v11, v6;
	v14 =	vld.idx.msk [tilespmem:v1+s13+$0x100 ss:$0x1], $0xffff  }
0x171: {  	s24 =	simm.s32 $0x6;
	[tilespmem:v1+s30+$0x120 ss:$0x1] =	vst.idx.msk $0xffff, v8;
	v8 =	vperm.xlane v10, v16;
	v17 =	vmul.f32 v9, v7;
	v16 =	vld.idx.msk [tilespmem:v1+s30+$0xC0 ss:$0x1], $0xffff  }
0x172: {  	v9 =	vmov s24;
	v18 =	vld.idx.msk [tilespmem:v1+s30+$0x130 ss:$0x1], $0xffff;
	v12 =	vmul.f32 v12, v2;
	[tilespmem:v1+s13+$0x80 ss:$0x1] =	vst.idx.msk $0xffff, v11  }
0x173: {  	v9 =	vperm.xlane v10, v9;
	[tilespmem:v1+s13+$0x0 ss:$0x1] =	vst.idx.msk $0xffff, v17;
	v11 =	vld.idx.msk [tilespmem:v1+s13+$0x90 ss:$0x1], $0xffff;
	v13 =	vmul.f32 v13, v8  }
0x174: {  	v17 =	vld.idx.msk [tilespmem:v1+s13+$0x10 ss:$0x1], $0xffff;
	[tilespmem:v1+s30+$0x1B0 ss:$0x1] =	vst.idx.msk $0xffff, v12;
	v12 =	vmul.f32 v15, v4  }
0x175: {  	v14 =	vmul.f32 v14, v9;
	[tilespmem:v1+s13+$0x180 ss:$0x1] =	vst.idx.msk $0xffff, v13;
	v13 =	vld.idx.msk [tilespmem:v1+s30+$0x1C0 ss:$0x1], $0xffff  }
0x176: {  	[tilespmem:v1+s30+$0x30 ss:$0x1] =	vst.idx.msk $0xffff, v12;
	v15 =	vmul.f32 v16, v3;
	v16 =	vld.idx.msk [tilespmem:v1+s13+$0x190 ss:$0x1], $0xffff  }
0x177: {  	v12 =	vmul.f32 v18, v5;
	[tilespmem:v1+s13+$0x100 ss:$0x1] =	vst.idx.msk $0xffff, v14;
	v14 =	vld.idx.msk [tilespmem:v1+s30+$0x40 ss:$0x1], $0xffff  }
0x178: {  	[tilespmem:v1+s30+$0xC0 ss:$0x1] =	vst.idx.msk $0xffff, v15;
	v15 =	vld.idx.msk [tilespmem:v1+s13+$0x110 ss:$0x1], $0xffff;
	v11 =	vmul.f32 v11, v6  }
0x179: {  	[tilespmem:v1+s30+$0x130 ss:$0x1] =	vst.idx.msk $0xffff, v12;
	v17 =	vmul.f32 v17, v7;
	v12 =	vld.idx.msk [tilespmem:v1+s30+$0xD0 ss:$0x1], $0xffff  }
0x17a: {  	v18 =	vld.idx.msk [tilespmem:v1+s30+$0x140 ss:$0x1], $0xffff;
	[tilespmem:v1+s13+$0x90 ss:$0x1] =	vst.idx.msk $0xffff, v11;
	v11 =	vmul.f32 v13, v2  }
0x17b: {  	[tilespmem:v1+s13+$0x10 ss:$0x1] =	vst.idx.msk $0xffff, v17;
	v13 =	vld.idx.msk [tilespmem:v1+s13+$0xA0 ss:$0x1], $0xffff;
	v16 =	vmul.f32 v16, v8  }
0x17c: {  	v17 =	vld.idx.msk [tilespmem:v1+s13+$0x20 ss:$0x1], $0xffff;
	v14 =	vmul.f32 v14, v4;
	[tilespmem:v1+s30+$0x1C0 ss:$0x1] =	vst.idx.msk $0xffff, v11  }
0x17d: {  	v11 =	vmul.f32 v15, v9;
	[tilespmem:v1+s13+$0x190 ss:$0x1] =	vst.idx.msk $0xffff, v16;
	v15 =	vld.idx.msk [tilespmem:v1+s30+$0x1D0 ss:$0x1], $0xffff  }
0x17e: {  	v12 =	vmul.f32 v12, v3;
	v19 =	vld.idx.msk [tilespmem:v1+s13+$0x1A0 ss:$0x1], $0xffff;
	[tilespmem:v1+s30+$0x40 ss:$0x1] =	vst.idx.msk $0xffff, v14  }
0x17f: {  	v14 =	vmul.f32 v18, v5;
	[tilespmem:v1+s13+$0x110 ss:$0x1] =	vst.idx.msk $0xffff, v11;
	v11 =	vld.idx.msk [tilespmem:v1+s30+$0x50 ss:$0x1], $0xffff  }
0x180: {  	v16 =	vld.idx.msk [tilespmem:v1+s13+$0x120 ss:$0x1], $0xffff;
	[tilespmem:v1+s30+$0xD0 ss:$0x1] =	vst.idx.msk $0xffff, v12;
	v13 =	vmul.f32 v13, v6  }
0x181: {  	v17 =	vmul.f32 v17, v7;
	[tilespmem:v1+s30+$0x140 ss:$0x1] =	vst.idx.msk $0xffff, v14;
	v12 =	vld.idx.msk [tilespmem:v1+s30+$0xE0 ss:$0x1], $0xffff  }
0x182: {  	[tilespmem:v1+s13+$0xA0 ss:$0x1] =	vst.idx.msk $0xffff, v13;
	v13 =	vld.idx.msk [tilespmem:v1+s30+$0x150 ss:$0x1], $0xffff  }
0x183: {  	s18 =	simm.s32 $0x8;
	s16 =	smov.u32 s30;
	s19 =	sadd.s32 $0x200, s13;
	v14 =	vmul.f32 v15, v2;
	[tilespmem:v1+s13+$0x20 ss:$0x1] =	vst.idx.msk $0xffff, v17;
	v15 =	vld.idx.msk [tilespmem:v1+s13+$0xB0 ss:$0x1], $0xffff;
	v17 =	vmul.f32 v19, v8  }
.LBB2_9:
0x184: {  	p1 =	slt.u32 s18, $0xC;
	s14 =	smov.u32 s18;
	s18 =	sadd.s32 $0x4, s18  }
0x185: {  	v16 =	vmul.f32 v16, v9;
	v18 =	vld.idx.msk [tilespmem:v1+s19+$0x80 ss:$0x1], $0xffff;
	[tilespmem:v1+s13+$0x1A0 ss:$0x1] =	vst.idx.msk $0xffff, v17  }
0x186: {  	s20 =	sadd.s32 $0x3, s14;
	v12 =	vmul.f32 v12, v3;
	v17 =	vld.idx.msk [tilespmem:v1+s19+$0x0 ss:$0x1], $0xffff  }
0x187: {  	v11 =	vmul.f32 v11, v4;
	s24 =	sadd.s32 $0x2, s14;
	v19 =	vmov s20;
	[tilespmem:v1+s13+$0x120 ss:$0x1] =	vst.idx.msk $0xffff, v16;
	v16 =	vld.idx.msk [tilespmem:v1+s13+$0x1B0 ss:$0x1], $0xffff  }
0x188: {  	s20 =	sadd.s32 $0x1, s14;
	v20 =	vmov s24;
	v19 =	vperm.xlane v10, v19;
	v13 =	vmul.f32 v13, v5;
	v21 =	vld.idx.msk [tilespmem:v1+s13+$0x130 ss:$0x1], $0xffff;
	[tilespmem:v1+s16+$0x1D0 ss:$0x1] =	vst.idx.msk $0xffff, v14  }
0x189: {  	v20 =	vperm.xlane v10, v20;
	v14 =	vmov s20;
	v15 =	vmul.f32 v15, v6;
	[tilespmem:v1+s16+$0x50 ss:$0x1] =	vst.idx.msk $0xffff, v11;
	v11 =	vld.idx.msk [tilespmem:v1+s16+$0x1E0 ss:$0x1], $0xffff  }
0x18a: {  	v22 =	vmov s14;
	v14 =	vperm.xlane v10, v14;
	v23 =	vld.idx.msk [tilespmem:v1+s16+$0x60 ss:$0x1], $0xffff;
	[tilespmem:v1+s16+$0x150 ss:$0x1] =	vst.idx.msk $0xffff, v13  }
0x18b: {  	v13 =	vperm.xlane v10, v22;
	v22 =	vld.idx.msk [tilespmem:v1+s19+$0x180 ss:$0x1], $0xffff;
	[tilespmem:v1+s13+$0xB0 ss:$0x1] =	vst.idx.msk $0xffff, v15  }
0x18c: {  	v15 =	vld.idx.msk [tilespmem:v1+s13+$0xC0 ss:$0x1], $0xffff;
	[tilespmem:v1+s16+$0xE0 ss:$0x1] =	vst.idx.msk $0xffff, v12  }
0x18d: {  	v12 =	vmul.f32 v17, v13;
	v16 =	vmul.f32 v16, v8;
	v17 =	vld.idx.msk [tilespmem:v1+s16+$0x160 ss:$0x1], $0xffff  }
0x18e: {  	v18 =	vmul.f32 v18, v14;
	v21 =	vmul.f32 v21, v9;
	v24 =	vld.idx.msk [tilespmem:v1+s19+$0x100 ss:$0x1], $0xffff  }
0x18f: {  	v11 =	vmul.f32 v11, v2;
	[tilespmem:v1+s19+$0x0 ss:$0x1] =	vst.idx.msk $0xffff, v12;
	v12 =	vld.idx.msk [tilespmem:v1+s16+$0xF0 ss:$0x1], $0xffff  }
0x190: {  	v23 =	vmul.f32 v23, v4;
	[tilespmem:v1+s19+$0x80 ss:$0x1] =	vst.idx.msk $0xffff, v18;
	v18 =	vld.idx.msk [tilespmem:v1+s13+$0x30 ss:$0x1], $0xffff  }
0x191: {  	v25 =	vld.idx.msk [tilespmem:v1+s19+$0x90 ss:$0x1], $0xffff;
	[tilespmem:v1+s16+$0x1E0 ss:$0x1] =	vst.idx.msk $0xffff, v11  }
0x192: {  	v11 =	vmul.f32 v22, v19;
	v15 =	vmul.f32 v15, v6;
	[tilespmem:v1+s16+$0x60 ss:$0x1] =	vst.idx.msk $0xffff, v23;
	v22 =	vld.idx.msk [tilespmem:v1+s16+$0x1F0 ss:$0x1], $0xffff  }
0x193: {  	v17 =	vmul.f32 v17, v5;
	[tilespmem:v1+s13+$0x130 ss:$0x1] =	vst.idx.msk $0xffff, v21;
	v21 =	vld.idx.msk [tilespmem:v1+s16+$0x70 ss:$0x1], $0xffff  }
0x194: {  	v24 =	vmul.f32 v24, v20;
	v23 =	vld.idx.msk [tilespmem:v1+s19+$0x10 ss:$0x1], $0xffff;
	[tilespmem:v1+s13+$0xC0 ss:$0x1] =	vst.idx.msk $0xffff, v15  }
0x195: {  	v12 =	vmul.f32 v12, v3;
	v3 =	vmov v6;
	v6 =	vmov v14;
	v15 =	vld.idx.msk [tilespmem:v1+s13+$0xD0 ss:$0x1], $0xffff;
	[tilespmem:v1+s16+$0x160 ss:$0x1] =	vst.idx.msk $0xffff, v17  }
0x196: {  	[tilespmem:v1+s13+$0x1B0 ss:$0x1] =	vst.idx.msk $0xffff, v16;
	v14 =	vld.idx.msk [tilespmem:v1+s16+$0x170 ss:$0x1], $0xffff  }
0x197: {  	v16 =	vmul.f32 v18, v7;
	[tilespmem:v1+s16+$0xF0 ss:$0x1] =	vst.idx.msk $0xffff, v12  }
0x198: {  	v12 =	vmul.f32 v22, v2;
	v2 =	vmov v8;
	v8 =	vmov v19;
	[tilespmem:v1+s19+$0x180 ss:$0x1] =	vst.idx.msk $0xffff, v11;
	v11 =	vld.idx.msk [tilespmem:v1+s13+$0x1C0 ss:$0x1], $0xffff  }
0x199: {  	v17 =	vld.idx.msk [tilespmem:v1+s19+$0x190 ss:$0x1], $0xffff;
	[tilespmem:v1+s13+$0x30 ss:$0x1] =	vst.idx.msk $0xffff, v16;
	v16 =	vmul.f32 v21, v4;
	v4 =	vmov v7;
	v7 =	vmov v13  }
0x19a: {  	v13 =	vmul.f32 v23, v7;
	[tilespmem:v1+s19+$0x100 ss:$0x1] =	vst.idx.msk $0xffff, v24;
	v18 =	vld.idx.msk [tilespmem:v1+s13+$0x40 ss:$0x1], $0xffff  }
0x19b: {  	v15 =	vmul.f32 v15, v3;
	v19 =	vld.idx.msk [tilespmem:v1+s19+$0x110 ss:$0x1], $0xffff;
	[tilespmem:v1+s16+$0x70 ss:$0x1] =	vst.idx.msk $0xffff, v16  }
0x19c: {  	v14 =	vmul.f32 v14, v5;
	v5 =	vmov v9;
	[tilespmem:v1+s19+$0x10 ss:$0x1] =	vst.idx.msk $0xffff, v13;
	v13 =	vmul.f32 v25, v6  }
0x19d: {  	v9 =	vmov v20;
	v16 =	vld.idx.msk [tilespmem:v1+s19+$0x20 ss:$0x1], $0xffff;
	[tilespmem:v1+s16+$0x1F0 ss:$0x1] =	vst.idx.msk $0xffff, v12  }
0x19e: {  	v11 =	vmul.f32 v11, v2;
	[tilespmem:v1+s19+$0x90 ss:$0x1] =	vst.idx.msk $0xffff, v13;
	v12 =	vld.idx.msk [tilespmem:v1+s13+$0x140 ss:$0x1], $0xffff  }
0x19f: {  	v17 =	vmul.f32 v17, v8;
	v13 =	vld.idx.msk [tilespmem:v1+s19+$0xA0 ss:$0x1], $0xffff;
	[tilespmem:v1+s16+$0x170 ss:$0x1] =	vst.idx.msk $0xffff, v14;
	s16 =	smov.u32 s13;
	s13 =	smov.u32 s19  }
0x1a0: {  	v14 =	vmul.f32 v18, v4;
	[tilespmem:v1+s16+$0x1C0 ss:$0x1] =	vst.idx.msk $0xffff, v11  }
0x1a1: {  	v11 =	vmul.f32 v19, v9;
	[tilespmem:v1+s19+$0x190 ss:$0x1] =	vst.idx.msk $0xffff, v17;
	v17 =	vld.idx.msk [tilespmem:v1+s16+$0x1D0 ss:$0x1], $0xffff  }
0x1a2: {  	v18 =	vld.idx.msk [tilespmem:v1+s19+$0x1A0 ss:$0x1], $0xffff;
	[tilespmem:v1+s16+$0x40 ss:$0x1] =	vst.idx.msk $0xffff, v14  }
0x1a3: {  	v19 =	vmul.f32 v16, v7;
	[tilespmem:v1+s19+$0x110 ss:$0x1] =	vst.idx.msk $0xffff, v11;
	v11 =	vld.idx.msk [tilespmem:v1+s16+$0x50 ss:$0x1], $0xffff  }
.Ltmp3:
0x1a4: {  	v14 =	vmul.f32 v12, v5;
	v16 =	vld.idx.msk [tilespmem:v1+s19+$0x120 ss:$0x1], $0xffff;
	[tilespmem:v1+s16+$0xD0 ss:$0x1] =	vst.idx.msk $0xffff, v15;
	(pc) =	sbr.rel @p1 .LBB2_9-.Ltmp3, $4  }
0x1a5: {  	v13 =	vmul.f32 v13, v6;
	v12 =	vld.idx.msk [tilespmem:v1+s16+$0xE0 ss:$0x1], $0xffff  }
0x1a6: {  	[tilespmem:v1+s16+$0x140 ss:$0x1] =	vst.idx.msk $0xffff, v14  }
0x1a7: {  	v14 =	vmul.f32 v17, v2;
	[tilespmem:v1+s19+$0xA0 ss:$0x1] =	vst.idx.msk $0xffff, v13;
	v13 =	vld.idx.msk [tilespmem:v1+s16+$0x150 ss:$0x1], $0xffff  }
0x1a8: {  	v17 =	vmul.f32 v18, v8;
	s19 =	sadd.s32 $0x200, s19;
	[tilespmem:v1+s13+$0x20 ss:$0x1] =	vst.idx.msk $0xffff, v19;
	v15 =	vld.idx.msk [tilespmem:v1+s13+$0xB0 ss:$0x1], $0xffff  }
0x1a9: {  	_ =	sdelay $0x2  }
0x1aa: {  	v10 =	vmul.f32 v16, v9  }
0x1ab: {  	v16 =	vld.idx.msk [tilespmem:v1+s13+$0x30 ss:$0x1], $0xffff;
	[tilespmem:v1+s13+$0x1A0 ss:$0x1] =	vst.idx.msk $0xffff, v17  }
0x1ac: {  	[tilespmem:v1+s13+$0x120 ss:$0x1] =	vst.idx.msk $0xffff, v10;
	v10 =	vld.idx.msk [tilespmem:v1+s13+$0x1B0 ss:$0x1], $0xffff  }
0x1ad: {  	v17 =	vld.idx.msk [tilespmem:v1+s13+$0x130 ss:$0x1], $0xffff;
	_ =	sdelay $0x1  }
0x1ae: {  	v15 =	vmul.f32 v15, v6  }
0x1af: {  	v16 =	vmul.f32 v16, v7  }
0x1b0: {  	[tilespmem:v1+s13+$0xB0 ss:$0x1] =	vst.idx.msk $0xffff, v15;
	v10 =	vmul.f32 v10, v8  }
0x1b1: {  	v15 =	vld.idx.msk [tilespmem:v1+s13+$0xC0 ss:$0x1], $0xffff;
	[tilespmem:v1+s13+$0x30 ss:$0x1] =	vst.idx.msk $0xffff, v16;
	v17 =	vmul.f32 v17, v9  }
0x1b2: {  	[tilespmem:v1+s13+$0x1B0 ss:$0x1] =	vst.idx.msk $0xffff, v10;
	v10 =	vld.idx.msk [tilespmem:v1+s13+$0x40 ss:$0x1], $0xffff  }
0x1b3: {  	[tilespmem:v1+s13+$0x130 ss:$0x1] =	vst.idx.msk $0xffff, v17;
	v16 =	vld.idx.msk [tilespmem:v1+s13+$0x1C0 ss:$0x1], $0xffff  }
0x1b4: {  	v17 =	vld.idx.msk [tilespmem:v1+s13+$0x140 ss:$0x1], $0xffff;
	_ =	sdelay $0x1  }
0x1b5: {  	v15 =	vmul.f32 v15, v6  }
0x1b6: {  	v10 =	vmul.f32 v10, v7  }
0x1b7: {  	[tilespmem:v1+s13+$0xC0 ss:$0x1] =	vst.idx.msk $0xffff, v15;
	v15 =	vmul.f32 v16, v8  }
0x1b8: {  	v16 =	vld.idx.msk [tilespmem:v1+s13+$0xD0 ss:$0x1], $0xffff;
	[tilespmem:v1+s13+$0x40 ss:$0x1] =	vst.idx.msk $0xffff, v10;
	v10 =	vmul.f32 v17, v9  }
0x1b9: {  	[tilespmem:v1+s13+$0x1C0 ss:$0x1] =	vst.idx.msk $0xffff, v15;
	v15 =	vld.idx.msk [tilespmem:v1+s13+$0x50 ss:$0x1], $0xffff  }
0x1ba: {  	v11 =	vmul.f32 v11, v4;
	v17 =	vld.idx.msk [tilespmem:v1+s13+$0x1D0 ss:$0x1], $0xffff;
	[tilespmem:v1+s13+$0x140 ss:$0x1] =	vst.idx.msk $0xffff, v10  }
0x1bb: {  	v10 =	vld.idx.msk [tilespmem:v1+s13+$0x150 ss:$0x1], $0xffff  }
0x1bc: {  	[tilespmem:v1+s16+$0x50 ss:$0x1] =	vst.idx.msk $0xffff, v11;
	v13 =	vmul.f32 v13, v5  }
0x1bd: {  	[tilespmem:v1+s16+$0x1D0 ss:$0x1] =	vst.idx.msk $0xffff, v14;
	v11 =	vld.idx.msk [tilespmem:v1+s16+$0x60 ss:$0x1], $0xffff;
	v14 =	vmul.f32 v16, v6  }
0x1be: {  	[tilespmem:v1+s16+$0x150 ss:$0x1] =	vst.idx.msk $0xffff, v13;
	v16 =	vld.idx.msk [tilespmem:v1+s16+$0x1E0 ss:$0x1], $0xffff;
	v13 =	vmul.f32 v15, v7  }
0x1bf: {  	v15 =	vld.idx.msk [tilespmem:v1+s16+$0x160 ss:$0x1], $0xffff;
	[tilespmem:v1+s13+$0xD0 ss:$0x1] =	vst.idx.msk $0xffff, v14;
	v14 =	vmul.f32 v17, v8  }
0x1c0: {  	v17 =	vld.idx.msk [tilespmem:v1+s13+$0xE0 ss:$0x1], $0xffff;
	v10 =	vmul.f32 v10, v9;
	[tilespmem:v1+s13+$0x50 ss:$0x1] =	vst.idx.msk $0xffff, v13  }
0x1c1: {  	v12 =	vmul.f32 v12, v3;
	[tilespmem:v1+s13+$0x1D0 ss:$0x1] =	vst.idx.msk $0xffff, v14;
	v13 =	vld.idx.msk [tilespmem:v1+s13+$0x60 ss:$0x1], $0xffff  }
0x1c2: {  	v11 =	vmul.f32 v11, v4;
	v14 =	vld.idx.msk [tilespmem:v1+s13+$0x1E0 ss:$0x1], $0xffff;
	[tilespmem:v1+s13+$0x150 ss:$0x1] =	vst.idx.msk $0xffff, v10  }
0x1c3: {  	[tilespmem:v1+s16+$0xE0 ss:$0x1] =	vst.idx.msk $0xffff, v12;
	v10 =	vmul.f32 v16, v2;
	v12 =	vld.idx.msk [tilespmem:v1+s13+$0x160 ss:$0x1], $0xffff  }
0x1c4: {  	[tilespmem:v1+s16+$0x60 ss:$0x1] =	vst.idx.msk $0xffff, v11;
	v16 =	vld.idx.msk [tilespmem:v1+s16+$0xF0 ss:$0x1], $0xffff;
	v11 =	vmul.f32 v15, v5  }
0x1c5: {  	[tilespmem:v1+s16+$0x1E0 ss:$0x1] =	vst.idx.msk $0xffff, v10;
	v10 =	vld.idx.msk [tilespmem:v1+s16+$0x70 ss:$0x1], $0xffff;
	v15 =	vmul.f32 v17, v6  }
0x1c6: {  	v17 =	vld.idx.msk [tilespmem:v1+s16+$0x1F0 ss:$0x1], $0xffff;
	[tilespmem:v1+s16+$0x160 ss:$0x1] =	vst.idx.msk $0xffff, v11;
	v11 =	vmul.f32 v13, v7  }
0x1c7: {  	v13 =	vld.idx.msk [tilespmem:v1+s16+$0x170 ss:$0x1], $0xffff;
	[tilespmem:v1+s13+$0xE0 ss:$0x1] =	vst.idx.msk $0xffff, v15;
	v14 =	vmul.f32 v14, v8  }
0x1c8: {  	v15 =	vld.idx.msk [tilespmem:v1+s13+$0xF0 ss:$0x1], $0xffff;
	[tilespmem:v1+s13+$0x60 ss:$0x1] =	vst.idx.msk $0xffff, v11;
	v11 =	vmul.f32 v12, v9  }
0x1c9: {  	v3 =	vmul.f32 v16, v3;
	[tilespmem:v1+s13+$0x1E0 ss:$0x1] =	vst.idx.msk $0xffff, v14;
	v12 =	vld.idx.msk [tilespmem:v1+s13+$0x70 ss:$0x1], $0xffff  }
0x1ca: {  	v4 =	vmul.f32 v10, v4;
	v10 =	vld.idx.msk [tilespmem:v1+s13+$0x1F0 ss:$0x1], $0xffff;
	[tilespmem:v1+s13+$0x160 ss:$0x1] =	vst.idx.msk $0xffff, v11  }
0x1cb: {  	[tilespmem:v1+s16+$0xF0 ss:$0x1] =	vst.idx.msk $0xffff, v3;
	v2 =	vmul.f32 v17, v2;
	v3 =	vld.idx.msk [tilespmem:v1+s13+$0x170 ss:$0x1], $0xffff  }
0x1cc: {  	[tilespmem:v1+s16+$0x70 ss:$0x1] =	vst.idx.msk $0xffff, v4;
	v4 =	vmul.f32 v13, v5  }
0x1cd: {  	[tilespmem:v1+s16+$0x1F0 ss:$0x1] =	vst.idx.msk $0xffff, v2;
	v2 =	vmul.f32 v15, v6  }
0x1ce: {  	[tilespmem:v1+s16+$0x170 ss:$0x1] =	vst.idx.msk $0xffff, v4;
	v4 =	vmul.f32 v12, v7  }
0x1cf: {  	[tilespmem:v1+s13+$0xF0 ss:$0x1] =	vst.idx.msk $0xffff, v2;
	v2 =	vmul.f32 v10, v8  }
0x1d0: {  	[tilespmem:v1+s13+$0x70 ss:$0x1] =	vst.idx.msk $0xffff, v4;
	v3 =	vmul.f32 v3, v9  }
0x1d1: {  	[tilespmem:v1+s13+$0x1F0 ss:$0x1] =	vst.idx.msk $0xffff, v2  }
0x1d2: {  	[tilespmem:v1+s13+$0x170 ss:$0x1] =	vst.idx.msk $0xffff, v3  }
0x1d3: {  	v10 =	vld [tilespmem:s11+$0x130];
	_ =	sdelay $0x1  }
0x1d4: {  	v2 =	vld.idx.msk [tilespmem:v1+s31+$0x80 ss:$0x1], $0xffff  }
0x1d5: {  	s24 =	simm.s32 $0x1  }
0x1d6: {  	v3 =	vmov s24  }
0x1d7: {  	v3 =	vperm.xlane v10, v3  }
0x1d8: {  	v5 =	vld.idx.msk [tilespmem:v1+s31+$0x180 ss:$0x1], $0xffff  }
0x1d9: {  	s14 =	simm.s32 $0x3;
	v4 =	vmul.f32 v2, v3  }
0x1da: {  	v6 =	vld.idx.msk [tilespmem:v1+s31+$0x0 ss:$0x1], $0xffff;
	v2 =	vmov s14  }
0x1db: {  	s16 =	simm.s32 $0x0;
	v2 =	vperm.xlane v10, v2;
	[tilespmem:v1+s31+$0x80 ss:$0x1] =	vst.idx.msk $0xffff, v4  }
0x1dc: {  	v4 =	vmov s16;
	v7 =	vld.idx.msk [tilespmem:v1+s31+$0x90 ss:$0x1], $0xffff  }
0x1dd: {  	v8 =	vld.idx.msk [tilespmem:v1+s31+$0x100 ss:$0x1], $0xffff;
	v4 =	vperm.xlane v10, v4;
	v5 =	vmul.f32 v5, v2  }
0x1de: {  	s18 =	simm.s32 $0x2  }
0x1df: {  	v9 =	vmov s18;
	v6 =	vmul.f32 v6, v4;
	[tilespmem:v1+s31+$0x180 ss:$0x1] =	vst.idx.msk $0xffff, v5  }
0x1e0: {  	v5 =	vperm.xlane v10, v9;
	v9 =	vld.idx.msk [tilespmem:v1+s31+$0x190 ss:$0x1], $0xffff  }
0x1e1: {  	[tilespmem:v1+s31+$0x0 ss:$0x1] =	vst.idx.msk $0xffff, v6;
	v6 =	vmul.f32 v7, v3  }
0x1e2: {  	v8 =	vmul.f32 v8, v5;
	v7 =	vld.idx.msk [tilespmem:v1+s31+$0x10 ss:$0x1], $0xffff  }
0x1e3: {  	[tilespmem:v1+s31+$0x90 ss:$0x1] =	vst.idx.msk $0xffff, v6  }
0x1e4: {  	[tilespmem:v1+s31+$0x100 ss:$0x1] =	vst.idx.msk $0xffff, v8;
	v6 =	vld.idx.msk [tilespmem:v1+s31+$0xA0 ss:$0x1], $0xffff  }
0x1e5: {  	v8 =	vld.idx.msk [tilespmem:v1+s31+$0x110 ss:$0x1], $0xffff;
	v9 =	vmul.f32 v9, v2;
	_ =	sdelay $0x1  }
0x1e6: {  	v7 =	vmul.f32 v7, v4;
	[tilespmem:v1+s31+$0x190 ss:$0x1] =	vst.idx.msk $0xffff, v9  }
0x1e7: {  	v9 =	vld.idx.msk [tilespmem:v1+s31+$0x1A0 ss:$0x1], $0xffff  }
0x1e8: {  	[tilespmem:v1+s31+$0x10 ss:$0x1] =	vst.idx.msk $0xffff, v7;
	v6 =	vmul.f32 v6, v3  }
0x1e9: {  	v8 =	vmul.f32 v8, v5;
	v7 =	vld.idx.msk [tilespmem:v1+s31+$0x20 ss:$0x1], $0xffff  }
0x1ea: {  	[tilespmem:v1+s31+$0xA0 ss:$0x1] =	vst.idx.msk $0xffff, v6  }
0x1eb: {  	[tilespmem:v1+s31+$0x110 ss:$0x1] =	vst.idx.msk $0xffff, v8;
	v6 =	vld.idx.msk [tilespmem:v1+s31+$0xB0 ss:$0x1], $0xffff  }
0x1ec: {  	s13 =	sadd.s32 $0x200, s31;
	v8 =	vld.idx.msk [tilespmem:v1+s31+$0x120 ss:$0x1], $0xffff;
	v9 =	vmul.f32 v9, v2  }
0x1ed: {  	v11 =	vld.idx.msk [tilespmem:v1+s13+$0x80 ss:$0x1], $0xffff  }
0x1ee: {  	s14 =	simm.s32 $0x5;
	v7 =	vmul.f32 v7, v4;
	[tilespmem:v1+s31+$0x1A0 ss:$0x1] =	vst.idx.msk $0xffff, v9;
	v9 =	vld.idx.msk [tilespmem:v1+s13+$0x0 ss:$0x1], $0xffff  }
0x1ef: {  	s19 =	simm.s32 $0x4;
	v13 =	vmov s14;
	v12 =	vld.idx.msk [tilespmem:v1+s31+$0x1B0 ss:$0x1], $0xffff  }
0x1f0: {  	[tilespmem:v1+s31+$0x20 ss:$0x1] =	vst.idx.msk $0xffff, v7;
	v7 =	vmov s19;
	v14 =	vmul.f32 v6, v3;
	v6 =	vperm.xlane v10, v13;
	v13 =	vld.idx.msk [tilespmem:v1+s13+$0x180 ss:$0x1], $0xffff  }
0x1f1: {  	s20 =	simm.s32 $0x7;
	v8 =	vmul.f32 v8, v5;
	v7 =	vperm.xlane v10, v7;
	v15 =	vld.idx.msk [tilespmem:v1+s31+$0x30 ss:$0x1], $0xffff  }
0x1f2: {  	v16 =	vmov s20;
	[tilespmem:v1+s31+$0xB0 ss:$0x1] =	vst.idx.msk $0xffff, v14;
	v11 =	vmul.f32 v11, v6;
	v14 =	vld.idx.msk [tilespmem:v1+s13+$0x100 ss:$0x1], $0xffff  }
0x1f3: {  	s24 =	simm.s32 $0x6;
	[tilespmem:v1+s31+$0x120 ss:$0x1] =	vst.idx.msk $0xffff, v8;
	v8 =	vperm.xlane v10, v16;
	v17 =	vmul.f32 v9, v7;
	v16 =	vld.idx.msk [tilespmem:v1+s31+$0xC0 ss:$0x1], $0xffff  }
0x1f4: {  	v9 =	vmov s24;
	v18 =	vld.idx.msk [tilespmem:v1+s31+$0x130 ss:$0x1], $0xffff;
	v12 =	vmul.f32 v12, v2;
	[tilespmem:v1+s13+$0x80 ss:$0x1] =	vst.idx.msk $0xffff, v11  }
0x1f5: {  	v9 =	vperm.xlane v10, v9;
	[tilespmem:v1+s13+$0x0 ss:$0x1] =	vst.idx.msk $0xffff, v17;
	v11 =	vld.idx.msk [tilespmem:v1+s13+$0x90 ss:$0x1], $0xffff;
	v13 =	vmul.f32 v13, v8  }
0x1f6: {  	v17 =	vld.idx.msk [tilespmem:v1+s13+$0x10 ss:$0x1], $0xffff;
	[tilespmem:v1+s31+$0x1B0 ss:$0x1] =	vst.idx.msk $0xffff, v12;
	v12 =	vmul.f32 v15, v4  }
0x1f7: {  	v14 =	vmul.f32 v14, v9;
	[tilespmem:v1+s13+$0x180 ss:$0x1] =	vst.idx.msk $0xffff, v13;
	v13 =	vld.idx.msk [tilespmem:v1+s31+$0x1C0 ss:$0x1], $0xffff  }
0x1f8: {  	[tilespmem:v1+s31+$0x30 ss:$0x1] =	vst.idx.msk $0xffff, v12;
	v15 =	vmul.f32 v16, v3;
	v16 =	vld.idx.msk [tilespmem:v1+s13+$0x190 ss:$0x1], $0xffff  }
0x1f9: {  	v12 =	vmul.f32 v18, v5;
	[tilespmem:v1+s13+$0x100 ss:$0x1] =	vst.idx.msk $0xffff, v14;
	v14 =	vld.idx.msk [tilespmem:v1+s31+$0x40 ss:$0x1], $0xffff  }
0x1fa: {  	[tilespmem:v1+s31+$0xC0 ss:$0x1] =	vst.idx.msk $0xffff, v15;
	v15 =	vld.idx.msk [tilespmem:v1+s13+$0x110 ss:$0x1], $0xffff;
	v11 =	vmul.f32 v11, v6  }
0x1fb: {  	[tilespmem:v1+s31+$0x130 ss:$0x1] =	vst.idx.msk $0xffff, v12;
	v17 =	vmul.f32 v17, v7;
	v12 =	vld.idx.msk [tilespmem:v1+s31+$0xD0 ss:$0x1], $0xffff  }
0x1fc: {  	v18 =	vld.idx.msk [tilespmem:v1+s31+$0x140 ss:$0x1], $0xffff;
	[tilespmem:v1+s13+$0x90 ss:$0x1] =	vst.idx.msk $0xffff, v11;
	v11 =	vmul.f32 v13, v2  }
0x1fd: {  	[tilespmem:v1+s13+$0x10 ss:$0x1] =	vst.idx.msk $0xffff, v17;
	v13 =	vld.idx.msk [tilespmem:v1+s13+$0xA0 ss:$0x1], $0xffff;
	v16 =	vmul.f32 v16, v8  }
0x1fe: {  	v17 =	vld.idx.msk [tilespmem:v1+s13+$0x20 ss:$0x1], $0xffff;
	v14 =	vmul.f32 v14, v4;
	[tilespmem:v1+s31+$0x1C0 ss:$0x1] =	vst.idx.msk $0xffff, v11  }
0x1ff: {  	v11 =	vmul.f32 v15, v9;
	[tilespmem:v1+s13+$0x190 ss:$0x1] =	vst.idx.msk $0xffff, v16;
	v15 =	vld.idx.msk [tilespmem:v1+s31+$0x1D0 ss:$0x1], $0xffff  }
0x200: {  	v12 =	vmul.f32 v12, v3;
	v19 =	vld.idx.msk [tilespmem:v1+s13+$0x1A0 ss:$0x1], $0xffff;
	[tilespmem:v1+s31+$0x40 ss:$0x1] =	vst.idx.msk $0xffff, v14  }
0x201: {  	v14 =	vmul.f32 v18, v5;
	[tilespmem:v1+s13+$0x110 ss:$0x1] =	vst.idx.msk $0xffff, v11;
	v11 =	vld.idx.msk [tilespmem:v1+s31+$0x50 ss:$0x1], $0xffff  }
0x202: {  	v16 =	vld.idx.msk [tilespmem:v1+s13+$0x120 ss:$0x1], $0xffff;
	[tilespmem:v1+s31+$0xD0 ss:$0x1] =	vst.idx.msk $0xffff, v12;
	v13 =	vmul.f32 v13, v6  }
0x203: {  	v17 =	vmul.f32 v17, v7;
	[tilespmem:v1+s31+$0x140 ss:$0x1] =	vst.idx.msk $0xffff, v14;
	v12 =	vld.idx.msk [tilespmem:v1+s31+$0xE0 ss:$0x1], $0xffff  }
0x204: {  	[tilespmem:v1+s13+$0xA0 ss:$0x1] =	vst.idx.msk $0xffff, v13;
	v13 =	vld.idx.msk [tilespmem:v1+s31+$0x150 ss:$0x1], $0xffff  }
0x205: {  	s18 =	simm.s32 $0x8;
	s16 =	smov.u32 s31;
	s19 =	sadd.s32 $0x200, s13;
	v14 =	vmul.f32 v15, v2;
	[tilespmem:v1+s13+$0x20 ss:$0x1] =	vst.idx.msk $0xffff, v17;
	v15 =	vld.idx.msk [tilespmem:v1+s13+$0xB0 ss:$0x1], $0xffff;
	v17 =	vmul.f32 v19, v8  }
.LBB2_11:
0x206: {  	p1 =	slt.u32 s18, $0xC;
	s14 =	smov.u32 s18;
	s18 =	sadd.s32 $0x4, s18  }
0x207: {  	v16 =	vmul.f32 v16, v9;
	v18 =	vld.idx.msk [tilespmem:v1+s19+$0x80 ss:$0x1], $0xffff;
	[tilespmem:v1+s13+$0x1A0 ss:$0x1] =	vst.idx.msk $0xffff, v17  }
0x208: {  	s20 =	sadd.s32 $0x3, s14;
	v12 =	vmul.f32 v12, v3;
	v17 =	vld.idx.msk [tilespmem:v1+s19+$0x0 ss:$0x1], $0xffff  }
0x209: {  	v11 =	vmul.f32 v11, v4;
	s24 =	sadd.s32 $0x2, s14;
	v19 =	vmov s20;
	[tilespmem:v1+s13+$0x120 ss:$0x1] =	vst.idx.msk $0xffff, v16;
	v16 =	vld.idx.msk [tilespmem:v1+s13+$0x1B0 ss:$0x1], $0xffff  }
0x20a: {  	s20 =	sadd.s32 $0x1, s14;
	v20 =	vmov s24;
	v19 =	vperm.xlane v10, v19;
	v13 =	vmul.f32 v13, v5;
	v21 =	vld.idx.msk [tilespmem:v1+s13+$0x130 ss:$0x1], $0xffff;
	[tilespmem:v1+s16+$0x1D0 ss:$0x1] =	vst.idx.msk $0xffff, v14  }
0x20b: {  	v20 =	vperm.xlane v10, v20;
	v14 =	vmov s20;
	v15 =	vmul.f32 v15, v6;
	[tilespmem:v1+s16+$0x50 ss:$0x1] =	vst.idx.msk $0xffff, v11;
	v11 =	vld.idx.msk [tilespmem:v1+s16+$0x1E0 ss:$0x1], $0xffff  }
0x20c: {  	v22 =	vmov s14;
	v14 =	vperm.xlane v10, v14;
	v23 =	vld.idx.msk [tilespmem:v1+s16+$0x60 ss:$0x1], $0xffff;
	[tilespmem:v1+s16+$0x150 ss:$0x1] =	vst.idx.msk $0xffff, v13  }
0x20d: {  	v13 =	vperm.xlane v10, v22;
	v22 =	vld.idx.msk [tilespmem:v1+s19+$0x180 ss:$0x1], $0xffff;
	[tilespmem:v1+s13+$0xB0 ss:$0x1] =	vst.idx.msk $0xffff, v15  }
0x20e: {  	v15 =	vld.idx.msk [tilespmem:v1+s13+$0xC0 ss:$0x1], $0xffff;
	[tilespmem:v1+s16+$0xE0 ss:$0x1] =	vst.idx.msk $0xffff, v12  }
0x20f: {  	v12 =	vmul.f32 v17, v13;
	v16 =	vmul.f32 v16, v8;
	v17 =	vld.idx.msk [tilespmem:v1+s16+$0x160 ss:$0x1], $0xffff  }
0x210: {  	v18 =	vmul.f32 v18, v14;
	v21 =	vmul.f32 v21, v9;
	v24 =	vld.idx.msk [tilespmem:v1+s19+$0x100 ss:$0x1], $0xffff  }
0x211: {  	v11 =	vmul.f32 v11, v2;
	[tilespmem:v1+s19+$0x0 ss:$0x1] =	vst.idx.msk $0xffff, v12;
	v12 =	vld.idx.msk [tilespmem:v1+s16+$0xF0 ss:$0x1], $0xffff  }
0x212: {  	v23 =	vmul.f32 v23, v4;
	[tilespmem:v1+s19+$0x80 ss:$0x1] =	vst.idx.msk $0xffff, v18;
	v18 =	vld.idx.msk [tilespmem:v1+s13+$0x30 ss:$0x1], $0xffff  }
0x213: {  	v25 =	vld.idx.msk [tilespmem:v1+s19+$0x90 ss:$0x1], $0xffff;
	[tilespmem:v1+s16+$0x1E0 ss:$0x1] =	vst.idx.msk $0xffff, v11  }
0x214: {  	v11 =	vmul.f32 v22, v19;
	v15 =	vmul.f32 v15, v6;
	[tilespmem:v1+s16+$0x60 ss:$0x1] =	vst.idx.msk $0xffff, v23;
	v22 =	vld.idx.msk [tilespmem:v1+s16+$0x1F0 ss:$0x1], $0xffff  }
0x215: {  	v17 =	vmul.f32 v17, v5;
	[tilespmem:v1+s13+$0x130 ss:$0x1] =	vst.idx.msk $0xffff, v21;
	v21 =	vld.idx.msk [tilespmem:v1+s16+$0x70 ss:$0x1], $0xffff  }
0x216: {  	v24 =	vmul.f32 v24, v20;
	v23 =	vld.idx.msk [tilespmem:v1+s19+$0x10 ss:$0x1], $0xffff;
	[tilespmem:v1+s13+$0xC0 ss:$0x1] =	vst.idx.msk $0xffff, v15  }
0x217: {  	v12 =	vmul.f32 v12, v3;
	v3 =	vmov v6;
	v6 =	vmov v14;
	v15 =	vld.idx.msk [tilespmem:v1+s13+$0xD0 ss:$0x1], $0xffff;
	[tilespmem:v1+s16+$0x160 ss:$0x1] =	vst.idx.msk $0xffff, v17  }
0x218: {  	[tilespmem:v1+s13+$0x1B0 ss:$0x1] =	vst.idx.msk $0xffff, v16;
	v14 =	vld.idx.msk [tilespmem:v1+s16+$0x170 ss:$0x1], $0xffff  }
0x219: {  	v16 =	vmul.f32 v18, v7;
	[tilespmem:v1+s16+$0xF0 ss:$0x1] =	vst.idx.msk $0xffff, v12  }
0x21a: {  	v12 =	vmul.f32 v22, v2;
	v2 =	vmov v8;
	v8 =	vmov v19;
	[tilespmem:v1+s19+$0x180 ss:$0x1] =	vst.idx.msk $0xffff, v11;
	v11 =	vld.idx.msk [tilespmem:v1+s13+$0x1C0 ss:$0x1], $0xffff  }
0x21b: {  	v17 =	vld.idx.msk [tilespmem:v1+s19+$0x190 ss:$0x1], $0xffff;
	[tilespmem:v1+s13+$0x30 ss:$0x1] =	vst.idx.msk $0xffff, v16;
	v16 =	vmul.f32 v21, v4;
	v4 =	vmov v7;
	v7 =	vmov v13  }
0x21c: {  	v13 =	vmul.f32 v23, v7;
	[tilespmem:v1+s19+$0x100 ss:$0x1] =	vst.idx.msk $0xffff, v24;
	v18 =	vld.idx.msk [tilespmem:v1+s13+$0x40 ss:$0x1], $0xffff  }
0x21d: {  	v15 =	vmul.f32 v15, v3;
	v19 =	vld.idx.msk [tilespmem:v1+s19+$0x110 ss:$0x1], $0xffff;
	[tilespmem:v1+s16+$0x70 ss:$0x1] =	vst.idx.msk $0xffff, v16  }
0x21e: {  	v14 =	vmul.f32 v14, v5;
	v5 =	vmov v9;
	[tilespmem:v1+s19+$0x10 ss:$0x1] =	vst.idx.msk $0xffff, v13;
	v13 =	vmul.f32 v25, v6  }
0x21f: {  	v9 =	vmov v20;
	v16 =	vld.idx.msk [tilespmem:v1+s19+$0x20 ss:$0x1], $0xffff;
	[tilespmem:v1+s16+$0x1F0 ss:$0x1] =	vst.idx.msk $0xffff, v12  }
0x220: {  	v11 =	vmul.f32 v11, v2;
	[tilespmem:v1+s19+$0x90 ss:$0x1] =	vst.idx.msk $0xffff, v13;
	v12 =	vld.idx.msk [tilespmem:v1+s13+$0x140 ss:$0x1], $0xffff  }
0x221: {  	v17 =	vmul.f32 v17, v8;
	v13 =	vld.idx.msk [tilespmem:v1+s19+$0xA0 ss:$0x1], $0xffff;
	[tilespmem:v1+s16+$0x170 ss:$0x1] =	vst.idx.msk $0xffff, v14;
	s16 =	smov.u32 s13;
	s13 =	smov.u32 s19  }
0x222: {  	v14 =	vmul.f32 v18, v4;
	[tilespmem:v1+s16+$0x1C0 ss:$0x1] =	vst.idx.msk $0xffff, v11  }
0x223: {  	v11 =	vmul.f32 v19, v9;
	[tilespmem:v1+s19+$0x190 ss:$0x1] =	vst.idx.msk $0xffff, v17;
	v17 =	vld.idx.msk [tilespmem:v1+s16+$0x1D0 ss:$0x1], $0xffff  }
0x224: {  	v18 =	vld.idx.msk [tilespmem:v1+s19+$0x1A0 ss:$0x1], $0xffff;
	[tilespmem:v1+s16+$0x40 ss:$0x1] =	vst.idx.msk $0xffff, v14  }
0x225: {  	v19 =	vmul.f32 v16, v7;
	[tilespmem:v1+s19+$0x110 ss:$0x1] =	vst.idx.msk $0xffff, v11;
	v11 =	vld.idx.msk [tilespmem:v1+s16+$0x50 ss:$0x1], $0xffff  }
.Ltmp4:
0x226: {  	v14 =	vmul.f32 v12, v5;
	v16 =	vld.idx.msk [tilespmem:v1+s19+$0x120 ss:$0x1], $0xffff;
	[tilespmem:v1+s16+$0xD0 ss:$0x1] =	vst.idx.msk $0xffff, v15;
	(pc) =	sbr.rel @p1 .LBB2_11-.Ltmp4, $4  }
0x227: {  	v13 =	vmul.f32 v13, v6;
	v12 =	vld.idx.msk [tilespmem:v1+s16+$0xE0 ss:$0x1], $0xffff  }
0x228: {  	[tilespmem:v1+s16+$0x140 ss:$0x1] =	vst.idx.msk $0xffff, v14  }
0x229: {  	v14 =	vmul.f32 v17, v2;
	[tilespmem:v1+s19+$0xA0 ss:$0x1] =	vst.idx.msk $0xffff, v13;
	v13 =	vld.idx.msk [tilespmem:v1+s16+$0x150 ss:$0x1], $0xffff  }
0x22a: {  	v17 =	vmul.f32 v18, v8;
	s19 =	sadd.s32 $0x200, s19;
	[tilespmem:v1+s13+$0x20 ss:$0x1] =	vst.idx.msk $0xffff, v19;
	v15 =	vld.idx.msk [tilespmem:v1+s13+$0xB0 ss:$0x1], $0xffff  }
0x22b: {  	_ =	sdelay $0x2  }
0x22c: {  	v10 =	vmul.f32 v16, v9  }
0x22d: {  	v16 =	vld.idx.msk [tilespmem:v1+s13+$0x30 ss:$0x1], $0xffff;
	[tilespmem:v1+s13+$0x1A0 ss:$0x1] =	vst.idx.msk $0xffff, v17  }
0x22e: {  	[tilespmem:v1+s13+$0x120 ss:$0x1] =	vst.idx.msk $0xffff, v10;
	v10 =	vld.idx.msk [tilespmem:v1+s13+$0x1B0 ss:$0x1], $0xffff  }
0x22f: {  	v17 =	vld.idx.msk [tilespmem:v1+s13+$0x130 ss:$0x1], $0xffff;
	_ =	sdelay $0x1  }
0x230: {  	v15 =	vmul.f32 v15, v6  }
0x231: {  	v16 =	vmul.f32 v16, v7  }
0x232: {  	[tilespmem:v1+s13+$0xB0 ss:$0x1] =	vst.idx.msk $0xffff, v15;
	v10 =	vmul.f32 v10, v8  }
0x233: {  	v15 =	vld.idx.msk [tilespmem:v1+s13+$0xC0 ss:$0x1], $0xffff;
	[tilespmem:v1+s13+$0x30 ss:$0x1] =	vst.idx.msk $0xffff, v16;
	v17 =	vmul.f32 v17, v9  }
0x234: {  	[tilespmem:v1+s13+$0x1B0 ss:$0x1] =	vst.idx.msk $0xffff, v10;
	v10 =	vld.idx.msk [tilespmem:v1+s13+$0x40 ss:$0x1], $0xffff  }
0x235: {  	[tilespmem:v1+s13+$0x130 ss:$0x1] =	vst.idx.msk $0xffff, v17;
	v16 =	vld.idx.msk [tilespmem:v1+s13+$0x1C0 ss:$0x1], $0xffff  }
0x236: {  	v17 =	vld.idx.msk [tilespmem:v1+s13+$0x140 ss:$0x1], $0xffff;
	_ =	sdelay $0x1  }
0x237: {  	v15 =	vmul.f32 v15, v6  }
0x238: {  	v10 =	vmul.f32 v10, v7  }
0x239: {  	[tilespmem:v1+s13+$0xC0 ss:$0x1] =	vst.idx.msk $0xffff, v15;
	v15 =	vmul.f32 v16, v8  }
0x23a: {  	v16 =	vld.idx.msk [tilespmem:v1+s13+$0xD0 ss:$0x1], $0xffff;
	[tilespmem:v1+s13+$0x40 ss:$0x1] =	vst.idx.msk $0xffff, v10;
	v10 =	vmul.f32 v17, v9  }
0x23b: {  	[tilespmem:v1+s13+$0x1C0 ss:$0x1] =	vst.idx.msk $0xffff, v15;
	v15 =	vld.idx.msk [tilespmem:v1+s13+$0x50 ss:$0x1], $0xffff  }
0x23c: {  	v11 =	vmul.f32 v11, v4;
	v17 =	vld.idx.msk [tilespmem:v1+s13+$0x1D0 ss:$0x1], $0xffff;
	[tilespmem:v1+s13+$0x140 ss:$0x1] =	vst.idx.msk $0xffff, v10  }
0x23d: {  	v10 =	vld.idx.msk [tilespmem:v1+s13+$0x150 ss:$0x1], $0xffff  }
0x23e: {  	[tilespmem:v1+s16+$0x50 ss:$0x1] =	vst.idx.msk $0xffff, v11;
	v13 =	vmul.f32 v13, v5  }
0x23f: {  	[tilespmem:v1+s16+$0x1D0 ss:$0x1] =	vst.idx.msk $0xffff, v14;
	v11 =	vld.idx.msk [tilespmem:v1+s16+$0x60 ss:$0x1], $0xffff;
	v14 =	vmul.f32 v16, v6  }
0x240: {  	[tilespmem:v1+s16+$0x150 ss:$0x1] =	vst.idx.msk $0xffff, v13;
	v16 =	vld.idx.msk [tilespmem:v1+s16+$0x1E0 ss:$0x1], $0xffff;
	v13 =	vmul.f32 v15, v7  }
0x241: {  	v15 =	vld.idx.msk [tilespmem:v1+s16+$0x160 ss:$0x1], $0xffff;
	[tilespmem:v1+s13+$0xD0 ss:$0x1] =	vst.idx.msk $0xffff, v14;
	v14 =	vmul.f32 v17, v8  }
0x242: {  	v17 =	vld.idx.msk [tilespmem:v1+s13+$0xE0 ss:$0x1], $0xffff;
	v10 =	vmul.f32 v10, v9;
	[tilespmem:v1+s13+$0x50 ss:$0x1] =	vst.idx.msk $0xffff, v13  }
0x243: {  	v12 =	vmul.f32 v12, v3;
	[tilespmem:v1+s13+$0x1D0 ss:$0x1] =	vst.idx.msk $0xffff, v14;
	v13 =	vld.idx.msk [tilespmem:v1+s13+$0x60 ss:$0x1], $0xffff  }
0x244: {  	v11 =	vmul.f32 v11, v4;
	v14 =	vld.idx.msk [tilespmem:v1+s13+$0x1E0 ss:$0x1], $0xffff;
	[tilespmem:v1+s13+$0x150 ss:$0x1] =	vst.idx.msk $0xffff, v10  }
0x245: {  	[tilespmem:v1+s16+$0xE0 ss:$0x1] =	vst.idx.msk $0xffff, v12;
	v10 =	vmul.f32 v16, v2;
	v12 =	vld.idx.msk [tilespmem:v1+s13+$0x160 ss:$0x1], $0xffff  }
0x246: {  	[tilespmem:v1+s16+$0x60 ss:$0x1] =	vst.idx.msk $0xffff, v11;
	v16 =	vld.idx.msk [tilespmem:v1+s16+$0xF0 ss:$0x1], $0xffff;
	v11 =	vmul.f32 v15, v5  }
0x247: {  	[tilespmem:v1+s16+$0x1E0 ss:$0x1] =	vst.idx.msk $0xffff, v10;
	v10 =	vld.idx.msk [tilespmem:v1+s16+$0x70 ss:$0x1], $0xffff;
	v15 =	vmul.f32 v17, v6  }
0x248: {  	v17 =	vld.idx.msk [tilespmem:v1+s16+$0x1F0 ss:$0x1], $0xffff;
	[tilespmem:v1+s16+$0x160 ss:$0x1] =	vst.idx.msk $0xffff, v11;
	v11 =	vmul.f32 v13, v7  }
0x249: {  	v13 =	vld.idx.msk [tilespmem:v1+s16+$0x170 ss:$0x1], $0xffff;
	[tilespmem:v1+s13+$0xE0 ss:$0x1] =	vst.idx.msk $0xffff, v15;
	v14 =	vmul.f32 v14, v8  }
0x24a: {  	v15 =	vld.idx.msk [tilespmem:v1+s13+$0xF0 ss:$0x1], $0xffff;
	[tilespmem:v1+s13+$0x60 ss:$0x1] =	vst.idx.msk $0xffff, v11;
	v11 =	vmul.f32 v12, v9  }
0x24b: {  	v3 =	vmul.f32 v16, v3;
	[tilespmem:v1+s13+$0x1E0 ss:$0x1] =	vst.idx.msk $0xffff, v14;
	v12 =	vld.idx.msk [tilespmem:v1+s13+$0x70 ss:$0x1], $0xffff  }
0x24c: {  	v4 =	vmul.f32 v10, v4;
	v10 =	vld.idx.msk [tilespmem:v1+s13+$0x1F0 ss:$0x1], $0xffff;
	[tilespmem:v1+s13+$0x160 ss:$0x1] =	vst.idx.msk $0xffff, v11  }
0x24d: {  	[tilespmem:v1+s16+$0xF0 ss:$0x1] =	vst.idx.msk $0xffff, v3;
	v2 =	vmul.f32 v17, v2;
	v3 =	vld.idx.msk [tilespmem:v1+s13+$0x170 ss:$0x1], $0xffff  }
0x24e: {  	[tilespmem:v1+s16+$0x70 ss:$0x1] =	vst.idx.msk $0xffff, v4;
	v4 =	vmul.f32 v13, v5  }
0x24f: {  	[tilespmem:v1+s16+$0x1F0 ss:$0x1] =	vst.idx.msk $0xffff, v2;
	v2 =	vmul.f32 v15, v6  }
0x250: {  	[tilespmem:v1+s16+$0x170 ss:$0x1] =	vst.idx.msk $0xffff, v4;
	v4 =	vmul.f32 v12, v7  }
0x251: {  	[tilespmem:v1+s13+$0xF0 ss:$0x1] =	vst.idx.msk $0xffff, v2;
	v2 =	vmul.f32 v10, v8  }
0x252: {  	[tilespmem:v1+s13+$0x70 ss:$0x1] =	vst.idx.msk $0xffff, v4;
	v3 =	vmul.f32 v3, v9  }
0x253: {  	[tilespmem:v1+s13+$0x1F0 ss:$0x1] =	vst.idx.msk $0xffff, v2  }
0x254: {  	[tilespmem:v1+s13+$0x170 ss:$0x1] =	vst.idx.msk $0xffff, v3  }
0x255: {  	v10 =	vld [tilespmem:s11+$0x140];
	_ =	sdelay $0x1  }
0x256: {  	v2 =	vld.idx.msk [tilespmem:v1+s0+$0x80 ss:$0x1], $0xffff  }
0x257: {  	s24 =	simm.s32 $0x1  }
0x258: {  	v3 =	vmov s24  }
0x259: {  	v3 =	vperm.xlane v10, v3  }
0x25a: {  	v5 =	vld.idx.msk [tilespmem:v1+s0+$0x180 ss:$0x1], $0xffff  }
0x25b: {  	s14 =	simm.s32 $0x3;
	v4 =	vmul.f32 v2, v3  }
0x25c: {  	v6 =	vld.idx.msk [tilespmem:v1+s0+$0x0 ss:$0x1], $0xffff;
	v2 =	vmov s14  }
0x25d: {  	s16 =	simm.s32 $0x0;
	v2 =	vperm.xlane v10, v2;
	[tilespmem:v1+s0+$0x80 ss:$0x1] =	vst.idx.msk $0xffff, v4  }
0x25e: {  	v4 =	vmov s16;
	v7 =	vld.idx.msk [tilespmem:v1+s0+$0x90 ss:$0x1], $0xffff  }
0x25f: {  	v8 =	vld.idx.msk [tilespmem:v1+s0+$0x100 ss:$0x1], $0xffff;
	v4 =	vperm.xlane v10, v4;
	v5 =	vmul.f32 v5, v2  }
0x260: {  	s18 =	simm.s32 $0x2  }
0x261: {  	v9 =	vmov s18;
	v6 =	vmul.f32 v6, v4;
	[tilespmem:v1+s0+$0x180 ss:$0x1] =	vst.idx.msk $0xffff, v5  }
0x262: {  	v5 =	vperm.xlane v10, v9;
	v9 =	vld.idx.msk [tilespmem:v1+s0+$0x190 ss:$0x1], $0xffff  }
0x263: {  	[tilespmem:v1+s0+$0x0 ss:$0x1] =	vst.idx.msk $0xffff, v6;
	v6 =	vmul.f32 v7, v3  }
0x264: {  	v8 =	vmul.f32 v8, v5;
	v7 =	vld.idx.msk [tilespmem:v1+s0+$0x10 ss:$0x1], $0xffff  }
0x265: {  	[tilespmem:v1+s0+$0x90 ss:$0x1] =	vst.idx.msk $0xffff, v6  }
0x266: {  	[tilespmem:v1+s0+$0x100 ss:$0x1] =	vst.idx.msk $0xffff, v8;
	v6 =	vld.idx.msk [tilespmem:v1+s0+$0xA0 ss:$0x1], $0xffff  }
0x267: {  	v8 =	vld.idx.msk [tilespmem:v1+s0+$0x110 ss:$0x1], $0xffff;
	v9 =	vmul.f32 v9, v2;
	_ =	sdelay $0x1  }
0x268: {  	v7 =	vmul.f32 v7, v4;
	[tilespmem:v1+s0+$0x190 ss:$0x1] =	vst.idx.msk $0xffff, v9  }
0x269: {  	v9 =	vld.idx.msk [tilespmem:v1+s0+$0x1A0 ss:$0x1], $0xffff  }
0x26a: {  	[tilespmem:v1+s0+$0x10 ss:$0x1] =	vst.idx.msk $0xffff, v7;
	v6 =	vmul.f32 v6, v3  }
0x26b: {  	v8 =	vmul.f32 v8, v5;
	v7 =	vld.idx.msk [tilespmem:v1+s0+$0x20 ss:$0x1], $0xffff  }
0x26c: {  	[tilespmem:v1+s0+$0xA0 ss:$0x1] =	vst.idx.msk $0xffff, v6  }
0x26d: {  	[tilespmem:v1+s0+$0x110 ss:$0x1] =	vst.idx.msk $0xffff, v8;
	v6 =	vld.idx.msk [tilespmem:v1+s0+$0xB0 ss:$0x1], $0xffff  }
0x26e: {  	s13 =	sadd.s32 $0x200, s0;
	v8 =	vld.idx.msk [tilespmem:v1+s0+$0x120 ss:$0x1], $0xffff;
	v9 =	vmul.f32 v9, v2  }
0x26f: {  	v11 =	vld.idx.msk [tilespmem:v1+s13+$0x80 ss:$0x1], $0xffff  }
0x270: {  	s14 =	simm.s32 $0x5;
	v7 =	vmul.f32 v7, v4;
	[tilespmem:v1+s0+$0x1A0 ss:$0x1] =	vst.idx.msk $0xffff, v9;
	v9 =	vld.idx.msk [tilespmem:v1+s13+$0x0 ss:$0x1], $0xffff  }
0x271: {  	s19 =	simm.s32 $0x4;
	v13 =	vmov s14;
	v12 =	vld.idx.msk [tilespmem:v1+s0+$0x1B0 ss:$0x1], $0xffff  }
0x272: {  	[tilespmem:v1+s0+$0x20 ss:$0x1] =	vst.idx.msk $0xffff, v7;
	v7 =	vmov s19;
	v14 =	vmul.f32 v6, v3;
	v6 =	vperm.xlane v10, v13;
	v13 =	vld.idx.msk [tilespmem:v1+s13+$0x180 ss:$0x1], $0xffff  }
0x273: {  	s20 =	simm.s32 $0x7;
	v8 =	vmul.f32 v8, v5;
	v7 =	vperm.xlane v10, v7;
	v15 =	vld.idx.msk [tilespmem:v1+s0+$0x30 ss:$0x1], $0xffff  }
0x274: {  	v16 =	vmov s20;
	[tilespmem:v1+s0+$0xB0 ss:$0x1] =	vst.idx.msk $0xffff, v14;
	v11 =	vmul.f32 v11, v6;
	v14 =	vld.idx.msk [tilespmem:v1+s13+$0x100 ss:$0x1], $0xffff  }
0x275: {  	s24 =	simm.s32 $0x6;
	[tilespmem:v1+s0+$0x120 ss:$0x1] =	vst.idx.msk $0xffff, v8;
	v8 =	vperm.xlane v10, v16;
	v17 =	vmul.f32 v9, v7;
	v16 =	vld.idx.msk [tilespmem:v1+s0+$0xC0 ss:$0x1], $0xffff  }
0x276: {  	v9 =	vmov s24;
	v18 =	vld.idx.msk [tilespmem:v1+s0+$0x130 ss:$0x1], $0xffff;
	v12 =	vmul.f32 v12, v2;
	[tilespmem:v1+s13+$0x80 ss:$0x1] =	vst.idx.msk $0xffff, v11  }
0x277: {  	v9 =	vperm.xlane v10, v9;
	[tilespmem:v1+s13+$0x0 ss:$0x1] =	vst.idx.msk $0xffff, v17;
	v11 =	vld.idx.msk [tilespmem:v1+s13+$0x90 ss:$0x1], $0xffff;
	v13 =	vmul.f32 v13, v8  }
0x278: {  	v17 =	vld.idx.msk [tilespmem:v1+s13+$0x10 ss:$0x1], $0xffff;
	[tilespmem:v1+s0+$0x1B0 ss:$0x1] =	vst.idx.msk $0xffff, v12;
	v12 =	vmul.f32 v15, v4  }
0x279: {  	v14 =	vmul.f32 v14, v9;
	[tilespmem:v1+s13+$0x180 ss:$0x1] =	vst.idx.msk $0xffff, v13;
	v13 =	vld.idx.msk [tilespmem:v1+s0+$0x1C0 ss:$0x1], $0xffff  }
0x27a: {  	[tilespmem:v1+s0+$0x30 ss:$0x1] =	vst.idx.msk $0xffff, v12;
	v15 =	vmul.f32 v16, v3;
	v16 =	vld.idx.msk [tilespmem:v1+s13+$0x190 ss:$0x1], $0xffff  }
0x27b: {  	v12 =	vmul.f32 v18, v5;
	[tilespmem:v1+s13+$0x100 ss:$0x1] =	vst.idx.msk $0xffff, v14;
	v14 =	vld.idx.msk [tilespmem:v1+s0+$0x40 ss:$0x1], $0xffff  }
0x27c: {  	[tilespmem:v1+s0+$0xC0 ss:$0x1] =	vst.idx.msk $0xffff, v15;
	v15 =	vld.idx.msk [tilespmem:v1+s13+$0x110 ss:$0x1], $0xffff;
	v11 =	vmul.f32 v11, v6  }
0x27d: {  	[tilespmem:v1+s0+$0x130 ss:$0x1] =	vst.idx.msk $0xffff, v12;
	v17 =	vmul.f32 v17, v7;
	v12 =	vld.idx.msk [tilespmem:v1+s0+$0xD0 ss:$0x1], $0xffff  }
0x27e: {  	v18 =	vld.idx.msk [tilespmem:v1+s0+$0x140 ss:$0x1], $0xffff;
	[tilespmem:v1+s13+$0x90 ss:$0x1] =	vst.idx.msk $0xffff, v11;
	v11 =	vmul.f32 v13, v2  }
0x27f: {  	[tilespmem:v1+s13+$0x10 ss:$0x1] =	vst.idx.msk $0xffff, v17;
	v13 =	vld.idx.msk [tilespmem:v1+s13+$0xA0 ss:$0x1], $0xffff;
	v16 =	vmul.f32 v16, v8  }
0x280: {  	v17 =	vld.idx.msk [tilespmem:v1+s13+$0x20 ss:$0x1], $0xffff;
	v14 =	vmul.f32 v14, v4;
	[tilespmem:v1+s0+$0x1C0 ss:$0x1] =	vst.idx.msk $0xffff, v11  }
0x281: {  	v11 =	vmul.f32 v15, v9;
	[tilespmem:v1+s13+$0x190 ss:$0x1] =	vst.idx.msk $0xffff, v16;
	v15 =	vld.idx.msk [tilespmem:v1+s0+$0x1D0 ss:$0x1], $0xffff  }
0x282: {  	v12 =	vmul.f32 v12, v3;
	v19 =	vld.idx.msk [tilespmem:v1+s13+$0x1A0 ss:$0x1], $0xffff;
	[tilespmem:v1+s0+$0x40 ss:$0x1] =	vst.idx.msk $0xffff, v14  }
0x283: {  	v14 =	vmul.f32 v18, v5;
	[tilespmem:v1+s13+$0x110 ss:$0x1] =	vst.idx.msk $0xffff, v11;
	v11 =	vld.idx.msk [tilespmem:v1+s0+$0x50 ss:$0x1], $0xffff  }
0x284: {  	v16 =	vld.idx.msk [tilespmem:v1+s13+$0x120 ss:$0x1], $0xffff;
	[tilespmem:v1+s0+$0xD0 ss:$0x1] =	vst.idx.msk $0xffff, v12;
	v13 =	vmul.f32 v13, v6  }
0x285: {  	v17 =	vmul.f32 v17, v7;
	[tilespmem:v1+s0+$0x140 ss:$0x1] =	vst.idx.msk $0xffff, v14;
	v12 =	vld.idx.msk [tilespmem:v1+s0+$0xE0 ss:$0x1], $0xffff  }
0x286: {  	[tilespmem:v1+s13+$0xA0 ss:$0x1] =	vst.idx.msk $0xffff, v13;
	v13 =	vld.idx.msk [tilespmem:v1+s0+$0x150 ss:$0x1], $0xffff  }
0x287: {  	s18 =	simm.s32 $0x8;
	s16 =	smov.u32 s0;
	s19 =	sadd.s32 $0x200, s13;
	v14 =	vmul.f32 v15, v2;
	[tilespmem:v1+s13+$0x20 ss:$0x1] =	vst.idx.msk $0xffff, v17;
	v15 =	vld.idx.msk [tilespmem:v1+s13+$0xB0 ss:$0x1], $0xffff;
	v17 =	vmul.f32 v19, v8  }
.LBB2_13:
0x288: {  	p1 =	slt.u32 s18, $0xC;
	s14 =	smov.u32 s18;
	s18 =	sadd.s32 $0x4, s18  }
0x289: {  	v16 =	vmul.f32 v16, v9;
	v18 =	vld.idx.msk [tilespmem:v1+s19+$0x80 ss:$0x1], $0xffff;
	[tilespmem:v1+s13+$0x1A0 ss:$0x1] =	vst.idx.msk $0xffff, v17  }
0x28a: {  	s20 =	sadd.s32 $0x3, s14;
	v12 =	vmul.f32 v12, v3;
	v17 =	vld.idx.msk [tilespmem:v1+s19+$0x0 ss:$0x1], $0xffff  }
0x28b: {  	v11 =	vmul.f32 v11, v4;
	s24 =	sadd.s32 $0x2, s14;
	v19 =	vmov s20;
	[tilespmem:v1+s13+$0x120 ss:$0x1] =	vst.idx.msk $0xffff, v16;
	v16 =	vld.idx.msk [tilespmem:v1+s13+$0x1B0 ss:$0x1], $0xffff  }
0x28c: {  	s20 =	sadd.s32 $0x1, s14;
	v20 =	vmov s24;
	v19 =	vperm.xlane v10, v19;
	v13 =	vmul.f32 v13, v5;
	v21 =	vld.idx.msk [tilespmem:v1+s13+$0x130 ss:$0x1], $0xffff;
	[tilespmem:v1+s16+$0x1D0 ss:$0x1] =	vst.idx.msk $0xffff, v14  }
0x28d: {  	v20 =	vperm.xlane v10, v20;
	v14 =	vmov s20;
	v15 =	vmul.f32 v15, v6;
	[tilespmem:v1+s16+$0x50 ss:$0x1] =	vst.idx.msk $0xffff, v11;
	v11 =	vld.idx.msk [tilespmem:v1+s16+$0x1E0 ss:$0x1], $0xffff  }
0x28e: {  	v22 =	vmov s14;
	v14 =	vperm.xlane v10, v14;
	v23 =	vld.idx.msk [tilespmem:v1+s16+$0x60 ss:$0x1], $0xffff;
	[tilespmem:v1+s16+$0x150 ss:$0x1] =	vst.idx.msk $0xffff, v13  }
0x28f: {  	v13 =	vperm.xlane v10, v22;
	v22 =	vld.idx.msk [tilespmem:v1+s19+$0x180 ss:$0x1], $0xffff;
	[tilespmem:v1+s13+$0xB0 ss:$0x1] =	vst.idx.msk $0xffff, v15  }
0x290: {  	v15 =	vld.idx.msk [tilespmem:v1+s13+$0xC0 ss:$0x1], $0xffff;
	[tilespmem:v1+s16+$0xE0 ss:$0x1] =	vst.idx.msk $0xffff, v12  }
0x291: {  	v12 =	vmul.f32 v17, v13;
	v16 =	vmul.f32 v16, v8;
	v17 =	vld.idx.msk [tilespmem:v1+s16+$0x160 ss:$0x1], $0xffff  }
0x292: {  	v18 =	vmul.f32 v18, v14;
	v21 =	vmul.f32 v21, v9;
	v24 =	vld.idx.msk [tilespmem:v1+s19+$0x100 ss:$0x1], $0xffff  }
0x293: {  	v11 =	vmul.f32 v11, v2;
	[tilespmem:v1+s19+$0x0 ss:$0x1] =	vst.idx.msk $0xffff, v12;
	v12 =	vld.idx.msk [tilespmem:v1+s16+$0xF0 ss:$0x1], $0xffff  }
0x294: {  	v23 =	vmul.f32 v23, v4;
	[tilespmem:v1+s19+$0x80 ss:$0x1] =	vst.idx.msk $0xffff, v18;
	v18 =	vld.idx.msk [tilespmem:v1+s13+$0x30 ss:$0x1], $0xffff  }
0x295: {  	v25 =	vld.idx.msk [tilespmem:v1+s19+$0x90 ss:$0x1], $0xffff;
	[tilespmem:v1+s16+$0x1E0 ss:$0x1] =	vst.idx.msk $0xffff, v11  }
0x296: {  	v11 =	vmul.f32 v22, v19;
	v15 =	vmul.f32 v15, v6;
	[tilespmem:v1+s16+$0x60 ss:$0x1] =	vst.idx.msk $0xffff, v23;
	v22 =	vld.idx.msk [tilespmem:v1+s16+$0x1F0 ss:$0x1], $0xffff  }
0x297: {  	v17 =	vmul.f32 v17, v5;
	[tilespmem:v1+s13+$0x130 ss:$0x1] =	vst.idx.msk $0xffff, v21;
	v21 =	vld.idx.msk [tilespmem:v1+s16+$0x70 ss:$0x1], $0xffff  }
0x298: {  	v24 =	vmul.f32 v24, v20;
	v23 =	vld.idx.msk [tilespmem:v1+s19+$0x10 ss:$0x1], $0xffff;
	[tilespmem:v1+s13+$0xC0 ss:$0x1] =	vst.idx.msk $0xffff, v15  }
0x299: {  	v12 =	vmul.f32 v12, v3;
	v3 =	vmov v6;
	v6 =	vmov v14;
	v15 =	vld.idx.msk [tilespmem:v1+s13+$0xD0 ss:$0x1], $0xffff;
	[tilespmem:v1+s16+$0x160 ss:$0x1] =	vst.idx.msk $0xffff, v17  }
0x29a: {  	[tilespmem:v1+s13+$0x1B0 ss:$0x1] =	vst.idx.msk $0xffff, v16;
	v14 =	vld.idx.msk [tilespmem:v1+s16+$0x170 ss:$0x1], $0xffff  }
0x29b: {  	v16 =	vmul.f32 v18, v7;
	[tilespmem:v1+s16+$0xF0 ss:$0x1] =	vst.idx.msk $0xffff, v12  }
0x29c: {  	v12 =	vmul.f32 v22, v2;
	v2 =	vmov v8;
	v8 =	vmov v19;
	[tilespmem:v1+s19+$0x180 ss:$0x1] =	vst.idx.msk $0xffff, v11;
	v11 =	vld.idx.msk [tilespmem:v1+s13+$0x1C0 ss:$0x1], $0xffff  }
0x29d: {  	v17 =	vld.idx.msk [tilespmem:v1+s19+$0x190 ss:$0x1], $0xffff;
	[tilespmem:v1+s13+$0x30 ss:$0x1] =	vst.idx.msk $0xffff, v16;
	v16 =	vmul.f32 v21, v4;
	v4 =	vmov v7;
	v7 =	vmov v13  }
0x29e: {  	v13 =	vmul.f32 v23, v7;
	[tilespmem:v1+s19+$0x100 ss:$0x1] =	vst.idx.msk $0xffff, v24;
	v18 =	vld.idx.msk [tilespmem:v1+s13+$0x40 ss:$0x1], $0xffff  }
0x29f: {  	v15 =	vmul.f32 v15, v3;
	v19 =	vld.idx.msk [tilespmem:v1+s19+$0x110 ss:$0x1], $0xffff;
	[tilespmem:v1+s16+$0x70 ss:$0x1] =	vst.idx.msk $0xffff, v16  }
0x2a0: {  	v14 =	vmul.f32 v14, v5;
	v5 =	vmov v9;
	[tilespmem:v1+s19+$0x10 ss:$0x1] =	vst.idx.msk $0xffff, v13;
	v13 =	vmul.f32 v25, v6  }
0x2a1: {  	v9 =	vmov v20;
	v16 =	vld.idx.msk [tilespmem:v1+s19+$0x20 ss:$0x1], $0xffff;
	[tilespmem:v1+s16+$0x1F0 ss:$0x1] =	vst.idx.msk $0xffff, v12  }
0x2a2: {  	v11 =	vmul.f32 v11, v2;
	[tilespmem:v1+s19+$0x90 ss:$0x1] =	vst.idx.msk $0xffff, v13;
	v12 =	vld.idx.msk [tilespmem:v1+s13+$0x140 ss:$0x1], $0xffff  }
0x2a3: {  	v17 =	vmul.f32 v17, v8;
	v13 =	vld.idx.msk [tilespmem:v1+s19+$0xA0 ss:$0x1], $0xffff;
	[tilespmem:v1+s16+$0x170 ss:$0x1] =	vst.idx.msk $0xffff, v14;
	s16 =	smov.u32 s13;
	s13 =	smov.u32 s19  }
0x2a4: {  	v14 =	vmul.f32 v18, v4;
	[tilespmem:v1+s16+$0x1C0 ss:$0x1] =	vst.idx.msk $0xffff, v11  }
0x2a5: {  	v11 =	vmul.f32 v19, v9;
	[tilespmem:v1+s19+$0x190 ss:$0x1] =	vst.idx.msk $0xffff, v17;
	v17 =	vld.idx.msk [tilespmem:v1+s16+$0x1D0 ss:$0x1], $0xffff  }
0x2a6: {  	v18 =	vld.idx.msk [tilespmem:v1+s19+$0x1A0 ss:$0x1], $0xffff;
	[tilespmem:v1+s16+$0x40 ss:$0x1] =	vst.idx.msk $0xffff, v14  }
0x2a7: {  	v19 =	vmul.f32 v16, v7;
	[tilespmem:v1+s19+$0x110 ss:$0x1] =	vst.idx.msk $0xffff, v11;
	v11 =	vld.idx.msk [tilespmem:v1+s16+$0x50 ss:$0x1], $0xffff  }
.Ltmp5:
0x2a8: {  	v14 =	vmul.f32 v12, v5;
	v16 =	vld.idx.msk [tilespmem:v1+s19+$0x120 ss:$0x1], $0xffff;
	[tilespmem:v1+s16+$0xD0 ss:$0x1] =	vst.idx.msk $0xffff, v15;
	(pc) =	sbr.rel @p1 .LBB2_13-.Ltmp5, $4  }
0x2a9: {  	v13 =	vmul.f32 v13, v6;
	v12 =	vld.idx.msk [tilespmem:v1+s16+$0xE0 ss:$0x1], $0xffff  }
0x2aa: {  	[tilespmem:v1+s16+$0x140 ss:$0x1] =	vst.idx.msk $0xffff, v14  }
0x2ab: {  	v14 =	vmul.f32 v17, v2;
	[tilespmem:v1+s19+$0xA0 ss:$0x1] =	vst.idx.msk $0xffff, v13;
	v13 =	vld.idx.msk [tilespmem:v1+s16+$0x150 ss:$0x1], $0xffff  }
0x2ac: {  	v17 =	vmul.f32 v18, v8;
	s19 =	sadd.s32 $0x200, s19;
	[tilespmem:v1+s13+$0x20 ss:$0x1] =	vst.idx.msk $0xffff, v19;
	v15 =	vld.idx.msk [tilespmem:v1+s13+$0xB0 ss:$0x1], $0xffff  }
0x2ad: {  	_ =	sdelay $0x2  }
0x2ae: {  	v10 =	vmul.f32 v16, v9  }
0x2af: {  	v16 =	vld.idx.msk [tilespmem:v1+s13+$0x30 ss:$0x1], $0xffff;
	[tilespmem:v1+s13+$0x1A0 ss:$0x1] =	vst.idx.msk $0xffff, v17  }
0x2b0: {  	[tilespmem:v1+s13+$0x120 ss:$0x1] =	vst.idx.msk $0xffff, v10;
	v10 =	vld.idx.msk [tilespmem:v1+s13+$0x1B0 ss:$0x1], $0xffff  }
0x2b1: {  	v17 =	vld.idx.msk [tilespmem:v1+s13+$0x130 ss:$0x1], $0xffff;
	_ =	sdelay $0x1  }
0x2b2: {  	v15 =	vmul.f32 v15, v6  }
0x2b3: {  	v16 =	vmul.f32 v16, v7  }
0x2b4: {  	[tilespmem:v1+s13+$0xB0 ss:$0x1] =	vst.idx.msk $0xffff, v15;
	v10 =	vmul.f32 v10, v8  }
0x2b5: {  	v15 =	vld.idx.msk [tilespmem:v1+s13+$0xC0 ss:$0x1], $0xffff;
	[tilespmem:v1+s13+$0x30 ss:$0x1] =	vst.idx.msk $0xffff, v16;
	v17 =	vmul.f32 v17, v9  }
0x2b6: {  	[tilespmem:v1+s13+$0x1B0 ss:$0x1] =	vst.idx.msk $0xffff, v10;
	v10 =	vld.idx.msk [tilespmem:v1+s13+$0x40 ss:$0x1], $0xffff  }
0x2b7: {  	[tilespmem:v1+s13+$0x130 ss:$0x1] =	vst.idx.msk $0xffff, v17;
	v16 =	vld.idx.msk [tilespmem:v1+s13+$0x1C0 ss:$0x1], $0xffff  }
0x2b8: {  	v17 =	vld.idx.msk [tilespmem:v1+s13+$0x140 ss:$0x1], $0xffff;
	_ =	sdelay $0x1  }
0x2b9: {  	v15 =	vmul.f32 v15, v6  }
0x2ba: {  	v10 =	vmul.f32 v10, v7  }
0x2bb: {  	[tilespmem:v1+s13+$0xC0 ss:$0x1] =	vst.idx.msk $0xffff, v15;
	v15 =	vmul.f32 v16, v8  }
0x2bc: {  	v16 =	vld.idx.msk [tilespmem:v1+s13+$0xD0 ss:$0x1], $0xffff;
	[tilespmem:v1+s13+$0x40 ss:$0x1] =	vst.idx.msk $0xffff, v10;
	v10 =	vmul.f32 v17, v9  }
0x2bd: {  	[tilespmem:v1+s13+$0x1C0 ss:$0x1] =	vst.idx.msk $0xffff, v15;
	v15 =	vld.idx.msk [tilespmem:v1+s13+$0x50 ss:$0x1], $0xffff  }
0x2be: {  	v11 =	vmul.f32 v11, v4;
	v17 =	vld.idx.msk [tilespmem:v1+s13+$0x1D0 ss:$0x1], $0xffff;
	[tilespmem:v1+s13+$0x140 ss:$0x1] =	vst.idx.msk $0xffff, v10  }
0x2bf: {  	v10 =	vld.idx.msk [tilespmem:v1+s13+$0x150 ss:$0x1], $0xffff  }
0x2c0: {  	[tilespmem:v1+s16+$0x50 ss:$0x1] =	vst.idx.msk $0xffff, v11;
	v13 =	vmul.f32 v13, v5  }
0x2c1: {  	[tilespmem:v1+s16+$0x1D0 ss:$0x1] =	vst.idx.msk $0xffff, v14;
	v11 =	vld.idx.msk [tilespmem:v1+s16+$0x60 ss:$0x1], $0xffff;
	v14 =	vmul.f32 v16, v6  }
0x2c2: {  	[tilespmem:v1+s16+$0x150 ss:$0x1] =	vst.idx.msk $0xffff, v13;
	v16 =	vld.idx.msk [tilespmem:v1+s16+$0x1E0 ss:$0x1], $0xffff;
	v13 =	vmul.f32 v15, v7  }
0x2c3: {  	v15 =	vld.idx.msk [tilespmem:v1+s16+$0x160 ss:$0x1], $0xffff;
	[tilespmem:v1+s13+$0xD0 ss:$0x1] =	vst.idx.msk $0xffff, v14;
	v14 =	vmul.f32 v17, v8  }
0x2c4: {  	v17 =	vld.idx.msk [tilespmem:v1+s13+$0xE0 ss:$0x1], $0xffff;
	v10 =	vmul.f32 v10, v9;
	[tilespmem:v1+s13+$0x50 ss:$0x1] =	vst.idx.msk $0xffff, v13  }
0x2c5: {  	v12 =	vmul.f32 v12, v3;
	[tilespmem:v1+s13+$0x1D0 ss:$0x1] =	vst.idx.msk $0xffff, v14;
	v13 =	vld.idx.msk [tilespmem:v1+s13+$0x60 ss:$0x1], $0xffff  }
0x2c6: {  	v11 =	vmul.f32 v11, v4;
	v14 =	vld.idx.msk [tilespmem:v1+s13+$0x1E0 ss:$0x1], $0xffff;
	[tilespmem:v1+s13+$0x150 ss:$0x1] =	vst.idx.msk $0xffff, v10  }
0x2c7: {  	[tilespmem:v1+s16+$0xE0 ss:$0x1] =	vst.idx.msk $0xffff, v12;
	v10 =	vmul.f32 v16, v2;
	v12 =	vld.idx.msk [tilespmem:v1+s13+$0x160 ss:$0x1], $0xffff  }
0x2c8: {  	[tilespmem:v1+s16+$0x60 ss:$0x1] =	vst.idx.msk $0xffff, v11;
	v16 =	vld.idx.msk [tilespmem:v1+s16+$0xF0 ss:$0x1], $0xffff;
	v11 =	vmul.f32 v15, v5  }
0x2c9: {  	[tilespmem:v1+s16+$0x1E0 ss:$0x1] =	vst.idx.msk $0xffff, v10;
	v10 =	vld.idx.msk [tilespmem:v1+s16+$0x70 ss:$0x1], $0xffff;
	v15 =	vmul.f32 v17, v6  }
0x2ca: {  	v17 =	vld.idx.msk [tilespmem:v1+s16+$0x1F0 ss:$0x1], $0xffff;
	[tilespmem:v1+s16+$0x160 ss:$0x1] =	vst.idx.msk $0xffff, v11;
	v11 =	vmul.f32 v13, v7  }
0x2cb: {  	v13 =	vld.idx.msk [tilespmem:v1+s16+$0x170 ss:$0x1], $0xffff;
	[tilespmem:v1+s13+$0xE0 ss:$0x1] =	vst.idx.msk $0xffff, v15;
	v14 =	vmul.f32 v14, v8  }
0x2cc: {  	v15 =	vld.idx.msk [tilespmem:v1+s13+$0xF0 ss:$0x1], $0xffff;
	[tilespmem:v1+s13+$0x60 ss:$0x1] =	vst.idx.msk $0xffff, v11;
	v11 =	vmul.f32 v12, v9  }
0x2cd: {  	v3 =	vmul.f32 v16, v3;
	[tilespmem:v1+s13+$0x1E0 ss:$0x1] =	vst.idx.msk $0xffff, v14;
	v12 =	vld.idx.msk [tilespmem:v1+s13+$0x70 ss:$0x1], $0xffff  }
0x2ce: {  	v4 =	vmul.f32 v10, v4;
	v10 =	vld.idx.msk [tilespmem:v1+s13+$0x1F0 ss:$0x1], $0xffff;
	[tilespmem:v1+s13+$0x160 ss:$0x1] =	vst.idx.msk $0xffff, v11  }
0x2cf: {  	[tilespmem:v1+s16+$0xF0 ss:$0x1] =	vst.idx.msk $0xffff, v3;
	v2 =	vmul.f32 v17, v2;
	v3 =	vld.idx.msk [tilespmem:v1+s13+$0x170 ss:$0x1], $0xffff  }
0x2d0: {  	[tilespmem:v1+s16+$0x70 ss:$0x1] =	vst.idx.msk $0xffff, v4;
	v4 =	vmul.f32 v13, v5  }
0x2d1: {  	[tilespmem:v1+s16+$0x1F0 ss:$0x1] =	vst.idx.msk $0xffff, v2;
	v2 =	vmul.f32 v15, v6  }
0x2d2: {  	[tilespmem:v1+s16+$0x170 ss:$0x1] =	vst.idx.msk $0xffff, v4;
	v4 =	vmul.f32 v12, v7  }
0x2d3: {  	[tilespmem:v1+s13+$0xF0 ss:$0x1] =	vst.idx.msk $0xffff, v2;
	v2 =	vmul.f32 v10, v8  }
0x2d4: {  	[tilespmem:v1+s13+$0x70 ss:$0x1] =	vst.idx.msk $0xffff, v4;
	v3 =	vmul.f32 v3, v9  }
0x2d5: {  	[tilespmem:v1+s13+$0x1F0 ss:$0x1] =	vst.idx.msk $0xffff, v2  }
0x2d6: {  	[tilespmem:v1+s13+$0x170 ss:$0x1] =	vst.idx.msk $0xffff, v3  }
0x2d7: {  	v10 =	vld [tilespmem:s11+$0x150];
	_ =	sdelay $0x1  }
0x2d8: {  	v2 =	vld.idx.msk [tilespmem:v1+s23+$0x80 ss:$0x1], $0xffff  }
0x2d9: {  	s24 =	simm.s32 $0x1  }
0x2da: {  	v3 =	vmov s24  }
0x2db: {  	v3 =	vperm.xlane v10, v3  }
0x2dc: {  	v5 =	vld.idx.msk [tilespmem:v1+s23+$0x180 ss:$0x1], $0xffff  }
0x2dd: {  	s14 =	simm.s32 $0x3;
	v4 =	vmul.f32 v2, v3  }
0x2de: {  	v6 =	vld.idx.msk [tilespmem:v1+s23+$0x0 ss:$0x1], $0xffff;
	v2 =	vmov s14  }
0x2df: {  	s16 =	simm.s32 $0x0;
	v2 =	vperm.xlane v10, v2;
	[tilespmem:v1+s23+$0x80 ss:$0x1] =	vst.idx.msk $0xffff, v4  }
0x2e0: {  	v4 =	vmov s16;
	v7 =	vld.idx.msk [tilespmem:v1+s23+$0x90 ss:$0x1], $0xffff  }
0x2e1: {  	v8 =	vld.idx.msk [tilespmem:v1+s23+$0x100 ss:$0x1], $0xffff;
	v4 =	vperm.xlane v10, v4;
	v5 =	vmul.f32 v5, v2  }
0x2e2: {  	s18 =	simm.s32 $0x2  }
0x2e3: {  	v9 =	vmov s18;
	v6 =	vmul.f32 v6, v4;
	[tilespmem:v1+s23+$0x180 ss:$0x1] =	vst.idx.msk $0xffff, v5  }
0x2e4: {  	v5 =	vperm.xlane v10, v9;
	v9 =	vld.idx.msk [tilespmem:v1+s23+$0x190 ss:$0x1], $0xffff  }
0x2e5: {  	[tilespmem:v1+s23+$0x0 ss:$0x1] =	vst.idx.msk $0xffff, v6;
	v6 =	vmul.f32 v7, v3  }
0x2e6: {  	v8 =	vmul.f32 v8, v5;
	v7 =	vld.idx.msk [tilespmem:v1+s23+$0x10 ss:$0x1], $0xffff  }
0x2e7: {  	[tilespmem:v1+s23+$0x90 ss:$0x1] =	vst.idx.msk $0xffff, v6  }
0x2e8: {  	[tilespmem:v1+s23+$0x100 ss:$0x1] =	vst.idx.msk $0xffff, v8;
	v6 =	vld.idx.msk [tilespmem:v1+s23+$0xA0 ss:$0x1], $0xffff  }
0x2e9: {  	v8 =	vld.idx.msk [tilespmem:v1+s23+$0x110 ss:$0x1], $0xffff;
	v9 =	vmul.f32 v9, v2;
	_ =	sdelay $0x1  }
0x2ea: {  	v7 =	vmul.f32 v7, v4;
	[tilespmem:v1+s23+$0x190 ss:$0x1] =	vst.idx.msk $0xffff, v9  }
0x2eb: {  	v9 =	vld.idx.msk [tilespmem:v1+s23+$0x1A0 ss:$0x1], $0xffff  }
0x2ec: {  	[tilespmem:v1+s23+$0x10 ss:$0x1] =	vst.idx.msk $0xffff, v7;
	v6 =	vmul.f32 v6, v3  }
0x2ed: {  	v8 =	vmul.f32 v8, v5;
	v7 =	vld.idx.msk [tilespmem:v1+s23+$0x20 ss:$0x1], $0xffff  }
0x2ee: {  	[tilespmem:v1+s23+$0xA0 ss:$0x1] =	vst.idx.msk $0xffff, v6  }
0x2ef: {  	[tilespmem:v1+s23+$0x110 ss:$0x1] =	vst.idx.msk $0xffff, v8;
	v6 =	vld.idx.msk [tilespmem:v1+s23+$0xB0 ss:$0x1], $0xffff  }
0x2f0: {  	s13 =	sadd.s32 $0x200, s23;
	v8 =	vld.idx.msk [tilespmem:v1+s23+$0x120 ss:$0x1], $0xffff;
	v9 =	vmul.f32 v9, v2  }
0x2f1: {  	v11 =	vld.idx.msk [tilespmem:v1+s13+$0x80 ss:$0x1], $0xffff  }
0x2f2: {  	s14 =	simm.s32 $0x5;
	v7 =	vmul.f32 v7, v4;
	[tilespmem:v1+s23+$0x1A0 ss:$0x1] =	vst.idx.msk $0xffff, v9;
	v9 =	vld.idx.msk [tilespmem:v1+s13+$0x0 ss:$0x1], $0xffff  }
0x2f3: {  	s19 =	simm.s32 $0x4;
	v13 =	vmov s14;
	v12 =	vld.idx.msk [tilespmem:v1+s23+$0x1B0 ss:$0x1], $0xffff  }
0x2f4: {  	[tilespmem:v1+s23+$0x20 ss:$0x1] =	vst.idx.msk $0xffff, v7;
	v7 =	vmov s19;
	v14 =	vmul.f32 v6, v3;
	v6 =	vperm.xlane v10, v13;
	v13 =	vld.idx.msk [tilespmem:v1+s13+$0x180 ss:$0x1], $0xffff  }
0x2f5: {  	s20 =	simm.s32 $0x7;
	v8 =	vmul.f32 v8, v5;
	v7 =	vperm.xlane v10, v7;
	v15 =	vld.idx.msk [tilespmem:v1+s23+$0x30 ss:$0x1], $0xffff  }
0x2f6: {  	v16 =	vmov s20;
	[tilespmem:v1+s23+$0xB0 ss:$0x1] =	vst.idx.msk $0xffff, v14;
	v11 =	vmul.f32 v11, v6;
	v14 =	vld.idx.msk [tilespmem:v1+s13+$0x100 ss:$0x1], $0xffff  }
0x2f7: {  	s24 =	simm.s32 $0x6;
	[tilespmem:v1+s23+$0x120 ss:$0x1] =	vst.idx.msk $0xffff, v8;
	v8 =	vperm.xlane v10, v16;
	v17 =	vmul.f32 v9, v7;
	v16 =	vld.idx.msk [tilespmem:v1+s23+$0xC0 ss:$0x1], $0xffff  }
0x2f8: {  	v9 =	vmov s24;
	v18 =	vld.idx.msk [tilespmem:v1+s23+$0x130 ss:$0x1], $0xffff;
	v12 =	vmul.f32 v12, v2;
	[tilespmem:v1+s13+$0x80 ss:$0x1] =	vst.idx.msk $0xffff, v11  }
0x2f9: {  	v9 =	vperm.xlane v10, v9;
	[tilespmem:v1+s13+$0x0 ss:$0x1] =	vst.idx.msk $0xffff, v17;
	v11 =	vld.idx.msk [tilespmem:v1+s13+$0x90 ss:$0x1], $0xffff;
	v13 =	vmul.f32 v13, v8  }
0x2fa: {  	v17 =	vld.idx.msk [tilespmem:v1+s13+$0x10 ss:$0x1], $0xffff;
	[tilespmem:v1+s23+$0x1B0 ss:$0x1] =	vst.idx.msk $0xffff, v12;
	v12 =	vmul.f32 v15, v4  }
0x2fb: {  	v14 =	vmul.f32 v14, v9;
	[tilespmem:v1+s13+$0x180 ss:$0x1] =	vst.idx.msk $0xffff, v13;
	v13 =	vld.idx.msk [tilespmem:v1+s23+$0x1C0 ss:$0x1], $0xffff  }
0x2fc: {  	[tilespmem:v1+s23+$0x30 ss:$0x1] =	vst.idx.msk $0xffff, v12;
	v15 =	vmul.f32 v16, v3;
	v16 =	vld.idx.msk [tilespmem:v1+s13+$0x190 ss:$0x1], $0xffff  }
0x2fd: {  	v12 =	vmul.f32 v18, v5;
	[tilespmem:v1+s13+$0x100 ss:$0x1] =	vst.idx.msk $0xffff, v14;
	v14 =	vld.idx.msk [tilespmem:v1+s23+$0x40 ss:$0x1], $0xffff  }
0x2fe: {  	[tilespmem:v1+s23+$0xC0 ss:$0x1] =	vst.idx.msk $0xffff, v15;
	v15 =	vld.idx.msk [tilespmem:v1+s13+$0x110 ss:$0x1], $0xffff;
	v11 =	vmul.f32 v11, v6  }
0x2ff: {  	[tilespmem:v1+s23+$0x130 ss:$0x1] =	vst.idx.msk $0xffff, v12;
	v17 =	vmul.f32 v17, v7;
	v12 =	vld.idx.msk [tilespmem:v1+s23+$0xD0 ss:$0x1], $0xffff  }
0x300: {  	v18 =	vld.idx.msk [tilespmem:v1+s23+$0x140 ss:$0x1], $0xffff;
	[tilespmem:v1+s13+$0x90 ss:$0x1] =	vst.idx.msk $0xffff, v11;
	v11 =	vmul.f32 v13, v2  }
0x301: {  	[tilespmem:v1+s13+$0x10 ss:$0x1] =	vst.idx.msk $0xffff, v17;
	v13 =	vld.idx.msk [tilespmem:v1+s13+$0xA0 ss:$0x1], $0xffff;
	v16 =	vmul.f32 v16, v8  }
0x302: {  	v17 =	vld.idx.msk [tilespmem:v1+s13+$0x20 ss:$0x1], $0xffff;
	v14 =	vmul.f32 v14, v4;
	[tilespmem:v1+s23+$0x1C0 ss:$0x1] =	vst.idx.msk $0xffff, v11  }
0x303: {  	v11 =	vmul.f32 v15, v9;
	[tilespmem:v1+s13+$0x190 ss:$0x1] =	vst.idx.msk $0xffff, v16;
	v15 =	vld.idx.msk [tilespmem:v1+s23+$0x1D0 ss:$0x1], $0xffff  }
0x304: {  	v12 =	vmul.f32 v12, v3;
	v19 =	vld.idx.msk [tilespmem:v1+s13+$0x1A0 ss:$0x1], $0xffff;
	[tilespmem:v1+s23+$0x40 ss:$0x1] =	vst.idx.msk $0xffff, v14  }
0x305: {  	v14 =	vmul.f32 v18, v5;
	[tilespmem:v1+s13+$0x110 ss:$0x1] =	vst.idx.msk $0xffff, v11;
	v11 =	vld.idx.msk [tilespmem:v1+s23+$0x50 ss:$0x1], $0xffff  }
0x306: {  	v16 =	vld.idx.msk [tilespmem:v1+s13+$0x120 ss:$0x1], $0xffff;
	[tilespmem:v1+s23+$0xD0 ss:$0x1] =	vst.idx.msk $0xffff, v12;
	v13 =	vmul.f32 v13, v6  }
0x307: {  	v17 =	vmul.f32 v17, v7;
	[tilespmem:v1+s23+$0x140 ss:$0x1] =	vst.idx.msk $0xffff, v14;
	v12 =	vld.idx.msk [tilespmem:v1+s23+$0xE0 ss:$0x1], $0xffff  }
0x308: {  	[tilespmem:v1+s13+$0xA0 ss:$0x1] =	vst.idx.msk $0xffff, v13;
	v13 =	vld.idx.msk [tilespmem:v1+s23+$0x150 ss:$0x1], $0xffff  }
0x309: {  	s18 =	simm.s32 $0x8;
	s16 =	smov.u32 s23;
	s19 =	sadd.s32 $0x200, s13;
	v14 =	vmul.f32 v15, v2;
	[tilespmem:v1+s13+$0x20 ss:$0x1] =	vst.idx.msk $0xffff, v17;
	v15 =	vld.idx.msk [tilespmem:v1+s13+$0xB0 ss:$0x1], $0xffff;
	v17 =	vmul.f32 v19, v8  }
.LBB2_15:
0x30a: {  	p1 =	slt.u32 s18, $0xC;
	s14 =	smov.u32 s18;
	s18 =	sadd.s32 $0x4, s18  }
0x30b: {  	v16 =	vmul.f32 v16, v9;
	v18 =	vld.idx.msk [tilespmem:v1+s19+$0x80 ss:$0x1], $0xffff;
	[tilespmem:v1+s13+$0x1A0 ss:$0x1] =	vst.idx.msk $0xffff, v17  }
0x30c: {  	s20 =	sadd.s32 $0x3, s14;
	v12 =	vmul.f32 v12, v3;
	v17 =	vld.idx.msk [tilespmem:v1+s19+$0x0 ss:$0x1], $0xffff  }
0x30d: {  	v11 =	vmul.f32 v11, v4;
	s24 =	sadd.s32 $0x2, s14;
	v19 =	vmov s20;
	[tilespmem:v1+s13+$0x120 ss:$0x1] =	vst.idx.msk $0xffff, v16;
	v16 =	vld.idx.msk [tilespmem:v1+s13+$0x1B0 ss:$0x1], $0xffff  }
0x30e: {  	s20 =	sadd.s32 $0x1, s14;
	v20 =	vmov s24;
	v19 =	vperm.xlane v10, v19;
	v13 =	vmul.f32 v13, v5;
	v21 =	vld.idx.msk [tilespmem:v1+s13+$0x130 ss:$0x1], $0xffff;
	[tilespmem:v1+s16+$0x1D0 ss:$0x1] =	vst.idx.msk $0xffff, v14  }
0x30f: {  	v20 =	vperm.xlane v10, v20;
	v14 =	vmov s20;
	v15 =	vmul.f32 v15, v6;
	[tilespmem:v1+s16+$0x50 ss:$0x1] =	vst.idx.msk $0xffff, v11;
	v11 =	vld.idx.msk [tilespmem:v1+s16+$0x1E0 ss:$0x1], $0xffff  }
0x310: {  	v22 =	vmov s14;
	v14 =	vperm.xlane v10, v14;
	v23 =	vld.idx.msk [tilespmem:v1+s16+$0x60 ss:$0x1], $0xffff;
	[tilespmem:v1+s16+$0x150 ss:$0x1] =	vst.idx.msk $0xffff, v13  }
0x311: {  	v13 =	vperm.xlane v10, v22;
	v22 =	vld.idx.msk [tilespmem:v1+s19+$0x180 ss:$0x1], $0xffff;
	[tilespmem:v1+s13+$0xB0 ss:$0x1] =	vst.idx.msk $0xffff, v15  }
0x312: {  	v15 =	vld.idx.msk [tilespmem:v1+s13+$0xC0 ss:$0x1], $0xffff;
	[tilespmem:v1+s16+$0xE0 ss:$0x1] =	vst.idx.msk $0xffff, v12  }
0x313: {  	v12 =	vmul.f32 v17, v13;
	v16 =	vmul.f32 v16, v8;
	v17 =	vld.idx.msk [tilespmem:v1+s16+$0x160 ss:$0x1], $0xffff  }
0x314: {  	v18 =	vmul.f32 v18, v14;
	v21 =	vmul.f32 v21, v9;
	v24 =	vld.idx.msk [tilespmem:v1+s19+$0x100 ss:$0x1], $0xffff  }
0x315: {  	v11 =	vmul.f32 v11, v2;
	[tilespmem:v1+s19+$0x0 ss:$0x1] =	vst.idx.msk $0xffff, v12;
	v12 =	vld.idx.msk [tilespmem:v1+s16+$0xF0 ss:$0x1], $0xffff  }
0x316: {  	v23 =	vmul.f32 v23, v4;
	[tilespmem:v1+s19+$0x80 ss:$0x1] =	vst.idx.msk $0xffff, v18;
	v18 =	vld.idx.msk [tilespmem:v1+s13+$0x30 ss:$0x1], $0xffff  }
0x317: {  	v25 =	vld.idx.msk [tilespmem:v1+s19+$0x90 ss:$0x1], $0xffff;
	[tilespmem:v1+s16+$0x1E0 ss:$0x1] =	vst.idx.msk $0xffff, v11  }
0x318: {  	v11 =	vmul.f32 v22, v19;
	v15 =	vmul.f32 v15, v6;
	[tilespmem:v1+s16+$0x60 ss:$0x1] =	vst.idx.msk $0xffff, v23;
	v22 =	vld.idx.msk [tilespmem:v1+s16+$0x1F0 ss:$0x1], $0xffff  }
0x319: {  	v17 =	vmul.f32 v17, v5;
	[tilespmem:v1+s13+$0x130 ss:$0x1] =	vst.idx.msk $0xffff, v21;
	v21 =	vld.idx.msk [tilespmem:v1+s16+$0x70 ss:$0x1], $0xffff  }
0x31a: {  	v24 =	vmul.f32 v24, v20;
	v23 =	vld.idx.msk [tilespmem:v1+s19+$0x10 ss:$0x1], $0xffff;
	[tilespmem:v1+s13+$0xC0 ss:$0x1] =	vst.idx.msk $0xffff, v15  }
0x31b: {  	v12 =	vmul.f32 v12, v3;
	v3 =	vmov v6;
	v6 =	vmov v14;
	v15 =	vld.idx.msk [tilespmem:v1+s13+$0xD0 ss:$0x1], $0xffff;
	[tilespmem:v1+s16+$0x160 ss:$0x1] =	vst.idx.msk $0xffff, v17  }
0x31c: {  	[tilespmem:v1+s13+$0x1B0 ss:$0x1] =	vst.idx.msk $0xffff, v16;
	v14 =	vld.idx.msk [tilespmem:v1+s16+$0x170 ss:$0x1], $0xffff  }
0x31d: {  	v16 =	vmul.f32 v18, v7;
	[tilespmem:v1+s16+$0xF0 ss:$0x1] =	vst.idx.msk $0xffff, v12  }
0x31e: {  	v12 =	vmul.f32 v22, v2;
	v2 =	vmov v8;
	v8 =	vmov v19;
	[tilespmem:v1+s19+$0x180 ss:$0x1] =	vst.idx.msk $0xffff, v11;
	v11 =	vld.idx.msk [tilespmem:v1+s13+$0x1C0 ss:$0x1], $0xffff  }
0x31f: {  	v17 =	vld.idx.msk [tilespmem:v1+s19+$0x190 ss:$0x1], $0xffff;
	[tilespmem:v1+s13+$0x30 ss:$0x1] =	vst.idx.msk $0xffff, v16;
	v16 =	vmul.f32 v21, v4;
	v4 =	vmov v7;
	v7 =	vmov v13  }
0x320: {  	v13 =	vmul.f32 v23, v7;
	[tilespmem:v1+s19+$0x100 ss:$0x1] =	vst.idx.msk $0xffff, v24;
	v18 =	vld.idx.msk [tilespmem:v1+s13+$0x40 ss:$0x1], $0xffff  }
0x321: {  	v15 =	vmul.f32 v15, v3;
	v19 =	vld.idx.msk [tilespmem:v1+s19+$0x110 ss:$0x1], $0xffff;
	[tilespmem:v1+s16+$0x70 ss:$0x1] =	vst.idx.msk $0xffff, v16  }
0x322: {  	v14 =	vmul.f32 v14, v5;
	v5 =	vmov v9;
	[tilespmem:v1+s19+$0x10 ss:$0x1] =	vst.idx.msk $0xffff, v13;
	v13 =	vmul.f32 v25, v6  }
0x323: {  	v9 =	vmov v20;
	v16 =	vld.idx.msk [tilespmem:v1+s19+$0x20 ss:$0x1], $0xffff;
	[tilespmem:v1+s16+$0x1F0 ss:$0x1] =	vst.idx.msk $0xffff, v12  }
0x324: {  	v11 =	vmul.f32 v11, v2;
	[tilespmem:v1+s19+$0x90 ss:$0x1] =	vst.idx.msk $0xffff, v13;
	v12 =	vld.idx.msk [tilespmem:v1+s13+$0x140 ss:$0x1], $0xffff  }
0x325: {  	v17 =	vmul.f32 v17, v8;
	v13 =	vld.idx.msk [tilespmem:v1+s19+$0xA0 ss:$0x1], $0xffff;
	[tilespmem:v1+s16+$0x170 ss:$0x1] =	vst.idx.msk $0xffff, v14;
	s16 =	smov.u32 s13;
	s13 =	smov.u32 s19  }
0x326: {  	v14 =	vmul.f32 v18, v4;
	[tilespmem:v1+s16+$0x1C0 ss:$0x1] =	vst.idx.msk $0xffff, v11  }
0x327: {  	v11 =	vmul.f32 v19, v9;
	[tilespmem:v1+s19+$0x190 ss:$0x1] =	vst.idx.msk $0xffff, v17;
	v17 =	vld.idx.msk [tilespmem:v1+s16+$0x1D0 ss:$0x1], $0xffff  }
0x328: {  	v18 =	vld.idx.msk [tilespmem:v1+s19+$0x1A0 ss:$0x1], $0xffff;
	[tilespmem:v1+s16+$0x40 ss:$0x1] =	vst.idx.msk $0xffff, v14  }
0x329: {  	v19 =	vmul.f32 v16, v7;
	[tilespmem:v1+s19+$0x110 ss:$0x1] =	vst.idx.msk $0xffff, v11;
	v11 =	vld.idx.msk [tilespmem:v1+s16+$0x50 ss:$0x1], $0xffff  }
.Ltmp6:
0x32a: {  	v14 =	vmul.f32 v12, v5;
	v16 =	vld.idx.msk [tilespmem:v1+s19+$0x120 ss:$0x1], $0xffff;
	[tilespmem:v1+s16+$0xD0 ss:$0x1] =	vst.idx.msk $0xffff, v15;
	(pc) =	sbr.rel @p1 .LBB2_15-.Ltmp6, $4  }
0x32b: {  	v13 =	vmul.f32 v13, v6;
	v12 =	vld.idx.msk [tilespmem:v1+s16+$0xE0 ss:$0x1], $0xffff  }
0x32c: {  	[tilespmem:v1+s16+$0x140 ss:$0x1] =	vst.idx.msk $0xffff, v14  }
0x32d: {  	v14 =	vmul.f32 v17, v2;
	[tilespmem:v1+s19+$0xA0 ss:$0x1] =	vst.idx.msk $0xffff, v13;
	v13 =	vld.idx.msk [tilespmem:v1+s16+$0x150 ss:$0x1], $0xffff  }
0x32e: {  	v17 =	vmul.f32 v18, v8;
	s19 =	sadd.s32 $0x200, s19;
	[tilespmem:v1+s13+$0x20 ss:$0x1] =	vst.idx.msk $0xffff, v19;
	v15 =	vld.idx.msk [tilespmem:v1+s13+$0xB0 ss:$0x1], $0xffff  }
0x32f: {  	_ =	sdelay $0x2  }
0x330: {  	v10 =	vmul.f32 v16, v9  }
0x331: {  	v16 =	vld.idx.msk [tilespmem:v1+s13+$0x30 ss:$0x1], $0xffff;
	[tilespmem:v1+s13+$0x1A0 ss:$0x1] =	vst.idx.msk $0xffff, v17  }
0x332: {  	[tilespmem:v1+s13+$0x120 ss:$0x1] =	vst.idx.msk $0xffff, v10;
	v10 =	vld.idx.msk [tilespmem:v1+s13+$0x1B0 ss:$0x1], $0xffff  }
0x333: {  	v17 =	vld.idx.msk [tilespmem:v1+s13+$0x130 ss:$0x1], $0xffff;
	_ =	sdelay $0x1  }
0x334: {  	v15 =	vmul.f32 v15, v6  }
0x335: {  	v16 =	vmul.f32 v16, v7  }
0x336: {  	[tilespmem:v1+s13+$0xB0 ss:$0x1] =	vst.idx.msk $0xffff, v15;
	v10 =	vmul.f32 v10, v8  }
0x337: {  	v15 =	vld.idx.msk [tilespmem:v1+s13+$0xC0 ss:$0x1], $0xffff;
	[tilespmem:v1+s13+$0x30 ss:$0x1] =	vst.idx.msk $0xffff, v16;
	v17 =	vmul.f32 v17, v9  }
0x338: {  	[tilespmem:v1+s13+$0x1B0 ss:$0x1] =	vst.idx.msk $0xffff, v10;
	v10 =	vld.idx.msk [tilespmem:v1+s13+$0x40 ss:$0x1], $0xffff  }
0x339: {  	[tilespmem:v1+s13+$0x130 ss:$0x1] =	vst.idx.msk $0xffff, v17;
	v16 =	vld.idx.msk [tilespmem:v1+s13+$0x1C0 ss:$0x1], $0xffff  }
0x33a: {  	v17 =	vld.idx.msk [tilespmem:v1+s13+$0x140 ss:$0x1], $0xffff;
	_ =	sdelay $0x1  }
0x33b: {  	v15 =	vmul.f32 v15, v6  }
0x33c: {  	v10 =	vmul.f32 v10, v7  }
0x33d: {  	[tilespmem:v1+s13+$0xC0 ss:$0x1] =	vst.idx.msk $0xffff, v15;
	v15 =	vmul.f32 v16, v8  }
0x33e: {  	v16 =	vld.idx.msk [tilespmem:v1+s13+$0xD0 ss:$0x1], $0xffff;
	[tilespmem:v1+s13+$0x40 ss:$0x1] =	vst.idx.msk $0xffff, v10;
	v10 =	vmul.f32 v17, v9  }
0x33f: {  	[tilespmem:v1+s13+$0x1C0 ss:$0x1] =	vst.idx.msk $0xffff, v15;
	v15 =	vld.idx.msk [tilespmem:v1+s13+$0x50 ss:$0x1], $0xffff  }
0x340: {  	v11 =	vmul.f32 v11, v4;
	v17 =	vld.idx.msk [tilespmem:v1+s13+$0x1D0 ss:$0x1], $0xffff;
	[tilespmem:v1+s13+$0x140 ss:$0x1] =	vst.idx.msk $0xffff, v10  }
0x341: {  	v10 =	vld.idx.msk [tilespmem:v1+s13+$0x150 ss:$0x1], $0xffff  }
0x342: {  	[tilespmem:v1+s16+$0x50 ss:$0x1] =	vst.idx.msk $0xffff, v11;
	v13 =	vmul.f32 v13, v5  }
0x343: {  	[tilespmem:v1+s16+$0x1D0 ss:$0x1] =	vst.idx.msk $0xffff, v14;
	v11 =	vld.idx.msk [tilespmem:v1+s16+$0x60 ss:$0x1], $0xffff;
	v14 =	vmul.f32 v16, v6  }
0x344: {  	[tilespmem:v1+s16+$0x150 ss:$0x1] =	vst.idx.msk $0xffff, v13;
	v16 =	vld.idx.msk [tilespmem:v1+s16+$0x1E0 ss:$0x1], $0xffff;
	v13 =	vmul.f32 v15, v7  }
0x345: {  	v15 =	vld.idx.msk [tilespmem:v1+s16+$0x160 ss:$0x1], $0xffff;
	[tilespmem:v1+s13+$0xD0 ss:$0x1] =	vst.idx.msk $0xffff, v14;
	v14 =	vmul.f32 v17, v8  }
0x346: {  	v17 =	vld.idx.msk [tilespmem:v1+s13+$0xE0 ss:$0x1], $0xffff;
	v10 =	vmul.f32 v10, v9;
	[tilespmem:v1+s13+$0x50 ss:$0x1] =	vst.idx.msk $0xffff, v13  }
0x347: {  	v12 =	vmul.f32 v12, v3;
	[tilespmem:v1+s13+$0x1D0 ss:$0x1] =	vst.idx.msk $0xffff, v14;
	v13 =	vld.idx.msk [tilespmem:v1+s13+$0x60 ss:$0x1], $0xffff  }
0x348: {  	v11 =	vmul.f32 v11, v4;
	v14 =	vld.idx.msk [tilespmem:v1+s13+$0x1E0 ss:$0x1], $0xffff;
	[tilespmem:v1+s13+$0x150 ss:$0x1] =	vst.idx.msk $0xffff, v10  }
0x349: {  	[tilespmem:v1+s16+$0xE0 ss:$0x1] =	vst.idx.msk $0xffff, v12;
	v10 =	vmul.f32 v16, v2;
	v12 =	vld.idx.msk [tilespmem:v1+s13+$0x160 ss:$0x1], $0xffff  }
0x34a: {  	[tilespmem:v1+s16+$0x60 ss:$0x1] =	vst.idx.msk $0xffff, v11;
	v16 =	vld.idx.msk [tilespmem:v1+s16+$0xF0 ss:$0x1], $0xffff;
	v11 =	vmul.f32 v15, v5  }
0x34b: {  	[tilespmem:v1+s16+$0x1E0 ss:$0x1] =	vst.idx.msk $0xffff, v10;
	v10 =	vld.idx.msk [tilespmem:v1+s16+$0x70 ss:$0x1], $0xffff;
	v15 =	vmul.f32 v17, v6  }
0x34c: {  	v17 =	vld.idx.msk [tilespmem:v1+s16+$0x1F0 ss:$0x1], $0xffff;
	[tilespmem:v1+s16+$0x160 ss:$0x1] =	vst.idx.msk $0xffff, v11;
	v11 =	vmul.f32 v13, v7  }
0x34d: {  	v13 =	vld.idx.msk [tilespmem:v1+s16+$0x170 ss:$0x1], $0xffff;
	[tilespmem:v1+s13+$0xE0 ss:$0x1] =	vst.idx.msk $0xffff, v15;
	v14 =	vmul.f32 v14, v8  }
0x34e: {  	v15 =	vld.idx.msk [tilespmem:v1+s13+$0xF0 ss:$0x1], $0xffff;
	[tilespmem:v1+s13+$0x60 ss:$0x1] =	vst.idx.msk $0xffff, v11;
	v11 =	vmul.f32 v12, v9  }
0x34f: {  	v3 =	vmul.f32 v16, v3;
	[tilespmem:v1+s13+$0x1E0 ss:$0x1] =	vst.idx.msk $0xffff, v14;
	v12 =	vld.idx.msk [tilespmem:v1+s13+$0x70 ss:$0x1], $0xffff  }
0x350: {  	v4 =	vmul.f32 v10, v4;
	v10 =	vld.idx.msk [tilespmem:v1+s13+$0x1F0 ss:$0x1], $0xffff;
	[tilespmem:v1+s13+$0x160 ss:$0x1] =	vst.idx.msk $0xffff, v11  }
0x351: {  	[tilespmem:v1+s16+$0xF0 ss:$0x1] =	vst.idx.msk $0xffff, v3;
	v2 =	vmul.f32 v17, v2;
	v3 =	vld.idx.msk [tilespmem:v1+s13+$0x170 ss:$0x1], $0xffff  }
0x352: {  	[tilespmem:v1+s16+$0x70 ss:$0x1] =	vst.idx.msk $0xffff, v4;
	v4 =	vmul.f32 v13, v5  }
0x353: {  	[tilespmem:v1+s16+$0x1F0 ss:$0x1] =	vst.idx.msk $0xffff, v2;
	v2 =	vmul.f32 v15, v6  }
0x354: {  	[tilespmem:v1+s16+$0x170 ss:$0x1] =	vst.idx.msk $0xffff, v4;
	v4 =	vmul.f32 v12, v7  }
0x355: {  	[tilespmem:v1+s13+$0xF0 ss:$0x1] =	vst.idx.msk $0xffff, v2;
	v2 =	vmul.f32 v10, v8  }
0x356: {  	[tilespmem:v1+s13+$0x70 ss:$0x1] =	vst.idx.msk $0xffff, v4;
	v3 =	vmul.f32 v3, v9  }
0x357: {  	[tilespmem:v1+s13+$0x1F0 ss:$0x1] =	vst.idx.msk $0xffff, v2  }
0x358: {  	[tilespmem:v1+s13+$0x170 ss:$0x1] =	vst.idx.msk $0xffff, v3  }
0x359: {  	v10 =	vld [tilespmem:s11+$0x160];
	_ =	sdelay $0x1  }
0x35a: {  	v2 =	vld.idx.msk [tilespmem:v1+s3+$0x80 ss:$0x1], $0xffff  }
0x35b: {  	s24 =	simm.s32 $0x1  }
0x35c: {  	v3 =	vmov s24  }
0x35d: {  	v3 =	vperm.xlane v10, v3  }
0x35e: {  	v5 =	vld.idx.msk [tilespmem:v1+s3+$0x180 ss:$0x1], $0xffff  }
0x35f: {  	s14 =	simm.s32 $0x3;
	v4 =	vmul.f32 v2, v3  }
0x360: {  	v6 =	vld.idx.msk [tilespmem:v1+s3+$0x0 ss:$0x1], $0xffff;
	v2 =	vmov s14  }
0x361: {  	s16 =	simm.s32 $0x0;
	v2 =	vperm.xlane v10, v2;
	[tilespmem:v1+s3+$0x80 ss:$0x1] =	vst.idx.msk $0xffff, v4  }
0x362: {  	v4 =	vmov s16;
	v7 =	vld.idx.msk [tilespmem:v1+s3+$0x90 ss:$0x1], $0xffff  }
0x363: {  	v8 =	vld.idx.msk [tilespmem:v1+s3+$0x100 ss:$0x1], $0xffff;
	v4 =	vperm.xlane v10, v4;
	v5 =	vmul.f32 v5, v2  }
0x364: {  	s18 =	simm.s32 $0x2  }
0x365: {  	v9 =	vmov s18;
	v6 =	vmul.f32 v6, v4;
	[tilespmem:v1+s3+$0x180 ss:$0x1] =	vst.idx.msk $0xffff, v5  }
0x366: {  	v5 =	vperm.xlane v10, v9;
	v9 =	vld.idx.msk [tilespmem:v1+s3+$0x190 ss:$0x1], $0xffff  }
0x367: {  	[tilespmem:v1+s3+$0x0 ss:$0x1] =	vst.idx.msk $0xffff, v6;
	v6 =	vmul.f32 v7, v3  }
0x368: {  	v8 =	vmul.f32 v8, v5;
	v7 =	vld.idx.msk [tilespmem:v1+s3+$0x10 ss:$0x1], $0xffff  }
0x369: {  	[tilespmem:v1+s3+$0x90 ss:$0x1] =	vst.idx.msk $0xffff, v6  }
0x36a: {  	[tilespmem:v1+s3+$0x100 ss:$0x1] =	vst.idx.msk $0xffff, v8;
	v6 =	vld.idx.msk [tilespmem:v1+s3+$0xA0 ss:$0x1], $0xffff  }
0x36b: {  	v8 =	vld.idx.msk [tilespmem:v1+s3+$0x110 ss:$0x1], $0xffff;
	v9 =	vmul.f32 v9, v2;
	_ =	sdelay $0x1  }
0x36c: {  	v7 =	vmul.f32 v7, v4;
	[tilespmem:v1+s3+$0x190 ss:$0x1] =	vst.idx.msk $0xffff, v9  }
0x36d: {  	v9 =	vld.idx.msk [tilespmem:v1+s3+$0x1A0 ss:$0x1], $0xffff  }
0x36e: {  	[tilespmem:v1+s3+$0x10 ss:$0x1] =	vst.idx.msk $0xffff, v7;
	v6 =	vmul.f32 v6, v3  }
0x36f: {  	v8 =	vmul.f32 v8, v5;
	v7 =	vld.idx.msk [tilespmem:v1+s3+$0x20 ss:$0x1], $0xffff  }
0x370: {  	[tilespmem:v1+s3+$0xA0 ss:$0x1] =	vst.idx.msk $0xffff, v6  }
0x371: {  	[tilespmem:v1+s3+$0x110 ss:$0x1] =	vst.idx.msk $0xffff, v8;
	v6 =	vld.idx.msk [tilespmem:v1+s3+$0xB0 ss:$0x1], $0xffff  }
0x372: {  	s13 =	sadd.s32 $0x200, s3;
	v8 =	vld.idx.msk [tilespmem:v1+s3+$0x120 ss:$0x1], $0xffff;
	v9 =	vmul.f32 v9, v2  }
0x373: {  	v11 =	vld.idx.msk [tilespmem:v1+s13+$0x80 ss:$0x1], $0xffff  }
0x374: {  	s14 =	simm.s32 $0x5;
	v7 =	vmul.f32 v7, v4;
	[tilespmem:v1+s3+$0x1A0 ss:$0x1] =	vst.idx.msk $0xffff, v9;
	v9 =	vld.idx.msk [tilespmem:v1+s13+$0x0 ss:$0x1], $0xffff  }
0x375: {  	s19 =	simm.s32 $0x4;
	v13 =	vmov s14;
	v12 =	vld.idx.msk [tilespmem:v1+s3+$0x1B0 ss:$0x1], $0xffff  }
0x376: {  	[tilespmem:v1+s3+$0x20 ss:$0x1] =	vst.idx.msk $0xffff, v7;
	v7 =	vmov s19;
	v14 =	vmul.f32 v6, v3;
	v6 =	vperm.xlane v10, v13;
	v13 =	vld.idx.msk [tilespmem:v1+s13+$0x180 ss:$0x1], $0xffff  }
0x377: {  	s20 =	simm.s32 $0x7;
	v8 =	vmul.f32 v8, v5;
	v7 =	vperm.xlane v10, v7;
	v15 =	vld.idx.msk [tilespmem:v1+s3+$0x30 ss:$0x1], $0xffff  }
0x378: {  	v16 =	vmov s20;
	[tilespmem:v1+s3+$0xB0 ss:$0x1] =	vst.idx.msk $0xffff, v14;
	v11 =	vmul.f32 v11, v6;
	v14 =	vld.idx.msk [tilespmem:v1+s13+$0x100 ss:$0x1], $0xffff  }
0x379: {  	s24 =	simm.s32 $0x6;
	[tilespmem:v1+s3+$0x120 ss:$0x1] =	vst.idx.msk $0xffff, v8;
	v8 =	vperm.xlane v10, v16;
	v17 =	vmul.f32 v9, v7;
	v16 =	vld.idx.msk [tilespmem:v1+s3+$0xC0 ss:$0x1], $0xffff  }
0x37a: {  	v9 =	vmov s24;
	v18 =	vld.idx.msk [tilespmem:v1+s3+$0x130 ss:$0x1], $0xffff;
	v12 =	vmul.f32 v12, v2;
	[tilespmem:v1+s13+$0x80 ss:$0x1] =	vst.idx.msk $0xffff, v11  }
0x37b: {  	v9 =	vperm.xlane v10, v9;
	[tilespmem:v1+s13+$0x0 ss:$0x1] =	vst.idx.msk $0xffff, v17;
	v11 =	vld.idx.msk [tilespmem:v1+s13+$0x90 ss:$0x1], $0xffff;
	v13 =	vmul.f32 v13, v8  }
0x37c: {  	v17 =	vld.idx.msk [tilespmem:v1+s13+$0x10 ss:$0x1], $0xffff;
	[tilespmem:v1+s3+$0x1B0 ss:$0x1] =	vst.idx.msk $0xffff, v12;
	v12 =	vmul.f32 v15, v4  }
0x37d: {  	v14 =	vmul.f32 v14, v9;
	[tilespmem:v1+s13+$0x180 ss:$0x1] =	vst.idx.msk $0xffff, v13;
	v13 =	vld.idx.msk [tilespmem:v1+s3+$0x1C0 ss:$0x1], $0xffff  }
0x37e: {  	[tilespmem:v1+s3+$0x30 ss:$0x1] =	vst.idx.msk $0xffff, v12;
	v15 =	vmul.f32 v16, v3;
	v16 =	vld.idx.msk [tilespmem:v1+s13+$0x190 ss:$0x1], $0xffff  }
0x37f: {  	v12 =	vmul.f32 v18, v5;
	[tilespmem:v1+s13+$0x100 ss:$0x1] =	vst.idx.msk $0xffff, v14;
	v14 =	vld.idx.msk [tilespmem:v1+s3+$0x40 ss:$0x1], $0xffff  }
0x380: {  	[tilespmem:v1+s3+$0xC0 ss:$0x1] =	vst.idx.msk $0xffff, v15;
	v15 =	vld.idx.msk [tilespmem:v1+s13+$0x110 ss:$0x1], $0xffff;
	v11 =	vmul.f32 v11, v6  }
0x381: {  	[tilespmem:v1+s3+$0x130 ss:$0x1] =	vst.idx.msk $0xffff, v12;
	v17 =	vmul.f32 v17, v7;
	v12 =	vld.idx.msk [tilespmem:v1+s3+$0xD0 ss:$0x1], $0xffff  }
0x382: {  	v18 =	vld.idx.msk [tilespmem:v1+s3+$0x140 ss:$0x1], $0xffff;
	[tilespmem:v1+s13+$0x90 ss:$0x1] =	vst.idx.msk $0xffff, v11;
	v11 =	vmul.f32 v13, v2  }
0x383: {  	[tilespmem:v1+s13+$0x10 ss:$0x1] =	vst.idx.msk $0xffff, v17;
	v13 =	vld.idx.msk [tilespmem:v1+s13+$0xA0 ss:$0x1], $0xffff;
	v16 =	vmul.f32 v16, v8  }
0x384: {  	v17 =	vld.idx.msk [tilespmem:v1+s13+$0x20 ss:$0x1], $0xffff;
	v14 =	vmul.f32 v14, v4;
	[tilespmem:v1+s3+$0x1C0 ss:$0x1] =	vst.idx.msk $0xffff, v11  }
0x385: {  	v11 =	vmul.f32 v15, v9;
	[tilespmem:v1+s13+$0x190 ss:$0x1] =	vst.idx.msk $0xffff, v16;
	v15 =	vld.idx.msk [tilespmem:v1+s3+$0x1D0 ss:$0x1], $0xffff  }
0x386: {  	v12 =	vmul.f32 v12, v3;
	v19 =	vld.idx.msk [tilespmem:v1+s13+$0x1A0 ss:$0x1], $0xffff;
	[tilespmem:v1+s3+$0x40 ss:$0x1] =	vst.idx.msk $0xffff, v14  }
0x387: {  	v14 =	vmul.f32 v18, v5;
	[tilespmem:v1+s13+$0x110 ss:$0x1] =	vst.idx.msk $0xffff, v11;
	v11 =	vld.idx.msk [tilespmem:v1+s3+$0x50 ss:$0x1], $0xffff  }
0x388: {  	v16 =	vld.idx.msk [tilespmem:v1+s13+$0x120 ss:$0x1], $0xffff;
	[tilespmem:v1+s3+$0xD0 ss:$0x1] =	vst.idx.msk $0xffff, v12;
	v13 =	vmul.f32 v13, v6  }
0x389: {  	v17 =	vmul.f32 v17, v7;
	[tilespmem:v1+s3+$0x140 ss:$0x1] =	vst.idx.msk $0xffff, v14;
	v12 =	vld.idx.msk [tilespmem:v1+s3+$0xE0 ss:$0x1], $0xffff  }
0x38a: {  	[tilespmem:v1+s13+$0xA0 ss:$0x1] =	vst.idx.msk $0xffff, v13;
	v13 =	vld.idx.msk [tilespmem:v1+s3+$0x150 ss:$0x1], $0xffff  }
0x38b: {  	s18 =	simm.s32 $0x8;
	s16 =	smov.u32 s3;
	s19 =	sadd.s32 $0x200, s13;
	v14 =	vmul.f32 v15, v2;
	[tilespmem:v1+s13+$0x20 ss:$0x1] =	vst.idx.msk $0xffff, v17;
	v15 =	vld.idx.msk [tilespmem:v1+s13+$0xB0 ss:$0x1], $0xffff;
	v17 =	vmul.f32 v19, v8  }
.LBB2_17:
0x38c: {  	p1 =	slt.u32 s18, $0xC;
	s14 =	smov.u32 s18;
	s18 =	sadd.s32 $0x4, s18  }
0x38d: {  	v16 =	vmul.f32 v16, v9;
	v18 =	vld.idx.msk [tilespmem:v1+s19+$0x80 ss:$0x1], $0xffff;
	[tilespmem:v1+s13+$0x1A0 ss:$0x1] =	vst.idx.msk $0xffff, v17  }
0x38e: {  	s20 =	sadd.s32 $0x3, s14;
	v12 =	vmul.f32 v12, v3;
	v17 =	vld.idx.msk [tilespmem:v1+s19+$0x0 ss:$0x1], $0xffff  }
0x38f: {  	v11 =	vmul.f32 v11, v4;
	s24 =	sadd.s32 $0x2, s14;
	v19 =	vmov s20;
	[tilespmem:v1+s13+$0x120 ss:$0x1] =	vst.idx.msk $0xffff, v16;
	v16 =	vld.idx.msk [tilespmem:v1+s13+$0x1B0 ss:$0x1], $0xffff  }
0x390: {  	s20 =	sadd.s32 $0x1, s14;
	v20 =	vmov s24;
	v19 =	vperm.xlane v10, v19;
	v13 =	vmul.f32 v13, v5;
	v21 =	vld.idx.msk [tilespmem:v1+s13+$0x130 ss:$0x1], $0xffff;
	[tilespmem:v1+s16+$0x1D0 ss:$0x1] =	vst.idx.msk $0xffff, v14  }
0x391: {  	v20 =	vperm.xlane v10, v20;
	v14 =	vmov s20;
	v15 =	vmul.f32 v15, v6;
	[tilespmem:v1+s16+$0x50 ss:$0x1] =	vst.idx.msk $0xffff, v11;
	v11 =	vld.idx.msk [tilespmem:v1+s16+$0x1E0 ss:$0x1], $0xffff  }
0x392: {  	v22 =	vmov s14;
	v14 =	vperm.xlane v10, v14;
	v23 =	vld.idx.msk [tilespmem:v1+s16+$0x60 ss:$0x1], $0xffff;
	[tilespmem:v1+s16+$0x150 ss:$0x1] =	vst.idx.msk $0xffff, v13  }
0x393: {  	v13 =	vperm.xlane v10, v22;
	v22 =	vld.idx.msk [tilespmem:v1+s19+$0x180 ss:$0x1], $0xffff;
	[tilespmem:v1+s13+$0xB0 ss:$0x1] =	vst.idx.msk $0xffff, v15  }
0x394: {  	v15 =	vld.idx.msk [tilespmem:v1+s13+$0xC0 ss:$0x1], $0xffff;
	[tilespmem:v1+s16+$0xE0 ss:$0x1] =	vst.idx.msk $0xffff, v12  }
0x395: {  	v12 =	vmul.f32 v17, v13;
	v16 =	vmul.f32 v16, v8;
	v17 =	vld.idx.msk [tilespmem:v1+s16+$0x160 ss:$0x1], $0xffff  }
0x396: {  	v18 =	vmul.f32 v18, v14;
	v21 =	vmul.f32 v21, v9;
	v24 =	vld.idx.msk [tilespmem:v1+s19+$0x100 ss:$0x1], $0xffff  }
0x397: {  	v11 =	vmul.f32 v11, v2;
	[tilespmem:v1+s19+$0x0 ss:$0x1] =	vst.idx.msk $0xffff, v12;
	v12 =	vld.idx.msk [tilespmem:v1+s16+$0xF0 ss:$0x1], $0xffff  }
0x398: {  	v23 =	vmul.f32 v23, v4;
	[tilespmem:v1+s19+$0x80 ss:$0x1] =	vst.idx.msk $0xffff, v18;
	v18 =	vld.idx.msk [tilespmem:v1+s13+$0x30 ss:$0x1], $0xffff  }
0x399: {  	v25 =	vld.idx.msk [tilespmem:v1+s19+$0x90 ss:$0x1], $0xffff;
	[tilespmem:v1+s16+$0x1E0 ss:$0x1] =	vst.idx.msk $0xffff, v11  }
0x39a: {  	v11 =	vmul.f32 v22, v19;
	v15 =	vmul.f32 v15, v6;
	[tilespmem:v1+s16+$0x60 ss:$0x1] =	vst.idx.msk $0xffff, v23;
	v22 =	vld.idx.msk [tilespmem:v1+s16+$0x1F0 ss:$0x1], $0xffff  }
0x39b: {  	v17 =	vmul.f32 v17, v5;
	[tilespmem:v1+s13+$0x130 ss:$0x1] =	vst.idx.msk $0xffff, v21;
	v21 =	vld.idx.msk [tilespmem:v1+s16+$0x70 ss:$0x1], $0xffff  }
0x39c: {  	v24 =	vmul.f32 v24, v20;
	v23 =	vld.idx.msk [tilespmem:v1+s19+$0x10 ss:$0x1], $0xffff;
	[tilespmem:v1+s13+$0xC0 ss:$0x1] =	vst.idx.msk $0xffff, v15  }
0x39d: {  	v12 =	vmul.f32 v12, v3;
	v3 =	vmov v6;
	v6 =	vmov v14;
	v15 =	vld.idx.msk [tilespmem:v1+s13+$0xD0 ss:$0x1], $0xffff;
	[tilespmem:v1+s16+$0x160 ss:$0x1] =	vst.idx.msk $0xffff, v17  }
0x39e: {  	[tilespmem:v1+s13+$0x1B0 ss:$0x1] =	vst.idx.msk $0xffff, v16;
	v14 =	vld.idx.msk [tilespmem:v1+s16+$0x170 ss:$0x1], $0xffff  }
0x39f: {  	v16 =	vmul.f32 v18, v7;
	[tilespmem:v1+s16+$0xF0 ss:$0x1] =	vst.idx.msk $0xffff, v12  }
0x3a0: {  	v12 =	vmul.f32 v22, v2;
	v2 =	vmov v8;
	v8 =	vmov v19;
	[tilespmem:v1+s19+$0x180 ss:$0x1] =	vst.idx.msk $0xffff, v11;
	v11 =	vld.idx.msk [tilespmem:v1+s13+$0x1C0 ss:$0x1], $0xffff  }
0x3a1: {  	v17 =	vld.idx.msk [tilespmem:v1+s19+$0x190 ss:$0x1], $0xffff;
	[tilespmem:v1+s13+$0x30 ss:$0x1] =	vst.idx.msk $0xffff, v16;
	v16 =	vmul.f32 v21, v4;
	v4 =	vmov v7;
	v7 =	vmov v13  }
0x3a2: {  	v13 =	vmul.f32 v23, v7;
	[tilespmem:v1+s19+$0x100 ss:$0x1] =	vst.idx.msk $0xffff, v24;
	v18 =	vld.idx.msk [tilespmem:v1+s13+$0x40 ss:$0x1], $0xffff  }
0x3a3: {  	v15 =	vmul.f32 v15, v3;
	v19 =	vld.idx.msk [tilespmem:v1+s19+$0x110 ss:$0x1], $0xffff;
	[tilespmem:v1+s16+$0x70 ss:$0x1] =	vst.idx.msk $0xffff, v16  }
0x3a4: {  	v14 =	vmul.f32 v14, v5;
	v5 =	vmov v9;
	[tilespmem:v1+s19+$0x10 ss:$0x1] =	vst.idx.msk $0xffff, v13;
	v13 =	vmul.f32 v25, v6  }
0x3a5: {  	v9 =	vmov v20;
	v16 =	vld.idx.msk [tilespmem:v1+s19+$0x20 ss:$0x1], $0xffff;
	[tilespmem:v1+s16+$0x1F0 ss:$0x1] =	vst.idx.msk $0xffff, v12  }
0x3a6: {  	v11 =	vmul.f32 v11, v2;
	[tilespmem:v1+s19+$0x90 ss:$0x1] =	vst.idx.msk $0xffff, v13;
	v12 =	vld.idx.msk [tilespmem:v1+s13+$0x140 ss:$0x1], $0xffff  }
0x3a7: {  	v17 =	vmul.f32 v17, v8;
	v13 =	vld.idx.msk [tilespmem:v1+s19+$0xA0 ss:$0x1], $0xffff;
	[tilespmem:v1+s16+$0x170 ss:$0x1] =	vst.idx.msk $0xffff, v14;
	s16 =	smov.u32 s13;
	s13 =	smov.u32 s19  }
0x3a8: {  	v14 =	vmul.f32 v18, v4;
	[tilespmem:v1+s16+$0x1C0 ss:$0x1] =	vst.idx.msk $0xffff, v11  }
0x3a9: {  	v11 =	vmul.f32 v19, v9;
	[tilespmem:v1+s19+$0x190 ss:$0x1] =	vst.idx.msk $0xffff, v17;
	v17 =	vld.idx.msk [tilespmem:v1+s16+$0x1D0 ss:$0x1], $0xffff  }
0x3aa: {  	v18 =	vld.idx.msk [tilespmem:v1+s19+$0x1A0 ss:$0x1], $0xffff;
	[tilespmem:v1+s16+$0x40 ss:$0x1] =	vst.idx.msk $0xffff, v14  }
0x3ab: {  	v19 =	vmul.f32 v16, v7;
	[tilespmem:v1+s19+$0x110 ss:$0x1] =	vst.idx.msk $0xffff, v11;
	v11 =	vld.idx.msk [tilespmem:v1+s16+$0x50 ss:$0x1], $0xffff  }
.Ltmp7:
0x3ac: {  	v14 =	vmul.f32 v12, v5;
	v16 =	vld.idx.msk [tilespmem:v1+s19+$0x120 ss:$0x1], $0xffff;
	[tilespmem:v1+s16+$0xD0 ss:$0x1] =	vst.idx.msk $0xffff, v15;
	(pc) =	sbr.rel @p1 .LBB2_17-.Ltmp7, $4  }
0x3ad: {  	v13 =	vmul.f32 v13, v6;
	v12 =	vld.idx.msk [tilespmem:v1+s16+$0xE0 ss:$0x1], $0xffff  }
0x3ae: {  	[tilespmem:v1+s16+$0x140 ss:$0x1] =	vst.idx.msk $0xffff, v14  }
0x3af: {  	v14 =	vmul.f32 v17, v2;
	[tilespmem:v1+s19+$0xA0 ss:$0x1] =	vst.idx.msk $0xffff, v13;
	v13 =	vld.idx.msk [tilespmem:v1+s16+$0x150 ss:$0x1], $0xffff  }
0x3b0: {  	v17 =	vmul.f32 v18, v8;
	s19 =	sadd.s32 $0x200, s19;
	[tilespmem:v1+s13+$0x20 ss:$0x1] =	vst.idx.msk $0xffff, v19;
	v15 =	vld.idx.msk [tilespmem:v1+s13+$0xB0 ss:$0x1], $0xffff  }
0x3b1: {  	_ =	sdelay $0x2  }
0x3b2: {  	v10 =	vmul.f32 v16, v9  }
0x3b3: {  	v33 =	vld.idx.msk [tilespmem:v1+s13+$0x30 ss:$0x1], $0xffff;
	[tilespmem:v1+s13+$0x1A0 ss:$0x1] =	vst.idx.msk $0xffff, v17  }
0x3b4: {  	[tilespmem:v1+s13+$0x120 ss:$0x1] =	vst.idx.msk $0xffff, v10;
	v34 =	vld.idx.msk [tilespmem:v1+s13+$0x1B0 ss:$0x1], $0xffff  }
0x3b5: {  	v35 =	vld.idx.msk [tilespmem:v1+s13+$0x130 ss:$0x1], $0xffff;
	_ =	sdelay $0x1  }
0x3b6: {  	v15 =	vmul.f32 v15, v6  }
0x3b7: {  	v16 =	vmul.f32 v33, v7  }
0x3b8: {  	[tilespmem:v1+s13+$0xB0 ss:$0x1] =	vst.idx.msk $0xffff, v15;
	v10 =	vmul.f32 v34, v8  }
0x3b9: {  	v15 =	vld.idx.msk [tilespmem:v1+s13+$0xC0 ss:$0x1], $0xffff;
	[tilespmem:v1+s13+$0x30 ss:$0x1] =	vst.idx.msk $0xffff, v16;
	v17 =	vmul.f32 v35, v9  }
0x3ba: {  	v36 =	vld.idx.msk [tilespmem:v1+s13+$0x40 ss:$0x1], $0xffff;
	[tilespmem:v1+s13+$0x1B0 ss:$0x1] =	vst.idx.msk $0xffff, v10  }
0x3bb: {  	[tilespmem:v1+s13+$0x130 ss:$0x1] =	vst.idx.msk $0xffff, v17;
	v37 =	vld.idx.msk [tilespmem:v1+s13+$0x1C0 ss:$0x1], $0xffff  }
0x3bc: {  	v17 =	vld.idx.msk [tilespmem:v1+s13+$0x140 ss:$0x1], $0xffff;
	_ =	sdelay $0x1  }
0x3bd: {  	v15 =	vmul.f32 v15, v6  }
0x3be: {  	v10 =	vmul.f32 v36, v7  }
0x3bf: {  	[tilespmem:v1+s13+$0xC0 ss:$0x1] =	vst.idx.msk $0xffff, v15;
	v38 =	vmul.f32 v37, v8  }
0x3c0: {  	v39 =	vld.idx.msk [tilespmem:v1+s13+$0xD0 ss:$0x1], $0xffff;
	[tilespmem:v1+s13+$0x40 ss:$0x1] =	vst.idx.msk $0xffff, v10;
	v40 =	vmul.f32 v17, v9  }
0x3c1: {  	v41 =	vld.idx.msk [tilespmem:v1+s13+$0x50 ss:$0x1], $0xffff;
	[tilespmem:v1+s13+$0x1C0 ss:$0x1] =	vst.idx.msk $0xffff, v38  }
0x3c2: {  	v42 =	vld.idx.msk [tilespmem:v1+s13+$0x1D0 ss:$0x1], $0xffff;
	[tilespmem:v1+s13+$0x140 ss:$0x1] =	vst.idx.msk $0xffff, v40  }
0x3c3: {  	v11 =	vmul.f32 v11, v4;
	v10 =	vld.idx.msk [tilespmem:v1+s13+$0x150 ss:$0x1], $0xffff  }
0x3c4: {  	[tilespmem:v1+s16+$0x1D0 ss:$0x1] =	vst.idx.msk $0xffff, v14;
	v13 =	vmul.f32 v13, v5  }
0x3c5: {  	v44 =	vld.idx.msk [tilespmem:v1+s16+$0x1E0 ss:$0x1], $0xffff;
	[tilespmem:v1+s16+$0x50 ss:$0x1] =	vst.idx.msk $0xffff, v11;
	v43 =	vmul.f32 v39, v6  }
0x3c6: {  	v11 =	vld.idx.msk [tilespmem:v1+s16+$0x60 ss:$0x1], $0xffff;
	[tilespmem:v1+s16+$0x150 ss:$0x1] =	vst.idx.msk $0xffff, v13;
	v45 =	vmul.f32 v41, v7  }
0x3c7: {  	v46 =	vld.idx.msk [tilespmem:v1+s16+$0x160 ss:$0x1], $0xffff;
	[tilespmem:v1+s13+$0xD0 ss:$0x1] =	vst.idx.msk $0xffff, v43;
	v47 =	vmul.f32 v42, v8  }
0x3c8: {  	v48 =	vld.idx.msk [tilespmem:v1+s13+$0xE0 ss:$0x1], $0xffff;
	[tilespmem:v1+s13+$0x50 ss:$0x1] =	vst.idx.msk $0xffff, v45;
	v10 =	vmul.f32 v10, v9  }
0x3c9: {  	v12 =	vmul.f32 v12, v3;
	v13 =	vld.idx.msk [tilespmem:v1+s13+$0x60 ss:$0x1], $0xffff;
	[tilespmem:v1+s13+$0x1D0 ss:$0x1] =	vst.idx.msk $0xffff, v47  }
0x3ca: {  	v49 =	vmul.f32 v44, v2;
	v14 =	vld.idx.msk [tilespmem:v1+s13+$0x1E0 ss:$0x1], $0xffff;
	[tilespmem:v1+s13+$0x150 ss:$0x1] =	vst.idx.msk $0xffff, v10  }
0x3cb: {  	[tilespmem:v1+s16+$0xE0 ss:$0x1] =	vst.idx.msk $0xffff, v12;
	v11 =	vmul.f32 v11, v4;
	v50 =	vld.idx.msk [tilespmem:v1+s13+$0x160 ss:$0x1], $0xffff  }
0x3cc: {  	v51 =	vld.idx.msk [tilespmem:v1+s16+$0xF0 ss:$0x1], $0xffff;
	[tilespmem:v1+s16+$0x1E0 ss:$0x1] =	vst.idx.msk $0xffff, v49;
	v52 =	vmul.f32 v46, v5  }
0x3cd: {  	v55 =	vld.idx.msk [tilespmem:v1+s16+$0x1F0 ss:$0x1], $0xffff;
	[tilespmem:v1+s16+$0x60 ss:$0x1] =	vst.idx.msk $0xffff, v11;
	v54 =	vmul.f32 v48, v6  }
0x3ce: {  	v53 =	vld.idx.msk [tilespmem:v1+s16+$0x70 ss:$0x1], $0xffff;
	[tilespmem:v1+s16+$0x160 ss:$0x1] =	vst.idx.msk $0xffff, v52;
	v56 =	vmul.f32 v13, v7  }
0x3cf: {  	v57 =	vld.idx.msk [tilespmem:v1+s16+$0x170 ss:$0x1], $0xffff;
	[tilespmem:v1+s13+$0xE0 ss:$0x1] =	vst.idx.msk $0xffff, v54;
	v14 =	vmul.f32 v14, v8  }
0x3d0: {  	v15 =	vld.idx.msk [tilespmem:v1+s13+$0xF0 ss:$0x1], $0xffff;
	[tilespmem:v1+s13+$0x60 ss:$0x1] =	vst.idx.msk $0xffff, v56;
	v58 =	vmul.f32 v50, v9  }
0x3d1: {  	v3 =	vmul.f32 v51, v3;
	v59 =	vld.idx.msk [tilespmem:v1+s13+$0x70 ss:$0x1], $0xffff;
	[tilespmem:v1+s13+$0x1E0 ss:$0x1] =	vst.idx.msk $0xffff, v14  }
0x3d2: {  	v2 =	vmul.f32 v55, v2;
	v61 =	vld.idx.msk [tilespmem:v1+s13+$0x1F0 ss:$0x1], $0xffff;
	[tilespmem:v1+s13+$0x160 ss:$0x1] =	vst.idx.msk $0xffff, v58  }
0x3d3: {  	[tilespmem:v1+s16+$0xF0 ss:$0x1] =	vst.idx.msk $0xffff, v3;
	v60 =	vmul.f32 v53, v4;
	v3 =	vld.idx.msk [tilespmem:v1+s13+$0x170 ss:$0x1], $0xffff  }
0x3d4: {  	[tilespmem:v1+s16+$0x1F0 ss:$0x1] =	vst.idx.msk $0xffff, v2;
	v62 =	vmul.f32 v57, v5  }
0x3d5: {  	[tilespmem:v1+s16+$0x70 ss:$0x1] =	vst.idx.msk $0xffff, v60;
	v2 =	vmul.f32 v15, v6  }
0x3d6: {  	p1 =	sne.s32 s9, s5;
	[tilespmem:v1+s16+$0x170 ss:$0x1] =	vst.idx.msk $0xffff, v62;
	v63 =	vmul.f32 v59, v7  }
.Ltmp8:
0x3d7: {  	[tilespmem:v1+s13+$0xF0 ss:$0x1] =	vst.idx.msk $0xffff, v2;
	v2 =	vmul.f32 v61, v8;
	(pc) =	sbr.rel @p1 .LBB2_4-.Ltmp8, $4  }
0x3d8: {  	s11 =	sadd.s32 $0x80, s11;
	s10 =	sadd.s32 $0x8, s10;
	s28 =	sadd.s32 $0x3800, s28;
	[tilespmem:v1+s13+$0x70 ss:$0x1] =	vst.idx.msk $0xffff, v63;
	v3 =	vmul.f32 v3, v9  }
0x3d9: {  	s29 =	sadd.s32 $0x3800, s29;
	s30 =	sadd.s32 $0x3800, s30;
	s31 =	sadd.s32 $0x3800, s31;
	[tilespmem:v1+s13+$0x1F0 ss:$0x1] =	vst.idx.msk $0xffff, v2  }
0x3da: {  	s0 =	sadd.s32 $0x3800, s0;
	s23 =	sadd.s32 $0x3800, s23;
	s3 =	sadd.s32 $0x3800, s3;
	[tilespmem:v1+s13+$0x170 ss:$0x1] =	vst.idx.msk $0xffff, v3  }
0x3db: {  	[spmem:s2] =	stream.indirect.scatter.add.f32 [tilespmem:s12], [sflag:s10], $0x80, s11, s25, $0xb8;
	[tilespmem:$0x1E880] =	vst v63  }
0x3dc: {  	_ =	swait.ge [sflag:s17], $0x3800  }
0x3dd: {  	[sflag:s17] =	ssyncset.done $0x0  }
0x3de: {  	s0 =	stileid.u32;
	[sflag:s17] =	ssyncadd.s32 $0xFFFFC800  }
0x3df: {  	s0 =	sshll.u32 s0, $0x6;
	[bflag:$0x0] =	sbarrier.arrive $0xFFFF  }
0x3e0: {  	s3 =	sshrl.u32 s7, $0x3;
	s0 =	sor.u32 $0x1C0B, s0;
	s9 =	rddreg [dreg:$0xb]  }
0x3e1: {  	[hbm:s9], [sflag:s0] =	dma.local [spmem:s3], $0x2700  }
0x3e2: {  	_ =	swait.ge [sflag:s22], $0x2700  }
0x3e3: {  	[sflag:s22] =	ssyncset.done $0x0  }
0x3e4: {  	s3 =	sshrl.u32 @!p0 s15, $0x3;
	s9 =	rddreg [dreg:$0xc];
	[sflag:s22] =	ssyncadd.s32 $0xFFFFD900  }
0x3e5: {  	[hbm:s9], [sflag:s0] =	dma.local @!p0 [spmem:s3], $0x100  }
0x3e6: {  	s0 =	simm.s32 @!p0 $0xB  }
0x3e7: {  	_ =	swait.ge @!p0 [sflag:s0], $0x100  }
0x3e8: {  	s4 =	sadd.s32 $0x1, s4;
	s31 =	rddreg [dreg:$0xd]  }
0x3e9: {  	p1 =	sne.s32 s4, s31  }
.Ltmp9:
0x3ea: {  	_ = 	snop;
	(pc) =	sbr.rel @p1 .LBB2_1-.Ltmp9, $3  }
0x3eb: {  	_ =	sdelay $0x1  }
0x3ec: {  	[sflag:s0] =	ssyncset.done @!p0 $0x0  }
0x3ed: {  	[sflag:s0] =	ssyncadd.s32 @!p0 $0xFFFFFF00  }
0x3ee: {  	_ =	sfence.sel $0x180000  }
0x3ef: {  	[bflag:$0x0] =	sbarrier.arrive $0xFFFF  }
0x3f0: {  	_ =	strace $0x90000047  }
0x3f1: {  	s0 =	stileid.u32;
	[bflag:$0x2] =	sbarrier.arrive $0xFFFF  }
0x3f2: {  	p0 =	sne.s32 s0, $0x0;
	s0 =	rddreg [dreg:$0x3]  }
0x3f3: {  	s0 =	sadd.s32 @!p0 $0x100000, s0  }
0x3f4: {  	[sflag:s0] =	ssyncadd.tile.s32 @!p0 $0x1;
	_ =	shalt  }
.Lfunc_end2:
_tile_overlayer_lowered:
.L_overlay_start_2:
0x3f5: {  	(tag) =	ssettag $0x2  }
0x3f6: {  	s0 =	rddreg [dreg:$0x0];
	s2 =	stileid.u32  }
0x3f7: {  	s1 =	rddreg [dreg:$0x1];
	p0 =	sne.s32 s2, $0x0  }
0x3f8: {  	s3 =	rddreg [dreg:$0x2];
	[bflag:$0x3] =	sbarrier.arrive $0xFFFF;
	s2 =	simm.s32 @!p0 $0x1C0B  }
0x3f9: {  	[timem:s3], [sflag:s2] =	dma.local @!p0 [hbm:s0], s1  }
0x3fa: {  	s0 =	simm.s32 @!p0 $0xB  }
0x3fb: {  	_ =	swait.ge @!p0 [sflag:s0], s1  }
0x3fc: {  	s1 =	ssub.s32 @!p0 $0x0, s1;
	[sflag:s0] =	ssyncset.done @!p0 $0x0  }
0x3fd: {  	[sflag:s0] =	ssyncadd.s32 @!p0 s1  }
0x3fe: {  	[bflag:$0x3] =	sbarrier.arrive $0xFFFF  }
0x3ff: {  	_ =	shalt  }

</sc_bundles>
